<compile_context>
chip_gen: v7x
topology: tpu7x:2x2x1
jax: 0.10.2.dev20260603
libtpu: 0.0.44.dev20260713+nightly
codegen_flags: <defaults>
</compile_context>

<pallas_src>
import jax
import jax.numpy as jnp
from jax import lax
from jax.experimental import pallas as pl
from jax.experimental.pallas import tpu as pltpu
from jax.experimental.pallas import tpu_sc as plsc

N_CLS = 10000
N_CTX = 16
D = 512
SEQ = 77
SUF = 60
B = 1024

NC = 2
NS = 16
NW = NC * NS
BPW = B // NW
NPAIR = BPW // 2
NCH = D // 16


def _row_copy(dst_ref, dst_row, src_ref, src_row):
    for c in range(NCH):
        dst_ref[0, dst_row, pl.ds(c * 16, 16)] = src_ref[0, src_row, pl.ds(c * 16, 16)]


def _sc_body(idx_hbm, ctx_hbm, pre_hbm, suf_hbm, out_hbm,
             idx_v, ctx_v, pre_v0, pre_v1, suf_v0, suf_v1, combo_v,
             gsem0, gsem1):
    wid = lax.axis_index("s") * NC + lax.axis_index("c")
    base = wid * BPW
    pltpu.sync_copy(idx_hbm.at[pl.ds(base, BPW)], idx_v)
    pltpu.sync_copy(ctx_hbm, ctx_v)

    def place_ctx(r, carry):
        for c in range(NCH):
            combo_v[0, 1 + r, pl.ds(c * 16, 16)] = ctx_v[r, pl.ds(c * 16, 16)]
        return carry

    lax.fori_loop(0, N_CTX, place_ctx, 0)

    vec0 = idx_v[pl.ds(0, 16)]
    vec1 = idx_v[pl.ds(16, 16)]
    lanes = lax.iota(jnp.int32, 16)

    def extract(i):
        sel = jnp.where(i < 16, vec0, vec1)
        return jnp.sum(jnp.where(lanes == (i % 16), sel, 0))

    pre_bufs = (pre_v0, pre_v1)
    suf_bufs = (suf_v0, suf_v1)
    gsems = (gsem0, gsem1)

    def issue(i, j):
        s = extract(i)
        pltpu.async_copy(pre_hbm.at[pl.ds(s, 1)], pre_bufs[j], gsems[j])
        pltpu.async_copy(suf_hbm.at[pl.ds(s, 1)], suf_bufs[j], gsems[j])

    issue(0, 0)
    issue(1, 1)

    def body(p, carry):
        for j in range(2):
            i = 2 * p + j
            pltpu.make_async_copy(
                pre_hbm.at[pl.ds(0, 1)], pre_bufs[j], gsems[j]).wait()
            pltpu.make_async_copy(
                suf_hbm.at[pl.ds(0, 1)], suf_bufs[j], gsems[j]).wait()
            _row_copy(combo_v, 0, pre_bufs[j], 0)

            @plsc.parallel_loop(0, SUF, unroll=4)
            def place_suf(r, j=j):
                _row_copy(combo_v, 1 + N_CTX + r, suf_bufs[j], r)

            @pl.when(p < NPAIR - 1)
            def _():
                issue(i + 2, j)

            pltpu.sync_copy(combo_v, out_hbm.at[pl.ds(base + i, 1)])
        return carry

    lax.fori_loop(0, NPAIR, body, 0)


@jax.jit
def _launch(idx, ctx, token_prefix, token_suffix):
    call = pl.kernel(
        _sc_body,
        out_type=jax.ShapeDtypeStruct((B, SEQ, D), jnp.float32),
        mesh=plsc.VectorSubcoreMesh(core_axis_name="c", subcore_axis_name="s"),
        compiler_params=pltpu.CompilerParams(needs_layout_passes=False),
        scratch_types=[
            pltpu.VMEM((BPW,), jnp.int32),
            pltpu.VMEM((N_CTX, D), jnp.float32),
            pltpu.VMEM((1, 1, D), jnp.float32),
            pltpu.VMEM((1, 1, D), jnp.float32),
            pltpu.VMEM((1, SUF, D), jnp.float32),
            pltpu.VMEM((1, SUF, D), jnp.float32),
            pltpu.VMEM((1, SEQ, D), jnp.float32),
            pltpu.SemaphoreType.DMA,
            pltpu.SemaphoreType.DMA,
        ],
    )
    return call(idx, ctx, token_prefix, token_suffix)


def kernel(idx, ctx, token_prefix, token_suffix):
    return _launch(idx, ctx, token_prefix, token_suffix)

# --- scband reference (transcript-rebuilt; emitter-appended) ---
"""Pipeline reference for scband-prompt-learner-68367289418289 (READ-ONLY COPY).

The authoritative reference and input builder live on the scoring server;
editing this copy changes nothing except your own understanding.
"""

import jax, jax.numpy as jnp
import numpy as np

N_CLS = 10000
N_CTX = 16
CTX_DIM = 512
SEQ_LEN = 77
SUF_LEN = SEQ_LEN - 1 - N_CTX  # 60
B = 1024


def setup_inputs(seed: int = 0) -> dict:
    key = jax.random.key(seed)
    k1, k2, k3, k4 = jax.random.split(key, 4)
    # sampled class indices (POMP class sub-sampling)
    idx = jax.random.randint(k1, (B,), 0, N_CLS, dtype=jnp.int32)
    # learned generic context vectors (nn.Parameter, init std=0.02)
    ctx = 0.02 * jax.random.normal(k2, (N_CTX, CTX_DIM), dtype=jnp.float32)
    # frozen CLIP token-embedding buffers: SOS prefix and class-name+EOS suffix
    token_prefix = jax.random.normal(k3, (N_CLS, 1, CTX_DIM), dtype=jnp.float32)
    token_suffix = jax.random.normal(k4, (N_CLS, SUF_LEN, CTX_DIM), dtype=jnp.float32)
    return {"idx": idx, "ctx": ctx, "token_prefix": token_prefix, "token_suffix": token_suffix}


def reference(idx, ctx, token_prefix, token_suffix):
    # training path, idx is not None, ctx.dim()==2, class_token_position=='end'
    prefix = jnp.take(token_prefix, idx, axis=0)   # [B, 1, D] gather
    suffix = jnp.take(token_suffix, idx, axis=0)   # [B, SUF_LEN, D] gather
    n = idx.shape[0]
    ctx_e = jnp.broadcast_to(ctx[None, :, :], (n, ctx.shape[0], ctx.shape[1]))
    prompts = jnp.concatenate([prefix, ctx_e, suffix], axis=1)  # [B, 77, D]
    return prompts

if __name__ == "__main__":
    import jax
    _d = setup_inputs()
    print(jax.jit(kernel)(*tuple(_d.values())))

</pallas_src>

<mosaic_0001>
#map = affine_map<(d0, d1) -> (0)>
#map1 = affine_map<(d0, d1) -> (0, 0)>
#map2 = affine_map<(d0, d1) -> (0, 0, 0)>
module attributes {stable_mosaic.version = 14 : i64} {
  func.func @_sc_body(%arg0: i32, %arg1: i32, %arg2: memref<1024xi32, #tpu.memory_space<hbm>>, %arg3: memref<16x512xf32, #tpu.memory_space<hbm>>, %arg4: memref<10000x1x512xf32, #tpu.memory_space<hbm>>, %arg5: memref<10000x60x512xf32, #tpu.memory_space<hbm>>, %arg6: memref<1024x77x512xf32, #tpu.memory_space<hbm>>, %arg7: memref<32xi32, #tpu.memory_space<vmem>>, %arg8: memref<16x512xf32, #tpu.memory_space<vmem>>, %arg9: memref<1x1x512xf32, #tpu.memory_space<vmem>>, %arg10: memref<1x1x512xf32, #tpu.memory_space<vmem>>, %arg11: memref<1x60x512xf32, #tpu.memory_space<vmem>>, %arg12: memref<1x60x512xf32, #tpu.memory_space<vmem>>, %arg13: memref<1x77x512xf32, #tpu.memory_space<vmem>>, %arg14: memref<!tpu.dma_semaphore, #tpu.memory_space<semaphore_mem>>, %arg15: memref<!tpu.dma_semaphore, #tpu.memory_space<semaphore_mem>>) attributes {dimension_semantics = [#tpu.dimension_semantics<core_parallel>, #tpu.dimension_semantics<subcore_parallel>], iteration_bounds = array<i64: 2, 16>, scalar_prefetch = 0 : i64, scratch_operands = 9 : i64, tpu.core_type = #tpu.core_type<sc_vector_subcore>, window_params = [{transform_indices = #map}, {transform_indices = #map1}, {transform_indices = #map2}, {transform_indices = #map2}, {transform_indices = #map2}]} {
    %mul3A = arith.constant 2 : i32
    %mul3A_0 = arith.muli %arg1, %mul3A : i32
    %add3A = arith.addi %mul3A_0, %arg0 : i32
    %mul3A_1 = arith.constant 32 : i32
    %mul3A_2 = arith.muli %add3A, %mul3A_1 : i32
    "tpu.region"() ({
      %run_scoped3A = tpu.sem_alloc : memref<!tpu.dma_semaphore, #tpu.memory_space<semaphore_mem>>
      %dma_start3A_59 = tpu.memref_slice %arg2[%mul3A_2] : memref<1024xi32, #tpu.memory_space<hbm>> -> memref<32xi32, #tpu.memory_space<hbm>>
      %dma_start3A_60 = tpu.memref_slice %arg2[%mul3A_2] : memref<1024xi32, #tpu.memory_space<hbm>> -> memref<32xi32, #tpu.memory_space<hbm>>
      tpu.enqueue_dma source(%dma_start3A_60 : memref<32xi32, #tpu.memory_space<hbm>>) target(%arg7 : memref<32xi32, #tpu.memory_space<vmem>>) target_semaphore(%run_scoped3A : memref<!tpu.dma_semaphore, #tpu.memory_space<semaphore_mem>>)
      %dma_wait3A = tpu.memref_slice %arg2[%mul3A_2] : memref<1024xi32, #tpu.memory_space<hbm>> -> memref<32xi32, #tpu.memory_space<hbm>>
      %dma_wait3A_61 = tpu.memref_slice %arg2[%mul3A_2] : memref<1024xi32, #tpu.memory_space<hbm>> -> memref<32xi32, #tpu.memory_space<hbm>>
      tpu.wait_dma2 semaphore(%run_scoped3A : memref<!tpu.dma_semaphore, #tpu.memory_space<semaphore_mem>>) src(%dma_wait3A_61 : memref<32xi32, #tpu.memory_space<hbm>>) dst(%arg7 : memref<32xi32, #tpu.memory_space<vmem>>)
      tpu.yield
    }) : () -> ()
    "tpu.region"() ({
      %run_scoped3A = tpu.sem_alloc : memref<!tpu.dma_semaphore, #tpu.memory_space<semaphore_mem>>
      tpu.enqueue_dma source(%arg3 : memref<16x512xf32, #tpu.memory_space<hbm>>) target(%arg8 : memref<16x512xf32, #tpu.memory_space<vmem>>) target_semaphore(%run_scoped3A : memref<!tpu.dma_semaphore, #tpu.memory_space<semaphore_mem>>)
      tpu.wait_dma2 semaphore(%run_scoped3A : memref<!tpu.dma_semaphore, #tpu.memory_space<semaphore_mem>>) src(%arg3 : memref<16x512xf32, #tpu.memory_space<hbm>>) dst(%arg8 : memref<16x512xf32, #tpu.memory_space<vmem>>)
      tpu.yield
    }) : () -> ()
    %scan3A = arith.constant 0 : i32
    %scan3A_3 = arith.constant 0 : i32
    %scan3A_4 = arith.constant 16 : i32
    %scan3A_5 = arith.addi %scan3A_3, %scan3A_4 : i32
    %scan3A_6 = arith.constant 1 : i32
    scf.for %scan3A_59 = %scan3A_3 to %scan3A_5 step %scan3A_6  : i32 {
      %get3A_60 = arith.index_cast %scan3A_59 : i32 to index
      %get3A_61 = arith.constant 0 : index
      %get3A_62 = tpu.vector_load %arg8[%get3A_60, %get3A_61] {strides = array<i32>} : memref<16x512xf32, #tpu.memory_space<vmem>>, vector<16xf32>,
      %add3A_63 = arith.constant 1 : i32
      %add3A_64 = arith.addi %add3A_63, %scan3A_59 : i32
      %swap3A = arith.constant 0 : i32
      %swap3A_65 = arith.index_cast %swap3A : i32 to index
      %swap3A_66 = arith.index_cast %add3A_64 : i32 to index
      %swap3A_67 = arith.constant 0 : index
      %swap3A_68 = tpu.vector_load %arg13[%swap3A_65, %swap3A_66, %swap3A_67] {strides = array<i32>} : memref<1x77x512xf32, #tpu.memory_space<vmem>>, vector<16xf32>,
      tpu.vector_store %arg13[%swap3A_65, %swap3A_66, %swap3A_67], %get3A_62 {strides = array<i32>} : memref<1x77x512xf32, #tpu.memory_space<vmem>>, vector<16xf32>,
      %get3A_69 = arith.index_cast %scan3A_59 : i32 to index
      %get3A_70 = arith.constant 16 : index
      %get3A_71 = tpu.vector_load %arg8[%get3A_69, %get3A_70] {strides = array<i32>} : memref<16x512xf32, #tpu.memory_space<vmem>>, vector<16xf32>,
      %add3A_72 = arith.constant 1 : i32
      %add3A_73 = arith.addi %add3A_72, %scan3A_59 : i32
      %swap3A_74 = arith.constant 0 : i32
      %swap3A_75 = arith.index_cast %swap3A_74 : i32 to index
      %swap3A_76 = arith.index_cast %add3A_73 : i32 to index
      %swap3A_77 = arith.constant 16 : index
      %swap3A_78 = tpu.vector_load %arg13[%swap3A_75, %swap3A_76, %swap3A_77] {strides = array<i32>} : memref<1x77x512xf32, #tpu.memory_space<vmem>>, vector<16xf32>,
      tpu.vector_store %arg13[%swap3A_75, %swap3A_76, %swap3A_77], %get3A_71 {strides = array<i32>} : memref<1x77x512xf32, #tpu.memory_space<vmem>>, vector<16xf32>,
      %get3A_79 = arith.index_cast %scan3A_59 : i32 to index
      %get3A_80 = arith.constant 32 : index
      %get3A_81 = tpu.vector_load %arg8[%get3A_79, %get3A_80] {strides = array<i32>} : memref<16x512xf32, #tpu.memory_space<vmem>>, vector<16xf32>,
      %add3A_82 = arith.constant 1 : i32
      %add3A_83 = arith.addi %add3A_82, %scan3A_59 : i32
      %swap3A_84 = arith.constant 0 : i32
      %swap3A_85 = arith.index_cast %swap3A_84 : i32 to index
      %swap3A_86 = arith.index_cast %add3A_83 : i32 to index
      %swap3A_87 = arith.constant 32 : index
      %swap3A_88 = tpu.vector_load %arg13[%swap3A_85, %swap3A_86, %swap3A_87] {strides = array<i32>} : memref<1x77x512xf32, #tpu.memory_space<vmem>>, vector<16xf32>,
      tpu.vector_store %arg13[%swap3A_85, %swap3A_86, %swap3A_87], %get3A_81 {strides = array<i32>} : memref<1x77x512xf32, #tpu.memory_space<vmem>>, vector<16xf32>,
      %get3A_89 = arith.index_cast %scan3A_59 : i32 to index
      %get3A_90 = arith.constant 48 : index
      %get3A_91 = tpu.vector_load %arg8[%get3A_89, %get3A_90] {strides = array<i32>} : memref<16x512xf32, #tpu.memory_space<vmem>>, vector<16xf32>,
      %add3A_92 = arith.constant 1 : i32
      %add3A_93 = arith.addi %add3A_92, %scan3A_59 : i32
      %swap3A_94 = arith.constant 0 : i32
      %swap3A_95 = arith.index_cast %swap3A_94 : i32 to index
      %swap3A_96 = arith.index_cast %add3A_93 : i32 to index
      %swap3A_97 = arith.constant 48 : index
      %swap3A_98 = tpu.vector_load %arg13[%swap3A_95, %swap3A_96, %swap3A_97] {strides = array<i32>} : memref<1x77x512xf32, #tpu.memory_space<vmem>>, vector<16xf32>,
      tpu.vector_store %arg13[%swap3A_95, %swap3A_96, %swap3A_97], %get3A_91 {strides = array<i32>} : memref<1x77x512xf32, #tpu.memory_space<vmem>>, vector<16xf32>,
      %get3A_99 = arith.index_cast %scan3A_59 : i32 to index
      %get3A_100 = arith.constant 64 : index
      %get3A_101 = tpu.vector_load %arg8[%get3A_99, %get3A_100] {strides = array<i32>} : memref<16x512xf32, #tpu.memory_space<vmem>>, vector<16xf32>,
      %add3A_102 = arith.constant 1 : i32
      %add3A_103 = arith.addi %add3A_102, %scan3A_59 : i32
      %swap3A_104 = arith.constant 0 : i32
      %swap3A_105 = arith.index_cast %swap3A_104 : i32 to index
      %swap3A_106 = arith.index_cast %add3A_103 : i32 to index
      %swap3A_107 = arith.constant 64 : index
      %swap3A_108 = tpu.vector_load %arg13[%swap3A_105, %swap3A_106, %swap3A_107] {strides = array<i32>} : memref<1x77x512xf32, #tpu.memory_space<vmem>>, vector<16xf32>,
      tpu.vector_store %arg13[%swap3A_105, %swap3A_106, %swap3A_107], %get3A_101 {strides = array<i32>} : memref<1x77x512xf32, #tpu.memory_space<vmem>>, vector<16xf32>,
      %get3A_109 = arith.index_cast %scan3A_59 : i32 to index
      %get3A_110 = arith.constant 80 : index
      %get3A_111 = tpu.vector_load %arg8[%get3A_109, %get3A_110] {strides = array<i32>} : memref<16x512xf32, #tpu.memory_space<vmem>>, vector<16xf32>,
      %add3A_112 = arith.constant 1 : i32
      %add3A_113 = arith.addi %add3A_112, %scan3A_59 : i32
      %swap3A_114 = arith.constant 0 : i32
      %swap3A_115 = arith.index_cast %swap3A_114 : i32 to index
      %swap3A_116 = arith.index_cast %add3A_113 : i32 to index
      %swap3A_117 = arith.constant 80 : index
      %swap3A_118 = tpu.vector_load %arg13[%swap3A_115, %swap3A_116, %swap3A_117] {strides = array<i32>} : memref<1x77x512xf32, #tpu.memory_space<vmem>>, vector<16xf32>,
      tpu.vector_store %arg13[%swap3A_115, %swap3A_116, %swap3A_117], %get3A_111 {strides = array<i32>} : memref<1x77x512xf32, #tpu.memory_space<vmem>>, vector<16xf32>,
      %get3A_119 = arith.index_cast %scan3A_59 : i32 to index
      %get3A_120 = arith.constant 96 : index
      %get3A_121 = tpu.vector_load %arg8[%get3A_119, %get3A_120] {strides = array<i32>} : memref<16x512xf32, #tpu.memory_space<vmem>>, vector<16xf32>,
      %add3A_122 = arith.constant 1 : i32
      %add3A_123 = arith.addi %add3A_122, %scan3A_59 : i32
      %swap3A_124 = arith.constant 0 : i32
      %swap3A_125 = arith.index_cast %swap3A_124 : i32 to index
      %swap3A_126 = arith.index_cast %add3A_123 : i32 to index
      %swap3A_127 = arith.constant 96 : index
      %swap3A_128 = tpu.vector_load %arg13[%swap3A_125, %swap3A_126, %swap3A_127] {strides = array<i32>} : memref<1x77x512xf32, #tpu.memory_space<vmem>>, vector<16xf32>,
      tpu.vector_store %arg13[%swap3A_125, %swap3A_126, %swap3A_127], %get3A_121 {strides = array<i32>} : memref<1x77x512xf32, #tpu.memory_space<vmem>>, vector<16xf32>,
      %get3A_129 = arith.index_cast %scan3A_59 : i32 to index
      %get3A_130 = arith.constant 112 : index
      %get3A_131 = tpu.vector_load %arg8[%get3A_129, %get3A_130] {strides = array<i32>} : memref<16x512xf32, #tpu.memory_space<vmem>>, vector<16xf32>,
      %add3A_132 = arith.constant 1 : i32
      %add3A_133 = arith.addi %add3A_132, %scan3A_59 : i32
      %swap3A_134 = arith.constant 0 : i32
      %swap3A_135 = arith.index_cast %swap3A_134 : i32 to index
      %swap3A_136 = arith.index_cast %add3A_133 : i32 to index
      %swap3A_137 = arith.constant 112 : index
      %swap3A_138 = tpu.vector_load %arg13[%swap3A_135, %swap3A_136, %swap3A_137] {strides = array<i32>} : memref<1x77x512xf32, #tpu.memory_space<vmem>>, vector<16xf32>,
      tpu.vector_store %arg13[%swap3A_135, %swap3A_136, %swap3A_137], %get3A_131 {strides = array<i32>} : memref<1x77x512xf32, #tpu.memory_space<vmem>>, vector<16xf32>,
      %get3A_139 = arith.index_cast %scan3A_59 : i32 to index
      %get3A_140 = arith.constant 128 : index
      %get3A_141 = tpu.vector_load %arg8[%get3A_139, %get3A_140] {strides = array<i32>} : memref<16x512xf32, #tpu.memory_space<vmem>>, vector<16xf32>,
      %add3A_142 = arith.constant 1 : i32
      %add3A_143 = arith.addi %add3A_142, %scan3A_59 : i32
      %swap3A_144 = arith.constant 0 : i32
      %swap3A_145 = arith.index_cast %swap3A_144 : i32 to index
      %swap3A_146 = arith.index_cast %add3A_143 : i32 to index
      %swap3A_147 = arith.constant 128 : index
      %swap3A_148 = tpu.vector_load %arg13[%swap3A_145, %swap3A_146, %swap3A_147] {strides = array<i32>} : memref<1x77x512xf32, #tpu.memory_space<vmem>>, vector<16xf32>,
      tpu.vector_store %arg13[%swap3A_145, %swap3A_146, %swap3A_147], %get3A_141 {strides = array<i32>} : memref<1x77x512xf32, #tpu.memory_space<vmem>>, vector<16xf32>,
      %get3A_149 = arith.index_cast %scan3A_59 : i32 to index
      %get3A_150 = arith.constant 144 : index
      %get3A_151 = tpu.vector_load %arg8[%get3A_149, %get3A_150] {strides = array<i32>} : memref<16x512xf32, #tpu.memory_space<vmem>>, vector<16xf32>,
      %add3A_152 = arith.constant 1 : i32
      %add3A_153 = arith.addi %add3A_152, %scan3A_59 : i32
      %swap3A_154 = arith.constant 0 : i32
      %swap3A_155 = arith.index_cast %swap3A_154 : i32 to index
      %swap3A_156 = arith.index_cast %add3A_153 : i32 to index
      %swap3A_157 = arith.constant 144 : index
      %swap3A_158 = tpu.vector_load %arg13[%swap3A_155, %swap3A_156, %swap3A_157] {strides = array<i32>} : memref<1x77x512xf32, #tpu.memory_space<vmem>>, vector<16xf32>,
      tpu.vector_store %arg13[%swap3A_155, %swap3A_156, %swap3A_157], %get3A_151 {strides = array<i32>} : memref<1x77x512xf32, #tpu.memory_space<vmem>>, vector<16xf32>,
      %get3A_159 = arith.index_cast %scan3A_59 : i32 to index
      %get3A_160 = arith.constant 160 : index
      %get3A_161 = tpu.vector_load %arg8[%get3A_159, %get3A_160] {strides = array<i32>} : memref<16x512xf32, #tpu.memory_space<vmem>>, vector<16xf32>,
      %add3A_162 = arith.constant 1 : i32
      %add3A_163 = arith.addi %add3A_162, %scan3A_59 : i32
      %swap3A_164 = arith.constant 0 : i32
      %swap3A_165 = arith.index_cast %swap3A_164 : i32 to index
      %swap3A_166 = arith.index_cast %add3A_163 : i32 to index
      %swap3A_167 = arith.constant 160 : index
      %swap3A_168 = tpu.vector_load %arg13[%swap3A_165, %swap3A_166, %swap3A_167] {strides = array<i32>} : memref<1x77x512xf32, #tpu.memory_space<vmem>>, vector<16xf32>,
      tpu.vector_store %arg13[%swap3A_165, %swap3A_166, %swap3A_167], %get3A_161 {strides = array<i32>} : memref<1x77x512xf32, #tpu.memory_space<vmem>>, vector<16xf32>,
      %get3A_169 = arith.index_cast %scan3A_59 : i32 to index
      %get3A_170 = arith.constant 176 : index
      %get3A_171 = tpu.vector_load %arg8[%get3A_169, %get3A_170] {strides = array<i32>} : memref<16x512xf32, #tpu.memory_space<vmem>>, vector<16xf32>,
      %add3A_172 = arith.constant 1 : i32
      %add3A_173 = arith.addi %add3A_172, %scan3A_59 : i32
      %swap3A_174 = arith.constant 0 : i32
      %swap3A_175 = arith.index_cast %swap3A_174 : i32 to index
      %swap3A_176 = arith.index_cast %add3A_173 : i32 to index
      %swap3A_177 = arith.constant 176 : index
      %swap3A_178 = tpu.vector_load %arg13[%swap3A_175, %swap3A_176, %swap3A_177] {strides = array<i32>} : memref<1x77x512xf32, #tpu.memory_space<vmem>>, vector<16xf32>,
      tpu.vector_store %arg13[%swap3A_175, %swap3A_176, %swap3A_177], %get3A_171 {strides = array<i32>} : memref<1x77x512xf32, #tpu.memory_space<vmem>>, vector<16xf32>,
      %get3A_179 = arith.index_cast %scan3A_59 : i32 to index
      %get3A_180 = arith.constant 192 : index
      %get3A_181 = tpu.vector_load %arg8[%get3A_179, %get3A_180] {strides = array<i32>} : memref<16x512xf32, #tpu.memory_space<vmem>>, vector<16xf32>,
      %add3A_182 = arith.constant 1 : i32
      %add3A_183 = arith.addi %add3A_182, %scan3A_59 : i32
      %swap3A_184 = arith.constant 0 : i32
      %swap3A_185 = arith.index_cast %swap3A_184 : i32 to index
      %swap3A_186 = arith.index_cast %add3A_183 : i32 to index
      %swap3A_187 = arith.constant 192 : index
      %swap3A_188 = tpu.vector_load %arg13[%swap3A_185, %swap3A_186, %swap3A_187] {strides = array<i32>} : memref<1x77x512xf32, #tpu.memory_space<vmem>>, vector<16xf32>,
      tpu.vector_store %arg13[%swap3A_185, %swap3A_186, %swap3A_187], %get3A_181 {strides = array<i32>} : memref<1x77x512xf32, #tpu.memory_space<vmem>>, vector<16xf32>,
      %get3A_189 = arith.index_cast %scan3A_59 : i32 to index
      %get3A_190 = arith.constant 208 : index
      %get3A_191 = tpu.vector_load %arg8[%get3A_189, %get3A_190] {strides = array<i32>} : memref<16x512xf32, #tpu.memory_space<vmem>>, vector<16xf32>,
      %add3A_192 = arith.constant 1 : i32
      %add3A_193 = arith.addi %add3A_192, %scan3A_59 : i32
      %swap3A_194 = arith.constant 0 : i32
      %swap3A_195 = arith.index_cast %swap3A_194 : i32 to index
      %swap3A_196 = arith.index_cast %add3A_193 : i32 to index
      %swap3A_197 = arith.constant 208 : index
      %swap3A_198 = tpu.vector_load %arg13[%swap3A_195, %swap3A_196, %swap3A_197] {strides = array<i32>} : memref<1x77x512xf32, #tpu.memory_space<vmem>>, vector<16xf32>,
      tpu.vector_store %arg13[%swap3A_195, %swap3A_196, %swap3A_197], %get3A_191 {strides = array<i32>} : memref<1x77x512xf32, #tpu.memory_space<vmem>>, vector<16xf32>,
      %get3A_199 = arith.index_cast %scan3A_59 : i32 to index
      %get3A_200 = arith.constant 224 : index
      %get3A_201 = tpu.vector_load %arg8[%get3A_199, %get3A_200] {strides = array<i32>} : memref<16x512xf32, #tpu.memory_space<vmem>>, vector<16xf32>,
      %add3A_202 = arith.constant 1 : i32
      %add3A_203 = arith.addi %add3A_202, %scan3A_59 : i32
      %swap3A_204 = arith.constant 0 : i32
      %swap3A_205 = arith.index_cast %swap3A_204 : i32 to index
      %swap3A_206 = arith.index_cast %add3A_203 : i32 to index
      %swap3A_207 = arith.constant 224 : index
      %swap3A_208 = tpu.vector_load %arg13[%swap3A_205, %swap3A_206, %swap3A_207] {strides = array<i32>} : memref<1x77x512xf32, #tpu.memory_space<vmem>>, vector<16xf32>,
      tpu.vector_store %arg13[%swap3A_205, %swap3A_206, %swap3A_207], %get3A_201 {strides = array<i32>} : memref<1x77x512xf32, #tpu.memory_space<vmem>>, vector<16xf32>,
      %get3A_209 = arith.index_cast %scan3A_59 : i32 to index
      %get3A_210 = arith.constant 240 : index
      %get3A_211 = tpu.vector_load %arg8[%get3A_209, %get3A_210] {strides = array<i32>} : memref<16x512xf32, #tpu.memory_space<vmem>>, vector<16xf32>,
      %add3A_212 = arith.constant 1 : i32
      %add3A_213 = arith.addi %add3A_212, %scan3A_59 : i32
      %swap3A_214 = arith.constant 0 : i32
      %swap3A_215 = arith.index_cast %swap3A_214 : i32 to index
      %swap3A_216 = arith.index_cast %add3A_213 : i32 to index
      %swap3A_217 = arith.constant 240 : index
      %swap3A_218 = tpu.vector_load %arg13[%swap3A_215, %swap3A_216, %swap3A_217] {strides = array<i32>} : memref<1x77x512xf32, #tpu.memory_space<vmem>>, vector<16xf32>,
      tpu.vector_store %arg13[%swap3A_215, %swap3A_216, %swap3A_217], %get3A_211 {strides = array<i32>} : memref<1x77x512xf32, #tpu.memory_space<vmem>>, vector<16xf32>,
      %get3A_219 = arith.index_cast %scan3A_59 : i32 to index
      %get3A_220 = arith.constant 256 : index
      %get3A_221 = tpu.vector_load %arg8[%get3A_219, %get3A_220] {strides = array<i32>} : memref<16x512xf32, #tpu.memory_space<vmem>>, vector<16xf32>,
      %add3A_222 = arith.constant 1 : i32
      %add3A_223 = arith.addi %add3A_222, %scan3A_59 : i32
      %swap3A_224 = arith.constant 0 : i32
      %swap3A_225 = arith.index_cast %swap3A_224 : i32 to index
      %swap3A_226 = arith.index_cast %add3A_223 : i32 to index
      %swap3A_227 = arith.constant 256 : index
      %swap3A_228 = tpu.vector_load %arg13[%swap3A_225, %swap3A_226, %swap3A_227] {strides = array<i32>} : memref<1x77x512xf32, #tpu.memory_space<vmem>>, vector<16xf32>,
      tpu.vector_store %arg13[%swap3A_225, %swap3A_226, %swap3A_227], %get3A_221 {strides = array<i32>} : memref<1x77x512xf32, #tpu.memory_space<vmem>>, vector<16xf32>,
      %get3A_229 = arith.index_cast %scan3A_59 : i32 to index
      %get3A_230 = arith.constant 272 : index
      %get3A_231 = tpu.vector_load %arg8[%get3A_229, %get3A_230] {strides = array<i32>} : memref<16x512xf32, #tpu.memory_space<vmem>>, vector<16xf32>,
      %add3A_232 = arith.constant 1 : i32
      %add3A_233 = arith.addi %add3A_232, %scan3A_59 : i32
      %swap3A_234 = arith.constant 0 : i32
      %swap3A_235 = arith.index_cast %swap3A_234 : i32 to index
      %swap3A_236 = arith.index_cast %add3A_233 : i32 to index
      %swap3A_237 = arith.constant 272 : index
      %swap3A_238 = tpu.vector_load %arg13[%swap3A_235, %swap3A_236, %swap3A_237] {strides = array<i32>} : memref<1x77x512xf32, #tpu.memory_space<vmem>>, vector<16xf32>,
      tpu.vector_store %arg13[%swap3A_235, %swap3A_236, %swap3A_237], %get3A_231 {strides = array<i32>} : memref<1x77x512xf32, #tpu.memory_space<vmem>>, vector<16xf32>,
      %get3A_239 = arith.index_cast %scan3A_59 : i32 to index
      %get3A_240 = arith.constant 288 : index
      %get3A_241 = tpu.vector_load %arg8[%get3A_239, %get3A_240] {strides = array<i32>} : memref<16x512xf32, #tpu.memory_space<vmem>>, vector<16xf32>,
      %add3A_242 = arith.constant 1 : i32
      %add3A_243 = arith.addi %add3A_242, %scan3A_59 : i32
      %swap3A_244 = arith.constant 0 : i32
      %swap3A_245 = arith.index_cast %swap3A_244 : i32 to index
      %swap3A_246 = arith.index_cast %add3A_243 : i32 to index
      %swap3A_247 = arith.constant 288 : index
      %swap3A_248 = tpu.vector_load %arg13[%swap3A_245, %swap3A_246, %swap3A_247] {strides = array<i32>} : memref<1x77x512xf32, #tpu.memory_space<vmem>>, vector<16xf32>,
      tpu.vector_store %arg13[%swap3A_245, %swap3A_246, %swap3A_247], %get3A_241 {strides = array<i32>} : memref<1x77x512xf32, #tpu.memory_space<vmem>>, vector<16xf32>,
      %get3A_249 = arith.index_cast %scan3A_59 : i32 to index
      %get3A_250 = arith.constant 304 : index
      %get3A_251 = tpu.vector_load %arg8[%get3A_249, %get3A_250] {strides = array<i32>} : memref<16x512xf32, #tpu.memory_space<vmem>>, vector<16xf32>,
      %add3A_252 = arith.constant 1 : i32
      %add3A_253 = arith.addi %add3A_252, %scan3A_59 : i32
      %swap3A_254 = arith.constant 0 : i32
      %swap3A_255 = arith.index_cast %swap3A_254 : i32 to index
      %swap3A_256 = arith.index_cast %add3A_253 : i32 to index
      %swap3A_257 = arith.constant 304 : index
      %swap3A_258 = tpu.vector_load %arg13[%swap3A_255, %swap3A_256, %swap3A_257] {strides = array<i32>} : memref<1x77x512xf32, #tpu.memory_space<vmem>>, vector<16xf32>,
      tpu.vector_store %arg13[%swap3A_255, %swap3A_256, %swap3A_257], %get3A_251 {strides = array<i32>} : memref<1x77x512xf32, #tpu.memory_space<vmem>>, vector<16xf32>,
      %get3A_259 = arith.index_cast %scan3A_59 : i32 to index
      %get3A_260 = arith.constant 320 : index
      %get3A_261 = tpu.vector_load %arg8[%get3A_259, %get3A_260] {strides = array<i32>} : memref<16x512xf32, #tpu.memory_space<vmem>>, vector<16xf32>,
      %add3A_262 = arith.constant 1 : i32
      %add3A_263 = arith.addi %add3A_262, %scan3A_59 : i32
      %swap3A_264 = arith.constant 0 : i32
      %swap3A_265 = arith.index_cast %swap3A_264 : i32 to index
      %swap3A_266 = arith.index_cast %add3A_263 : i32 to index
      %swap3A_267 = arith.constant 320 : index
      %swap3A_268 = tpu.vector_load %arg13[%swap3A_265, %swap3A_266, %swap3A_267] {strides = array<i32>} : memref<1x77x512xf32, #tpu.memory_space<vmem>>, vector<16xf32>,
      tpu.vector_store %arg13[%swap3A_265, %swap3A_266, %swap3A_267], %get3A_261 {strides = array<i32>} : memref<1x77x512xf32, #tpu.memory_space<vmem>>, vector<16xf32>,
      %get3A_269 = arith.index_cast %scan3A_59 : i32 to index
      %get3A_270 = arith.constant 336 : index
      %get3A_271 = tpu.vector_load %arg8[%get3A_269, %get3A_270] {strides = array<i32>} : memref<16x512xf32, #tpu.memory_space<vmem>>, vector<16xf32>,
      %add3A_272 = arith.constant 1 : i32
      %add3A_273 = arith.addi %add3A_272, %scan3A_59 : i32
      %swap3A_274 = arith.constant 0 : i32
      %swap3A_275 = arith.index_cast %swap3A_274 : i32 to index
      %swap3A_276 = arith.index_cast %add3A_273 : i32 to index
      %swap3A_277 = arith.constant 336 : index
      %swap3A_278 = tpu.vector_load %arg13[%swap3A_275, %swap3A_276, %swap3A_277] {strides = array<i32>} : memref<1x77x512xf32, #tpu.memory_space<vmem>>, vector<16xf32>,
      tpu.vector_store %arg13[%swap3A_275, %swap3A_276, %swap3A_277], %get3A_271 {strides = array<i32>} : memref<1x77x512xf32, #tpu.memory_space<vmem>>, vector<16xf32>,
      %get3A_279 = arith.index_cast %scan3A_59 : i32 to index
      %get3A_280 = arith.constant 352 : index
      %get3A_281 = tpu.vector_load %arg8[%get3A_279, %get3A_280] {strides = array<i32>} : memref<16x512xf32, #tpu.memory_space<vmem>>, vector<16xf32>,
      %add3A_282 = arith.constant 1 : i32
      %add3A_283 = arith.addi %add3A_282, %scan3A_59 : i32
      %swap3A_284 = arith.constant 0 : i32
      %swap3A_285 = arith.index_cast %swap3A_284 : i32 to index
      %swap3A_286 = arith.index_cast %add3A_283 : i32 to index
      %swap3A_287 = arith.constant 352 : index
      %swap3A_288 = tpu.vector_load %arg13[%swap3A_285, %swap3A_286, %swap3A_287] {strides = array<i32>} : memref<1x77x512xf32, #tpu.memory_space<vmem>>, vector<16xf32>,
      tpu.vector_store %arg13[%swap3A_285, %swap3A_286, %swap3A_287], %get3A_281 {strides = array<i32>} : memref<1x77x512xf32, #tpu.memory_space<vmem>>, vector<16xf32>,
      %get3A_289 = arith.index_cast %scan3A_59 : i32 to index
      %get3A_290 = arith.constant 368 : index
      %get3A_291 = tpu.vector_load %arg8[%get3A_289, %get3A_290] {strides = array<i32>} : memref<16x512xf32, #tpu.memory_space<vmem>>, vector<16xf32>,
      %add3A_292 = arith.constant 1 : i32
      %add3A_293 = arith.addi %add3A_292, %scan3A_59 : i32
      %swap3A_294 = arith.constant 0 : i32
      %swap3A_295 = arith.index_cast %swap3A_294 : i32 to index
      %swap3A_296 = arith.index_cast %add3A_293 : i32 to index
      %swap3A_297 = arith.constant 368 : index
      %swap3A_298 = tpu.vector_load %arg13[%swap3A_295, %swap3A_296, %swap3A_297] {strides = array<i32>} : memref<1x77x512xf32, #tpu.memory_space<vmem>>, vector<16xf32>,
      tpu.vector_store %arg13[%swap3A_295, %swap3A_296, %swap3A_297], %get3A_291 {strides = array<i32>} : memref<1x77x512xf32, #tpu.memory_space<vmem>>, vector<16xf32>,
      %get3A_299 = arith.index_cast %scan3A_59 : i32 to index
      %get3A_300 = arith.constant 384 : index
      %get3A_301 = tpu.vector_load %arg8[%get3A_299, %get3A_300] {strides = array<i32>} : memref<16x512xf32, #tpu.memory_space<vmem>>, vector<16xf32>,
      %add3A_302 = arith.constant 1 : i32
      %add3A_303 = arith.addi %add3A_302, %scan3A_59 : i32
      %swap3A_304 = arith.constant 0 : i32
      %swap3A_305 = arith.index_cast %swap3A_304 : i32 to index
      %swap3A_306 = arith.index_cast %add3A_303 : i32 to index
      %swap3A_307 = arith.constant 384 : index
      %swap3A_308 = tpu.vector_load %arg13[%swap3A_305, %swap3A_306, %swap3A_307] {strides = array<i32>} : memref<1x77x512xf32, #tpu.memory_space<vmem>>, vector<16xf32>,
      tpu.vector_store %arg13[%swap3A_305, %swap3A_306, %swap3A_307], %get3A_301 {strides = array<i32>} : memref<1x77x512xf32, #tpu.memory_space<vmem>>, vector<16xf32>,
      %get3A_309 = arith.index_cast %scan3A_59 : i32 to index
      %get3A_310 = arith.constant 400 : index
      %get3A_311 = tpu.vector_load %arg8[%get3A_309, %get3A_310] {strides = array<i32>} : memref<16x512xf32, #tpu.memory_space<vmem>>, vector<16xf32>,
      %add3A_312 = arith.constant 1 : i32
      %add3A_313 = arith.addi %add3A_312, %scan3A_59 : i32
      %swap3A_314 = arith.constant 0 : i32
      %swap3A_315 = arith.index_cast %swap3A_314 : i32 to index
      %swap3A_316 = arith.index_cast %add3A_313 : i32 to index
      %swap3A_317 = arith.constant 400 : index
      %swap3A_318 = tpu.vector_load %arg13[%swap3A_315, %swap3A_316, %swap3A_317] {strides = array<i32>} : memref<1x77x512xf32, #tpu.memory_space<vmem>>, vector<16xf32>,
      tpu.vector_store %arg13[%swap3A_315, %swap3A_316, %swap3A_317], %get3A_311 {strides = array<i32>} : memref<1x77x512xf32, #tpu.memory_space<vmem>>, vector<16xf32>,
      %get3A_319 = arith.index_cast %scan3A_59 : i32 to index
      %get3A_320 = arith.constant 416 : index
      %get3A_321 = tpu.vector_load %arg8[%get3A_319, %get3A_320] {strides = array<i32>} : memref<16x512xf32, #tpu.memory_space<vmem>>, vector<16xf32>,
      %add3A_322 = arith.constant 1 : i32
      %add3A_323 = arith.addi %add3A_322, %scan3A_59 : i32
      %swap3A_324 = arith.constant 0 : i32
      %swap3A_325 = arith.index_cast %swap3A_324 : i32 to index
      %swap3A_326 = arith.index_cast %add3A_323 : i32 to index
      %swap3A_327 = arith.constant 416 : index
      %swap3A_328 = tpu.vector_load %arg13[%swap3A_325, %swap3A_326, %swap3A_327] {strides = array<i32>} : memref<1x77x512xf32, #tpu.memory_space<vmem>>, vector<16xf32>,
      tpu.vector_store %arg13[%swap3A_325, %swap3A_326, %swap3A_327], %get3A_321 {strides = array<i32>} : memref<1x77x512xf32, #tpu.memory_space<vmem>>, vector<16xf32>,
      %get3A_329 = arith.index_cast %scan3A_59 : i32 to index
      %get3A_330 = arith.constant 432 : index
      %get3A_331 = tpu.vector_load %arg8[%get3A_329, %get3A_330] {strides = array<i32>} : memref<16x512xf32, #tpu.memory_space<vmem>>, vector<16xf32>,
      %add3A_332 = arith.constant 1 : i32
      %add3A_333 = arith.addi %add3A_332, %scan3A_59 : i32
      %swap3A_334 = arith.constant 0 : i32
      %swap3A_335 = arith.index_cast %swap3A_334 : i32 to index
      %swap3A_336 = arith.index_cast %add3A_333 : i32 to index
      %swap3A_337 = arith.constant 432 : index
      %swap3A_338 = tpu.vector_load %arg13[%swap3A_335, %swap3A_336, %swap3A_337] {strides = array<i32>} : memref<1x77x512xf32, #tpu.memory_space<vmem>>, vector<16xf32>,
      tpu.vector_store %arg13[%swap3A_335, %swap3A_336, %swap3A_337], %get3A_331 {strides = array<i32>} : memref<1x77x512xf32, #tpu.memory_space<vmem>>, vector<16xf32>,
      %get3A_339 = arith.index_cast %scan3A_59 : i32 to index
      %get3A_340 = arith.constant 448 : index
      %get3A_341 = tpu.vector_load %arg8[%get3A_339, %get3A_340] {strides = array<i32>} : memref<16x512xf32, #tpu.memory_space<vmem>>, vector<16xf32>,
      %add3A_342 = arith.constant 1 : i32
      %add3A_343 = arith.addi %add3A_342, %scan3A_59 : i32
      %swap3A_344 = arith.constant 0 : i32
      %swap3A_345 = arith.index_cast %swap3A_344 : i32 to index
      %swap3A_346 = arith.index_cast %add3A_343 : i32 to index
      %swap3A_347 = arith.constant 448 : index
      %swap3A_348 = tpu.vector_load %arg13[%swap3A_345, %swap3A_346, %swap3A_347] {strides = array<i32>} : memref<1x77x512xf32, #tpu.memory_space<vmem>>, vector<16xf32>,
      tpu.vector_store %arg13[%swap3A_345, %swap3A_346, %swap3A_347], %get3A_341 {strides = array<i32>} : memref<1x77x512xf32, #tpu.memory_space<vmem>>, vector<16xf32>,
      %get3A_349 = arith.index_cast %scan3A_59 : i32 to index
      %get3A_350 = arith.constant 464 : index
      %get3A_351 = tpu.vector_load %arg8[%get3A_349, %get3A_350] {strides = array<i32>} : memref<16x512xf32, #tpu.memory_space<vmem>>, vector<16xf32>,
      %add3A_352 = arith.constant 1 : i32
      %add3A_353 = arith.addi %add3A_352, %scan3A_59 : i32
      %swap3A_354 = arith.constant 0 : i32
      %swap3A_355 = arith.index_cast %swap3A_354 : i32 to index
      %swap3A_356 = arith.index_cast %add3A_353 : i32 to index
      %swap3A_357 = arith.constant 464 : index
      %swap3A_358 = tpu.vector_load %arg13[%swap3A_355, %swap3A_356, %swap3A_357] {strides = array<i32>} : memref<1x77x512xf32, #tpu.memory_space<vmem>>, vector<16xf32>,
      tpu.vector_store %arg13[%swap3A_355, %swap3A_356, %swap3A_357], %get3A_351 {strides = array<i32>} : memref<1x77x512xf32, #tpu.memory_space<vmem>>, vector<16xf32>,
      %get3A_359 = arith.index_cast %scan3A_59 : i32 to index
      %get3A_360 = arith.constant 480 : index
      %get3A_361 = tpu.vector_load %arg8[%get3A_359, %get3A_360] {strides = array<i32>} : memref<16x512xf32, #tpu.memory_space<vmem>>, vector<16xf32>,
      %add3A_362 = arith.constant 1 : i32
      %add3A_363 = arith.addi %add3A_362, %scan3A_59 : i32
      %swap3A_364 = arith.constant 0 : i32
      %swap3A_365 = arith.index_cast %swap3A_364 : i32 to index
      %swap3A_366 = arith.index_cast %add3A_363 : i32 to index
      %swap3A_367 = arith.constant 480 : index
      %swap3A_368 = tpu.vector_load %arg13[%swap3A_365, %swap3A_366, %swap3A_367] {strides = array<i32>} : memref<1x77x512xf32, #tpu.memory_space<vmem>>, vector<16xf32>,
      tpu.vector_store %arg13[%swap3A_365, %swap3A_366, %swap3A_367], %get3A_361 {strides = array<i32>} : memref<1x77x512xf32, #tpu.memory_space<vmem>>, vector<16xf32>,
      %get3A_369 = arith.index_cast %scan3A_59 : i32 to index
      %get3A_370 = arith.constant 496 : index
      %get3A_371 = tpu.vector_load %arg8[%get3A_369, %get3A_370] {strides = array<i32>} : memref<16x512xf32, #tpu.memory_space<vmem>>, vector<16xf32>,
      %add3A_372 = arith.constant 1 : i32
      %add3A_373 = arith.addi %add3A_372, %scan3A_59 : i32
      %swap3A_374 = arith.constant 0 : i32
      %swap3A_375 = arith.index_cast %swap3A_374 : i32 to index
      %swap3A_376 = arith.index_cast %add3A_373 : i32 to index
      %swap3A_377 = arith.constant 496 : index
      %swap3A_378 = tpu.vector_load %arg13[%swap3A_375, %swap3A_376, %swap3A_377] {strides = array<i32>} : memref<1x77x512xf32, #tpu.memory_space<vmem>>, vector<16xf32>,
      tpu.vector_store %arg13[%swap3A_375, %swap3A_376, %swap3A_377], %get3A_371 {strides = array<i32>} : memref<1x77x512xf32, #tpu.memory_space<vmem>>, vector<16xf32>,
    }
    %scan3A_7 = arith.constant 16 : i32
    %get3A = arith.constant 0 : index
    %get3A_8 = tpu.vector_load %arg7[%get3A] {strides = array<i32>} : memref<32xi32, #tpu.memory_space<vmem>>, vector<16xi32>,
    %get3A_9 = arith.constant 16 : index
    %get3A_10 = tpu.vector_load %arg7[%get3A_9] {strides = array<i32>} : memref<32xi32, #tpu.memory_space<vmem>>, vector<16xi32>,
    %iota3A = tpu.iota {dimensions = array<i32: 0>} : vector<16xi32>
    %jit3A = arith.constant true
    %select_n3A = arith.select %jit3A, %get3A_8, %get3A_10 : vector<16xi32>
    %eq3A = arith.constant 0 : i32
    %eq3A_11 = vector.broadcast %eq3A : i32 to vector<16xi32>
    %eq3A_12 = arith.cmpi eq, %iota3A, %eq3A_11 : vector<16xi32>
    %jit3A_13 = arith.constant 0 : i32
    %broadcast_in_dim3A = vector.broadcast %jit3A_13 : i32 to vector<16xi32>
    %select_n3A_14 = arith.select %eq3A_12, %select_n3A, %broadcast_in_dim3A : vector<16xi1>, vector<16xi32>
    %reduce_sum3A = arith.constant true
    %reduce_sum3A_15 = vector.broadcast %reduce_sum3A : i1 to vector<16xi1>
    %reduce_sum3A_16 = tpu.scan <sum>, %select_n3A_14 masked %reduce_sum3A_15 : vector<16xi32>, vector<16xi1> -> vector<16xi32>
    %reduce_sum3A_17 = vector.extract %reduce_sum3A_16[15] : i32 from vector<16xi32>
    %dma_start3A = arith.constant 0 : i32
    %dma_start3A_18 = arith.constant 0 : i32
    %dma_start3A_19 = tpu.memref_slice %arg4[%reduce_sum3A_17, %dma_start3A, %dma_start3A_18] : memref<10000x1x512xf32, #tpu.memory_space<hbm>> -> memref<1x1x512xf32, #tpu.memory_space<hbm>>
    %dma_start3A_20 = arith.constant 0 : i32
    %dma_start3A_21 = arith.constant 0 : i32
    %dma_start3A_22 = tpu.memref_slice %arg4[%reduce_sum3A_17, %dma_start3A_20, %dma_start3A_21] : memref<10000x1x512xf32, #tpu.memory_space<hbm>> -> memref<1x1x512xf32, #tpu.memory_space<hbm>>
    tpu.enqueue_dma source(%dma_start3A_22 : memref<1x1x512xf32, #tpu.memory_space<hbm>>) target(%arg9 : memref<1x1x512xf32, #tpu.memory_space<vmem>>) target_semaphore(%arg14 : memref<!tpu.dma_semaphore, #tpu.memory_space<semaphore_mem>>)
    %dma_start3A_23 = arith.constant 0 : i32
    %dma_start3A_24 = arith.constant 0 : i32
    %dma_start3A_25 = tpu.memref_slice %arg5[%reduce_sum3A_17, %dma_start3A_23, %dma_start3A_24] : memref<10000x60x512xf32, #tpu.memory_space<hbm>> -> memref<1x60x512xf32, #tpu.memory_space<hbm>>
    %dma_start3A_26 = arith.constant 0 : i32
    %dma_start3A_27 = arith.constant 0 : i32
    %dma_start3A_28 = tpu.memref_slice %arg5[%reduce_sum3A_17, %dma_start3A_26, %dma_start3A_27] : memref<10000x60x512xf32, #tpu.memory_space<hbm>> -> memref<1x60x512xf32, #tpu.memory_space<hbm>>
    tpu.enqueue_dma source(%dma_start3A_28 : memref<1x60x512xf32, #tpu.memory_space<hbm>>) target(%arg11 : memref<1x60x512xf32, #tpu.memory_space<vmem>>) target_semaphore(%arg14 : memref<!tpu.dma_semaphore, #tpu.memory_space<semaphore_mem>>)
    %jit3A_29 = arith.constant true
    %select_n3A_30 = arith.select %jit3A_29, %get3A_8, %get3A_10 : vector<16xi32>
    %eq3A_31 = arith.constant 1 : i32
    %eq3A_32 = vector.broadcast %eq3A_31 : i32 to vector<16xi32>
    %eq3A_33 = arith.cmpi eq, %iota3A, %eq3A_32 : vector<16xi32>
    %jit3A_34 = arith.constant 0 : i32
    %broadcast_in_dim3A_35 = vector.broadcast %jit3A_34 : i32 to vector<16xi32>
    %select_n3A_36 = arith.select %eq3A_33, %select_n3A_30, %broadcast_in_dim3A_35 : vector<16xi1>, vector<16xi32>
    %reduce_sum3A_37 = arith.constant true
    %reduce_sum3A_38 = vector.broadcast %reduce_sum3A_37 : i1 to vector<16xi1>
    %reduce_sum3A_39 = tpu.scan <sum>, %select_n3A_36 masked %reduce_sum3A_38 : vector<16xi32>, vector<16xi1> -> vector<16xi32>
    %reduce_sum3A_40 = vector.extract %reduce_sum3A_39[15] : i32 from vector<16xi32>
    %dma_start3A_41 = arith.constant 0 : i32
    %dma_start3A_42 = arith.constant 0 : i32
    %dma_start3A_43 = tpu.memref_slice %arg4[%reduce_sum3A_40, %dma_start3A_41, %dma_start3A_42] : memref<10000x1x512xf32, #tpu.memory_space<hbm>> -> memref<1x1x512xf32, #tpu.memory_space<hbm>>
    %dma_start3A_44 = arith.constant 0 : i32
    %dma_start3A_45 = arith.constant 0 : i32
    %dma_start3A_46 = tpu.memref_slice %arg4[%reduce_sum3A_40, %dma_start3A_44, %dma_start3A_45] : memref<10000x1x512xf32, #tpu.memory_space<hbm>> -> memref<1x1x512xf32, #tpu.memory_space<hbm>>
    tpu.enqueue_dma source(%dma_start3A_46 : memref<1x1x512xf32, #tpu.memory_space<hbm>>) target(%arg10 : memref<1x1x512xf32, #tpu.memory_space<vmem>>) target_semaphore(%arg15 : memref<!tpu.dma_semaphore, #tpu.memory_space<semaphore_mem>>)
    %dma_start3A_47 = arith.constant 0 : i32
    %dma_start3A_48 = arith.constant 0 : i32
    %dma_start3A_49 = tpu.memref_slice %arg5[%reduce_sum3A_40, %dma_start3A_47, %dma_start3A_48] : memref<10000x60x512xf32, #tpu.memory_space<hbm>> -> memref<1x60x512xf32, #tpu.memory_space<hbm>>
    %dma_start3A_50 = arith.constant 0 : i32
    %dma_start3A_51 = arith.constant 0 : i32
    %dma_start3A_52 = tpu.memref_slice %arg5[%reduce_sum3A_40, %dma_start3A_50, %dma_start3A_51] : memref<10000x60x512xf32, #tpu.memory_space<hbm>> -> memref<1x60x512xf32, #tpu.memory_space<hbm>>
    tpu.enqueue_dma source(%dma_start3A_52 : memref<1x60x512xf32, #tpu.memory_space<hbm>>) target(%arg12 : memref<1x60x512xf32, #tpu.memory_space<vmem>>) target_semaphore(%arg15 : memref<!tpu.dma_semaphore, #tpu.memory_space<semaphore_mem>>)
    %scan3A_53 = arith.constant 0 : i32
    %scan3A_54 = arith.constant 0 : i32
    %scan3A_55 = arith.constant 16 : i32
    %scan3A_56 = arith.addi %scan3A_54, %scan3A_55 : i32
    %scan3A_57 = arith.constant 1 : i32
    scf.for %scan3A_59 = %scan3A_54 to %scan3A_56 step %scan3A_57  : i32 {
      %mul3A_60 = arith.constant 2 : i32
      %mul3A_61 = arith.muli %mul3A_60, %scan3A_59 : i32
      %add3A_62 = arith.constant 0 : i32
      %add3A_63 = arith.addi %mul3A_61, %add3A_62 : i32
      %dma_wait3A = arith.constant 0 : i32
      %dma_wait3A_64 = arith.constant 0 : i32
      %dma_wait3A_65 = arith.constant 0 : i32
      %dma_wait3A_66 = tpu.memref_slice %arg4[%dma_wait3A, %dma_wait3A_64, %dma_wait3A_65] : memref<10000x1x512xf32, #tpu.memory_space<hbm>> -> memref<1x1x512xf32, #tpu.memory_space<hbm>>
      %dma_wait3A_67 = arith.constant 0 : i32
      %dma_wait3A_68 = arith.constant 0 : i32
      %dma_wait3A_69 = arith.constant 0 : i32
      %dma_wait3A_70 = tpu.memref_slice %arg4[%dma_wait3A_67, %dma_wait3A_68, %dma_wait3A_69] : memref<10000x1x512xf32, #tpu.memory_space<hbm>> -> memref<1x1x512xf32, #tpu.memory_space<hbm>>
      tpu.wait_dma2 semaphore(%arg14 : memref<!tpu.dma_semaphore, #tpu.memory_space<semaphore_mem>>) src(%dma_wait3A_70 : memref<1x1x512xf32, #tpu.memory_space<hbm>>) dst(%arg9 : memref<1x1x512xf32, #tpu.memory_space<vmem>>)
      %dma_wait3A_71 = arith.constant 0 : i32
      %dma_wait3A_72 = arith.constant 0 : i32
      %dma_wait3A_73 = arith.constant 0 : i32
      %dma_wait3A_74 = tpu.memref_slice %arg5[%dma_wait3A_71, %dma_wait3A_72, %dma_wait3A_73] : memref<10000x60x512xf32, #tpu.memory_space<hbm>> -> memref<1x60x512xf32, #tpu.memory_space<hbm>>
      %dma_wait3A_75 = arith.constant 0 : i32
      %dma_wait3A_76 = arith.constant 0 : i32
      %dma_wait3A_77 = arith.constant 0 : i32
      %dma_wait3A_78 = tpu.memref_slice %arg5[%dma_wait3A_75, %dma_wait3A_76, %dma_wait3A_77] : memref<10000x60x512xf32, #tpu.memory_space<hbm>> -> memref<1x60x512xf32, #tpu.memory_space<hbm>>
      tpu.wait_dma2 semaphore(%arg14 : memref<!tpu.dma_semaphore, #tpu.memory_space<semaphore_mem>>) src(%dma_wait3A_78 : memref<1x60x512xf32, #tpu.memory_space<hbm>>) dst(%arg11 : memref<1x60x512xf32, #tpu.memory_space<vmem>>)
      %get3A_79 = arith.constant 0 : i32
      %get3A_80 = arith.constant 0 : i32
      %get3A_81 = arith.index_cast %get3A_79 : i32 to index
      %get3A_82 = arith.index_cast %get3A_80 : i32 to index
      %get3A_83 = arith.constant 0 : index
      %get3A_84 = tpu.vector_load %arg9[%get3A_81, %get3A_82, %get3A_83] {strides = array<i32>} : memref<1x1x512xf32, #tpu.memory_space<vmem>>, vector<16xf32>,
      %swap3A = arith.constant 0 : i32
      %swap3A_85 = arith.constant 0 : i32
      %swap3A_86 = arith.index_cast %swap3A : i32 to index
      %swap3A_87 = arith.index_cast %swap3A_85 : i32 to index
      %swap3A_88 = arith.constant 0 : index
      %swap3A_89 = tpu.vector_load %arg13[%swap3A_86, %swap3A_87, %swap3A_88] {strides = array<i32>} : memref<1x77x512xf32, #tpu.memory_space<vmem>>, vector<16xf32>,
      tpu.vector_store %arg13[%swap3A_86, %swap3A_87, %swap3A_88], %get3A_84 {strides = array<i32>} : memref<1x77x512xf32, #tpu.memory_space<vmem>>, vector<16xf32>,
      %get3A_90 = arith.constant 0 : i32
      %get3A_91 = arith.constant 0 : i32
      %get3A_92 = arith.index_cast %get3A_90 : i32 to index
      %get3A_93 = arith.index_cast %get3A_91 : i32 to index
      %get3A_94 = arith.constant 16 : index
      %get3A_95 = tpu.vector_load %arg9[%get3A_92, %get3A_93, %get3A_94] {strides = array<i32>} : memref<1x1x512xf32, #tpu.memory_space<vmem>>, vector<16xf32>,
      %swap3A_96 = arith.constant 0 : i32
      %swap3A_97 = arith.constant 0 : i32
      %swap3A_98 = arith.index_cast %swap3A_96 : i32 to index
      %swap3A_99 = arith.index_cast %swap3A_97 : i32 to index
      %swap3A_100 = arith.constant 16 : index
      %swap3A_101 = tpu.vector_load %arg13[%swap3A_98, %swap3A_99, %swap3A_100] {strides = array<i32>} : memref<1x77x512xf32, #tpu.memory_space<vmem>>, vector<16xf32>,
      tpu.vector_store %arg13[%swap3A_98, %swap3A_99, %swap3A_100], %get3A_95 {strides = array<i32>} : memref<1x77x512xf32, #tpu.memory_space<vmem>>, vector<16xf32>,
      %get3A_102 = arith.constant 0 : i32
      %get3A_103 = arith.constant 0 : i32
      %get3A_104 = arith.index_cast %get3A_102 : i32 to index
      %get3A_105 = arith.index_cast %get3A_103 : i32 to index
      %get3A_106 = arith.constant 32 : index
      %get3A_107 = tpu.vector_load %arg9[%get3A_104, %get3A_105, %get3A_106] {strides = array<i32>} : memref<1x1x512xf32, #tpu.memory_space<vmem>>, vector<16xf32>,
      %swap3A_108 = arith.constant 0 : i32
      %swap3A_109 = arith.constant 0 : i32
      %swap3A_110 = arith.index_cast %swap3A_108 : i32 to index
      %swap3A_111 = arith.index_cast %swap3A_109 : i32 to index
      %swap3A_112 = arith.constant 32 : index
      %swap3A_113 = tpu.vector_load %arg13[%swap3A_110, %swap3A_111, %swap3A_112] {strides = array<i32>} : memref<1x77x512xf32, #tpu.memory_space<vmem>>, vector<16xf32>,
      tpu.vector_store %arg13[%swap3A_110, %swap3A_111, %swap3A_112], %get3A_107 {strides = array<i32>} : memref<1x77x512xf32, #tpu.memory_space<vmem>>, vector<16xf32>,
      %get3A_114 = arith.constant 0 : i32
      %get3A_115 = arith.constant 0 : i32
      %get3A_116 = arith.index_cast %get3A_114 : i32 to index
      %get3A_117 = arith.index_cast %get3A_115 : i32 to index
      %get3A_118 = arith.constant 48 : index
      %get3A_119 = tpu.vector_load %arg9[%get3A_116, %get3A_117, %get3A_118] {strides = array<i32>} : memref<1x1x512xf32, #tpu.memory_space<vmem>>, vector<16xf32>,
      %swap3A_120 = arith.constant 0 : i32
      %swap3A_121 = arith.constant 0 : i32
      %swap3A_122 = arith.index_cast %swap3A_120 : i32 to index
      %swap3A_123 = arith.index_cast %swap3A_121 : i32 to index
      %swap3A_124 = arith.constant 48 : index
      %swap3A_125 = tpu.vector_load %arg13[%swap3A_122, %swap3A_123, %swap3A_124] {strides = array<i32>} : memref<1x77x512xf32, #tpu.memory_space<vmem>>, vector<16xf32>,
      tpu.vector_store %arg13[%swap3A_122, %swap3A_123, %swap3A_124], %get3A_119 {strides = array<i32>} : memref<1x77x512xf32, #tpu.memory_space<vmem>>, vector<16xf32>,
      %get3A_126 = arith.constant 0 : i32
      %get3A_127 = arith.constant 0 : i32
      %get3A_128 = arith.index_cast %get3A_126 : i32 to index
      %get3A_129 = arith.index_cast %get3A_127 : i32 to index
      %get3A_130 = arith.constant 64 : index
      %get3A_131 = tpu.vector_load %arg9[%get3A_128, %get3A_129, %get3A_130] {strides = array<i32>} : memref<1x1x512xf32, #tpu.memory_space<vmem>>, vector<16xf32>,
      %swap3A_132 = arith.constant 0 : i32
      %swap3A_133 = arith.constant 0 : i32
      %swap3A_134 = arith.index_cast %swap3A_132 : i32 to index
      %swap3A_135 = arith.index_cast %swap3A_133 : i32 to index
      %swap3A_136 = arith.constant 64 : index
      %swap3A_137 = tpu.vector_load %arg13[%swap3A_134, %swap3A_135, %swap3A_136] {strides = array<i32>} : memref<1x77x512xf32, #tpu.memory_space<vmem>>, vector<16xf32>,
      tpu.vector_store %arg13[%swap3A_134, %swap3A_135, %swap3A_136], %get3A_131 {strides = array<i32>} : memref<1x77x512xf32, #tpu.memory_space<vmem>>, vector<16xf32>,
      %get3A_138 = arith.constant 0 : i32
      %get3A_139 = arith.constant 0 : i32
      %get3A_140 = arith.index_cast %get3A_138 : i32 to index
      %get3A_141 = arith.index_cast %get3A_139 : i32 to index
      %get3A_142 = arith.constant 80 : index
      %get3A_143 = tpu.vector_load %arg9[%get3A_140, %get3A_141, %get3A_142] {strides = array<i32>} : memref<1x1x512xf32, #tpu.memory_space<vmem>>, vector<16xf32>,
      %swap3A_144 = arith.constant 0 : i32
      %swap3A_145 = arith.constant 0 : i32
      %swap3A_146 = arith.index_cast %swap3A_144 : i32 to index
      %swap3A_147 = arith.index_cast %swap3A_145 : i32 to index
      %swap3A_148 = arith.constant 80 : index
      %swap3A_149 = tpu.vector_load %arg13[%swap3A_146, %swap3A_147, %swap3A_148] {strides = array<i32>} : memref<1x77x512xf32, #tpu.memory_space<vmem>>, vector<16xf32>,
      tpu.vector_store %arg13[%swap3A_146, %swap3A_147, %swap3A_148], %get3A_143 {strides = array<i32>} : memref<1x77x512xf32, #tpu.memory_space<vmem>>, vector<16xf32>,
      %get3A_150 = arith.constant 0 : i32
      %get3A_151 = arith.constant 0 : i32
      %get3A_152 = arith.index_cast %get3A_150 : i32 to index
      %get3A_153 = arith.index_cast %get3A_151 : i32 to index
      %get3A_154 = arith.constant 96 : index
      %get3A_155 = tpu.vector_load %arg9[%get3A_152, %get3A_153, %get3A_154] {strides = array<i32>} : memref<1x1x512xf32, #tpu.memory_space<vmem>>, vector<16xf32>,
      %swap3A_156 = arith.constant 0 : i32
      %swap3A_157 = arith.constant 0 : i32
      %swap3A_158 = arith.index_cast %swap3A_156 : i32 to index
      %swap3A_159 = arith.index_cast %swap3A_157 : i32 to index
      %swap3A_160 = arith.constant 96 : index
      %swap3A_161 = tpu.vector_load %arg13[%swap3A_158, %swap3A_159, %swap3A_160] {strides = array<i32>} : memref<1x77x512xf32, #tpu.memory_space<vmem>>, vector<16xf32>,
      tpu.vector_store %arg13[%swap3A_158, %swap3A_159, %swap3A_160], %get3A_155 {strides = array<i32>} : memref<1x77x512xf32, #tpu.memory_space<vmem>>, vector<16xf32>,
      %get3A_162 = arith.constant 0 : i32
      %get3A_163 = arith.constant 0 : i32
      %get3A_164 = arith.index_cast %get3A_162 : i32 to index
      %get3A_165 = arith.index_cast %get3A_163 : i32 to index
      %get3A_166 = arith.constant 112 : index
      %get3A_167 = tpu.vector_load %arg9[%get3A_164, %get3A_165, %get3A_166] {strides = array<i32>} : memref<1x1x512xf32, #tpu.memory_space<vmem>>, vector<16xf32>,
      %swap3A_168 = arith.constant 0 : i32
      %swap3A_169 = arith.constant 0 : i32
      %swap3A_170 = arith.index_cast %swap3A_168 : i32 to index
      %swap3A_171 = arith.index_cast %swap3A_169 : i32 to index
      %swap3A_172 = arith.constant 112 : index
      %swap3A_173 = tpu.vector_load %arg13[%swap3A_170, %swap3A_171, %swap3A_172] {strides = array<i32>} : memref<1x77x512xf32, #tpu.memory_space<vmem>>, vector<16xf32>,
      tpu.vector_store %arg13[%swap3A_170, %swap3A_171, %swap3A_172], %get3A_167 {strides = array<i32>} : memref<1x77x512xf32, #tpu.memory_space<vmem>>, vector<16xf32>,
      %get3A_174 = arith.constant 0 : i32
      %get3A_175 = arith.constant 0 : i32
      %get3A_176 = arith.index_cast %get3A_174 : i32 to index
      %get3A_177 = arith.index_cast %get3A_175 : i32 to index
      %get3A_178 = arith.constant 128 : index
      %get3A_179 = tpu.vector_load %arg9[%get3A_176, %get3A_177, %get3A_178] {strides = array<i32>} : memref<1x1x512xf32, #tpu.memory_space<vmem>>, vector<16xf32>,
      %swap3A_180 = arith.constant 0 : i32
      %swap3A_181 = arith.constant 0 : i32
      %swap3A_182 = arith.index_cast %swap3A_180 : i32 to index
      %swap3A_183 = arith.index_cast %swap3A_181 : i32 to index
      %swap3A_184 = arith.constant 128 : index
      %swap3A_185 = tpu.vector_load %arg13[%swap3A_182, %swap3A_183, %swap3A_184] {strides = array<i32>} : memref<1x77x512xf32, #tpu.memory_space<vmem>>, vector<16xf32>,
      tpu.vector_store %arg13[%swap3A_182, %swap3A_183, %swap3A_184], %get3A_179 {strides = array<i32>} : memref<1x77x512xf32, #tpu.memory_space<vmem>>, vector<16xf32>,
      %get3A_186 = arith.constant 0 : i32
      %get3A_187 = arith.constant 0 : i32
      %get3A_188 = arith.index_cast %get3A_186 : i32 to index
      %get3A_189 = arith.index_cast %get3A_187 : i32 to index
      %get3A_190 = arith.constant 144 : index
      %get3A_191 = tpu.vector_load %arg9[%get3A_188, %get3A_189, %get3A_190] {strides = array<i32>} : memref<1x1x512xf32, #tpu.memory_space<vmem>>, vector<16xf32>,
      %swap3A_192 = arith.constant 0 : i32
      %swap3A_193 = arith.constant 0 : i32
      %swap3A_194 = arith.index_cast %swap3A_192 : i32 to index
      %swap3A_195 = arith.index_cast %swap3A_193 : i32 to index
      %swap3A_196 = arith.constant 144 : index
      %swap3A_197 = tpu.vector_load %arg13[%swap3A_194, %swap3A_195, %swap3A_196] {strides = array<i32>} : memref<1x77x512xf32, #tpu.memory_space<vmem>>, vector<16xf32>,
      tpu.vector_store %arg13[%swap3A_194, %swap3A_195, %swap3A_196], %get3A_191 {strides = array<i32>} : memref<1x77x512xf32, #tpu.memory_space<vmem>>, vector<16xf32>,
      %get3A_198 = arith.constant 0 : i32
      %get3A_199 = arith.constant 0 : i32
      %get3A_200 = arith.index_cast %get3A_198 : i32 to index
      %get3A_201 = arith.index_cast %get3A_199 : i32 to index
      %get3A_202 = arith.constant 160 : index
      %get3A_203 = tpu.vector_load %arg9[%get3A_200, %get3A_201, %get3A_202] {strides = array<i32>} : memref<1x1x512xf32, #tpu.memory_space<vmem>>, vector<16xf32>,
      %swap3A_204 = arith.constant 0 : i32
      %swap3A_205 = arith.constant 0 : i32
      %swap3A_206 = arith.index_cast %swap3A_204 : i32 to index
      %swap3A_207 = arith.index_cast %swap3A_205 : i32 to index
      %swap3A_208 = arith.constant 160 : index
      %swap3A_209 = tpu.vector_load %arg13[%swap3A_206, %swap3A_207, %swap3A_208] {strides = array<i32>} : memref<1x77x512xf32, #tpu.memory_space<vmem>>, vector<16xf32>,
      tpu.vector_store %arg13[%swap3A_206, %swap3A_207, %swap3A_208], %get3A_203 {strides = array<i32>} : memref<1x77x512xf32, #tpu.memory_space<vmem>>, vector<16xf32>,
      %get3A_210 = arith.constant 0 : i32
      %get3A_211 = arith.constant 0 : i32
      %get3A_212 = arith.index_cast %get3A_210 : i32 to index
      %get3A_213 = arith.index_cast %get3A_211 : i32 to index
      %get3A_214 = arith.constant 176 : index
      %get3A_215 = tpu.vector_load %arg9[%get3A_212, %get3A_213, %get3A_214] {strides = array<i32>} : memref<1x1x512xf32, #tpu.memory_space<vmem>>, vector<16xf32>,
      %swap3A_216 = arith.constant 0 : i32
      %swap3A_217 = arith.constant 0 : i32
      %swap3A_218 = arith.index_cast %swap3A_216 : i32 to index
      %swap3A_219 = arith.index_cast %swap3A_217 : i32 to index
      %swap3A_220 = arith.constant 176 : index
      %swap3A_221 = tpu.vector_load %arg13[%swap3A_218, %swap3A_219, %swap3A_220] {strides = array<i32>} : memref<1x77x512xf32, #tpu.memory_space<vmem>>, vector<16xf32>,
      tpu.vector_store %arg13[%swap3A_218, %swap3A_219, %swap3A_220], %get3A_215 {strides = array<i32>} : memref<1x77x512xf32, #tpu.memory_space<vmem>>, vector<16xf32>,
      %get3A_222 = arith.constant 0 : i32
      %get3A_223 = arith.constant 0 : i32
      %get3A_224 = arith.index_cast %get3A_222 : i32 to index
      %get3A_225 = arith.index_cast %get3A_223 : i32 to index
      %get3A_226 = arith.constant 192 : index
      %get3A_227 = tpu.vector_load %arg9[%get3A_224, %get3A_225, %get3A_226] {strides = array<i32>} : memref<1x1x512xf32, #tpu.memory_space<vmem>>, vector<16xf32>,
      %swap3A_228 = arith.constant 0 : i32
      %swap3A_229 = arith.constant 0 : i32
      %swap3A_230 = arith.index_cast %swap3A_228 : i32 to index
      %swap3A_231 = arith.index_cast %swap3A_229 : i32 to index
      %swap3A_232 = arith.constant 192 : index
      %swap3A_233 = tpu.vector_load %arg13[%swap3A_230, %swap3A_231, %swap3A_232] {strides = array<i32>} : memref<1x77x512xf32, #tpu.memory_space<vmem>>, vector<16xf32>,
      tpu.vector_store %arg13[%swap3A_230, %swap3A_231, %swap3A_232], %get3A_227 {strides = array<i32>} : memref<1x77x512xf32, #tpu.memory_space<vmem>>, vector<16xf32>,
      %get3A_234 = arith.constant 0 : i32
      %get3A_235 = arith.constant 0 : i32
      %get3A_236 = arith.index_cast %get3A_234 : i32 to index
      %get3A_237 = arith.index_cast %get3A_235 : i32 to index
      %get3A_238 = arith.constant 208 : index
      %get3A_239 = tpu.vector_load %arg9[%get3A_236, %get3A_237, %get3A_238] {strides = array<i32>} : memref<1x1x512xf32, #tpu.memory_space<vmem>>, vector<16xf32>,
      %swap3A_240 = arith.constant 0 : i32
      %swap3A_241 = arith.constant 0 : i32
      %swap3A_242 = arith.index_cast %swap3A_240 : i32 to index
      %swap3A_243 = arith.index_cast %swap3A_241 : i32 to index
      %swap3A_244 = arith.constant 208 : index
      %swap3A_245 = tpu.vector_load %arg13[%swap3A_242, %swap3A_243, %swap3A_244] {strides = array<i32>} : memref<1x77x512xf32, #tpu.memory_space<vmem>>, vector<16xf32>,
      tpu.vector_store %arg13[%swap3A_242, %swap3A_243, %swap3A_244], %get3A_239 {strides = array<i32>} : memref<1x77x512xf32, #tpu.memory_space<vmem>>, vector<16xf32>,
      %get3A_246 = arith.constant 0 : i32
      %get3A_247 = arith.constant 0 : i32
      %get3A_248 = arith.index_cast %get3A_246 : i32 to index
      %get3A_249 = arith.index_cast %get3A_247 : i32 to index
      %get3A_250 = arith.constant 224 : index
      %get3A_251 = tpu.vector_load %arg9[%get3A_248, %get3A_249, %get3A_250] {strides = array<i32>} : memref<1x1x512xf32, #tpu.memory_space<vmem>>, vector<16xf32>,
      %swap3A_252 = arith.constant 0 : i32
      %swap3A_253 = arith.constant 0 : i32
      %swap3A_254 = arith.index_cast %swap3A_252 : i32 to index
      %swap3A_255 = arith.index_cast %swap3A_253 : i32 to index
      %swap3A_256 = arith.constant 224 : index
      %swap3A_257 = tpu.vector_load %arg13[%swap3A_254, %swap3A_255, %swap3A_256] {strides = array<i32>} : memref<1x77x512xf32, #tpu.memory_space<vmem>>, vector<16xf32>,
      tpu.vector_store %arg13[%swap3A_254, %swap3A_255, %swap3A_256], %get3A_251 {strides = array<i32>} : memref<1x77x512xf32, #tpu.memory_space<vmem>>, vector<16xf32>,
      %get3A_258 = arith.constant 0 : i32
      %get3A_259 = arith.constant 0 : i32
      %get3A_260 = arith.index_cast %get3A_258 : i32 to index
      %get3A_261 = arith.index_cast %get3A_259 : i32 to index
      %get3A_262 = arith.constant 240 : index
      %get3A_263 = tpu.vector_load %arg9[%get3A_260, %get3A_261, %get3A_262] {strides = array<i32>} : memref<1x1x512xf32, #tpu.memory_space<vmem>>, vector<16xf32>,
      %swap3A_264 = arith.constant 0 : i32
      %swap3A_265 = arith.constant 0 : i32
      %swap3A_266 = arith.index_cast %swap3A_264 : i32 to index
      %swap3A_267 = arith.index_cast %swap3A_265 : i32 to index
      %swap3A_268 = arith.constant 240 : index
      %swap3A_269 = tpu.vector_load %arg13[%swap3A_266, %swap3A_267, %swap3A_268] {strides = array<i32>} : memref<1x77x512xf32, #tpu.memory_space<vmem>>, vector<16xf32>,
      tpu.vector_store %arg13[%swap3A_266, %swap3A_267, %swap3A_268], %get3A_263 {strides = array<i32>} : memref<1x77x512xf32, #tpu.memory_space<vmem>>, vector<16xf32>,
      %get3A_270 = arith.constant 0 : i32
      %get3A_271 = arith.constant 0 : i32
      %get3A_272 = arith.index_cast %get3A_270 : i32 to index
      %get3A_273 = arith.index_cast %get3A_271 : i32 to index
      %get3A_274 = arith.constant 256 : index
      %get3A_275 = tpu.vector_load %arg9[%get3A_272, %get3A_273, %get3A_274] {strides = array<i32>} : memref<1x1x512xf32, #tpu.memory_space<vmem>>, vector<16xf32>,
      %swap3A_276 = arith.constant 0 : i32
      %swap3A_277 = arith.constant 0 : i32
      %swap3A_278 = arith.index_cast %swap3A_276 : i32 to index
      %swap3A_279 = arith.index_cast %swap3A_277 : i32 to index
      %swap3A_280 = arith.constant 256 : index
      %swap3A_281 = tpu.vector_load %arg13[%swap3A_278, %swap3A_279, %swap3A_280] {strides = array<i32>} : memref<1x77x512xf32, #tpu.memory_space<vmem>>, vector<16xf32>,
      tpu.vector_store %arg13[%swap3A_278, %swap3A_279, %swap3A_280], %get3A_275 {strides = array<i32>} : memref<1x77x512xf32, #tpu.memory_space<vmem>>, vector<16xf32>,
      %get3A_282 = arith.constant 0 : i32
      %get3A_283 = arith.constant 0 : i32
      %get3A_284 = arith.index_cast %get3A_282 : i32 to index
      %get3A_285 = arith.index_cast %get3A_283 : i32 to index
      %get3A_286 = arith.constant 272 : index
      %get3A_287 = tpu.vector_load %arg9[%get3A_284, %get3A_285, %get3A_286] {strides = array<i32>} : memref<1x1x512xf32, #tpu.memory_space<vmem>>, vector<16xf32>,
      %swap3A_288 = arith.constant 0 : i32
      %swap3A_289 = arith.constant 0 : i32
      %swap3A_290 = arith.index_cast %swap3A_288 : i32 to index
      %swap3A_291 = arith.index_cast %swap3A_289 : i32 to index
      %swap3A_292 = arith.constant 272 : index
      %swap3A_293 = tpu.vector_load %arg13[%swap3A_290, %swap3A_291, %swap3A_292] {strides = array<i32>} : memref<1x77x512xf32, #tpu.memory_space<vmem>>, vector<16xf32>,
      tpu.vector_store %arg13[%swap3A_290, %swap3A_291, %swap3A_292], %get3A_287 {strides = array<i32>} : memref<1x77x512xf32, #tpu.memory_space<vmem>>, vector<16xf32>,
      %get3A_294 = arith.constant 0 : i32
      %get3A_295 = arith.constant 0 : i32
      %get3A_296 = arith.index_cast %get3A_294 : i32 to index
      %get3A_297 = arith.index_cast %get3A_295 : i32 to index
      %get3A_298 = arith.constant 288 : index
      %get3A_299 = tpu.vector_load %arg9[%get3A_296, %get3A_297, %get3A_298] {strides = array<i32>} : memref<1x1x512xf32, #tpu.memory_space<vmem>>, vector<16xf32>,
      %swap3A_300 = arith.constant 0 : i32
      %swap3A_301 = arith.constant 0 : i32
      %swap3A_302 = arith.index_cast %swap3A_300 : i32 to index
      %swap3A_303 = arith.index_cast %swap3A_301 : i32 to index
      %swap3A_304 = arith.constant 288 : index
      %swap3A_305 = tpu.vector_load %arg13[%swap3A_302, %swap3A_303, %swap3A_304] {strides = array<i32>} : memref<1x77x512xf32, #tpu.memory_space<vmem>>, vector<16xf32>,
      tpu.vector_store %arg13[%swap3A_302, %swap3A_303, %swap3A_304], %get3A_299 {strides = array<i32>} : memref<1x77x512xf32, #tpu.memory_space<vmem>>, vector<16xf32>,
      %get3A_306 = arith.constant 0 : i32
      %get3A_307 = arith.constant 0 : i32
      %get3A_308 = arith.index_cast %get3A_306 : i32 to index
      %get3A_309 = arith.index_cast %get3A_307 : i32 to index
      %get3A_310 = arith.constant 304 : index
      %get3A_311 = tpu.vector_load %arg9[%get3A_308, %get3A_309, %get3A_310] {strides = array<i32>} : memref<1x1x512xf32, #tpu.memory_space<vmem>>, vector<16xf32>,
      %swap3A_312 = arith.constant 0 : i32
      %swap3A_313 = arith.constant 0 : i32
      %swap3A_314 = arith.index_cast %swap3A_312 : i32 to index
      %swap3A_315 = arith.index_cast %swap3A_313 : i32 to index
      %swap3A_316 = arith.constant 304 : index
      %swap3A_317 = tpu.vector_load %arg13[%swap3A_314, %swap3A_315, %swap3A_316] {strides = array<i32>} : memref<1x77x512xf32, #tpu.memory_space<vmem>>, vector<16xf32>,
      tpu.vector_store %arg13[%swap3A_314, %swap3A_315, %swap3A_316], %get3A_311 {strides = array<i32>} : memref<1x77x512xf32, #tpu.memory_space<vmem>>, vector<16xf32>,
      %get3A_318 = arith.constant 0 : i32
      %get3A_319 = arith.constant 0 : i32
      %get3A_320 = arith.index_cast %get3A_318 : i32 to index
      %get3A_321 = arith.index_cast %get3A_319 : i32 to index
      %get3A_322 = arith.constant 320 : index
      %get3A_323 = tpu.vector_load %arg9[%get3A_320, %get3A_321, %get3A_322] {strides = array<i32>} : memref<1x1x512xf32, #tpu.memory_space<vmem>>, vector<16xf32>,
      %swap3A_324 = arith.constant 0 : i32
      %swap3A_325 = arith.constant 0 : i32
      %swap3A_326 = arith.index_cast %swap3A_324 : i32 to index
      %swap3A_327 = arith.index_cast %swap3A_325 : i32 to index
      %swap3A_328 = arith.constant 320 : index
      %swap3A_329 = tpu.vector_load %arg13[%swap3A_326, %swap3A_327, %swap3A_328] {strides = array<i32>} : memref<1x77x512xf32, #tpu.memory_space<vmem>>, vector<16xf32>,
      tpu.vector_store %arg13[%swap3A_326, %swap3A_327, %swap3A_328], %get3A_323 {strides = array<i32>} : memref<1x77x512xf32, #tpu.memory_space<vmem>>, vector<16xf32>,
      %get3A_330 = arith.constant 0 : i32
      %get3A_331 = arith.constant 0 : i32
      %get3A_332 = arith.index_cast %get3A_330 : i32 to index
      %get3A_333 = arith.index_cast %get3A_331 : i32 to index
      %get3A_334 = arith.constant 336 : index
      %get3A_335 = tpu.vector_load %arg9[%get3A_332, %get3A_333, %get3A_334] {strides = array<i32>} : memref<1x1x512xf32, #tpu.memory_space<vmem>>, vector<16xf32>,
      %swap3A_336 = arith.constant 0 : i32
      %swap3A_337 = arith.constant 0 : i32
      %swap3A_338 = arith.index_cast %swap3A_336 : i32 to index
      %swap3A_339 = arith.index_cast %swap3A_337 : i32 to index
      %swap3A_340 = arith.constant 336 : index
      %swap3A_341 = tpu.vector_load %arg13[%swap3A_338, %swap3A_339, %swap3A_340] {strides = array<i32>} : memref<1x77x512xf32, #tpu.memory_space<vmem>>, vector<16xf32>,
      tpu.vector_store %arg13[%swap3A_338, %swap3A_339, %swap3A_340], %get3A_335 {strides = array<i32>} : memref<1x77x512xf32, #tpu.memory_space<vmem>>, vector<16xf32>,
      %get3A_342 = arith.constant 0 : i32
      %get3A_343 = arith.constant 0 : i32
      %get3A_344 = arith.index_cast %get3A_342 : i32 to index
      %get3A_345 = arith.index_cast %get3A_343 : i32 to index
      %get3A_346 = arith.constant 352 : index
      %get3A_347 = tpu.vector_load %arg9[%get3A_344, %get3A_345, %get3A_346] {strides = array<i32>} : memref<1x1x512xf32, #tpu.memory_space<vmem>>, vector<16xf32>,
      %swap3A_348 = arith.constant 0 : i32
      %swap3A_349 = arith.constant 0 : i32
      %swap3A_350 = arith.index_cast %swap3A_348 : i32 to index
      %swap3A_351 = arith.index_cast %swap3A_349 : i32 to index
      %swap3A_352 = arith.constant 352 : index
      %swap3A_353 = tpu.vector_load %arg13[%swap3A_350, %swap3A_351, %swap3A_352] {strides = array<i32>} : memref<1x77x512xf32, #tpu.memory_space<vmem>>, vector<16xf32>,
      tpu.vector_store %arg13[%swap3A_350, %swap3A_351, %swap3A_352], %get3A_347 {strides = array<i32>} : memref<1x77x512xf32, #tpu.memory_space<vmem>>, vector<16xf32>,
      %get3A_354 = arith.constant 0 : i32
      %get3A_355 = arith.constant 0 : i32
      %get3A_356 = arith.index_cast %get3A_354 : i32 to index
      %get3A_357 = arith.index_cast %get3A_355 : i32 to index
      %get3A_358 = arith.constant 368 : index
      %get3A_359 = tpu.vector_load %arg9[%get3A_356, %get3A_357, %get3A_358] {strides = array<i32>} : memref<1x1x512xf32, #tpu.memory_space<vmem>>, vector<16xf32>,
      %swap3A_360 = arith.constant 0 : i32
      %swap3A_361 = arith.constant 0 : i32
      %swap3A_362 = arith.index_cast %swap3A_360 : i32 to index
      %swap3A_363 = arith.index_cast %swap3A_361 : i32 to index
      %swap3A_364 = arith.constant 368 : index
      %swap3A_365 = tpu.vector_load %arg13[%swap3A_362, %swap3A_363, %swap3A_364] {strides = array<i32>} : memref<1x77x512xf32, #tpu.memory_space<vmem>>, vector<16xf32>,
      tpu.vector_store %arg13[%swap3A_362, %swap3A_363, %swap3A_364], %get3A_359 {strides = array<i32>} : memref<1x77x512xf32, #tpu.memory_space<vmem>>, vector<16xf32>,
      %get3A_366 = arith.constant 0 : i32
      %get3A_367 = arith.constant 0 : i32
      %get3A_368 = arith.index_cast %get3A_366 : i32 to index
      %get3A_369 = arith.index_cast %get3A_367 : i32 to index
      %get3A_370 = arith.constant 384 : index
      %get3A_371 = tpu.vector_load %arg9[%get3A_368, %get3A_369, %get3A_370] {strides = array<i32>} : memref<1x1x512xf32, #tpu.memory_space<vmem>>, vector<16xf32>,
      %swap3A_372 = arith.constant 0 : i32
      %swap3A_373 = arith.constant 0 : i32
      %swap3A_374 = arith.index_cast %swap3A_372 : i32 to index
      %swap3A_375 = arith.index_cast %swap3A_373 : i32 to index
      %swap3A_376 = arith.constant 384 : index
      %swap3A_377 = tpu.vector_load %arg13[%swap3A_374, %swap3A_375, %swap3A_376] {strides = array<i32>} : memref<1x77x512xf32, #tpu.memory_space<vmem>>, vector<16xf32>,
      tpu.vector_store %arg13[%swap3A_374, %swap3A_375, %swap3A_376], %get3A_371 {strides = array<i32>} : memref<1x77x512xf32, #tpu.memory_space<vmem>>, vector<16xf32>,
      %get3A_378 = arith.constant 0 : i32
      %get3A_379 = arith.constant 0 : i32
      %get3A_380 = arith.index_cast %get3A_378 : i32 to index
      %get3A_381 = arith.index_cast %get3A_379 : i32 to index
      %get3A_382 = arith.constant 400 : index
      %get3A_383 = tpu.vector_load %arg9[%get3A_380, %get3A_381, %get3A_382] {strides = array<i32>} : memref<1x1x512xf32, #tpu.memory_space<vmem>>, vector<16xf32>,
      %swap3A_384 = arith.constant 0 : i32
      %swap3A_385 = arith.constant 0 : i32
      %swap3A_386 = arith.index_cast %swap3A_384 : i32 to index
      %swap3A_387 = arith.index_cast %swap3A_385 : i32 to index
      %swap3A_388 = arith.constant 400 : index
      %swap3A_389 = tpu.vector_load %arg13[%swap3A_386, %swap3A_387, %swap3A_388] {strides = array<i32>} : memref<1x77x512xf32, #tpu.memory_space<vmem>>, vector<16xf32>,
      tpu.vector_store %arg13[%swap3A_386, %swap3A_387, %swap3A_388], %get3A_383 {strides = array<i32>} : memref<1x77x512xf32, #tpu.memory_space<vmem>>, vector<16xf32>,
      %get3A_390 = arith.constant 0 : i32
      %get3A_391 = arith.constant 0 : i32
      %get3A_392 = arith.index_cast %get3A_390 : i32 to index
      %get3A_393 = arith.index_cast %get3A_391 : i32 to index
      %get3A_394 = arith.constant 416 : index
      %get3A_395 = tpu.vector_load %arg9[%get3A_392, %get3A_393, %get3A_394] {strides = array<i32>} : memref<1x1x512xf32, #tpu.memory_space<vmem>>, vector<16xf32>,
      %swap3A_396 = arith.constant 0 : i32
      %swap3A_397 = arith.constant 0 : i32
      %swap3A_398 = arith.index_cast %swap3A_396 : i32 to index
      %swap3A_399 = arith.index_cast %swap3A_397 : i32 to index
      %swap3A_400 = arith.constant 416 : index
      %swap3A_401 = tpu.vector_load %arg13[%swap3A_398, %swap3A_399, %swap3A_400] {strides = array<i32>} : memref<1x77x512xf32, #tpu.memory_space<vmem>>, vector<16xf32>,
      tpu.vector_store %arg13[%swap3A_398, %swap3A_399, %swap3A_400], %get3A_395 {strides = array<i32>} : memref<1x77x512xf32, #tpu.memory_space<vmem>>, vector<16xf32>,
      %get3A_402 = arith.constant 0 : i32
      %get3A_403 = arith.constant 0 : i32
      %get3A_404 = arith.index_cast %get3A_402 : i32 to index
      %get3A_405 = arith.index_cast %get3A_403 : i32 to index
      %get3A_406 = arith.constant 432 : index
      %get3A_407 = tpu.vector_load %arg9[%get3A_404, %get3A_405, %get3A_406] {strides = array<i32>} : memref<1x1x512xf32, #tpu.memory_space<vmem>>, vector<16xf32>,
      %swap3A_408 = arith.constant 0 : i32
      %swap3A_409 = arith.constant 0 : i32
      %swap3A_410 = arith.index_cast %swap3A_408 : i32 to index
      %swap3A_411 = arith.index_cast %swap3A_409 : i32 to index
      %swap3A_412 = arith.constant 432 : index
      %swap3A_413 = tpu.vector_load %arg13[%swap3A_410, %swap3A_411, %swap3A_412] {strides = array<i32>} : memref<1x77x512xf32, #tpu.memory_space<vmem>>, vector<16xf32>,
      tpu.vector_store %arg13[%swap3A_410, %swap3A_411, %swap3A_412], %get3A_407 {strides = array<i32>} : memref<1x77x512xf32, #tpu.memory_space<vmem>>, vector<16xf32>,
      %get3A_414 = arith.constant 0 : i32
      %get3A_415 = arith.constant 0 : i32
      %get3A_416 = arith.index_cast %get3A_414 : i32 to index
      %get3A_417 = arith.index_cast %get3A_415 : i32 to index
      %get3A_418 = arith.constant 448 : index
      %get3A_419 = tpu.vector_load %arg9[%get3A_416, %get3A_417, %get3A_418] {strides = array<i32>} : memref<1x1x512xf32, #tpu.memory_space<vmem>>, vector<16xf32>,
      %swap3A_420 = arith.constant 0 : i32
      %swap3A_421 = arith.constant 0 : i32
      %swap3A_422 = arith.index_cast %swap3A_420 : i32 to index
      %swap3A_423 = arith.index_cast %swap3A_421 : i32 to index
      %swap3A_424 = arith.constant 448 : index
      %swap3A_425 = tpu.vector_load %arg13[%swap3A_422, %swap3A_423, %swap3A_424] {strides = array<i32>} : memref<1x77x512xf32, #tpu.memory_space<vmem>>, vector<16xf32>,
      tpu.vector_store %arg13[%swap3A_422, %swap3A_423, %swap3A_424], %get3A_419 {strides = array<i32>} : memref<1x77x512xf32, #tpu.memory_space<vmem>>, vector<16xf32>,
      %get3A_426 = arith.constant 0 : i32
      %get3A_427 = arith.constant 0 : i32
      %get3A_428 = arith.index_cast %get3A_426 : i32 to index
      %get3A_429 = arith.index_cast %get3A_427 : i32 to index
      %get3A_430 = arith.constant 464 : index
      %get3A_431 = tpu.vector_load %arg9[%get3A_428, %get3A_429, %get3A_430] {strides = array<i32>} : memref<1x1x512xf32, #tpu.memory_space<vmem>>, vector<16xf32>,
      %swap3A_432 = arith.constant 0 : i32
      %swap3A_433 = arith.constant 0 : i32
      %swap3A_434 = arith.index_cast %swap3A_432 : i32 to index
      %swap3A_435 = arith.index_cast %swap3A_433 : i32 to index
      %swap3A_436 = arith.constant 464 : index
      %swap3A_437 = tpu.vector_load %arg13[%swap3A_434, %swap3A_435, %swap3A_436] {strides = array<i32>} : memref<1x77x512xf32, #tpu.memory_space<vmem>>, vector<16xf32>,
      tpu.vector_store %arg13[%swap3A_434, %swap3A_435, %swap3A_436], %get3A_431 {strides = array<i32>} : memref<1x77x512xf32, #tpu.memory_space<vmem>>, vector<16xf32>,
      %get3A_438 = arith.constant 0 : i32
      %get3A_439 = arith.constant 0 : i32
      %get3A_440 = arith.index_cast %get3A_438 : i32 to index
      %get3A_441 = arith.index_cast %get3A_439 : i32 to index
      %get3A_442 = arith.constant 480 : index
      %get3A_443 = tpu.vector_load %arg9[%get3A_440, %get3A_441, %get3A_442] {strides = array<i32>} : memref<1x1x512xf32, #tpu.memory_space<vmem>>, vector<16xf32>,
      %swap3A_444 = arith.constant 0 : i32
      %swap3A_445 = arith.constant 0 : i32
      %swap3A_446 = arith.index_cast %swap3A_444 : i32 to index
      %swap3A_447 = arith.index_cast %swap3A_445 : i32 to index
      %swap3A_448 = arith.constant 480 : index
      %swap3A_449 = tpu.vector_load %arg13[%swap3A_446, %swap3A_447, %swap3A_448] {strides = array<i32>} : memref<1x77x512xf32, #tpu.memory_space<vmem>>, vector<16xf32>,
      tpu.vector_store %arg13[%swap3A_446, %swap3A_447, %swap3A_448], %get3A_443 {strides = array<i32>} : memref<1x77x512xf32, #tpu.memory_space<vmem>>, vector<16xf32>,
      %get3A_450 = arith.constant 0 : i32
      %get3A_451 = arith.constant 0 : i32
      %get3A_452 = arith.index_cast %get3A_450 : i32 to index
      %get3A_453 = arith.index_cast %get3A_451 : i32 to index
      %get3A_454 = arith.constant 496 : index
      %get3A_455 = tpu.vector_load %arg9[%get3A_452, %get3A_453, %get3A_454] {strides = array<i32>} : memref<1x1x512xf32, #tpu.memory_space<vmem>>, vector<16xf32>,
      %swap3A_456 = arith.constant 0 : i32
      %swap3A_457 = arith.constant 0 : i32
      %swap3A_458 = arith.index_cast %swap3A_456 : i32 to index
      %swap3A_459 = arith.index_cast %swap3A_457 : i32 to index
      %swap3A_460 = arith.constant 496 : index
      %swap3A_461 = tpu.vector_load %arg13[%swap3A_458, %swap3A_459, %swap3A_460] {strides = array<i32>} : memref<1x77x512xf32, #tpu.memory_space<vmem>>, vector<16xf32>,
      tpu.vector_store %arg13[%swap3A_458, %swap3A_459, %swap3A_460], %get3A_455 {strides = array<i32>} : memref<1x77x512xf32, #tpu.memory_space<vmem>>, vector<16xf32>,
      %parallel_loop3A = arith.constant 0 : i32
      %parallel_loop3A_462 = arith.constant 60 : i32
      %parallel_loop3A_463 = arith.constant 1 : i32
      scf.for %parallel_loop3A_880 = %parallel_loop3A to %parallel_loop3A_462 step %parallel_loop3A_463  : i32 {
        %parallel_loop3A_881 = arith.constant 17 : i32
        %parallel_loop3A_882 = arith.addi %parallel_loop3A_881, %parallel_loop3A_880 : i32
        %parallel_loop3A_883 = arith.constant 0 : i32
        %parallel_loop3A_884 = arith.index_cast %parallel_loop3A_883 : i32 to index
        %parallel_loop3A_885 = arith.index_cast %parallel_loop3A_880 : i32 to index
        %parallel_loop3A_886 = arith.constant 0 : index
        %parallel_loop3A_887 = tpu.vector_load %arg11[%parallel_loop3A_884, %parallel_loop3A_885, %parallel_loop3A_886] {strides = array<i32>} : memref<1x60x512xf32, #tpu.memory_space<vmem>>, vector<16xf32>,
        %parallel_loop3A_888 = arith.constant 0 : i32
        %parallel_loop3A_889 = arith.index_cast %parallel_loop3A_888 : i32 to index
        %parallel_loop3A_890 = arith.index_cast %parallel_loop3A_882 : i32 to index
        %parallel_loop3A_891 = arith.constant 0 : index
        %parallel_loop3A_892 = tpu.vector_load %arg13[%parallel_loop3A_889, %parallel_loop3A_890, %parallel_loop3A_891] {strides = array<i32>} : memref<1x77x512xf32, #tpu.memory_space<vmem>>, vector<16xf32>,
        tpu.vector_store %arg13[%parallel_loop3A_889, %parallel_loop3A_890, %parallel_loop3A_891], %parallel_loop3A_887 {strides = array<i32>} : memref<1x77x512xf32, #tpu.memory_space<vmem>>, vector<16xf32>,
        %parallel_loop3A_893 = arith.constant 0 : i32
        %parallel_loop3A_894 = arith.index_cast %parallel_loop3A_893 : i32 to index
        %parallel_loop3A_895 = arith.index_cast %parallel_loop3A_880 : i32 to index
        %parallel_loop3A_896 = arith.constant 16 : index
        %parallel_loop3A_897 = tpu.vector_load %arg11[%parallel_loop3A_894, %parallel_loop3A_895, %parallel_loop3A_896] {strides = array<i32>} : memref<1x60x512xf32, #tpu.memory_space<vmem>>, vector<16xf32>,
        %parallel_loop3A_898 = arith.constant 0 : i32
        %parallel_loop3A_899 = arith.index_cast %parallel_loop3A_898 : i32 to index
        %parallel_loop3A_900 = arith.index_cast %parallel_loop3A_882 : i32 to index
        %parallel_loop3A_901 = arith.constant 16 : index
        %parallel_loop3A_902 = tpu.vector_load %arg13[%parallel_loop3A_899, %parallel_loop3A_900, %parallel_loop3A_901] {strides = array<i32>} : memref<1x77x512xf32, #tpu.memory_space<vmem>>, vector<16xf32>,
        tpu.vector_store %arg13[%parallel_loop3A_899, %parallel_loop3A_900, %parallel_loop3A_901], %parallel_loop3A_897 {strides = array<i32>} : memref<1x77x512xf32, #tpu.memory_space<vmem>>, vector<16xf32>,
        %parallel_loop3A_903 = arith.constant 0 : i32
        %parallel_loop3A_904 = arith.index_cast %parallel_loop3A_903 : i32 to index
        %parallel_loop3A_905 = arith.index_cast %parallel_loop3A_880 : i32 to index
        %parallel_loop3A_906 = arith.constant 32 : index
        %parallel_loop3A_907 = tpu.vector_load %arg11[%parallel_loop3A_904, %parallel_loop3A_905, %parallel_loop3A_906] {strides = array<i32>} : memref<1x60x512xf32, #tpu.memory_space<vmem>>, vector<16xf32>,
        %parallel_loop3A_908 = arith.constant 0 : i32
        %parallel_loop3A_909 = arith.index_cast %parallel_loop3A_908 : i32 to index
        %parallel_loop3A_910 = arith.index_cast %parallel_loop3A_882 : i32 to index
        %parallel_loop3A_911 = arith.constant 32 : index
        %parallel_loop3A_912 = tpu.vector_load %arg13[%parallel_loop3A_909, %parallel_loop3A_910, %parallel_loop3A_911] {strides = array<i32>} : memref<1x77x512xf32, #tpu.memory_space<vmem>>, vector<16xf32>,
        tpu.vector_store %arg13[%parallel_loop3A_909, %parallel_loop3A_910, %parallel_loop3A_911], %parallel_loop3A_907 {strides = array<i32>} : memref<1x77x512xf32, #tpu.memory_space<vmem>>, vector<16xf32>,
        %parallel_loop3A_913 = arith.constant 0 : i32
        %parallel_loop3A_914 = arith.index_cast %parallel_loop3A_913 : i32 to index
        %parallel_loop3A_915 = arith.index_cast %parallel_loop3A_880 : i32 to index
        %parallel_loop3A_916 = arith.constant 48 : index
        %parallel_loop3A_917 = tpu.vector_load %arg11[%parallel_loop3A_914, %parallel_loop3A_915, %parallel_loop3A_916] {strides = array<i32>} : memref<1x60x512xf32, #tpu.memory_space<vmem>>, vector<16xf32>,
        %parallel_loop3A_918 = arith.constant 0 : i32
        %parallel_loop3A_919 = arith.index_cast %parallel_loop3A_918 : i32 to index
        %parallel_loop3A_920 = arith.index_cast %parallel_loop3A_882 : i32 to index
        %parallel_loop3A_921 = arith.constant 48 : index
        %parallel_loop3A_922 = tpu.vector_load %arg13[%parallel_loop3A_919, %parallel_loop3A_920, %parallel_loop3A_921] {strides = array<i32>} : memref<1x77x512xf32, #tpu.memory_space<vmem>>, vector<16xf32>,
        tpu.vector_store %arg13[%parallel_loop3A_919, %parallel_loop3A_920, %parallel_loop3A_921], %parallel_loop3A_917 {strides = array<i32>} : memref<1x77x512xf32, #tpu.memory_space<vmem>>, vector<16xf32>,
        %parallel_loop3A_923 = arith.constant 0 : i32
        %parallel_loop3A_924 = arith.index_cast %parallel_loop3A_923 : i32 to index
        %parallel_loop3A_925 = arith.index_cast %parallel_loop3A_880 : i32 to index
        %parallel_loop3A_926 = arith.constant 64 : index
        %parallel_loop3A_927 = tpu.vector_load %arg11[%parallel_loop3A_924, %parallel_loop3A_925, %parallel_loop3A_926] {strides = array<i32>} : memref<1x60x512xf32, #tpu.memory_space<vmem>>, vector<16xf32>,
        %parallel_loop3A_928 = arith.constant 0 : i32
        %parallel_loop3A_929 = arith.index_cast %parallel_loop3A_928 : i32 to index
        %parallel_loop3A_930 = arith.index_cast %parallel_loop3A_882 : i32 to index
        %parallel_loop3A_931 = arith.constant 64 : index
        %parallel_loop3A_932 = tpu.vector_load %arg13[%parallel_loop3A_929, %parallel_loop3A_930, %parallel_loop3A_931] {strides = array<i32>} : memref<1x77x512xf32, #tpu.memory_space<vmem>>, vector<16xf32>,
        tpu.vector_store %arg13[%parallel_loop3A_929, %parallel_loop3A_930, %parallel_loop3A_931], %parallel_loop3A_927 {strides = array<i32>} : memref<1x77x512xf32, #tpu.memory_space<vmem>>, vector<16xf32>,
        %parallel_loop3A_933 = arith.constant 0 : i32
        %parallel_loop3A_934 = arith.index_cast %parallel_loop3A_933 : i32 to index
        %parallel_loop3A_935 = arith.index_cast %parallel_loop3A_880 : i32 to index
        %parallel_loop3A_936 = arith.constant 80 : index
        %parallel_loop3A_937 = tpu.vector_load %arg11[%parallel_loop3A_934, %parallel_loop3A_935, %parallel_loop3A_936] {strides = array<i32>} : memref<1x60x512xf32, #tpu.memory_space<vmem>>, vector<16xf32>,
        %parallel_loop3A_938 = arith.constant 0 : i32
        %parallel_loop3A_939 = arith.index_cast %parallel_loop3A_938 : i32 to index
        %parallel_loop3A_940 = arith.index_cast %parallel_loop3A_882 : i32 to index
        %parallel_loop3A_941 = arith.constant 80 : index
        %parallel_loop3A_942 = tpu.vector_load %arg13[%parallel_loop3A_939, %parallel_loop3A_940, %parallel_loop3A_941] {strides = array<i32>} : memref<1x77x512xf32, #tpu.memory_space<vmem>>, vector<16xf32>,
        tpu.vector_store %arg13[%parallel_loop3A_939, %parallel_loop3A_940, %parallel_loop3A_941], %parallel_loop3A_937 {strides = array<i32>} : memref<1x77x512xf32, #tpu.memory_space<vmem>>, vector<16xf32>,
        %parallel_loop3A_943 = arith.constant 0 : i32
        %parallel_loop3A_944 = arith.index_cast %parallel_loop3A_943 : i32 to index
        %parallel_loop3A_945 = arith.index_cast %parallel_loop3A_880 : i32 to index
        %parallel_loop3A_946 = arith.constant 96 : index
        %parallel_loop3A_947 = tpu.vector_load %arg11[%parallel_loop3A_944, %parallel_loop3A_945, %parallel_loop3A_946] {strides = array<i32>} : memref<1x60x512xf32, #tpu.memory_space<vmem>>, vector<16xf32>,
        %parallel_loop3A_948 = arith.constant 0 : i32
        %parallel_loop3A_949 = arith.index_cast %parallel_loop3A_948 : i32 to index
        %parallel_loop3A_950 = arith.index_cast %parallel_loop3A_882 : i32 to index
        %parallel_loop3A_951 = arith.constant 96 : index
        %parallel_loop3A_952 = tpu.vector_load %arg13[%parallel_loop3A_949, %parallel_loop3A_950, %parallel_loop3A_951] {strides = array<i32>} : memref<1x77x512xf32, #tpu.memory_space<vmem>>, vector<16xf32>,
        tpu.vector_store %arg13[%parallel_loop3A_949, %parallel_loop3A_950, %parallel_loop3A_951], %parallel_loop3A_947 {strides = array<i32>} : memref<1x77x512xf32, #tpu.memory_space<vmem>>, vector<16xf32>,
        %parallel_loop3A_953 = arith.constant 0 : i32
        %parallel_loop3A_954 = arith.index_cast %parallel_loop3A_953 : i32 to index
        %parallel_loop3A_955 = arith.index_cast %parallel_loop3A_880 : i32 to index
        %parallel_loop3A_956 = arith.constant 112 : index
        %parallel_loop3A_957 = tpu.vector_load %arg11[%parallel_loop3A_954, %parallel_loop3A_955, %parallel_loop3A_956] {strides = array<i32>} : memref<1x60x512xf32, #tpu.memory_space<vmem>>, vector<16xf32>,
        %parallel_loop3A_958 = arith.constant 0 : i32
        %parallel_loop3A_959 = arith.index_cast %parallel_loop3A_958 : i32 to index
        %parallel_loop3A_960 = arith.index_cast %parallel_loop3A_882 : i32 to index
        %parallel_loop3A_961 = arith.constant 112 : index
        %parallel_loop3A_962 = tpu.vector_load %arg13[%parallel_loop3A_959, %parallel_loop3A_960, %parallel_loop3A_961] {strides = array<i32>} : memref<1x77x512xf32, #tpu.memory_space<vmem>>, vector<16xf32>,
        tpu.vector_store %arg13[%parallel_loop3A_959, %parallel_loop3A_960, %parallel_loop3A_961], %parallel_loop3A_957 {strides = array<i32>} : memref<1x77x512xf32, #tpu.memory_space<vmem>>, vector<16xf32>,
        %parallel_loop3A_963 = arith.constant 0 : i32
        %parallel_loop3A_964 = arith.index_cast %parallel_loop3A_963 : i32 to index
        %parallel_loop3A_965 = arith.index_cast %parallel_loop3A_880 : i32 to index
        %parallel_loop3A_966 = arith.constant 128 : index
        %parallel_loop3A_967 = tpu.vector_load %arg11[%parallel_loop3A_964, %parallel_loop3A_965, %parallel_loop3A_966] {strides = array<i32>} : memref<1x60x512xf32, #tpu.memory_space<vmem>>, vector<16xf32>,
        %parallel_loop3A_968 = arith.constant 0 : i32
        %parallel_loop3A_969 = arith.index_cast %parallel_loop3A_968 : i32 to index
        %parallel_loop3A_970 = arith.index_cast %parallel_loop3A_882 : i32 to index
        %parallel_loop3A_971 = arith.constant 128 : index
        %parallel_loop3A_972 = tpu.vector_load %arg13[%parallel_loop3A_969, %parallel_loop3A_970, %parallel_loop3A_971] {strides = array<i32>} : memref<1x77x512xf32, #tpu.memory_space<vmem>>, vector<16xf32>,
        tpu.vector_store %arg13[%parallel_loop3A_969, %parallel_loop3A_970, %parallel_loop3A_971], %parallel_loop3A_967 {strides = array<i32>} : memref<1x77x512xf32, #tpu.memory_space<vmem>>, vector<16xf32>,
        %parallel_loop3A_973 = arith.constant 0 : i32
        %parallel_loop3A_974 = arith.index_cast %parallel_loop3A_973 : i32 to index
        %parallel_loop3A_975 = arith.index_cast %parallel_loop3A_880 : i32 to index
        %parallel_loop3A_976 = arith.constant 144 : index
        %parallel_loop3A_977 = tpu.vector_load %arg11[%parallel_loop3A_974, %parallel_loop3A_975, %parallel_loop3A_976] {strides = array<i32>} : memref<1x60x512xf32, #tpu.memory_space<vmem>>, vector<16xf32>,
        %parallel_loop3A_978 = arith.constant 0 : i32
        %parallel_loop3A_979 = arith.index_cast %parallel_loop3A_978 : i32 to index
        %parallel_loop3A_980 = arith.index_cast %parallel_loop3A_882 : i32 to index
        %parallel_loop3A_981 = arith.constant 144 : index
        %parallel_loop3A_982 = tpu.vector_load %arg13[%parallel_loop3A_979, %parallel_loop3A_980, %parallel_loop3A_981] {strides = array<i32>} : memref<1x77x512xf32, #tpu.memory_space<vmem>>, vector<16xf32>,
        tpu.vector_store %arg13[%parallel_loop3A_979, %parallel_loop3A_980, %parallel_loop3A_981], %parallel_loop3A_977 {strides = array<i32>} : memref<1x77x512xf32, #tpu.memory_space<vmem>>, vector<16xf32>,
        %parallel_loop3A_983 = arith.constant 0 : i32
        %parallel_loop3A_984 = arith.index_cast %parallel_loop3A_983 : i32 to index
        %parallel_loop3A_985 = arith.index_cast %parallel_loop3A_880 : i32 to index
        %parallel_loop3A_986 = arith.constant 160 : index
        %parallel_loop3A_987 = tpu.vector_load %arg11[%parallel_loop3A_984, %parallel_loop3A_985, %parallel_loop3A_986] {strides = array<i32>} : memref<1x60x512xf32, #tpu.memory_space<vmem>>, vector<16xf32>,
        %parallel_loop3A_988 = arith.constant 0 : i32
        %parallel_loop3A_989 = arith.index_cast %parallel_loop3A_988 : i32 to index
        %parallel_loop3A_990 = arith.index_cast %parallel_loop3A_882 : i32 to index
        %parallel_loop3A_991 = arith.constant 160 : index
        %parallel_loop3A_992 = tpu.vector_load %arg13[%parallel_loop3A_989, %parallel_loop3A_990, %parallel_loop3A_991] {strides = array<i32>} : memref<1x77x512xf32, #tpu.memory_space<vmem>>, vector<16xf32>,
        tpu.vector_store %arg13[%parallel_loop3A_989, %parallel_loop3A_990, %parallel_loop3A_991], %parallel_loop3A_987 {strides = array<i32>} : memref<1x77x512xf32, #tpu.memory_space<vmem>>, vector<16xf32>,
        %parallel_loop3A_993 = arith.constant 0 : i32
        %parallel_loop3A_994 = arith.index_cast %parallel_loop3A_993 : i32 to index
        %parallel_loop3A_995 = arith.index_cast %parallel_loop3A_880 : i32 to index
        %parallel_loop3A_996 = arith.constant 176 : index
        %parallel_loop3A_997 = tpu.vector_load %arg11[%parallel_loop3A_994, %parallel_loop3A_995, %parallel_loop3A_996] {strides = array<i32>} : memref<1x60x512xf32, #tpu.memory_space<vmem>>, vector<16xf32>,
        %parallel_loop3A_998 = arith.constant 0 : i32
        %parallel_loop3A_999 = arith.index_cast %parallel_loop3A_998 : i32 to index
        %parallel_loop3A_1000 = arith.index_cast %parallel_loop3A_882 : i32 to index
        %parallel_loop3A_1001 = arith.constant 176 : index
        %parallel_loop3A_1002 = tpu.vector_load %arg13[%parallel_loop3A_999, %parallel_loop3A_1000, %parallel_loop3A_1001] {strides = array<i32>} : memref<1x77x512xf32, #tpu.memory_space<vmem>>, vector<16xf32>,
        tpu.vector_store %arg13[%parallel_loop3A_999, %parallel_loop3A_1000, %parallel_loop3A_1001], %parallel_loop3A_997 {strides = array<i32>} : memref<1x77x512xf32, #tpu.memory_space<vmem>>, vector<16xf32>,
        %parallel_loop3A_1003 = arith.constant 0 : i32
        %parallel_loop3A_1004 = arith.index_cast %parallel_loop3A_1003 : i32 to index
        %parallel_loop3A_1005 = arith.index_cast %parallel_loop3A_880 : i32 to index
        %parallel_loop3A_1006 = arith.constant 192 : index
        %parallel_loop3A_1007 = tpu.vector_load %arg11[%parallel_loop3A_1004, %parallel_loop3A_1005, %parallel_loop3A_1006] {strides = array<i32>} : memref<1x60x512xf32, #tpu.memory_space<vmem>>, vector<16xf32>,
        %parallel_loop3A_1008 = arith.constant 0 : i32
        %parallel_loop3A_1009 = arith.index_cast %parallel_loop3A_1008 : i32 to index
        %parallel_loop3A_1010 = arith.index_cast %parallel_loop3A_882 : i32 to index
        %parallel_loop3A_1011 = arith.constant 192 : index
        %parallel_loop3A_1012 = tpu.vector_load %arg13[%parallel_loop3A_1009, %parallel_loop3A_1010, %parallel_loop3A_1011] {strides = array<i32>} : memref<1x77x512xf32, #tpu.memory_space<vmem>>, vector<16xf32>,
        tpu.vector_store %arg13[%parallel_loop3A_1009, %parallel_loop3A_1010, %parallel_loop3A_1011], %parallel_loop3A_1007 {strides = array<i32>} : memref<1x77x512xf32, #tpu.memory_space<vmem>>, vector<16xf32>,
        %parallel_loop3A_1013 = arith.constant 0 : i32
        %parallel_loop3A_1014 = arith.index_cast %parallel_loop3A_1013 : i32 to index
        %parallel_loop3A_1015 = arith.index_cast %parallel_loop3A_880 : i32 to index
        %parallel_loop3A_1016 = arith.constant 208 : index
        %parallel_loop3A_1017 = tpu.vector_load %arg11[%parallel_loop3A_1014, %parallel_loop3A_1015, %parallel_loop3A_1016] {strides = array<i32>} : memref<1x60x512xf32, #tpu.memory_space<vmem>>, vector<16xf32>,
        %parallel_loop3A_1018 = arith.constant 0 : i32
        %parallel_loop3A_1019 = arith.index_cast %parallel_loop3A_1018 : i32 to index
        %parallel_loop3A_1020 = arith.index_cast %parallel_loop3A_882 : i32 to index
        %parallel_loop3A_1021 = arith.constant 208 : index
        %parallel_loop3A_1022 = tpu.vector_load %arg13[%parallel_loop3A_1019, %parallel_loop3A_1020, %parallel_loop3A_1021] {strides = array<i32>} : memref<1x77x512xf32, #tpu.memory_space<vmem>>, vector<16xf32>,
        tpu.vector_store %arg13[%parallel_loop3A_1019, %parallel_loop3A_1020, %parallel_loop3A_1021], %parallel_loop3A_1017 {strides = array<i32>} : memref<1x77x512xf32, #tpu.memory_space<vmem>>, vector<16xf32>,
        %parallel_loop3A_1023 = arith.constant 0 : i32
        %parallel_loop3A_1024 = arith.index_cast %parallel_loop3A_1023 : i32 to index
        %parallel_loop3A_1025 = arith.index_cast %parallel_loop3A_880 : i32 to index
        %parallel_loop3A_1026 = arith.constant 224 : index
        %parallel_loop3A_1027 = tpu.vector_load %arg11[%parallel_loop3A_1024, %parallel_loop3A_1025, %parallel_loop3A_1026] {strides = array<i32>} : memref<1x60x512xf32, #tpu.memory_space<vmem>>, vector<16xf32>,
        %parallel_loop3A_1028 = arith.constant 0 : i32
        %parallel_loop3A_1029 = arith.index_cast %parallel_loop3A_1028 : i32 to index
        %parallel_loop3A_1030 = arith.index_cast %parallel_loop3A_882 : i32 to index
        %parallel_loop3A_1031 = arith.constant 224 : index
        %parallel_loop3A_1032 = tpu.vector_load %arg13[%parallel_loop3A_1029, %parallel_loop3A_1030, %parallel_loop3A_1031] {strides = array<i32>} : memref<1x77x512xf32, #tpu.memory_space<vmem>>, vector<16xf32>,
        tpu.vector_store %arg13[%parallel_loop3A_1029, %parallel_loop3A_1030, %parallel_loop3A_1031], %parallel_loop3A_1027 {strides = array<i32>} : memref<1x77x512xf32, #tpu.memory_space<vmem>>, vector<16xf32>,
        %parallel_loop3A_1033 = arith.constant 0 : i32
        %parallel_loop3A_1034 = arith.index_cast %parallel_loop3A_1033 : i32 to index
        %parallel_loop3A_1035 = arith.index_cast %parallel_loop3A_880 : i32 to index
        %parallel_loop3A_1036 = arith.constant 240 : index
        %parallel_loop3A_1037 = tpu.vector_load %arg11[%parallel_loop3A_1034, %parallel_loop3A_1035, %parallel_loop3A_1036] {strides = array<i32>} : memref<1x60x512xf32, #tpu.memory_space<vmem>>, vector<16xf32>,
        %parallel_loop3A_1038 = arith.constant 0 : i32
        %parallel_loop3A_1039 = arith.index_cast %parallel_loop3A_1038 : i32 to index
        %parallel_loop3A_1040 = arith.index_cast %parallel_loop3A_882 : i32 to index
        %parallel_loop3A_1041 = arith.constant 240 : index
        %parallel_loop3A_1042 = tpu.vector_load %arg13[%parallel_loop3A_1039, %parallel_loop3A_1040, %parallel_loop3A_1041] {strides = array<i32>} : memref<1x77x512xf32, #tpu.memory_space<vmem>>, vector<16xf32>,
        tpu.vector_store %arg13[%parallel_loop3A_1039, %parallel_loop3A_1040, %parallel_loop3A_1041], %parallel_loop3A_1037 {strides = array<i32>} : memref<1x77x512xf32, #tpu.memory_space<vmem>>, vector<16xf32>,
        %parallel_loop3A_1043 = arith.constant 0 : i32
        %parallel_loop3A_1044 = arith.index_cast %parallel_loop3A_1043 : i32 to index
        %parallel_loop3A_1045 = arith.index_cast %parallel_loop3A_880 : i32 to index
        %parallel_loop3A_1046 = arith.constant 256 : index
        %parallel_loop3A_1047 = tpu.vector_load %arg11[%parallel_loop3A_1044, %parallel_loop3A_1045, %parallel_loop3A_1046] {strides = array<i32>} : memref<1x60x512xf32, #tpu.memory_space<vmem>>, vector<16xf32>,
        %parallel_loop3A_1048 = arith.constant 0 : i32
        %parallel_loop3A_1049 = arith.index_cast %parallel_loop3A_1048 : i32 to index
        %parallel_loop3A_1050 = arith.index_cast %parallel_loop3A_882 : i32 to index
        %parallel_loop3A_1051 = arith.constant 256 : index
        %parallel_loop3A_1052 = tpu.vector_load %arg13[%parallel_loop3A_1049, %parallel_loop3A_1050, %parallel_loop3A_1051] {strides = array<i32>} : memref<1x77x512xf32, #tpu.memory_space<vmem>>, vector<16xf32>,
        tpu.vector_store %arg13[%parallel_loop3A_1049, %parallel_loop3A_1050, %parallel_loop3A_1051], %parallel_loop3A_1047 {strides = array<i32>} : memref<1x77x512xf32, #tpu.memory_space<vmem>>, vector<16xf32>,
        %parallel_loop3A_1053 = arith.constant 0 : i32
        %parallel_loop3A_1054 = arith.index_cast %parallel_loop3A_1053 : i32 to index
        %parallel_loop3A_1055 = arith.index_cast %parallel_loop3A_880 : i32 to index
        %parallel_loop3A_1056 = arith.constant 272 : index
        %parallel_loop3A_1057 = tpu.vector_load %arg11[%parallel_loop3A_1054, %parallel_loop3A_1055, %parallel_loop3A_1056] {strides = array<i32>} : memref<1x60x512xf32, #tpu.memory_space<vmem>>, vector<16xf32>,
        %parallel_loop3A_1058 = arith.constant 0 : i32
        %parallel_loop3A_1059 = arith.index_cast %parallel_loop3A_1058 : i32 to index
        %parallel_loop3A_1060 = arith.index_cast %parallel_loop3A_882 : i32 to index
        %parallel_loop3A_1061 = arith.constant 272 : index
        %parallel_loop3A_1062 = tpu.vector_load %arg13[%parallel_loop3A_1059, %parallel_loop3A_1060, %parallel_loop3A_1061] {strides = array<i32>} : memref<1x77x512xf32, #tpu.memory_space<vmem>>, vector<16xf32>,
        tpu.vector_store %arg13[%parallel_loop3A_1059, %parallel_loop3A_1060, %parallel_loop3A_1061], %parallel_loop3A_1057 {strides = array<i32>} : memref<1x77x512xf32, #tpu.memory_space<vmem>>, vector<16xf32>,
        %parallel_loop3A_1063 = arith.constant 0 : i32
        %parallel_loop3A_1064 = arith.index_cast %parallel_loop3A_1063 : i32 to index
        %parallel_loop3A_1065 = arith.index_cast %parallel_loop3A_880 : i32 to index
        %parallel_loop3A_1066 = arith.constant 288 : index
        %parallel_loop3A_1067 = tpu.vector_load %arg11[%parallel_loop3A_1064, %parallel_loop3A_1065, %parallel_loop3A_1066] {strides = array<i32>} : memref<1x60x512xf32, #tpu.memory_space<vmem>>, vector<16xf32>,
        %parallel_loop3A_1068 = arith.constant 0 : i32
        %parallel_loop3A_1069 = arith.index_cast %parallel_loop3A_1068 : i32 to index
        %parallel_loop3A_1070 = arith.index_cast %parallel_loop3A_882 : i32 to index
        %parallel_loop3A_1071 = arith.constant 288 : index
        %parallel_loop3A_1072 = tpu.vector_load %arg13[%parallel_loop3A_1069, %parallel_loop3A_1070, %parallel_loop3A_1071] {strides = array<i32>} : memref<1x77x512xf32, #tpu.memory_space<vmem>>, vector<16xf32>,
        tpu.vector_store %arg13[%parallel_loop3A_1069, %parallel_loop3A_1070, %parallel_loop3A_1071], %parallel_loop3A_1067 {strides = array<i32>} : memref<1x77x512xf32, #tpu.memory_space<vmem>>, vector<16xf32>,
        %parallel_loop3A_1073 = arith.constant 0 : i32
        %parallel_loop3A_1074 = arith.index_cast %parallel_loop3A_1073 : i32 to index
        %parallel_loop3A_1075 = arith.index_cast %parallel_loop3A_880 : i32 to index
        %parallel_loop3A_1076 = arith.constant 304 : index
        %parallel_loop3A_1077 = tpu.vector_load %arg11[%parallel_loop3A_1074, %parallel_loop3A_1075, %parallel_loop3A_1076] {strides = array<i32>} : memref<1x60x512xf32, #tpu.memory_space<vmem>>, vector<16xf32>,
        %parallel_loop3A_1078 = arith.constant 0 : i32
        %parallel_loop3A_1079 = arith.index_cast %parallel_loop3A_1078 : i32 to index
        %parallel_loop3A_1080 = arith.index_cast %parallel_loop3A_882 : i32 to index
        %parallel_loop3A_1081 = arith.constant 304 : index
        %parallel_loop3A_1082 = tpu.vector_load %arg13[%parallel_loop3A_1079, %parallel_loop3A_1080, %parallel_loop3A_1081] {strides = array<i32>} : memref<1x77x512xf32, #tpu.memory_space<vmem>>, vector<16xf32>,
        tpu.vector_store %arg13[%parallel_loop3A_1079, %parallel_loop3A_1080, %parallel_loop3A_1081], %parallel_loop3A_1077 {strides = array<i32>} : memref<1x77x512xf32, #tpu.memory_space<vmem>>, vector<16xf32>,
        %parallel_loop3A_1083 = arith.constant 0 : i32
        %parallel_loop3A_1084 = arith.index_cast %parallel_loop3A_1083 : i32 to index
        %parallel_loop3A_1085 = arith.index_cast %parallel_loop3A_880 : i32 to index
        %parallel_loop3A_1086 = arith.constant 320 : index
        %parallel_loop3A_1087 = tpu.vector_load %arg11[%parallel_loop3A_1084, %parallel_loop3A_1085, %parallel_loop3A_1086] {strides = array<i32>} : memref<1x60x512xf32, #tpu.memory_space<vmem>>, vector<16xf32>,
        %parallel_loop3A_1088 = arith.constant 0 : i32
        %parallel_loop3A_1089 = arith.index_cast %parallel_loop3A_1088 : i32 to index
        %parallel_loop3A_1090 = arith.index_cast %parallel_loop3A_882 : i32 to index
        %parallel_loop3A_1091 = arith.constant 320 : index
        %parallel_loop3A_1092 = tpu.vector_load %arg13[%parallel_loop3A_1089, %parallel_loop3A_1090, %parallel_loop3A_1091] {strides = array<i32>} : memref<1x77x512xf32, #tpu.memory_space<vmem>>, vector<16xf32>,
        tpu.vector_store %arg13[%parallel_loop3A_1089, %parallel_loop3A_1090, %parallel_loop3A_1091], %parallel_loop3A_1087 {strides = array<i32>} : memref<1x77x512xf32, #tpu.memory_space<vmem>>, vector<16xf32>,
        %parallel_loop3A_1093 = arith.constant 0 : i32
        %parallel_loop3A_1094 = arith.index_cast %parallel_loop3A_1093 : i32 to index
        %parallel_loop3A_1095 = arith.index_cast %parallel_loop3A_880 : i32 to index
        %parallel_loop3A_1096 = arith.constant 336 : index
        %parallel_loop3A_1097 = tpu.vector_load %arg11[%parallel_loop3A_1094, %parallel_loop3A_1095, %parallel_loop3A_1096] {strides = array<i32>} : memref<1x60x512xf32, #tpu.memory_space<vmem>>, vector<16xf32>,
        %parallel_loop3A_1098 = arith.constant 0 : i32
        %parallel_loop3A_1099 = arith.index_cast %parallel_loop3A_1098 : i32 to index
        %parallel_loop3A_1100 = arith.index_cast %parallel_loop3A_882 : i32 to index
        %parallel_loop3A_1101 = arith.constant 336 : index
        %parallel_loop3A_1102 = tpu.vector_load %arg13[%parallel_loop3A_1099, %parallel_loop3A_1100, %parallel_loop3A_1101] {strides = array<i32>} : memref<1x77x512xf32, #tpu.memory_space<vmem>>, vector<16xf32>,
        tpu.vector_store %arg13[%parallel_loop3A_1099, %parallel_loop3A_1100, %parallel_loop3A_1101], %parallel_loop3A_1097 {strides = array<i32>} : memref<1x77x512xf32, #tpu.memory_space<vmem>>, vector<16xf32>,
        %parallel_loop3A_1103 = arith.constant 0 : i32
        %parallel_loop3A_1104 = arith.index_cast %parallel_loop3A_1103 : i32 to index
        %parallel_loop3A_1105 = arith.index_cast %parallel_loop3A_880 : i32 to index
        %parallel_loop3A_1106 = arith.constant 352 : index
        %parallel_loop3A_1107 = tpu.vector_load %arg11[%parallel_loop3A_1104, %parallel_loop3A_1105, %parallel_loop3A_1106] {strides = array<i32>} : memref<1x60x512xf32, #tpu.memory_space<vmem>>, vector<16xf32>,
        %parallel_loop3A_1108 = arith.constant 0 : i32
        %parallel_loop3A_1109 = arith.index_cast %parallel_loop3A_1108 : i32 to index
        %parallel_loop3A_1110 = arith.index_cast %parallel_loop3A_882 : i32 to index
        %parallel_loop3A_1111 = arith.constant 352 : index
        %parallel_loop3A_1112 = tpu.vector_load %arg13[%parallel_loop3A_1109, %parallel_loop3A_1110, %parallel_loop3A_1111] {strides = array<i32>} : memref<1x77x512xf32, #tpu.memory_space<vmem>>, vector<16xf32>,
        tpu.vector_store %arg13[%parallel_loop3A_1109, %parallel_loop3A_1110, %parallel_loop3A_1111], %parallel_loop3A_1107 {strides = array<i32>} : memref<1x77x512xf32, #tpu.memory_space<vmem>>, vector<16xf32>,
        %parallel_loop3A_1113 = arith.constant 0 : i32
        %parallel_loop3A_1114 = arith.index_cast %parallel_loop3A_1113 : i32 to index
        %parallel_loop3A_1115 = arith.index_cast %parallel_loop3A_880 : i32 to index
        %parallel_loop3A_1116 = arith.constant 368 : index
        %parallel_loop3A_1117 = tpu.vector_load %arg11[%parallel_loop3A_1114, %parallel_loop3A_1115, %parallel_loop3A_1116] {strides = array<i32>} : memref<1x60x512xf32, #tpu.memory_space<vmem>>, vector<16xf32>,
        %parallel_loop3A_1118 = arith.constant 0 : i32
        %parallel_loop3A_1119 = arith.index_cast %parallel_loop3A_1118 : i32 to index
        %parallel_loop3A_1120 = arith.index_cast %parallel_loop3A_882 : i32 to index
        %parallel_loop3A_1121 = arith.constant 368 : index
        %parallel_loop3A_1122 = tpu.vector_load %arg13[%parallel_loop3A_1119, %parallel_loop3A_1120, %parallel_loop3A_1121] {strides = array<i32>} : memref<1x77x512xf32, #tpu.memory_space<vmem>>, vector<16xf32>,
        tpu.vector_store %arg13[%parallel_loop3A_1119, %parallel_loop3A_1120, %parallel_loop3A_1121], %parallel_loop3A_1117 {strides = array<i32>} : memref<1x77x512xf32, #tpu.memory_space<vmem>>, vector<16xf32>,
        %parallel_loop3A_1123 = arith.constant 0 : i32
        %parallel_loop3A_1124 = arith.index_cast %parallel_loop3A_1123 : i32 to index
        %parallel_loop3A_1125 = arith.index_cast %parallel_loop3A_880 : i32 to index
        %parallel_loop3A_1126 = arith.constant 384 : index
        %parallel_loop3A_1127 = tpu.vector_load %arg11[%parallel_loop3A_1124, %parallel_loop3A_1125, %parallel_loop3A_1126] {strides = array<i32>} : memref<1x60x512xf32, #tpu.memory_space<vmem>>, vector<16xf32>,
        %parallel_loop3A_1128 = arith.constant 0 : i32
        %parallel_loop3A_1129 = arith.index_cast %parallel_loop3A_1128 : i32 to index
        %parallel_loop3A_1130 = arith.index_cast %parallel_loop3A_882 : i32 to index
        %parallel_loop3A_1131 = arith.constant 384 : index
        %parallel_loop3A_1132 = tpu.vector_load %arg13[%parallel_loop3A_1129, %parallel_loop3A_1130, %parallel_loop3A_1131] {strides = array<i32>} : memref<1x77x512xf32, #tpu.memory_space<vmem>>, vector<16xf32>,
        tpu.vector_store %arg13[%parallel_loop3A_1129, %parallel_loop3A_1130, %parallel_loop3A_1131], %parallel_loop3A_1127 {strides = array<i32>} : memref<1x77x512xf32, #tpu.memory_space<vmem>>, vector<16xf32>,
        %parallel_loop3A_1133 = arith.constant 0 : i32
        %parallel_loop3A_1134 = arith.index_cast %parallel_loop3A_1133 : i32 to index
        %parallel_loop3A_1135 = arith.index_cast %parallel_loop3A_880 : i32 to index
        %parallel_loop3A_1136 = arith.constant 400 : index
        %parallel_loop3A_1137 = tpu.vector_load %arg11[%parallel_loop3A_1134, %parallel_loop3A_1135, %parallel_loop3A_1136] {strides = array<i32>} : memref<1x60x512xf32, #tpu.memory_space<vmem>>, vector<16xf32>,
        %parallel_loop3A_1138 = arith.constant 0 : i32
        %parallel_loop3A_1139 = arith.index_cast %parallel_loop3A_1138 : i32 to index
        %parallel_loop3A_1140 = arith.index_cast %parallel_loop3A_882 : i32 to index
        %parallel_loop3A_1141 = arith.constant 400 : index
        %parallel_loop3A_1142 = tpu.vector_load %arg13[%parallel_loop3A_1139, %parallel_loop3A_1140, %parallel_loop3A_1141] {strides = array<i32>} : memref<1x77x512xf32, #tpu.memory_space<vmem>>, vector<16xf32>,
        tpu.vector_store %arg13[%parallel_loop3A_1139, %parallel_loop3A_1140, %parallel_loop3A_1141], %parallel_loop3A_1137 {strides = array<i32>} : memref<1x77x512xf32, #tpu.memory_space<vmem>>, vector<16xf32>,
        %parallel_loop3A_1143 = arith.constant 0 : i32
        %parallel_loop3A_1144 = arith.index_cast %parallel_loop3A_1143 : i32 to index
        %parallel_loop3A_1145 = arith.index_cast %parallel_loop3A_880 : i32 to index
        %parallel_loop3A_1146 = arith.constant 416 : index
        %parallel_loop3A_1147 = tpu.vector_load %arg11[%parallel_loop3A_1144, %parallel_loop3A_1145, %parallel_loop3A_1146] {strides = array<i32>} : memref<1x60x512xf32, #tpu.memory_space<vmem>>, vector<16xf32>,
        %parallel_loop3A_1148 = arith.constant 0 : i32
        %parallel_loop3A_1149 = arith.index_cast %parallel_loop3A_1148 : i32 to index
        %parallel_loop3A_1150 = arith.index_cast %parallel_loop3A_882 : i32 to index
        %parallel_loop3A_1151 = arith.constant 416 : index
        %parallel_loop3A_1152 = tpu.vector_load %arg13[%parallel_loop3A_1149, %parallel_loop3A_1150, %parallel_loop3A_1151] {strides = array<i32>} : memref<1x77x512xf32, #tpu.memory_space<vmem>>, vector<16xf32>,
        tpu.vector_store %arg13[%parallel_loop3A_1149, %parallel_loop3A_1150, %parallel_loop3A_1151], %parallel_loop3A_1147 {strides = array<i32>} : memref<1x77x512xf32, #tpu.memory_space<vmem>>, vector<16xf32>,
        %parallel_loop3A_1153 = arith.constant 0 : i32
        %parallel_loop3A_1154 = arith.index_cast %parallel_loop3A_1153 : i32 to index
        %parallel_loop3A_1155 = arith.index_cast %parallel_loop3A_880 : i32 to index
        %parallel_loop3A_1156 = arith.constant 432 : index
        %parallel_loop3A_1157 = tpu.vector_load %arg11[%parallel_loop3A_1154, %parallel_loop3A_1155, %parallel_loop3A_1156] {strides = array<i32>} : memref<1x60x512xf32, #tpu.memory_space<vmem>>, vector<16xf32>,
        %parallel_loop3A_1158 = arith.constant 0 : i32
        %parallel_loop3A_1159 = arith.index_cast %parallel_loop3A_1158 : i32 to index
        %parallel_loop3A_1160 = arith.index_cast %parallel_loop3A_882 : i32 to index
        %parallel_loop3A_1161 = arith.constant 432 : index
        %parallel_loop3A_1162 = tpu.vector_load %arg13[%parallel_loop3A_1159, %parallel_loop3A_1160, %parallel_loop3A_1161] {strides = array<i32>} : memref<1x77x512xf32, #tpu.memory_space<vmem>>, vector<16xf32>,
        tpu.vector_store %arg13[%parallel_loop3A_1159, %parallel_loop3A_1160, %parallel_loop3A_1161], %parallel_loop3A_1157 {strides = array<i32>} : memref<1x77x512xf32, #tpu.memory_space<vmem>>, vector<16xf32>,
        %parallel_loop3A_1163 = arith.constant 0 : i32
        %parallel_loop3A_1164 = arith.index_cast %parallel_loop3A_1163 : i32 to index
        %parallel_loop3A_1165 = arith.index_cast %parallel_loop3A_880 : i32 to index
        %parallel_loop3A_1166 = arith.constant 448 : index
        %parallel_loop3A_1167 = tpu.vector_load %arg11[%parallel_loop3A_1164, %parallel_loop3A_1165, %parallel_loop3A_1166] {strides = array<i32>} : memref<1x60x512xf32, #tpu.memory_space<vmem>>, vector<16xf32>,
        %parallel_loop3A_1168 = arith.constant 0 : i32
        %parallel_loop3A_1169 = arith.index_cast %parallel_loop3A_1168 : i32 to index
        %parallel_loop3A_1170 = arith.index_cast %parallel_loop3A_882 : i32 to index
        %parallel_loop3A_1171 = arith.constant 448 : index
        %parallel_loop3A_1172 = tpu.vector_load %arg13[%parallel_loop3A_1169, %parallel_loop3A_1170, %parallel_loop3A_1171] {strides = array<i32>} : memref<1x77x512xf32, #tpu.memory_space<vmem>>, vector<16xf32>,
        tpu.vector_store %arg13[%parallel_loop3A_1169, %parallel_loop3A_1170, %parallel_loop3A_1171], %parallel_loop3A_1167 {strides = array<i32>} : memref<1x77x512xf32, #tpu.memory_space<vmem>>, vector<16xf32>,
        %parallel_loop3A_1173 = arith.constant 0 : i32
        %parallel_loop3A_1174 = arith.index_cast %parallel_loop3A_1173 : i32 to index
        %parallel_loop3A_1175 = arith.index_cast %parallel_loop3A_880 : i32 to index
        %parallel_loop3A_1176 = arith.constant 464 : index
        %parallel_loop3A_1177 = tpu.vector_load %arg11[%parallel_loop3A_1174, %parallel_loop3A_1175, %parallel_loop3A_1176] {strides = array<i32>} : memref<1x60x512xf32, #tpu.memory_space<vmem>>, vector<16xf32>,
        %parallel_loop3A_1178 = arith.constant 0 : i32
        %parallel_loop3A_1179 = arith.index_cast %parallel_loop3A_1178 : i32 to index
        %parallel_loop3A_1180 = arith.index_cast %parallel_loop3A_882 : i32 to index
        %parallel_loop3A_1181 = arith.constant 464 : index
        %parallel_loop3A_1182 = tpu.vector_load %arg13[%parallel_loop3A_1179, %parallel_loop3A_1180, %parallel_loop3A_1181] {strides = array<i32>} : memref<1x77x512xf32, #tpu.memory_space<vmem>>, vector<16xf32>,
        tpu.vector_store %arg13[%parallel_loop3A_1179, %parallel_loop3A_1180, %parallel_loop3A_1181], %parallel_loop3A_1177 {strides = array<i32>} : memref<1x77x512xf32, #tpu.memory_space<vmem>>, vector<16xf32>,
        %parallel_loop3A_1183 = arith.constant 0 : i32
        %parallel_loop3A_1184 = arith.index_cast %parallel_loop3A_1183 : i32 to index
        %parallel_loop3A_1185 = arith.index_cast %parallel_loop3A_880 : i32 to index
        %parallel_loop3A_1186 = arith.constant 480 : index
        %parallel_loop3A_1187 = tpu.vector_load %arg11[%parallel_loop3A_1184, %parallel_loop3A_1185, %parallel_loop3A_1186] {strides = array<i32>} : memref<1x60x512xf32, #tpu.memory_space<vmem>>, vector<16xf32>,
        %parallel_loop3A_1188 = arith.constant 0 : i32
        %parallel_loop3A_1189 = arith.index_cast %parallel_loop3A_1188 : i32 to index
        %parallel_loop3A_1190 = arith.index_cast %parallel_loop3A_882 : i32 to index
        %parallel_loop3A_1191 = arith.constant 480 : index
        %parallel_loop3A_1192 = tpu.vector_load %arg13[%parallel_loop3A_1189, %parallel_loop3A_1190, %parallel_loop3A_1191] {strides = array<i32>} : memref<1x77x512xf32, #tpu.memory_space<vmem>>, vector<16xf32>,
        tpu.vector_store %arg13[%parallel_loop3A_1189, %parallel_loop3A_1190, %parallel_loop3A_1191], %parallel_loop3A_1187 {strides = array<i32>} : memref<1x77x512xf32, #tpu.memory_space<vmem>>, vector<16xf32>,
        %parallel_loop3A_1193 = arith.constant 0 : i32
        %parallel_loop3A_1194 = arith.index_cast %parallel_loop3A_1193 : i32 to index
        %parallel_loop3A_1195 = arith.index_cast %parallel_loop3A_880 : i32 to index
        %parallel_loop3A_1196 = arith.constant 496 : index
        %parallel_loop3A_1197 = tpu.vector_load %arg11[%parallel_loop3A_1194, %parallel_loop3A_1195, %parallel_loop3A_1196] {strides = array<i32>} : memref<1x60x512xf32, #tpu.memory_space<vmem>>, vector<16xf32>,
        %parallel_loop3A_1198 = arith.constant 0 : i32
        %parallel_loop3A_1199 = arith.index_cast %parallel_loop3A_1198 : i32 to index
        %parallel_loop3A_1200 = arith.index_cast %parallel_loop3A_882 : i32 to index
        %parallel_loop3A_1201 = arith.constant 496 : index
        %parallel_loop3A_1202 = tpu.vector_load %arg13[%parallel_loop3A_1199, %parallel_loop3A_1200, %parallel_loop3A_1201] {strides = array<i32>} : memref<1x77x512xf32, #tpu.memory_space<vmem>>, vector<16xf32>,
        tpu.vector_store %arg13[%parallel_loop3A_1199, %parallel_loop3A_1200, %parallel_loop3A_1201], %parallel_loop3A_1197 {strides = array<i32>} : memref<1x77x512xf32, #tpu.memory_space<vmem>>, vector<16xf32>,
      } {sc.loop_unroll_factor = 4 : i64, sc.parallel_access}
      %lt3A = arith.constant 15 : i32
      %lt3A_464 = arith.cmpi slt, %scan3A_59, %lt3A : i32
      %convert_element_type3A = arith.extui %lt3A_464 : i1 to i32
      %cond3A = arith.constant 0 : i32
      %cond3A_465 = arith.cmpi ne, %convert_element_type3A, %cond3A : i32
      scf.if %cond3A_465 {
        %add3A_880 = arith.constant 2 : i32
        %add3A_881 = arith.addi %add3A_63, %add3A_880 : i32
        %lt3A_882 = arith.constant 16 : i32
        %lt3A_883 = arith.cmpi slt, %add3A_881, %lt3A_882 : i32
        %select_n3A_884 = arith.select %lt3A_883, %get3A_8, %get3A_10 : vector<16xi32>
        %jit3A_885 = arith.constant 16 : i32
        %eq3A_886 = arith.constant 0 : i32
        %eq3A_887 = arith.cmpi eq, %jit3A_885, %eq3A_886 : i32
        %jit3A_888 = arith.constant 1 : i32
        %select_n3A_889 = arith.select %eq3A_887, %jit3A_888, %jit3A_885 : i32
        %rem3A = arith.remsi %add3A_881, %select_n3A_889 : i32
        %ne3A = arith.constant 0 : i32
        %ne3A_890 = arith.cmpi ne, %rem3A, %ne3A : i32
        %lt3A_891 = arith.constant 0 : i32
        %lt3A_892 = arith.cmpi slt, %rem3A, %lt3A_891 : i32
        %lt3A_893 = arith.constant 0 : i32
        %lt3A_894 = arith.cmpi slt, %select_n3A_889, %lt3A_893 : i32
        %ne3A_895 = arith.xori %lt3A_892, %lt3A_894 : i1
        %and3A = arith.andi %ne3A_895, %ne3A_890 : i1
        %add3A_896 = arith.addi %rem3A, %select_n3A_889 : i32
        %select_n3A_897 = arith.select %and3A, %add3A_896, %rem3A : i32
        %eq3A_898 = vector.broadcast %select_n3A_897 : i32 to vector<16xi32>
        %eq3A_899 = arith.cmpi eq, %iota3A, %eq3A_898 : vector<16xi32>
        %jit3A_900 = arith.constant 0 : i32
        %broadcast_in_dim3A_901 = vector.broadcast %jit3A_900 : i32 to vector<16xi32>
        %select_n3A_902 = arith.select %eq3A_899, %select_n3A_884, %broadcast_in_dim3A_901 : vector<16xi1>, vector<16xi32>
        %reduce_sum3A_903 = arith.constant true
        %reduce_sum3A_904 = vector.broadcast %reduce_sum3A_903 : i1 to vector<16xi1>
        %reduce_sum3A_905 = tpu.scan <sum>, %select_n3A_902 masked %reduce_sum3A_904 : vector<16xi32>, vector<16xi1> -> vector<16xi32>
        %reduce_sum3A_906 = vector.extract %reduce_sum3A_905[15] : i32 from vector<16xi32>
        %dma_start3A_907 = arith.constant 0 : i32
        %dma_start3A_908 = arith.constant 0 : i32
        %dma_start3A_909 = tpu.memref_slice %arg4[%reduce_sum3A_906, %dma_start3A_907, %dma_start3A_908] : memref<10000x1x512xf32, #tpu.memory_space<hbm>> -> memref<1x1x512xf32, #tpu.memory_space<hbm>>
        %dma_start3A_910 = arith.constant 0 : i32
        %dma_start3A_911 = arith.constant 0 : i32
        %dma_start3A_912 = tpu.memref_slice %arg4[%reduce_sum3A_906, %dma_start3A_910, %dma_start3A_911] : memref<10000x1x512xf32, #tpu.memory_space<hbm>> -> memref<1x1x512xf32, #tpu.memory_space<hbm>>
        tpu.enqueue_dma source(%dma_start3A_912 : memref<1x1x512xf32, #tpu.memory_space<hbm>>) target(%arg9 : memref<1x1x512xf32, #tpu.memory_space<vmem>>) target_semaphore(%arg14 : memref<!tpu.dma_semaphore, #tpu.memory_space<semaphore_mem>>)
        %dma_start3A_913 = arith.constant 0 : i32
        %dma_start3A_914 = arith.constant 0 : i32
        %dma_start3A_915 = tpu.memref_slice %arg5[%reduce_sum3A_906, %dma_start3A_913, %dma_start3A_914] : memref<10000x60x512xf32, #tpu.memory_space<hbm>> -> memref<1x60x512xf32, #tpu.memory_space<hbm>>
        %dma_start3A_916 = arith.constant 0 : i32
        %dma_start3A_917 = arith.constant 0 : i32
        %dma_start3A_918 = tpu.memref_slice %arg5[%reduce_sum3A_906, %dma_start3A_916, %dma_start3A_917] : memref<10000x60x512xf32, #tpu.memory_space<hbm>> -> memref<1x60x512xf32, #tpu.memory_space<hbm>>
        tpu.enqueue_dma source(%dma_start3A_918 : memref<1x60x512xf32, #tpu.memory_space<hbm>>) target(%arg11 : memref<1x60x512xf32, #tpu.memory_space<vmem>>) target_semaphore(%arg14 : memref<!tpu.dma_semaphore, #tpu.memory_space<semaphore_mem>>)
      } else {
      }
      %add3A_466 = arith.addi %mul3A_2, %add3A_63 : i32
      "tpu.region"() ({
        %run_scoped3A = tpu.sem_alloc : memref<!tpu.dma_semaphore, #tpu.memory_space<semaphore_mem>>
        %dma_start3A_880 = arith.constant 0 : i32
        %dma_start3A_881 = arith.constant 0 : i32
        %dma_start3A_882 = tpu.memref_slice %arg6[%add3A_466, %dma_start3A_880, %dma_start3A_881] : memref<1024x77x512xf32, #tpu.memory_space<hbm>> -> memref<1x77x512xf32, #tpu.memory_space<hbm>>
        %dma_start3A_883 = arith.constant 0 : i32
        %dma_start3A_884 = arith.constant 0 : i32
        %dma_start3A_885 = tpu.memref_slice %arg6[%add3A_466, %dma_start3A_883, %dma_start3A_884] : memref<1024x77x512xf32, #tpu.memory_space<hbm>> -> memref<1x77x512xf32, #tpu.memory_space<hbm>>
        tpu.enqueue_dma source(%arg13 : memref<1x77x512xf32, #tpu.memory_space<vmem>>) target(%dma_start3A_885 : memref<1x77x512xf32, #tpu.memory_space<hbm>>) target_semaphore(%run_scoped3A : memref<!tpu.dma_semaphore, #tpu.memory_space<semaphore_mem>>)
        %dma_wait3A_886 = arith.constant 0 : i32
        %dma_wait3A_887 = arith.constant 0 : i32
        %dma_wait3A_888 = tpu.memref_slice %arg6[%add3A_466, %dma_wait3A_886, %dma_wait3A_887] : memref<1024x77x512xf32, #tpu.memory_space<hbm>> -> memref<1x77x512xf32, #tpu.memory_space<hbm>>
        %dma_wait3A_889 = arith.constant 0 : i32
        %dma_wait3A_890 = arith.constant 0 : i32
        %dma_wait3A_891 = tpu.memref_slice %arg6[%add3A_466, %dma_wait3A_889, %dma_wait3A_890] : memref<1024x77x512xf32, #tpu.memory_space<hbm>> -> memref<1x77x512xf32, #tpu.memory_space<hbm>>
        tpu.wait_dma2 semaphore(%run_scoped3A : memref<!tpu.dma_semaphore, #tpu.memory_space<semaphore_mem>>) src(%arg13 : memref<1x77x512xf32, #tpu.memory_space<vmem>>) dst(%dma_wait3A_891 : memref<1x77x512xf32, #tpu.memory_space<hbm>>)
        tpu.yield
      }) : () -> ()
      %mul3A_467 = arith.constant 2 : i32
      %mul3A_468 = arith.muli %mul3A_467, %scan3A_59 : i32
      %add3A_469 = arith.constant 1 : i32
      %add3A_470 = arith.addi %mul3A_468, %add3A_469 : i32
      %dma_wait3A_471 = arith.constant 0 : i32
      %dma_wait3A_472 = arith.constant 0 : i32
      %dma_wait3A_473 = arith.constant 0 : i32
      %dma_wait3A_474 = tpu.memref_slice %arg4[%dma_wait3A_471, %dma_wait3A_472, %dma_wait3A_473] : memref<10000x1x512xf32, #tpu.memory_space<hbm>> -> memref<1x1x512xf32, #tpu.memory_space<hbm>>
      %dma_wait3A_475 = arith.constant 0 : i32
      %dma_wait3A_476 = arith.constant 0 : i32
      %dma_wait3A_477 = arith.constant 0 : i32
      %dma_wait3A_478 = tpu.memref_slice %arg4[%dma_wait3A_475, %dma_wait3A_476, %dma_wait3A_477] : memref<10000x1x512xf32, #tpu.memory_space<hbm>> -> memref<1x1x512xf32, #tpu.memory_space<hbm>>
      tpu.wait_dma2 semaphore(%arg15 : memref<!tpu.dma_semaphore, #tpu.memory_space<semaphore_mem>>) src(%dma_wait3A_478 : memref<1x1x512xf32, #tpu.memory_space<hbm>>) dst(%arg10 : memref<1x1x512xf32, #tpu.memory_space<vmem>>)
      %dma_wait3A_479 = arith.constant 0 : i32
      %dma_wait3A_480 = arith.constant 0 : i32
      %dma_wait3A_481 = arith.constant 0 : i32
      %dma_wait3A_482 = tpu.memref_slice %arg5[%dma_wait3A_479, %dma_wait3A_480, %dma_wait3A_481] : memref<10000x60x512xf32, #tpu.memory_space<hbm>> -> memref<1x60x512xf32, #tpu.memory_space<hbm>>
      %dma_wait3A_483 = arith.constant 0 : i32
      %dma_wait3A_484 = arith.constant 0 : i32
      %dma_wait3A_485 = arith.constant 0 : i32
      %dma_wait3A_486 = tpu.memref_slice %arg5[%dma_wait3A_483, %dma_wait3A_484, %dma_wait3A_485] : memref<10000x60x512xf32, #tpu.memory_space<hbm>> -> memref<1x60x512xf32, #tpu.memory_space<hbm>>
      tpu.wait_dma2 semaphore(%arg15 : memref<!tpu.dma_semaphore, #tpu.memory_space<semaphore_mem>>) src(%dma_wait3A_486 : memref<1x60x512xf32, #tpu.memory_space<hbm>>) dst(%arg12 : memref<1x60x512xf32, #tpu.memory_space<vmem>>)
      %get3A_487 = arith.constant 0 : i32
      %get3A_488 = arith.constant 0 : i32
      %get3A_489 = arith.index_cast %get3A_487 : i32 to index
      %get3A_490 = arith.index_cast %get3A_488 : i32 to index
      %get3A_491 = arith.constant 0 : index
      %get3A_492 = tpu.vector_load %arg10[%get3A_489, %get3A_490, %get3A_491] {strides = array<i32>} : memref<1x1x512xf32, #tpu.memory_space<vmem>>, vector<16xf32>,
      %swap3A_493 = arith.constant 0 : i32
      %swap3A_494 = arith.constant 0 : i32
      %swap3A_495 = arith.index_cast %swap3A_493 : i32 to index
      %swap3A_496 = arith.index_cast %swap3A_494 : i32 to index
      %swap3A_497 = arith.constant 0 : index
      %swap3A_498 = tpu.vector_load %arg13[%swap3A_495, %swap3A_496, %swap3A_497] {strides = array<i32>} : memref<1x77x512xf32, #tpu.memory_space<vmem>>, vector<16xf32>,
      tpu.vector_store %arg13[%swap3A_495, %swap3A_496, %swap3A_497], %get3A_492 {strides = array<i32>} : memref<1x77x512xf32, #tpu.memory_space<vmem>>, vector<16xf32>,
      %get3A_499 = arith.constant 0 : i32
      %get3A_500 = arith.constant 0 : i32
      %get3A_501 = arith.index_cast %get3A_499 : i32 to index
      %get3A_502 = arith.index_cast %get3A_500 : i32 to index
      %get3A_503 = arith.constant 16 : index
      %get3A_504 = tpu.vector_load %arg10[%get3A_501, %get3A_502, %get3A_503] {strides = array<i32>} : memref<1x1x512xf32, #tpu.memory_space<vmem>>, vector<16xf32>,
      %swap3A_505 = arith.constant 0 : i32
      %swap3A_506 = arith.constant 0 : i32
      %swap3A_507 = arith.index_cast %swap3A_505 : i32 to index
      %swap3A_508 = arith.index_cast %swap3A_506 : i32 to index
      %swap3A_509 = arith.constant 16 : index
      %swap3A_510 = tpu.vector_load %arg13[%swap3A_507, %swap3A_508, %swap3A_509] {strides = array<i32>} : memref<1x77x512xf32, #tpu.memory_space<vmem>>, vector<16xf32>,
      tpu.vector_store %arg13[%swap3A_507, %swap3A_508, %swap3A_509], %get3A_504 {strides = array<i32>} : memref<1x77x512xf32, #tpu.memory_space<vmem>>, vector<16xf32>,
      %get3A_511 = arith.constant 0 : i32
      %get3A_512 = arith.constant 0 : i32
      %get3A_513 = arith.index_cast %get3A_511 : i32 to index
      %get3A_514 = arith.index_cast %get3A_512 : i32 to index
      %get3A_515 = arith.constant 32 : index
      %get3A_516 = tpu.vector_load %arg10[%get3A_513, %get3A_514, %get3A_515] {strides = array<i32>} : memref<1x1x512xf32, #tpu.memory_space<vmem>>, vector<16xf32>,
      %swap3A_517 = arith.constant 0 : i32
      %swap3A_518 = arith.constant 0 : i32
      %swap3A_519 = arith.index_cast %swap3A_517 : i32 to index
      %swap3A_520 = arith.index_cast %swap3A_518 : i32 to index
      %swap3A_521 = arith.constant 32 : index
      %swap3A_522 = tpu.vector_load %arg13[%swap3A_519, %swap3A_520, %swap3A_521] {strides = array<i32>} : memref<1x77x512xf32, #tpu.memory_space<vmem>>, vector<16xf32>,
      tpu.vector_store %arg13[%swap3A_519, %swap3A_520, %swap3A_521], %get3A_516 {strides = array<i32>} : memref<1x77x512xf32, #tpu.memory_space<vmem>>, vector<16xf32>,
      %get3A_523 = arith.constant 0 : i32
      %get3A_524 = arith.constant 0 : i32
      %get3A_525 = arith.index_cast %get3A_523 : i32 to index
      %get3A_526 = arith.index_cast %get3A_524 : i32 to index
      %get3A_527 = arith.constant 48 : index
      %get3A_528 = tpu.vector_load %arg10[%get3A_525, %get3A_526, %get3A_527] {strides = array<i32>} : memref<1x1x512xf32, #tpu.memory_space<vmem>>, vector<16xf32>,
      %swap3A_529 = arith.constant 0 : i32
      %swap3A_530 = arith.constant 0 : i32
      %swap3A_531 = arith.index_cast %swap3A_529 : i32 to index
      %swap3A_532 = arith.index_cast %swap3A_530 : i32 to index
      %swap3A_533 = arith.constant 48 : index
      %swap3A_534 = tpu.vector_load %arg13[%swap3A_531, %swap3A_532, %swap3A_533] {strides = array<i32>} : memref<1x77x512xf32, #tpu.memory_space<vmem>>, vector<16xf32>,
      tpu.vector_store %arg13[%swap3A_531, %swap3A_532, %swap3A_533], %get3A_528 {strides = array<i32>} : memref<1x77x512xf32, #tpu.memory_space<vmem>>, vector<16xf32>,
      %get3A_535 = arith.constant 0 : i32
      %get3A_536 = arith.constant 0 : i32
      %get3A_537 = arith.index_cast %get3A_535 : i32 to index
      %get3A_538 = arith.index_cast %get3A_536 : i32 to index
      %get3A_539 = arith.constant 64 : index
      %get3A_540 = tpu.vector_load %arg10[%get3A_537, %get3A_538, %get3A_539] {strides = array<i32>} : memref<1x1x512xf32, #tpu.memory_space<vmem>>, vector<16xf32>,
      %swap3A_541 = arith.constant 0 : i32
      %swap3A_542 = arith.constant 0 : i32
      %swap3A_543 = arith.index_cast %swap3A_541 : i32 to index
      %swap3A_544 = arith.index_cast %swap3A_542 : i32 to index
      %swap3A_545 = arith.constant 64 : index
      %swap3A_546 = tpu.vector_load %arg13[%swap3A_543, %swap3A_544, %swap3A_545] {strides = array<i32>} : memref<1x77x512xf32, #tpu.memory_space<vmem>>, vector<16xf32>,
      tpu.vector_store %arg13[%swap3A_543, %swap3A_544, %swap3A_545], %get3A_540 {strides = array<i32>} : memref<1x77x512xf32, #tpu.memory_space<vmem>>, vector<16xf32>,
      %get3A_547 = arith.constant 0 : i32
      %get3A_548 = arith.constant 0 : i32
      %get3A_549 = arith.index_cast %get3A_547 : i32 to index
      %get3A_550 = arith.index_cast %get3A_548 : i32 to index
      %get3A_551 = arith.constant 80 : index
      %get3A_552 = tpu.vector_load %arg10[%get3A_549, %get3A_550, %get3A_551] {strides = array<i32>} : memref<1x1x512xf32, #tpu.memory_space<vmem>>, vector<16xf32>,
      %swap3A_553 = arith.constant 0 : i32
      %swap3A_554 = arith.constant 0 : i32
      %swap3A_555 = arith.index_cast %swap3A_553 : i32 to index
      %swap3A_556 = arith.index_cast %swap3A_554 : i32 to index
      %swap3A_557 = arith.constant 80 : index
      %swap3A_558 = tpu.vector_load %arg13[%swap3A_555, %swap3A_556, %swap3A_557] {strides = array<i32>} : memref<1x77x512xf32, #tpu.memory_space<vmem>>, vector<16xf32>,
      tpu.vector_store %arg13[%swap3A_555, %swap3A_556, %swap3A_557], %get3A_552 {strides = array<i32>} : memref<1x77x512xf32, #tpu.memory_space<vmem>>, vector<16xf32>,
      %get3A_559 = arith.constant 0 : i32
      %get3A_560 = arith.constant 0 : i32
      %get3A_561 = arith.index_cast %get3A_559 : i32 to index
      %get3A_562 = arith.index_cast %get3A_560 : i32 to index
      %get3A_563 = arith.constant 96 : index
      %get3A_564 = tpu.vector_load %arg10[%get3A_561, %get3A_562, %get3A_563] {strides = array<i32>} : memref<1x1x512xf32, #tpu.memory_space<vmem>>, vector<16xf32>,
      %swap3A_565 = arith.constant 0 : i32
      %swap3A_566 = arith.constant 0 : i32
      %swap3A_567 = arith.index_cast %swap3A_565 : i32 to index
      %swap3A_568 = arith.index_cast %swap3A_566 : i32 to index
      %swap3A_569 = arith.constant 96 : index
      %swap3A_570 = tpu.vector_load %arg13[%swap3A_567, %swap3A_568, %swap3A_569] {strides = array<i32>} : memref<1x77x512xf32, #tpu.memory_space<vmem>>, vector<16xf32>,
      tpu.vector_store %arg13[%swap3A_567, %swap3A_568, %swap3A_569], %get3A_564 {strides = array<i32>} : memref<1x77x512xf32, #tpu.memory_space<vmem>>, vector<16xf32>,
      %get3A_571 = arith.constant 0 : i32
      %get3A_572 = arith.constant 0 : i32
      %get3A_573 = arith.index_cast %get3A_571 : i32 to index
      %get3A_574 = arith.index_cast %get3A_572 : i32 to index
      %get3A_575 = arith.constant 112 : index
      %get3A_576 = tpu.vector_load %arg10[%get3A_573, %get3A_574, %get3A_575] {strides = array<i32>} : memref<1x1x512xf32, #tpu.memory_space<vmem>>, vector<16xf32>,
      %swap3A_577 = arith.constant 0 : i32
      %swap3A_578 = arith.constant 0 : i32
      %swap3A_579 = arith.index_cast %swap3A_577 : i32 to index
      %swap3A_580 = arith.index_cast %swap3A_578 : i32 to index
      %swap3A_581 = arith.constant 112 : index
      %swap3A_582 = tpu.vector_load %arg13[%swap3A_579, %swap3A_580, %swap3A_581] {strides = array<i32>} : memref<1x77x512xf32, #tpu.memory_space<vmem>>, vector<16xf32>,
      tpu.vector_store %arg13[%swap3A_579, %swap3A_580, %swap3A_581], %get3A_576 {strides = array<i32>} : memref<1x77x512xf32, #tpu.memory_space<vmem>>, vector<16xf32>,
      %get3A_583 = arith.constant 0 : i32
      %get3A_584 = arith.constant 0 : i32
      %get3A_585 = arith.index_cast %get3A_583 : i32 to index
      %get3A_586 = arith.index_cast %get3A_584 : i32 to index
      %get3A_587 = arith.constant 128 : index
      %get3A_588 = tpu.vector_load %arg10[%get3A_585, %get3A_586, %get3A_587] {strides = array<i32>} : memref<1x1x512xf32, #tpu.memory_space<vmem>>, vector<16xf32>,
      %swap3A_589 = arith.constant 0 : i32
      %swap3A_590 = arith.constant 0 : i32
      %swap3A_591 = arith.index_cast %swap3A_589 : i32 to index
      %swap3A_592 = arith.index_cast %swap3A_590 : i32 to index
      %swap3A_593 = arith.constant 128 : index
      %swap3A_594 = tpu.vector_load %arg13[%swap3A_591, %swap3A_592, %swap3A_593] {strides = array<i32>} : memref<1x77x512xf32, #tpu.memory_space<vmem>>, vector<16xf32>,
      tpu.vector_store %arg13[%swap3A_591, %swap3A_592, %swap3A_593], %get3A_588 {strides = array<i32>} : memref<1x77x512xf32, #tpu.memory_space<vmem>>, vector<16xf32>,
      %get3A_595 = arith.constant 0 : i32
      %get3A_596 = arith.constant 0 : i32
      %get3A_597 = arith.index_cast %get3A_595 : i32 to index
      %get3A_598 = arith.index_cast %get3A_596 : i32 to index
      %get3A_599 = arith.constant 144 : index
      %get3A_600 = tpu.vector_load %arg10[%get3A_597, %get3A_598, %get3A_599] {strides = array<i32>} : memref<1x1x512xf32, #tpu.memory_space<vmem>>, vector<16xf32>,
      %swap3A_601 = arith.constant 0 : i32
      %swap3A_602 = arith.constant 0 : i32
      %swap3A_603 = arith.index_cast %swap3A_601 : i32 to index
      %swap3A_604 = arith.index_cast %swap3A_602 : i32 to index
      %swap3A_605 = arith.constant 144 : index
      %swap3A_606 = tpu.vector_load %arg13[%swap3A_603, %swap3A_604, %swap3A_605] {strides = array<i32>} : memref<1x77x512xf32, #tpu.memory_space<vmem>>, vector<16xf32>,
      tpu.vector_store %arg13[%swap3A_603, %swap3A_604, %swap3A_605], %get3A_600 {strides = array<i32>} : memref<1x77x512xf32, #tpu.memory_space<vmem>>, vector<16xf32>,
      %get3A_607 = arith.constant 0 : i32
      %get3A_608 = arith.constant 0 : i32
      %get3A_609 = arith.index_cast %get3A_607 : i32 to index
      %get3A_610 = arith.index_cast %get3A_608 : i32 to index
      %get3A_611 = arith.constant 160 : index
      %get3A_612 = tpu.vector_load %arg10[%get3A_609, %get3A_610, %get3A_611] {strides = array<i32>} : memref<1x1x512xf32, #tpu.memory_space<vmem>>, vector<16xf32>,
      %swap3A_613 = arith.constant 0 : i32
      %swap3A_614 = arith.constant 0 : i32
      %swap3A_615 = arith.index_cast %swap3A_613 : i32 to index
      %swap3A_616 = arith.index_cast %swap3A_614 : i32 to index
      %swap3A_617 = arith.constant 160 : index
      %swap3A_618 = tpu.vector_load %arg13[%swap3A_615, %swap3A_616, %swap3A_617] {strides = array<i32>} : memref<1x77x512xf32, #tpu.memory_space<vmem>>, vector<16xf32>,
      tpu.vector_store %arg13[%swap3A_615, %swap3A_616, %swap3A_617], %get3A_612 {strides = array<i32>} : memref<1x77x512xf32, #tpu.memory_space<vmem>>, vector<16xf32>,
      %get3A_619 = arith.constant 0 : i32
      %get3A_620 = arith.constant 0 : i32
      %get3A_621 = arith.index_cast %get3A_619 : i32 to index
      %get3A_622 = arith.index_cast %get3A_620 : i32 to index
      %get3A_623 = arith.constant 176 : index
      %get3A_624 = tpu.vector_load %arg10[%get3A_621, %get3A_622, %get3A_623] {strides = array<i32>} : memref<1x1x512xf32, #tpu.memory_space<vmem>>, vector<16xf32>,
      %swap3A_625 = arith.constant 0 : i32
      %swap3A_626 = arith.constant 0 : i32
      %swap3A_627 = arith.index_cast %swap3A_625 : i32 to index
      %swap3A_628 = arith.index_cast %swap3A_626 : i32 to index
      %swap3A_629 = arith.constant 176 : index
      %swap3A_630 = tpu.vector_load %arg13[%swap3A_627, %swap3A_628, %swap3A_629] {strides = array<i32>} : memref<1x77x512xf32, #tpu.memory_space<vmem>>, vector<16xf32>,
      tpu.vector_store %arg13[%swap3A_627, %swap3A_628, %swap3A_629], %get3A_624 {strides = array<i32>} : memref<1x77x512xf32, #tpu.memory_space<vmem>>, vector<16xf32>,
      %get3A_631 = arith.constant 0 : i32
      %get3A_632 = arith.constant 0 : i32
      %get3A_633 = arith.index_cast %get3A_631 : i32 to index
      %get3A_634 = arith.index_cast %get3A_632 : i32 to index
      %get3A_635 = arith.constant 192 : index
      %get3A_636 = tpu.vector_load %arg10[%get3A_633, %get3A_634, %get3A_635] {strides = array<i32>} : memref<1x1x512xf32, #tpu.memory_space<vmem>>, vector<16xf32>,
      %swap3A_637 = arith.constant 0 : i32
      %swap3A_638 = arith.constant 0 : i32
      %swap3A_639 = arith.index_cast %swap3A_637 : i32 to index
      %swap3A_640 = arith.index_cast %swap3A_638 : i32 to index
      %swap3A_641 = arith.constant 192 : index
      %swap3A_642 = tpu.vector_load %arg13[%swap3A_639, %swap3A_640, %swap3A_641] {strides = array<i32>} : memref<1x77x512xf32, #tpu.memory_space<vmem>>, vector<16xf32>,
      tpu.vector_store %arg13[%swap3A_639, %swap3A_640, %swap3A_641], %get3A_636 {strides = array<i32>} : memref<1x77x512xf32, #tpu.memory_space<vmem>>, vector<16xf32>,
      %get3A_643 = arith.constant 0 : i32
      %get3A_644 = arith.constant 0 : i32
      %get3A_645 = arith.index_cast %get3A_643 : i32 to index
      %get3A_646 = arith.index_cast %get3A_644 : i32 to index
      %get3A_647 = arith.constant 208 : index
      %get3A_648 = tpu.vector_load %arg10[%get3A_645, %get3A_646, %get3A_647] {strides = array<i32>} : memref<1x1x512xf32, #tpu.memory_space<vmem>>, vector<16xf32>,
      %swap3A_649 = arith.constant 0 : i32
      %swap3A_650 = arith.constant 0 : i32
      %swap3A_651 = arith.index_cast %swap3A_649 : i32 to index
      %swap3A_652 = arith.index_cast %swap3A_650 : i32 to index
      %swap3A_653 = arith.constant 208 : index
      %swap3A_654 = tpu.vector_load %arg13[%swap3A_651, %swap3A_652, %swap3A_653] {strides = array<i32>} : memref<1x77x512xf32, #tpu.memory_space<vmem>>, vector<16xf32>,
      tpu.vector_store %arg13[%swap3A_651, %swap3A_652, %swap3A_653], %get3A_648 {strides = array<i32>} : memref<1x77x512xf32, #tpu.memory_space<vmem>>, vector<16xf32>,
      %get3A_655 = arith.constant 0 : i32
      %get3A_656 = arith.constant 0 : i32
      %get3A_657 = arith.index_cast %get3A_655 : i32 to index
      %get3A_658 = arith.index_cast %get3A_656 : i32 to index
      %get3A_659 = arith.constant 224 : index
      %get3A_660 = tpu.vector_load %arg10[%get3A_657, %get3A_658, %get3A_659] {strides = array<i32>} : memref<1x1x512xf32, #tpu.memory_space<vmem>>, vector<16xf32>,
      %swap3A_661 = arith.constant 0 : i32
      %swap3A_662 = arith.constant 0 : i32
      %swap3A_663 = arith.index_cast %swap3A_661 : i32 to index
      %swap3A_664 = arith.index_cast %swap3A_662 : i32 to index
      %swap3A_665 = arith.constant 224 : index
      %swap3A_666 = tpu.vector_load %arg13[%swap3A_663, %swap3A_664, %swap3A_665] {strides = array<i32>} : memref<1x77x512xf32, #tpu.memory_space<vmem>>, vector<16xf32>,
      tpu.vector_store %arg13[%swap3A_663, %swap3A_664, %swap3A_665], %get3A_660 {strides = array<i32>} : memref<1x77x512xf32, #tpu.memory_space<vmem>>, vector<16xf32>,
      %get3A_667 = arith.constant 0 : i32
      %get3A_668 = arith.constant 0 : i32
      %get3A_669 = arith.index_cast %get3A_667 : i32 to index
      %get3A_670 = arith.index_cast %get3A_668 : i32 to index
      %get3A_671 = arith.constant 240 : index
      %get3A_672 = tpu.vector_load %arg10[%get3A_669, %get3A_670, %get3A_671] {strides = array<i32>} : memref<1x1x512xf32, #tpu.memory_space<vmem>>, vector<16xf32>,
      %swap3A_673 = arith.constant 0 : i32
      %swap3A_674 = arith.constant 0 : i32
      %swap3A_675 = arith.index_cast %swap3A_673 : i32 to index
      %swap3A_676 = arith.index_cast %swap3A_674 : i32 to index
      %swap3A_677 = arith.constant 240 : index
      %swap3A_678 = tpu.vector_load %arg13[%swap3A_675, %swap3A_676, %swap3A_677] {strides = array<i32>} : memref<1x77x512xf32, #tpu.memory_space<vmem>>, vector<16xf32>,
      tpu.vector_store %arg13[%swap3A_675, %swap3A_676, %swap3A_677], %get3A_672 {strides = array<i32>} : memref<1x77x512xf32, #tpu.memory_space<vmem>>, vector<16xf32>,
      %get3A_679 = arith.constant 0 : i32
      %get3A_680 = arith.constant 0 : i32
      %get3A_681 = arith.index_cast %get3A_679 : i32 to index
      %get3A_682 = arith.index_cast %get3A_680 : i32 to index
      %get3A_683 = arith.constant 256 : index
      %get3A_684 = tpu.vector_load %arg10[%get3A_681, %get3A_682, %get3A_683] {strides = array<i32>} : memref<1x1x512xf32, #tpu.memory_space<vmem>>, vector<16xf32>,
      %swap3A_685 = arith.constant 0 : i32
      %swap3A_686 = arith.constant 0 : i32
      %swap3A_687 = arith.index_cast %swap3A_685 : i32 to index
      %swap3A_688 = arith.index_cast %swap3A_686 : i32 to index
      %swap3A_689 = arith.constant 256 : index
      %swap3A_690 = tpu.vector_load %arg13[%swap3A_687, %swap3A_688, %swap3A_689] {strides = array<i32>} : memref<1x77x512xf32, #tpu.memory_space<vmem>>, vector<16xf32>,
      tpu.vector_store %arg13[%swap3A_687, %swap3A_688, %swap3A_689], %get3A_684 {strides = array<i32>} : memref<1x77x512xf32, #tpu.memory_space<vmem>>, vector<16xf32>,
      %get3A_691 = arith.constant 0 : i32
      %get3A_692 = arith.constant 0 : i32
      %get3A_693 = arith.index_cast %get3A_691 : i32 to index
      %get3A_694 = arith.index_cast %get3A_692 : i32 to index
      %get3A_695 = arith.constant 272 : index
      %get3A_696 = tpu.vector_load %arg10[%get3A_693, %get3A_694, %get3A_695] {strides = array<i32>} : memref<1x1x512xf32, #tpu.memory_space<vmem>>, vector<16xf32>,
      %swap3A_697 = arith.constant 0 : i32
      %swap3A_698 = arith.constant 0 : i32
      %swap3A_699 = arith.index_cast %swap3A_697 : i32 to index
      %swap3A_700 = arith.index_cast %swap3A_698 : i32 to index
      %swap3A_701 = arith.constant 272 : index
      %swap3A_702 = tpu.vector_load %arg13[%swap3A_699, %swap3A_700, %swap3A_701] {strides = array<i32>} : memref<1x77x512xf32, #tpu.memory_space<vmem>>, vector<16xf32>,
      tpu.vector_store %arg13[%swap3A_699, %swap3A_700, %swap3A_701], %get3A_696 {strides = array<i32>} : memref<1x77x512xf32, #tpu.memory_space<vmem>>, vector<16xf32>,
      %get3A_703 = arith.constant 0 : i32
      %get3A_704 = arith.constant 0 : i32
      %get3A_705 = arith.index_cast %get3A_703 : i32 to index
      %get3A_706 = arith.index_cast %get3A_704 : i32 to index
      %get3A_707 = arith.constant 288 : index
      %get3A_708 = tpu.vector_load %arg10[%get3A_705, %get3A_706, %get3A_707] {strides = array<i32>} : memref<1x1x512xf32, #tpu.memory_space<vmem>>, vector<16xf32>,
      %swap3A_709 = arith.constant 0 : i32
      %swap3A_710 = arith.constant 0 : i32
      %swap3A_711 = arith.index_cast %swap3A_709 : i32 to index
      %swap3A_712 = arith.index_cast %swap3A_710 : i32 to index
      %swap3A_713 = arith.constant 288 : index
      %swap3A_714 = tpu.vector_load %arg13[%swap3A_711, %swap3A_712, %swap3A_713] {strides = array<i32>} : memref<1x77x512xf32, #tpu.memory_space<vmem>>, vector<16xf32>,
      tpu.vector_store %arg13[%swap3A_711, %swap3A_712, %swap3A_713], %get3A_708 {strides = array<i32>} : memref<1x77x512xf32, #tpu.memory_space<vmem>>, vector<16xf32>,
      %get3A_715 = arith.constant 0 : i32
      %get3A_716 = arith.constant 0 : i32
      %get3A_717 = arith.index_cast %get3A_715 : i32 to index
      %get3A_718 = arith.index_cast %get3A_716 : i32 to index
      %get3A_719 = arith.constant 304 : index
      %get3A_720 = tpu.vector_load %arg10[%get3A_717, %get3A_718, %get3A_719] {strides = array<i32>} : memref<1x1x512xf32, #tpu.memory_space<vmem>>, vector<16xf32>,
      %swap3A_721 = arith.constant 0 : i32
      %swap3A_722 = arith.constant 0 : i32
      %swap3A_723 = arith.index_cast %swap3A_721 : i32 to index
      %swap3A_724 = arith.index_cast %swap3A_722 : i32 to index
      %swap3A_725 = arith.constant 304 : index
      %swap3A_726 = tpu.vector_load %arg13[%swap3A_723, %swap3A_724, %swap3A_725] {strides = array<i32>} : memref<1x77x512xf32, #tpu.memory_space<vmem>>, vector<16xf32>,
      tpu.vector_store %arg13[%swap3A_723, %swap3A_724, %swap3A_725], %get3A_720 {strides = array<i32>} : memref<1x77x512xf32, #tpu.memory_space<vmem>>, vector<16xf32>,
      %get3A_727 = arith.constant 0 : i32
      %get3A_728 = arith.constant 0 : i32
      %get3A_729 = arith.index_cast %get3A_727 : i32 to index
      %get3A_730 = arith.index_cast %get3A_728 : i32 to index
      %get3A_731 = arith.constant 320 : index
      %get3A_732 = tpu.vector_load %arg10[%get3A_729, %get3A_730, %get3A_731] {strides = array<i32>} : memref<1x1x512xf32, #tpu.memory_space<vmem>>, vector<16xf32>,
      %swap3A_733 = arith.constant 0 : i32
      %swap3A_734 = arith.constant 0 : i32
      %swap3A_735 = arith.index_cast %swap3A_733 : i32 to index
      %swap3A_736 = arith.index_cast %swap3A_734 : i32 to index
      %swap3A_737 = arith.constant 320 : index
      %swap3A_738 = tpu.vector_load %arg13[%swap3A_735, %swap3A_736, %swap3A_737] {strides = array<i32>} : memref<1x77x512xf32, #tpu.memory_space<vmem>>, vector<16xf32>,
      tpu.vector_store %arg13[%swap3A_735, %swap3A_736, %swap3A_737], %get3A_732 {strides = array<i32>} : memref<1x77x512xf32, #tpu.memory_space<vmem>>, vector<16xf32>,
      %get3A_739 = arith.constant 0 : i32
      %get3A_740 = arith.constant 0 : i32
      %get3A_741 = arith.index_cast %get3A_739 : i32 to index
      %get3A_742 = arith.index_cast %get3A_740 : i32 to index
      %get3A_743 = arith.constant 336 : index
      %get3A_744 = tpu.vector_load %arg10[%get3A_741, %get3A_742, %get3A_743] {strides = array<i32>} : memref<1x1x512xf32, #tpu.memory_space<vmem>>, vector<16xf32>,
      %swap3A_745 = arith.constant 0 : i32
      %swap3A_746 = arith.constant 0 : i32
      %swap3A_747 = arith.index_cast %swap3A_745 : i32 to index
      %swap3A_748 = arith.index_cast %swap3A_746 : i32 to index
      %swap3A_749 = arith.constant 336 : index
      %swap3A_750 = tpu.vector_load %arg13[%swap3A_747, %swap3A_748, %swap3A_749] {strides = array<i32>} : memref<1x77x512xf32, #tpu.memory_space<vmem>>, vector<16xf32>,
      tpu.vector_store %arg13[%swap3A_747, %swap3A_748, %swap3A_749], %get3A_744 {strides = array<i32>} : memref<1x77x512xf32, #tpu.memory_space<vmem>>, vector<16xf32>,
      %get3A_751 = arith.constant 0 : i32
      %get3A_752 = arith.constant 0 : i32
      %get3A_753 = arith.index_cast %get3A_751 : i32 to index
      %get3A_754 = arith.index_cast %get3A_752 : i32 to index
      %get3A_755 = arith.constant 352 : index
      %get3A_756 = tpu.vector_load %arg10[%get3A_753, %get3A_754, %get3A_755] {strides = array<i32>} : memref<1x1x512xf32, #tpu.memory_space<vmem>>, vector<16xf32>,
      %swap3A_757 = arith.constant 0 : i32
      %swap3A_758 = arith.constant 0 : i32
      %swap3A_759 = arith.index_cast %swap3A_757 : i32 to index
      %swap3A_760 = arith.index_cast %swap3A_758 : i32 to index
      %swap3A_761 = arith.constant 352 : index
      %swap3A_762 = tpu.vector_load %arg13[%swap3A_759, %swap3A_760, %swap3A_761] {strides = array<i32>} : memref<1x77x512xf32, #tpu.memory_space<vmem>>, vector<16xf32>,
      tpu.vector_store %arg13[%swap3A_759, %swap3A_760, %swap3A_761], %get3A_756 {strides = array<i32>} : memref<1x77x512xf32, #tpu.memory_space<vmem>>, vector<16xf32>,
      %get3A_763 = arith.constant 0 : i32
      %get3A_764 = arith.constant 0 : i32
      %get3A_765 = arith.index_cast %get3A_763 : i32 to index
      %get3A_766 = arith.index_cast %get3A_764 : i32 to index
      %get3A_767 = arith.constant 368 : index
      %get3A_768 = tpu.vector_load %arg10[%get3A_765, %get3A_766, %get3A_767] {strides = array<i32>} : memref<1x1x512xf32, #tpu.memory_space<vmem>>, vector<16xf32>,
      %swap3A_769 = arith.constant 0 : i32
      %swap3A_770 = arith.constant 0 : i32
      %swap3A_771 = arith.index_cast %swap3A_769 : i32 to index
      %swap3A_772 = arith.index_cast %swap3A_770 : i32 to index
      %swap3A_773 = arith.constant 368 : index
      %swap3A_774 = tpu.vector_load %arg13[%swap3A_771, %swap3A_772, %swap3A_773] {strides = array<i32>} : memref<1x77x512xf32, #tpu.memory_space<vmem>>, vector<16xf32>,
      tpu.vector_store %arg13[%swap3A_771, %swap3A_772, %swap3A_773], %get3A_768 {strides = array<i32>} : memref<1x77x512xf32, #tpu.memory_space<vmem>>, vector<16xf32>,
      %get3A_775 = arith.constant 0 : i32
      %get3A_776 = arith.constant 0 : i32
      %get3A_777 = arith.index_cast %get3A_775 : i32 to index
      %get3A_778 = arith.index_cast %get3A_776 : i32 to index
      %get3A_779 = arith.constant 384 : index
      %get3A_780 = tpu.vector_load %arg10[%get3A_777, %get3A_778, %get3A_779] {strides = array<i32>} : memref<1x1x512xf32, #tpu.memory_space<vmem>>, vector<16xf32>,
      %swap3A_781 = arith.constant 0 : i32
      %swap3A_782 = arith.constant 0 : i32
      %swap3A_783 = arith.index_cast %swap3A_781 : i32 to index
      %swap3A_784 = arith.index_cast %swap3A_782 : i32 to index
      %swap3A_785 = arith.constant 384 : index
      %swap3A_786 = tpu.vector_load %arg13[%swap3A_783, %swap3A_784, %swap3A_785] {strides = array<i32>} : memref<1x77x512xf32, #tpu.memory_space<vmem>>, vector<16xf32>,
      tpu.vector_store %arg13[%swap3A_783, %swap3A_784, %swap3A_785], %get3A_780 {strides = array<i32>} : memref<1x77x512xf32, #tpu.memory_space<vmem>>, vector<16xf32>,
      %get3A_787 = arith.constant 0 : i32
      %get3A_788 = arith.constant 0 : i32
      %get3A_789 = arith.index_cast %get3A_787 : i32 to index
      %get3A_790 = arith.index_cast %get3A_788 : i32 to index
      %get3A_791 = arith.constant 400 : index
      %get3A_792 = tpu.vector_load %arg10[%get3A_789, %get3A_790, %get3A_791] {strides = array<i32>} : memref<1x1x512xf32, #tpu.memory_space<vmem>>, vector<16xf32>,
      %swap3A_793 = arith.constant 0 : i32
      %swap3A_794 = arith.constant 0 : i32
      %swap3A_795 = arith.index_cast %swap3A_793 : i32 to index
      %swap3A_796 = arith.index_cast %swap3A_794 : i32 to index
      %swap3A_797 = arith.constant 400 : index
      %swap3A_798 = tpu.vector_load %arg13[%swap3A_795, %swap3A_796, %swap3A_797] {strides = array<i32>} : memref<1x77x512xf32, #tpu.memory_space<vmem>>, vector<16xf32>,
      tpu.vector_store %arg13[%swap3A_795, %swap3A_796, %swap3A_797], %get3A_792 {strides = array<i32>} : memref<1x77x512xf32, #tpu.memory_space<vmem>>, vector<16xf32>,
      %get3A_799 = arith.constant 0 : i32
      %get3A_800 = arith.constant 0 : i32
      %get3A_801 = arith.index_cast %get3A_799 : i32 to index
      %get3A_802 = arith.index_cast %get3A_800 : i32 to index
      %get3A_803 = arith.constant 416 : index
      %get3A_804 = tpu.vector_load %arg10[%get3A_801, %get3A_802, %get3A_803] {strides = array<i32>} : memref<1x1x512xf32, #tpu.memory_space<vmem>>, vector<16xf32>,
      %swap3A_805 = arith.constant 0 : i32
      %swap3A_806 = arith.constant 0 : i32
      %swap3A_807 = arith.index_cast %swap3A_805 : i32 to index
      %swap3A_808 = arith.index_cast %swap3A_806 : i32 to index
      %swap3A_809 = arith.constant 416 : index
      %swap3A_810 = tpu.vector_load %arg13[%swap3A_807, %swap3A_808, %swap3A_809] {strides = array<i32>} : memref<1x77x512xf32, #tpu.memory_space<vmem>>, vector<16xf32>,
      tpu.vector_store %arg13[%swap3A_807, %swap3A_808, %swap3A_809], %get3A_804 {strides = array<i32>} : memref<1x77x512xf32, #tpu.memory_space<vmem>>, vector<16xf32>,
      %get3A_811 = arith.constant 0 : i32
      %get3A_812 = arith.constant 0 : i32
      %get3A_813 = arith.index_cast %get3A_811 : i32 to index
      %get3A_814 = arith.index_cast %get3A_812 : i32 to index
      %get3A_815 = arith.constant 432 : index
      %get3A_816 = tpu.vector_load %arg10[%get3A_813, %get3A_814, %get3A_815] {strides = array<i32>} : memref<1x1x512xf32, #tpu.memory_space<vmem>>, vector<16xf32>,
      %swap3A_817 = arith.constant 0 : i32
      %swap3A_818 = arith.constant 0 : i32
      %swap3A_819 = arith.index_cast %swap3A_817 : i32 to index
      %swap3A_820 = arith.index_cast %swap3A_818 : i32 to index
      %swap3A_821 = arith.constant 432 : index
      %swap3A_822 = tpu.vector_load %arg13[%swap3A_819, %swap3A_820, %swap3A_821] {strides = array<i32>} : memref<1x77x512xf32, #tpu.memory_space<vmem>>, vector<16xf32>,
      tpu.vector_store %arg13[%swap3A_819, %swap3A_820, %swap3A_821], %get3A_816 {strides = array<i32>} : memref<1x77x512xf32, #tpu.memory_space<vmem>>, vector<16xf32>,
      %get3A_823 = arith.constant 0 : i32
      %get3A_824 = arith.constant 0 : i32
      %get3A_825 = arith.index_cast %get3A_823 : i32 to index
      %get3A_826 = arith.index_cast %get3A_824 : i32 to index
      %get3A_827 = arith.constant 448 : index
      %get3A_828 = tpu.vector_load %arg10[%get3A_825, %get3A_826, %get3A_827] {strides = array<i32>} : memref<1x1x512xf32, #tpu.memory_space<vmem>>, vector<16xf32>,
      %swap3A_829 = arith.constant 0 : i32
      %swap3A_830 = arith.constant 0 : i32
      %swap3A_831 = arith.index_cast %swap3A_829 : i32 to index
      %swap3A_832 = arith.index_cast %swap3A_830 : i32 to index
      %swap3A_833 = arith.constant 448 : index
      %swap3A_834 = tpu.vector_load %arg13[%swap3A_831, %swap3A_832, %swap3A_833] {strides = array<i32>} : memref<1x77x512xf32, #tpu.memory_space<vmem>>, vector<16xf32>,
      tpu.vector_store %arg13[%swap3A_831, %swap3A_832, %swap3A_833], %get3A_828 {strides = array<i32>} : memref<1x77x512xf32, #tpu.memory_space<vmem>>, vector<16xf32>,
      %get3A_835 = arith.constant 0 : i32
      %get3A_836 = arith.constant 0 : i32
      %get3A_837 = arith.index_cast %get3A_835 : i32 to index
      %get3A_838 = arith.index_cast %get3A_836 : i32 to index
      %get3A_839 = arith.constant 464 : index
      %get3A_840 = tpu.vector_load %arg10[%get3A_837, %get3A_838, %get3A_839] {strides = array<i32>} : memref<1x1x512xf32, #tpu.memory_space<vmem>>, vector<16xf32>,
      %swap3A_841 = arith.constant 0 : i32
      %swap3A_842 = arith.constant 0 : i32
      %swap3A_843 = arith.index_cast %swap3A_841 : i32 to index
      %swap3A_844 = arith.index_cast %swap3A_842 : i32 to index
      %swap3A_845 = arith.constant 464 : index
      %swap3A_846 = tpu.vector_load %arg13[%swap3A_843, %swap3A_844, %swap3A_845] {strides = array<i32>} : memref<1x77x512xf32, #tpu.memory_space<vmem>>, vector<16xf32>,
      tpu.vector_store %arg13[%swap3A_843, %swap3A_844, %swap3A_845], %get3A_840 {strides = array<i32>} : memref<1x77x512xf32, #tpu.memory_space<vmem>>, vector<16xf32>,
      %get3A_847 = arith.constant 0 : i32
      %get3A_848 = arith.constant 0 : i32
      %get3A_849 = arith.index_cast %get3A_847 : i32 to index
      %get3A_850 = arith.index_cast %get3A_848 : i32 to index
      %get3A_851 = arith.constant 480 : index
      %get3A_852 = tpu.vector_load %arg10[%get3A_849, %get3A_850, %get3A_851] {strides = array<i32>} : memref<1x1x512xf32, #tpu.memory_space<vmem>>, vector<16xf32>,
      %swap3A_853 = arith.constant 0 : i32
      %swap3A_854 = arith.constant 0 : i32
      %swap3A_855 = arith.index_cast %swap3A_853 : i32 to index
      %swap3A_856 = arith.index_cast %swap3A_854 : i32 to index
      %swap3A_857 = arith.constant 480 : index
      %swap3A_858 = tpu.vector_load %arg13[%swap3A_855, %swap3A_856, %swap3A_857] {strides = array<i32>} : memref<1x77x512xf32, #tpu.memory_space<vmem>>, vector<16xf32>,
      tpu.vector_store %arg13[%swap3A_855, %swap3A_856, %swap3A_857], %get3A_852 {strides = array<i32>} : memref<1x77x512xf32, #tpu.memory_space<vmem>>, vector<16xf32>,
      %get3A_859 = arith.constant 0 : i32
      %get3A_860 = arith.constant 0 : i32
      %get3A_861 = arith.index_cast %get3A_859 : i32 to index
      %get3A_862 = arith.index_cast %get3A_860 : i32 to index
      %get3A_863 = arith.constant 496 : index
      %get3A_864 = tpu.vector_load %arg10[%get3A_861, %get3A_862, %get3A_863] {strides = array<i32>} : memref<1x1x512xf32, #tpu.memory_space<vmem>>, vector<16xf32>,
      %swap3A_865 = arith.constant 0 : i32
      %swap3A_866 = arith.constant 0 : i32
      %swap3A_867 = arith.index_cast %swap3A_865 : i32 to index
      %swap3A_868 = arith.index_cast %swap3A_866 : i32 to index
      %swap3A_869 = arith.constant 496 : index
      %swap3A_870 = tpu.vector_load %arg13[%swap3A_867, %swap3A_868, %swap3A_869] {strides = array<i32>} : memref<1x77x512xf32, #tpu.memory_space<vmem>>, vector<16xf32>,
      tpu.vector_store %arg13[%swap3A_867, %swap3A_868, %swap3A_869], %get3A_864 {strides = array<i32>} : memref<1x77x512xf32, #tpu.memory_space<vmem>>, vector<16xf32>,
      %parallel_loop3A_871 = arith.constant 0 : i32
      %parallel_loop3A_872 = arith.constant 60 : i32
      %parallel_loop3A_873 = arith.constant 1 : i32
      scf.for %parallel_loop3A_880 = %parallel_loop3A_871 to %parallel_loop3A_872 step %parallel_loop3A_873  : i32 {
        %parallel_loop3A_881 = arith.constant 17 : i32
        %parallel_loop3A_882 = arith.addi %parallel_loop3A_881, %parallel_loop3A_880 : i32
        %parallel_loop3A_883 = arith.constant 0 : i32
        %parallel_loop3A_884 = arith.index_cast %parallel_loop3A_883 : i32 to index
        %parallel_loop3A_885 = arith.index_cast %parallel_loop3A_880 : i32 to index
        %parallel_loop3A_886 = arith.constant 0 : index
        %parallel_loop3A_887 = tpu.vector_load %arg12[%parallel_loop3A_884, %parallel_loop3A_885, %parallel_loop3A_886] {strides = array<i32>} : memref<1x60x512xf32, #tpu.memory_space<vmem>>, vector<16xf32>,
        %parallel_loop3A_888 = arith.constant 0 : i32
        %parallel_loop3A_889 = arith.index_cast %parallel_loop3A_888 : i32 to index
        %parallel_loop3A_890 = arith.index_cast %parallel_loop3A_882 : i32 to index
        %parallel_loop3A_891 = arith.constant 0 : index
        %parallel_loop3A_892 = tpu.vector_load %arg13[%parallel_loop3A_889, %parallel_loop3A_890, %parallel_loop3A_891] {strides = array<i32>} : memref<1x77x512xf32, #tpu.memory_space<vmem>>, vector<16xf32>,
        tpu.vector_store %arg13[%parallel_loop3A_889, %parallel_loop3A_890, %parallel_loop3A_891], %parallel_loop3A_887 {strides = array<i32>} : memref<1x77x512xf32, #tpu.memory_space<vmem>>, vector<16xf32>,
        %parallel_loop3A_893 = arith.constant 0 : i32
        %parallel_loop3A_894 = arith.index_cast %parallel_loop3A_893 : i32 to index
        %parallel_loop3A_895 = arith.index_cast %parallel_loop3A_880 : i32 to index
        %parallel_loop3A_896 = arith.constant 16 : index
        %parallel_loop3A_897 = tpu.vector_load %arg12[%parallel_loop3A_894, %parallel_loop3A_895, %parallel_loop3A_896] {strides = array<i32>} : memref<1x60x512xf32, #tpu.memory_space<vmem>>, vector<16xf32>,
        %parallel_loop3A_898 = arith.constant 0 : i32
        %parallel_loop3A_899 = arith.index_cast %parallel_loop3A_898 : i32 to index
        %parallel_loop3A_900 = arith.index_cast %parallel_loop3A_882 : i32 to index
        %parallel_loop3A_901 = arith.constant 16 : index
        %parallel_loop3A_902 = tpu.vector_load %arg13[%parallel_loop3A_899, %parallel_loop3A_900, %parallel_loop3A_901] {strides = array<i32>} : memref<1x77x512xf32, #tpu.memory_space<vmem>>, vector<16xf32>,
        tpu.vector_store %arg13[%parallel_loop3A_899, %parallel_loop3A_900, %parallel_loop3A_901], %parallel_loop3A_897 {strides = array<i32>} : memref<1x77x512xf32, #tpu.memory_space<vmem>>, vector<16xf32>,
        %parallel_loop3A_903 = arith.constant 0 : i32
        %parallel_loop3A_904 = arith.index_cast %parallel_loop3A_903 : i32 to index
        %parallel_loop3A_905 = arith.index_cast %parallel_loop3A_880 : i32 to index
        %parallel_loop3A_906 = arith.constant 32 : index
        %parallel_loop3A_907 = tpu.vector_load %arg12[%parallel_loop3A_904, %parallel_loop3A_905, %parallel_loop3A_906] {strides = array<i32>} : memref<1x60x512xf32, #tpu.memory_space<vmem>>, vector<16xf32>,
        %parallel_loop3A_908 = arith.constant 0 : i32
        %parallel_loop3A_909 = arith.index_cast %parallel_loop3A_908 : i32 to index
        %parallel_loop3A_910 = arith.index_cast %parallel_loop3A_882 : i32 to index
        %parallel_loop3A_911 = arith.constant 32 : index
        %parallel_loop3A_912 = tpu.vector_load %arg13[%parallel_loop3A_909, %parallel_loop3A_910, %parallel_loop3A_911] {strides = array<i32>} : memref<1x77x512xf32, #tpu.memory_space<vmem>>, vector<16xf32>,
        tpu.vector_store %arg13[%parallel_loop3A_909, %parallel_loop3A_910, %parallel_loop3A_911], %parallel_loop3A_907 {strides = array<i32>} : memref<1x77x512xf32, #tpu.memory_space<vmem>>, vector<16xf32>,
        %parallel_loop3A_913 = arith.constant 0 : i32
        %parallel_loop3A_914 = arith.index_cast %parallel_loop3A_913 : i32 to index
        %parallel_loop3A_915 = arith.index_cast %parallel_loop3A_880 : i32 to index
        %parallel_loop3A_916 = arith.constant 48 : index
        %parallel_loop3A_917 = tpu.vector_load %arg12[%parallel_loop3A_914, %parallel_loop3A_915, %parallel_loop3A_916] {strides = array<i32>} : memref<1x60x512xf32, #tpu.memory_space<vmem>>, vector<16xf32>,
        %parallel_loop3A_918 = arith.constant 0 : i32
        %parallel_loop3A_919 = arith.index_cast %parallel_loop3A_918 : i32 to index
        %parallel_loop3A_920 = arith.index_cast %parallel_loop3A_882 : i32 to index
        %parallel_loop3A_921 = arith.constant 48 : index
        %parallel_loop3A_922 = tpu.vector_load %arg13[%parallel_loop3A_919, %parallel_loop3A_920, %parallel_loop3A_921] {strides = array<i32>} : memref<1x77x512xf32, #tpu.memory_space<vmem>>, vector<16xf32>,
        tpu.vector_store %arg13[%parallel_loop3A_919, %parallel_loop3A_920, %parallel_loop3A_921], %parallel_loop3A_917 {strides = array<i32>} : memref<1x77x512xf32, #tpu.memory_space<vmem>>, vector<16xf32>,
        %parallel_loop3A_923 = arith.constant 0 : i32
        %parallel_loop3A_924 = arith.index_cast %parallel_loop3A_923 : i32 to index
        %parallel_loop3A_925 = arith.index_cast %parallel_loop3A_880 : i32 to index
        %parallel_loop3A_926 = arith.constant 64 : index
        %parallel_loop3A_927 = tpu.vector_load %arg12[%parallel_loop3A_924, %parallel_loop3A_925, %parallel_loop3A_926] {strides = array<i32>} : memref<1x60x512xf32, #tpu.memory_space<vmem>>, vector<16xf32>,
        %parallel_loop3A_928 = arith.constant 0 : i32
        %parallel_loop3A_929 = arith.index_cast %parallel_loop3A_928 : i32 to index
        %parallel_loop3A_930 = arith.index_cast %parallel_loop3A_882 : i32 to index
        %parallel_loop3A_931 = arith.constant 64 : index
        %parallel_loop3A_932 = tpu.vector_load %arg13[%parallel_loop3A_929, %parallel_loop3A_930, %parallel_loop3A_931] {strides = array<i32>} : memref<1x77x512xf32, #tpu.memory_space<vmem>>, vector<16xf32>,
        tpu.vector_store %arg13[%parallel_loop3A_929, %parallel_loop3A_930, %parallel_loop3A_931], %parallel_loop3A_927 {strides = array<i32>} : memref<1x77x512xf32, #tpu.memory_space<vmem>>, vector<16xf32>,
        %parallel_loop3A_933 = arith.constant 0 : i32
        %parallel_loop3A_934 = arith.index_cast %parallel_loop3A_933 : i32 to index
        %parallel_loop3A_935 = arith.index_cast %parallel_loop3A_880 : i32 to index
        %parallel_loop3A_936 = arith.constant 80 : index
        %parallel_loop3A_937 = tpu.vector_load %arg12[%parallel_loop3A_934, %parallel_loop3A_935, %parallel_loop3A_936] {strides = array<i32>} : memref<1x60x512xf32, #tpu.memory_space<vmem>>, vector<16xf32>,
        %parallel_loop3A_938 = arith.constant 0 : i32
        %parallel_loop3A_939 = arith.index_cast %parallel_loop3A_938 : i32 to index
        %parallel_loop3A_940 = arith.index_cast %parallel_loop3A_882 : i32 to index
        %parallel_loop3A_941 = arith.constant 80 : index
        %parallel_loop3A_942 = tpu.vector_load %arg13[%parallel_loop3A_939, %parallel_loop3A_940, %parallel_loop3A_941] {strides = array<i32>} : memref<1x77x512xf32, #tpu.memory_space<vmem>>, vector<16xf32>,
        tpu.vector_store %arg13[%parallel_loop3A_939, %parallel_loop3A_940, %parallel_loop3A_941], %parallel_loop3A_937 {strides = array<i32>} : memref<1x77x512xf32, #tpu.memory_space<vmem>>, vector<16xf32>,
        %parallel_loop3A_943 = arith.constant 0 : i32
        %parallel_loop3A_944 = arith.index_cast %parallel_loop3A_943 : i32 to index
        %parallel_loop3A_945 = arith.index_cast %parallel_loop3A_880 : i32 to index
        %parallel_loop3A_946 = arith.constant 96 : index
        %parallel_loop3A_947 = tpu.vector_load %arg12[%parallel_loop3A_944, %parallel_loop3A_945, %parallel_loop3A_946] {strides = array<i32>} : memref<1x60x512xf32, #tpu.memory_space<vmem>>, vector<16xf32>,
        %parallel_loop3A_948 = arith.constant 0 : i32
        %parallel_loop3A_949 = arith.index_cast %parallel_loop3A_948 : i32 to index
        %parallel_loop3A_950 = arith.index_cast %parallel_loop3A_882 : i32 to index
        %parallel_loop3A_951 = arith.constant 96 : index
        %parallel_loop3A_952 = tpu.vector_load %arg13[%parallel_loop3A_949, %parallel_loop3A_950, %parallel_loop3A_951] {strides = array<i32>} : memref<1x77x512xf32, #tpu.memory_space<vmem>>, vector<16xf32>,
        tpu.vector_store %arg13[%parallel_loop3A_949, %parallel_loop3A_950, %parallel_loop3A_951], %parallel_loop3A_947 {strides = array<i32>} : memref<1x77x512xf32, #tpu.memory_space<vmem>>, vector<16xf32>,
        %parallel_loop3A_953 = arith.constant 0 : i32
        %parallel_loop3A_954 = arith.index_cast %parallel_loop3A_953 : i32 to index
        %parallel_loop3A_955 = arith.index_cast %parallel_loop3A_880 : i32 to index
        %parallel_loop3A_956 = arith.constant 112 : index
        %parallel_loop3A_957 = tpu.vector_load %arg12[%parallel_loop3A_954, %parallel_loop3A_955, %parallel_loop3A_956] {strides = array<i32>} : memref<1x60x512xf32, #tpu.memory_space<vmem>>, vector<16xf32>,
        %parallel_loop3A_958 = arith.constant 0 : i32
        %parallel_loop3A_959 = arith.index_cast %parallel_loop3A_958 : i32 to index
        %parallel_loop3A_960 = arith.index_cast %parallel_loop3A_882 : i32 to index
        %parallel_loop3A_961 = arith.constant 112 : index
        %parallel_loop3A_962 = tpu.vector_load %arg13[%parallel_loop3A_959, %parallel_loop3A_960, %parallel_loop3A_961] {strides = array<i32>} : memref<1x77x512xf32, #tpu.memory_space<vmem>>, vector<16xf32>,
        tpu.vector_store %arg13[%parallel_loop3A_959, %parallel_loop3A_960, %parallel_loop3A_961], %parallel_loop3A_957 {strides = array<i32>} : memref<1x77x512xf32, #tpu.memory_space<vmem>>, vector<16xf32>,
        %parallel_loop3A_963 = arith.constant 0 : i32
        %parallel_loop3A_964 = arith.index_cast %parallel_loop3A_963 : i32 to index
        %parallel_loop3A_965 = arith.index_cast %parallel_loop3A_880 : i32 to index
        %parallel_loop3A_966 = arith.constant 128 : index
        %parallel_loop3A_967 = tpu.vector_load %arg12[%parallel_loop3A_964, %parallel_loop3A_965, %parallel_loop3A_966] {strides = array<i32>} : memref<1x60x512xf32, #tpu.memory_space<vmem>>, vector<16xf32>,
        %parallel_loop3A_968 = arith.constant 0 : i32
        %parallel_loop3A_969 = arith.index_cast %parallel_loop3A_968 : i32 to index
        %parallel_loop3A_970 = arith.index_cast %parallel_loop3A_882 : i32 to index
        %parallel_loop3A_971 = arith.constant 128 : index
        %parallel_loop3A_972 = tpu.vector_load %arg13[%parallel_loop3A_969, %parallel_loop3A_970, %parallel_loop3A_971] {strides = array<i32>} : memref<1x77x512xf32, #tpu.memory_space<vmem>>, vector<16xf32>,
        tpu.vector_store %arg13[%parallel_loop3A_969, %parallel_loop3A_970, %parallel_loop3A_971], %parallel_loop3A_967 {strides = array<i32>} : memref<1x77x512xf32, #tpu.memory_space<vmem>>, vector<16xf32>,
        %parallel_loop3A_973 = arith.constant 0 : i32
        %parallel_loop3A_974 = arith.index_cast %parallel_loop3A_973 : i32 to index
        %parallel_loop3A_975 = arith.index_cast %parallel_loop3A_880 : i32 to index
        %parallel_loop3A_976 = arith.constant 144 : index
        %parallel_loop3A_977 = tpu.vector_load %arg12[%parallel_loop3A_974, %parallel_loop3A_975, %parallel_loop3A_976] {strides = array<i32>} : memref<1x60x512xf32, #tpu.memory_space<vmem>>, vector<16xf32>,
        %parallel_loop3A_978 = arith.constant 0 : i32
        %parallel_loop3A_979 = arith.index_cast %parallel_loop3A_978 : i32 to index
        %parallel_loop3A_980 = arith.index_cast %parallel_loop3A_882 : i32 to index
        %parallel_loop3A_981 = arith.constant 144 : index
        %parallel_loop3A_982 = tpu.vector_load %arg13[%parallel_loop3A_979, %parallel_loop3A_980, %parallel_loop3A_981] {strides = array<i32>} : memref<1x77x512xf32, #tpu.memory_space<vmem>>, vector<16xf32>,
        tpu.vector_store %arg13[%parallel_loop3A_979, %parallel_loop3A_980, %parallel_loop3A_981], %parallel_loop3A_977 {strides = array<i32>} : memref<1x77x512xf32, #tpu.memory_space<vmem>>, vector<16xf32>,
        %parallel_loop3A_983 = arith.constant 0 : i32
        %parallel_loop3A_984 = arith.index_cast %parallel_loop3A_983 : i32 to index
        %parallel_loop3A_985 = arith.index_cast %parallel_loop3A_880 : i32 to index
        %parallel_loop3A_986 = arith.constant 160 : index
        %parallel_loop3A_987 = tpu.vector_load %arg12[%parallel_loop3A_984, %parallel_loop3A_985, %parallel_loop3A_986] {strides = array<i32>} : memref<1x60x512xf32, #tpu.memory_space<vmem>>, vector<16xf32>,
        %parallel_loop3A_988 = arith.constant 0 : i32
        %parallel_loop3A_989 = arith.index_cast %parallel_loop3A_988 : i32 to index
        %parallel_loop3A_990 = arith.index_cast %parallel_loop3A_882 : i32 to index
        %parallel_loop3A_991 = arith.constant 160 : index
        %parallel_loop3A_992 = tpu.vector_load %arg13[%parallel_loop3A_989, %parallel_loop3A_990, %parallel_loop3A_991] {strides = array<i32>} : memref<1x77x512xf32, #tpu.memory_space<vmem>>, vector<16xf32>,
        tpu.vector_store %arg13[%parallel_loop3A_989, %parallel_loop3A_990, %parallel_loop3A_991], %parallel_loop3A_987 {strides = array<i32>} : memref<1x77x512xf32, #tpu.memory_space<vmem>>, vector<16xf32>,
        %parallel_loop3A_993 = arith.constant 0 : i32
        %parallel_loop3A_994 = arith.index_cast %parallel_loop3A_993 : i32 to index
        %parallel_loop3A_995 = arith.index_cast %parallel_loop3A_880 : i32 to index
        %parallel_loop3A_996 = arith.constant 176 : index
        %parallel_loop3A_997 = tpu.vector_load %arg12[%parallel_loop3A_994, %parallel_loop3A_995, %parallel_loop3A_996] {strides = array<i32>} : memref<1x60x512xf32, #tpu.memory_space<vmem>>, vector<16xf32>,
        %parallel_loop3A_998 = arith.constant 0 : i32
        %parallel_loop3A_999 = arith.index_cast %parallel_loop3A_998 : i32 to index
        %parallel_loop3A_1000 = arith.index_cast %parallel_loop3A_882 : i32 to index
        %parallel_loop3A_1001 = arith.constant 176 : index
        %parallel_loop3A_1002 = tpu.vector_load %arg13[%parallel_loop3A_999, %parallel_loop3A_1000, %parallel_loop3A_1001] {strides = array<i32>} : memref<1x77x512xf32, #tpu.memory_space<vmem>>, vector<16xf32>,
        tpu.vector_store %arg13[%parallel_loop3A_999, %parallel_loop3A_1000, %parallel_loop3A_1001], %parallel_loop3A_997 {strides = array<i32>} : memref<1x77x512xf32, #tpu.memory_space<vmem>>, vector<16xf32>,
        %parallel_loop3A_1003 = arith.constant 0 : i32
        %parallel_loop3A_1004 = arith.index_cast %parallel_loop3A_1003 : i32 to index
        %parallel_loop3A_1005 = arith.index_cast %parallel_loop3A_880 : i32 to index
        %parallel_loop3A_1006 = arith.constant 192 : index
        %parallel_loop3A_1007 = tpu.vector_load %arg12[%parallel_loop3A_1004, %parallel_loop3A_1005, %parallel_loop3A_1006] {strides = array<i32>} : memref<1x60x512xf32, #tpu.memory_space<vmem>>, vector<16xf32>,
        %parallel_loop3A_1008 = arith.constant 0 : i32
        %parallel_loop3A_1009 = arith.index_cast %parallel_loop3A_1008 : i32 to index
        %parallel_loop3A_1010 = arith.index_cast %parallel_loop3A_882 : i32 to index
        %parallel_loop3A_1011 = arith.constant 192 : index
        %parallel_loop3A_1012 = tpu.vector_load %arg13[%parallel_loop3A_1009, %parallel_loop3A_1010, %parallel_loop3A_1011] {strides = array<i32>} : memref<1x77x512xf32, #tpu.memory_space<vmem>>, vector<16xf32>,
        tpu.vector_store %arg13[%parallel_loop3A_1009, %parallel_loop3A_1010, %parallel_loop3A_1011], %parallel_loop3A_1007 {strides = array<i32>} : memref<1x77x512xf32, #tpu.memory_space<vmem>>, vector<16xf32>,
        %parallel_loop3A_1013 = arith.constant 0 : i32
        %parallel_loop3A_1014 = arith.index_cast %parallel_loop3A_1013 : i32 to index
        %parallel_loop3A_1015 = arith.index_cast %parallel_loop3A_880 : i32 to index
        %parallel_loop3A_1016 = arith.constant 208 : index
        %parallel_loop3A_1017 = tpu.vector_load %arg12[%parallel_loop3A_1014, %parallel_loop3A_1015, %parallel_loop3A_1016] {strides = array<i32>} : memref<1x60x512xf32, #tpu.memory_space<vmem>>, vector<16xf32>,
        %parallel_loop3A_1018 = arith.constant 0 : i32
        %parallel_loop3A_1019 = arith.index_cast %parallel_loop3A_1018 : i32 to index
        %parallel_loop3A_1020 = arith.index_cast %parallel_loop3A_882 : i32 to index
        %parallel_loop3A_1021 = arith.constant 208 : index
        %parallel_loop3A_1022 = tpu.vector_load %arg13[%parallel_loop3A_1019, %parallel_loop3A_1020, %parallel_loop3A_1021] {strides = array<i32>} : memref<1x77x512xf32, #tpu.memory_space<vmem>>, vector<16xf32>,
        tpu.vector_store %arg13[%parallel_loop3A_1019, %parallel_loop3A_1020, %parallel_loop3A_1021], %parallel_loop3A_1017 {strides = array<i32>} : memref<1x77x512xf32, #tpu.memory_space<vmem>>, vector<16xf32>,
        %parallel_loop3A_1023 = arith.constant 0 : i32
        %parallel_loop3A_1024 = arith.index_cast %parallel_loop3A_1023 : i32 to index
        %parallel_loop3A_1025 = arith.index_cast %parallel_loop3A_880 : i32 to index
        %parallel_loop3A_1026 = arith.constant 224 : index
        %parallel_loop3A_1027 = tpu.vector_load %arg12[%parallel_loop3A_1024, %parallel_loop3A_1025, %parallel_loop3A_1026] {strides = array<i32>} : memref<1x60x512xf32, #tpu.memory_space<vmem>>, vector<16xf32>,
        %parallel_loop3A_1028 = arith.constant 0 : i32
        %parallel_loop3A_1029 = arith.index_cast %parallel_loop3A_1028 : i32 to index
        %parallel_loop3A_1030 = arith.index_cast %parallel_loop3A_882 : i32 to index
        %parallel_loop3A_1031 = arith.constant 224 : index
        %parallel_loop3A_1032 = tpu.vector_load %arg13[%parallel_loop3A_1029, %parallel_loop3A_1030, %parallel_loop3A_1031] {strides = array<i32>} : memref<1x77x512xf32, #tpu.memory_space<vmem>>, vector<16xf32>,
        tpu.vector_store %arg13[%parallel_loop3A_1029, %parallel_loop3A_1030, %parallel_loop3A_1031], %parallel_loop3A_1027 {strides = array<i32>} : memref<1x77x512xf32, #tpu.memory_space<vmem>>, vector<16xf32>,
        %parallel_loop3A_1033 = arith.constant 0 : i32
        %parallel_loop3A_1034 = arith.index_cast %parallel_loop3A_1033 : i32 to index
        %parallel_loop3A_1035 = arith.index_cast %parallel_loop3A_880 : i32 to index
        %parallel_loop3A_1036 = arith.constant 240 : index
        %parallel_loop3A_1037 = tpu.vector_load %arg12[%parallel_loop3A_1034, %parallel_loop3A_1035, %parallel_loop3A_1036] {strides = array<i32>} : memref<1x60x512xf32, #tpu.memory_space<vmem>>, vector<16xf32>,
        %parallel_loop3A_1038 = arith.constant 0 : i32
        %parallel_loop3A_1039 = arith.index_cast %parallel_loop3A_1038 : i32 to index
        %parallel_loop3A_1040 = arith.index_cast %parallel_loop3A_882 : i32 to index
        %parallel_loop3A_1041 = arith.constant 240 : index
        %parallel_loop3A_1042 = tpu.vector_load %arg13[%parallel_loop3A_1039, %parallel_loop3A_1040, %parallel_loop3A_1041] {strides = array<i32>} : memref<1x77x512xf32, #tpu.memory_space<vmem>>, vector<16xf32>,
        tpu.vector_store %arg13[%parallel_loop3A_1039, %parallel_loop3A_1040, %parallel_loop3A_1041], %parallel_loop3A_1037 {strides = array<i32>} : memref<1x77x512xf32, #tpu.memory_space<vmem>>, vector<16xf32>,
        %parallel_loop3A_1043 = arith.constant 0 : i32
        %parallel_loop3A_1044 = arith.index_cast %parallel_loop3A_1043 : i32 to index
        %parallel_loop3A_1045 = arith.index_cast %parallel_loop3A_880 : i32 to index
        %parallel_loop3A_1046 = arith.constant 256 : index
        %parallel_loop3A_1047 = tpu.vector_load %arg12[%parallel_loop3A_1044, %parallel_loop3A_1045, %parallel_loop3A_1046] {strides = array<i32>} : memref<1x60x512xf32, #tpu.memory_space<vmem>>, vector<16xf32>,
        %parallel_loop3A_1048 = arith.constant 0 : i32
        %parallel_loop3A_1049 = arith.index_cast %parallel_loop3A_1048 : i32 to index
        %parallel_loop3A_1050 = arith.index_cast %parallel_loop3A_882 : i32 to index
        %parallel_loop3A_1051 = arith.constant 256 : index
        %parallel_loop3A_1052 = tpu.vector_load %arg13[%parallel_loop3A_1049, %parallel_loop3A_1050, %parallel_loop3A_1051] {strides = array<i32>} : memref<1x77x512xf32, #tpu.memory_space<vmem>>, vector<16xf32>,
        tpu.vector_store %arg13[%parallel_loop3A_1049, %parallel_loop3A_1050, %parallel_loop3A_1051], %parallel_loop3A_1047 {strides = array<i32>} : memref<1x77x512xf32, #tpu.memory_space<vmem>>, vector<16xf32>,
        %parallel_loop3A_1053 = arith.constant 0 : i32
        %parallel_loop3A_1054 = arith.index_cast %parallel_loop3A_1053 : i32 to index
        %parallel_loop3A_1055 = arith.index_cast %parallel_loop3A_880 : i32 to index
        %parallel_loop3A_1056 = arith.constant 272 : index
        %parallel_loop3A_1057 = tpu.vector_load %arg12[%parallel_loop3A_1054, %parallel_loop3A_1055, %parallel_loop3A_1056] {strides = array<i32>} : memref<1x60x512xf32, #tpu.memory_space<vmem>>, vector<16xf32>,
        %parallel_loop3A_1058 = arith.constant 0 : i32
        %parallel_loop3A_1059 = arith.index_cast %parallel_loop3A_1058 : i32 to index
        %parallel_loop3A_1060 = arith.index_cast %parallel_loop3A_882 : i32 to index
        %parallel_loop3A_1061 = arith.constant 272 : index
        %parallel_loop3A_1062 = tpu.vector_load %arg13[%parallel_loop3A_1059, %parallel_loop3A_1060, %parallel_loop3A_1061] {strides = array<i32>} : memref<1x77x512xf32, #tpu.memory_space<vmem>>, vector<16xf32>,
        tpu.vector_store %arg13[%parallel_loop3A_1059, %parallel_loop3A_1060, %parallel_loop3A_1061], %parallel_loop3A_1057 {strides = array<i32>} : memref<1x77x512xf32, #tpu.memory_space<vmem>>, vector<16xf32>,
        %parallel_loop3A_1063 = arith.constant 0 : i32
        %parallel_loop3A_1064 = arith.index_cast %parallel_loop3A_1063 : i32 to index
        %parallel_loop3A_1065 = arith.index_cast %parallel_loop3A_880 : i32 to index
        %parallel_loop3A_1066 = arith.constant 288 : index
        %parallel_loop3A_1067 = tpu.vector_load %arg12[%parallel_loop3A_1064, %parallel_loop3A_1065, %parallel_loop3A_1066] {strides = array<i32>} : memref<1x60x512xf32, #tpu.memory_space<vmem>>, vector<16xf32>,
        %parallel_loop3A_1068 = arith.constant 0 : i32
        %parallel_loop3A_1069 = arith.index_cast %parallel_loop3A_1068 : i32 to index
        %parallel_loop3A_1070 = arith.index_cast %parallel_loop3A_882 : i32 to index
        %parallel_loop3A_1071 = arith.constant 288 : index
        %parallel_loop3A_1072 = tpu.vector_load %arg13[%parallel_loop3A_1069, %parallel_loop3A_1070, %parallel_loop3A_1071] {strides = array<i32>} : memref<1x77x512xf32, #tpu.memory_space<vmem>>, vector<16xf32>,
        tpu.vector_store %arg13[%parallel_loop3A_1069, %parallel_loop3A_1070, %parallel_loop3A_1071], %parallel_loop3A_1067 {strides = array<i32>} : memref<1x77x512xf32, #tpu.memory_space<vmem>>, vector<16xf32>,
        %parallel_loop3A_1073 = arith.constant 0 : i32
        %parallel_loop3A_1074 = arith.index_cast %parallel_loop3A_1073 : i32 to index
        %parallel_loop3A_1075 = arith.index_cast %parallel_loop3A_880 : i32 to index
        %parallel_loop3A_1076 = arith.constant 304 : index
        %parallel_loop3A_1077 = tpu.vector_load %arg12[%parallel_loop3A_1074, %parallel_loop3A_1075, %parallel_loop3A_1076] {strides = array<i32>} : memref<1x60x512xf32, #tpu.memory_space<vmem>>, vector<16xf32>,
        %parallel_loop3A_1078 = arith.constant 0 : i32
        %parallel_loop3A_1079 = arith.index_cast %parallel_loop3A_1078 : i32 to index
        %parallel_loop3A_1080 = arith.index_cast %parallel_loop3A_882 : i32 to index
        %parallel_loop3A_1081 = arith.constant 304 : index
        %parallel_loop3A_1082 = tpu.vector_load %arg13[%parallel_loop3A_1079, %parallel_loop3A_1080, %parallel_loop3A_1081] {strides = array<i32>} : memref<1x77x512xf32, #tpu.memory_space<vmem>>, vector<16xf32>,
        tpu.vector_store %arg13[%parallel_loop3A_1079, %parallel_loop3A_1080, %parallel_loop3A_1081], %parallel_loop3A_1077 {strides = array<i32>} : memref<1x77x512xf32, #tpu.memory_space<vmem>>, vector<16xf32>,
        %parallel_loop3A_1083 = arith.constant 0 : i32
        %parallel_loop3A_1084 = arith.index_cast %parallel_loop3A_1083 : i32 to index
        %parallel_loop3A_1085 = arith.index_cast %parallel_loop3A_880 : i32 to index
        %parallel_loop3A_1086 = arith.constant 320 : index
        %parallel_loop3A_1087 = tpu.vector_load %arg12[%parallel_loop3A_1084, %parallel_loop3A_1085, %parallel_loop3A_1086] {strides = array<i32>} : memref<1x60x512xf32, #tpu.memory_space<vmem>>, vector<16xf32>,
        %parallel_loop3A_1088 = arith.constant 0 : i32
        %parallel_loop3A_1089 = arith.index_cast %parallel_loop3A_1088 : i32 to index
        %parallel_loop3A_1090 = arith.index_cast %parallel_loop3A_882 : i32 to index
        %parallel_loop3A_1091 = arith.constant 320 : index
        %parallel_loop3A_1092 = tpu.vector_load %arg13[%parallel_loop3A_1089, %parallel_loop3A_1090, %parallel_loop3A_1091] {strides = array<i32>} : memref<1x77x512xf32, #tpu.memory_space<vmem>>, vector<16xf32>,
        tpu.vector_store %arg13[%parallel_loop3A_1089, %parallel_loop3A_1090, %parallel_loop3A_1091], %parallel_loop3A_1087 {strides = array<i32>} : memref<1x77x512xf32, #tpu.memory_space<vmem>>, vector<16xf32>,
        %parallel_loop3A_1093 = arith.constant 0 : i32
        %parallel_loop3A_1094 = arith.index_cast %parallel_loop3A_1093 : i32 to index
        %parallel_loop3A_1095 = arith.index_cast %parallel_loop3A_880 : i32 to index
        %parallel_loop3A_1096 = arith.constant 336 : index
        %parallel_loop3A_1097 = tpu.vector_load %arg12[%parallel_loop3A_1094, %parallel_loop3A_1095, %parallel_loop3A_1096] {strides = array<i32>} : memref<1x60x512xf32, #tpu.memory_space<vmem>>, vector<16xf32>,
        %parallel_loop3A_1098 = arith.constant 0 : i32
        %parallel_loop3A_1099 = arith.index_cast %parallel_loop3A_1098 : i32 to index
        %parallel_loop3A_1100 = arith.index_cast %parallel_loop3A_882 : i32 to index
        %parallel_loop3A_1101 = arith.constant 336 : index
        %parallel_loop3A_1102 = tpu.vector_load %arg13[%parallel_loop3A_1099, %parallel_loop3A_1100, %parallel_loop3A_1101] {strides = array<i32>} : memref<1x77x512xf32, #tpu.memory_space<vmem>>, vector<16xf32>,
        tpu.vector_store %arg13[%parallel_loop3A_1099, %parallel_loop3A_1100, %parallel_loop3A_1101], %parallel_loop3A_1097 {strides = array<i32>} : memref<1x77x512xf32, #tpu.memory_space<vmem>>, vector<16xf32>,
        %parallel_loop3A_1103 = arith.constant 0 : i32
        %parallel_loop3A_1104 = arith.index_cast %parallel_loop3A_1103 : i32 to index
        %parallel_loop3A_1105 = arith.index_cast %parallel_loop3A_880 : i32 to index
        %parallel_loop3A_1106 = arith.constant 352 : index
        %parallel_loop3A_1107 = tpu.vector_load %arg12[%parallel_loop3A_1104, %parallel_loop3A_1105, %parallel_loop3A_1106] {strides = array<i32>} : memref<1x60x512xf32, #tpu.memory_space<vmem>>, vector<16xf32>,
        %parallel_loop3A_1108 = arith.constant 0 : i32
        %parallel_loop3A_1109 = arith.index_cast %parallel_loop3A_1108 : i32 to index
        %parallel_loop3A_1110 = arith.index_cast %parallel_loop3A_882 : i32 to index
        %parallel_loop3A_1111 = arith.constant 352 : index
        %parallel_loop3A_1112 = tpu.vector_load %arg13[%parallel_loop3A_1109, %parallel_loop3A_1110, %parallel_loop3A_1111] {strides = array<i32>} : memref<1x77x512xf32, #tpu.memory_space<vmem>>, vector<16xf32>,
        tpu.vector_store %arg13[%parallel_loop3A_1109, %parallel_loop3A_1110, %parallel_loop3A_1111], %parallel_loop3A_1107 {strides = array<i32>} : memref<1x77x512xf32, #tpu.memory_space<vmem>>, vector<16xf32>,
        %parallel_loop3A_1113 = arith.constant 0 : i32
        %parallel_loop3A_1114 = arith.index_cast %parallel_loop3A_1113 : i32 to index
        %parallel_loop3A_1115 = arith.index_cast %parallel_loop3A_880 : i32 to index
        %parallel_loop3A_1116 = arith.constant 368 : index
        %parallel_loop3A_1117 = tpu.vector_load %arg12[%parallel_loop3A_1114, %parallel_loop3A_1115, %parallel_loop3A_1116] {strides = array<i32>} : memref<1x60x512xf32, #tpu.memory_space<vmem>>, vector<16xf32>,
        %parallel_loop3A_1118 = arith.constant 0 : i32
        %parallel_loop3A_1119 = arith.index_cast %parallel_loop3A_1118 : i32 to index
        %parallel_loop3A_1120 = arith.index_cast %parallel_loop3A_882 : i32 to index
        %parallel_loop3A_1121 = arith.constant 368 : index
        %parallel_loop3A_1122 = tpu.vector_load %arg13[%parallel_loop3A_1119, %parallel_loop3A_1120, %parallel_loop3A_1121] {strides = array<i32>} : memref<1x77x512xf32, #tpu.memory_space<vmem>>, vector<16xf32>,
        tpu.vector_store %arg13[%parallel_loop3A_1119, %parallel_loop3A_1120, %parallel_loop3A_1121], %parallel_loop3A_1117 {strides = array<i32>} : memref<1x77x512xf32, #tpu.memory_space<vmem>>, vector<16xf32>,
        %parallel_loop3A_1123 = arith.constant 0 : i32
        %parallel_loop3A_1124 = arith.index_cast %parallel_loop3A_1123 : i32 to index
        %parallel_loop3A_1125 = arith.index_cast %parallel_loop3A_880 : i32 to index
        %parallel_loop3A_1126 = arith.constant 384 : index
        %parallel_loop3A_1127 = tpu.vector_load %arg12[%parallel_loop3A_1124, %parallel_loop3A_1125, %parallel_loop3A_1126] {strides = array<i32>} : memref<1x60x512xf32, #tpu.memory_space<vmem>>, vector<16xf32>,
        %parallel_loop3A_1128 = arith.constant 0 : i32
        %parallel_loop3A_1129 = arith.index_cast %parallel_loop3A_1128 : i32 to index
        %parallel_loop3A_1130 = arith.index_cast %parallel_loop3A_882 : i32 to index
        %parallel_loop3A_1131 = arith.constant 384 : index
        %parallel_loop3A_1132 = tpu.vector_load %arg13[%parallel_loop3A_1129, %parallel_loop3A_1130, %parallel_loop3A_1131] {strides = array<i32>} : memref<1x77x512xf32, #tpu.memory_space<vmem>>, vector<16xf32>,
        tpu.vector_store %arg13[%parallel_loop3A_1129, %parallel_loop3A_1130, %parallel_loop3A_1131], %parallel_loop3A_1127 {strides = array<i32>} : memref<1x77x512xf32, #tpu.memory_space<vmem>>, vector<16xf32>,
        %parallel_loop3A_1133 = arith.constant 0 : i32
        %parallel_loop3A_1134 = arith.index_cast %parallel_loop3A_1133 : i32 to index
        %parallel_loop3A_1135 = arith.index_cast %parallel_loop3A_880 : i32 to index
        %parallel_loop3A_1136 = arith.constant 400 : index
        %parallel_loop3A_1137 = tpu.vector_load %arg12[%parallel_loop3A_1134, %parallel_loop3A_1135, %parallel_loop3A_1136] {strides = array<i32>} : memref<1x60x512xf32, #tpu.memory_space<vmem>>, vector<16xf32>,
        %parallel_loop3A_1138 = arith.constant 0 : i32
        %parallel_loop3A_1139 = arith.index_cast %parallel_loop3A_1138 : i32 to index
        %parallel_loop3A_1140 = arith.index_cast %parallel_loop3A_882 : i32 to index
        %parallel_loop3A_1141 = arith.constant 400 : index
        %parallel_loop3A_1142 = tpu.vector_load %arg13[%parallel_loop3A_1139, %parallel_loop3A_1140, %parallel_loop3A_1141] {strides = array<i32>} : memref<1x77x512xf32, #tpu.memory_space<vmem>>, vector<16xf32>,
        tpu.vector_store %arg13[%parallel_loop3A_1139, %parallel_loop3A_1140, %parallel_loop3A_1141], %parallel_loop3A_1137 {strides = array<i32>} : memref<1x77x512xf32, #tpu.memory_space<vmem>>, vector<16xf32>,
        %parallel_loop3A_1143 = arith.constant 0 : i32
        %parallel_loop3A_1144 = arith.index_cast %parallel_loop3A_1143 : i32 to index
        %parallel_loop3A_1145 = arith.index_cast %parallel_loop3A_880 : i32 to index
        %parallel_loop3A_1146 = arith.constant 416 : index
        %parallel_loop3A_1147 = tpu.vector_load %arg12[%parallel_loop3A_1144, %parallel_loop3A_1145, %parallel_loop3A_1146] {strides = array<i32>} : memref<1x60x512xf32, #tpu.memory_space<vmem>>, vector<16xf32>,
        %parallel_loop3A_1148 = arith.constant 0 : i32
        %parallel_loop3A_1149 = arith.index_cast %parallel_loop3A_1148 : i32 to index
        %parallel_loop3A_1150 = arith.index_cast %parallel_loop3A_882 : i32 to index
        %parallel_loop3A_1151 = arith.constant 416 : index
        %parallel_loop3A_1152 = tpu.vector_load %arg13[%parallel_loop3A_1149, %parallel_loop3A_1150, %parallel_loop3A_1151] {strides = array<i32>} : memref<1x77x512xf32, #tpu.memory_space<vmem>>, vector<16xf32>,
        tpu.vector_store %arg13[%parallel_loop3A_1149, %parallel_loop3A_1150, %parallel_loop3A_1151], %parallel_loop3A_1147 {strides = array<i32>} : memref<1x77x512xf32, #tpu.memory_space<vmem>>, vector<16xf32>,
        %parallel_loop3A_1153 = arith.constant 0 : i32
        %parallel_loop3A_1154 = arith.index_cast %parallel_loop3A_1153 : i32 to index
        %parallel_loop3A_1155 = arith.index_cast %parallel_loop3A_880 : i32 to index
        %parallel_loop3A_1156 = arith.constant 432 : index
        %parallel_loop3A_1157 = tpu.vector_load %arg12[%parallel_loop3A_1154, %parallel_loop3A_1155, %parallel_loop3A_1156] {strides = array<i32>} : memref<1x60x512xf32, #tpu.memory_space<vmem>>, vector<16xf32>,
        %parallel_loop3A_1158 = arith.constant 0 : i32
        %parallel_loop3A_1159 = arith.index_cast %parallel_loop3A_1158 : i32 to index
        %parallel_loop3A_1160 = arith.index_cast %parallel_loop3A_882 : i32 to index
        %parallel_loop3A_1161 = arith.constant 432 : index
        %parallel_loop3A_1162 = tpu.vector_load %arg13[%parallel_loop3A_1159, %parallel_loop3A_1160, %parallel_loop3A_1161] {strides = array<i32>} : memref<1x77x512xf32, #tpu.memory_space<vmem>>, vector<16xf32>,
        tpu.vector_store %arg13[%parallel_loop3A_1159, %parallel_loop3A_1160, %parallel_loop3A_1161], %parallel_loop3A_1157 {strides = array<i32>} : memref<1x77x512xf32, #tpu.memory_space<vmem>>, vector<16xf32>,
        %parallel_loop3A_1163 = arith.constant 0 : i32
        %parallel_loop3A_1164 = arith.index_cast %parallel_loop3A_1163 : i32 to index
        %parallel_loop3A_1165 = arith.index_cast %parallel_loop3A_880 : i32 to index
        %parallel_loop3A_1166 = arith.constant 448 : index
        %parallel_loop3A_1167 = tpu.vector_load %arg12[%parallel_loop3A_1164, %parallel_loop3A_1165, %parallel_loop3A_1166] {strides = array<i32>} : memref<1x60x512xf32, #tpu.memory_space<vmem>>, vector<16xf32>,
        %parallel_loop3A_1168 = arith.constant 0 : i32
        %parallel_loop3A_1169 = arith.index_cast %parallel_loop3A_1168 : i32 to index
        %parallel_loop3A_1170 = arith.index_cast %parallel_loop3A_882 : i32 to index
        %parallel_loop3A_1171 = arith.constant 448 : index
        %parallel_loop3A_1172 = tpu.vector_load %arg13[%parallel_loop3A_1169, %parallel_loop3A_1170, %parallel_loop3A_1171] {strides = array<i32>} : memref<1x77x512xf32, #tpu.memory_space<vmem>>, vector<16xf32>,
        tpu.vector_store %arg13[%parallel_loop3A_1169, %parallel_loop3A_1170, %parallel_loop3A_1171], %parallel_loop3A_1167 {strides = array<i32>} : memref<1x77x512xf32, #tpu.memory_space<vmem>>, vector<16xf32>,
        %parallel_loop3A_1173 = arith.constant 0 : i32
        %parallel_loop3A_1174 = arith.index_cast %parallel_loop3A_1173 : i32 to index
        %parallel_loop3A_1175 = arith.index_cast %parallel_loop3A_880 : i32 to index
        %parallel_loop3A_1176 = arith.constant 464 : index
        %parallel_loop3A_1177 = tpu.vector_load %arg12[%parallel_loop3A_1174, %parallel_loop3A_1175, %parallel_loop3A_1176] {strides = array<i32>} : memref<1x60x512xf32, #tpu.memory_space<vmem>>, vector<16xf32>,
        %parallel_loop3A_1178 = arith.constant 0 : i32
        %parallel_loop3A_1179 = arith.index_cast %parallel_loop3A_1178 : i32 to index
        %parallel_loop3A_1180 = arith.index_cast %parallel_loop3A_882 : i32 to index
        %parallel_loop3A_1181 = arith.constant 464 : index
        %parallel_loop3A_1182 = tpu.vector_load %arg13[%parallel_loop3A_1179, %parallel_loop3A_1180, %parallel_loop3A_1181] {strides = array<i32>} : memref<1x77x512xf32, #tpu.memory_space<vmem>>, vector<16xf32>,
        tpu.vector_store %arg13[%parallel_loop3A_1179, %parallel_loop3A_1180, %parallel_loop3A_1181], %parallel_loop3A_1177 {strides = array<i32>} : memref<1x77x512xf32, #tpu.memory_space<vmem>>, vector<16xf32>,
        %parallel_loop3A_1183 = arith.constant 0 : i32
        %parallel_loop3A_1184 = arith.index_cast %parallel_loop3A_1183 : i32 to index
        %parallel_loop3A_1185 = arith.index_cast %parallel_loop3A_880 : i32 to index
        %parallel_loop3A_1186 = arith.constant 480 : index
        %parallel_loop3A_1187 = tpu.vector_load %arg12[%parallel_loop3A_1184, %parallel_loop3A_1185, %parallel_loop3A_1186] {strides = array<i32>} : memref<1x60x512xf32, #tpu.memory_space<vmem>>, vector<16xf32>,
        %parallel_loop3A_1188 = arith.constant 0 : i32
        %parallel_loop3A_1189 = arith.index_cast %parallel_loop3A_1188 : i32 to index
        %parallel_loop3A_1190 = arith.index_cast %parallel_loop3A_882 : i32 to index
        %parallel_loop3A_1191 = arith.constant 480 : index
        %parallel_loop3A_1192 = tpu.vector_load %arg13[%parallel_loop3A_1189, %parallel_loop3A_1190, %parallel_loop3A_1191] {strides = array<i32>} : memref<1x77x512xf32, #tpu.memory_space<vmem>>, vector<16xf32>,
        tpu.vector_store %arg13[%parallel_loop3A_1189, %parallel_loop3A_1190, %parallel_loop3A_1191], %parallel_loop3A_1187 {strides = array<i32>} : memref<1x77x512xf32, #tpu.memory_space<vmem>>, vector<16xf32>,
        %parallel_loop3A_1193 = arith.constant 0 : i32
        %parallel_loop3A_1194 = arith.index_cast %parallel_loop3A_1193 : i32 to index
        %parallel_loop3A_1195 = arith.index_cast %parallel_loop3A_880 : i32 to index
        %parallel_loop3A_1196 = arith.constant 496 : index
        %parallel_loop3A_1197 = tpu.vector_load %arg12[%parallel_loop3A_1194, %parallel_loop3A_1195, %parallel_loop3A_1196] {strides = array<i32>} : memref<1x60x512xf32, #tpu.memory_space<vmem>>, vector<16xf32>,
        %parallel_loop3A_1198 = arith.constant 0 : i32
        %parallel_loop3A_1199 = arith.index_cast %parallel_loop3A_1198 : i32 to index
        %parallel_loop3A_1200 = arith.index_cast %parallel_loop3A_882 : i32 to index
        %parallel_loop3A_1201 = arith.constant 496 : index
        %parallel_loop3A_1202 = tpu.vector_load %arg13[%parallel_loop3A_1199, %parallel_loop3A_1200, %parallel_loop3A_1201] {strides = array<i32>} : memref<1x77x512xf32, #tpu.memory_space<vmem>>, vector<16xf32>,
        tpu.vector_store %arg13[%parallel_loop3A_1199, %parallel_loop3A_1200, %parallel_loop3A_1201], %parallel_loop3A_1197 {strides = array<i32>} : memref<1x77x512xf32, #tpu.memory_space<vmem>>, vector<16xf32>,
      } {sc.loop_unroll_factor = 4 : i64, sc.parallel_access}
      %lt3A_874 = arith.constant 15 : i32
      %lt3A_875 = arith.cmpi slt, %scan3A_59, %lt3A_874 : i32
      %convert_element_type3A_876 = arith.extui %lt3A_875 : i1 to i32
      %cond3A_877 = arith.constant 0 : i32
      %cond3A_878 = arith.cmpi ne, %convert_element_type3A_876, %cond3A_877 : i32
      scf.if %cond3A_878 {
        %add3A_880 = arith.constant 2 : i32
        %add3A_881 = arith.addi %add3A_470, %add3A_880 : i32
        %lt3A_882 = arith.constant 16 : i32
        %lt3A_883 = arith.cmpi slt, %add3A_881, %lt3A_882 : i32
        %select_n3A_884 = arith.select %lt3A_883, %get3A_8, %get3A_10 : vector<16xi32>
        %jit3A_885 = arith.constant 16 : i32
        %eq3A_886 = arith.constant 0 : i32
        %eq3A_887 = arith.cmpi eq, %jit3A_885, %eq3A_886 : i32
        %jit3A_888 = arith.constant 1 : i32
        %select_n3A_889 = arith.select %eq3A_887, %jit3A_888, %jit3A_885 : i32
        %rem3A = arith.remsi %add3A_881, %select_n3A_889 : i32
        %ne3A = arith.constant 0 : i32
        %ne3A_890 = arith.cmpi ne, %rem3A, %ne3A : i32
        %lt3A_891 = arith.constant 0 : i32
        %lt3A_892 = arith.cmpi slt, %rem3A, %lt3A_891 : i32
        %lt3A_893 = arith.constant 0 : i32
        %lt3A_894 = arith.cmpi slt, %select_n3A_889, %lt3A_893 : i32
        %ne3A_895 = arith.xori %lt3A_892, %lt3A_894 : i1
        %and3A = arith.andi %ne3A_895, %ne3A_890 : i1
        %add3A_896 = arith.addi %rem3A, %select_n3A_889 : i32
        %select_n3A_897 = arith.select %and3A, %add3A_896, %rem3A : i32
        %eq3A_898 = vector.broadcast %select_n3A_897 : i32 to vector<16xi32>
        %eq3A_899 = arith.cmpi eq, %iota3A, %eq3A_898 : vector<16xi32>
        %jit3A_900 = arith.constant 0 : i32
        %broadcast_in_dim3A_901 = vector.broadcast %jit3A_900 : i32 to vector<16xi32>
        %select_n3A_902 = arith.select %eq3A_899, %select_n3A_884, %broadcast_in_dim3A_901 : vector<16xi1>, vector<16xi32>
        %reduce_sum3A_903 = arith.constant true
        %reduce_sum3A_904 = vector.broadcast %reduce_sum3A_903 : i1 to vector<16xi1>
        %reduce_sum3A_905 = tpu.scan <sum>, %select_n3A_902 masked %reduce_sum3A_904 : vector<16xi32>, vector<16xi1> -> vector<16xi32>
        %reduce_sum3A_906 = vector.extract %reduce_sum3A_905[15] : i32 from vector<16xi32>
        %dma_start3A_907 = arith.constant 0 : i32
        %dma_start3A_908 = arith.constant 0 : i32
        %dma_start3A_909 = tpu.memref_slice %arg4[%reduce_sum3A_906, %dma_start3A_907, %dma_start3A_908] : memref<10000x1x512xf32, #tpu.memory_space<hbm>> -> memref<1x1x512xf32, #tpu.memory_space<hbm>>
        %dma_start3A_910 = arith.constant 0 : i32
        %dma_start3A_911 = arith.constant 0 : i32
        %dma_start3A_912 = tpu.memref_slice %arg4[%reduce_sum3A_906, %dma_start3A_910, %dma_start3A_911] : memref<10000x1x512xf32, #tpu.memory_space<hbm>> -> memref<1x1x512xf32, #tpu.memory_space<hbm>>
        tpu.enqueue_dma source(%dma_start3A_912 : memref<1x1x512xf32, #tpu.memory_space<hbm>>) target(%arg10 : memref<1x1x512xf32, #tpu.memory_space<vmem>>) target_semaphore(%arg15 : memref<!tpu.dma_semaphore, #tpu.memory_space<semaphore_mem>>)
        %dma_start3A_913 = arith.constant 0 : i32
        %dma_start3A_914 = arith.constant 0 : i32
        %dma_start3A_915 = tpu.memref_slice %arg5[%reduce_sum3A_906, %dma_start3A_913, %dma_start3A_914] : memref<10000x60x512xf32, #tpu.memory_space<hbm>> -> memref<1x60x512xf32, #tpu.memory_space<hbm>>
        %dma_start3A_916 = arith.constant 0 : i32
        %dma_start3A_917 = arith.constant 0 : i32
        %dma_start3A_918 = tpu.memref_slice %arg5[%reduce_sum3A_906, %dma_start3A_916, %dma_start3A_917] : memref<10000x60x512xf32, #tpu.memory_space<hbm>> -> memref<1x60x512xf32, #tpu.memory_space<hbm>>
        tpu.enqueue_dma source(%dma_start3A_918 : memref<1x60x512xf32, #tpu.memory_space<hbm>>) target(%arg12 : memref<1x60x512xf32, #tpu.memory_space<vmem>>) target_semaphore(%arg15 : memref<!tpu.dma_semaphore, #tpu.memory_space<semaphore_mem>>)
      } else {
      }
      %add3A_879 = arith.addi %mul3A_2, %add3A_470 : i32
      "tpu.region"() ({
        %run_scoped3A = tpu.sem_alloc : memref<!tpu.dma_semaphore, #tpu.memory_space<semaphore_mem>>
        %dma_start3A_880 = arith.constant 0 : i32
        %dma_start3A_881 = arith.constant 0 : i32
        %dma_start3A_882 = tpu.memref_slice %arg6[%add3A_879, %dma_start3A_880, %dma_start3A_881] : memref<1024x77x512xf32, #tpu.memory_space<hbm>> -> memref<1x77x512xf32, #tpu.memory_space<hbm>>
        %dma_start3A_883 = arith.constant 0 : i32
        %dma_start3A_884 = arith.constant 0 : i32
        %dma_start3A_885 = tpu.memref_slice %arg6[%add3A_879, %dma_start3A_883, %dma_start3A_884] : memref<1024x77x512xf32, #tpu.memory_space<hbm>> -> memref<1x77x512xf32, #tpu.memory_space<hbm>>
        tpu.enqueue_dma source(%arg13 : memref<1x77x512xf32, #tpu.memory_space<vmem>>) target(%dma_start3A_885 : memref<1x77x512xf32, #tpu.memory_space<hbm>>) target_semaphore(%run_scoped3A : memref<!tpu.dma_semaphore, #tpu.memory_space<semaphore_mem>>)
        %dma_wait3A_886 = arith.constant 0 : i32
        %dma_wait3A_887 = arith.constant 0 : i32
        %dma_wait3A_888 = tpu.memref_slice %arg6[%add3A_879, %dma_wait3A_886, %dma_wait3A_887] : memref<1024x77x512xf32, #tpu.memory_space<hbm>> -> memref<1x77x512xf32, #tpu.memory_space<hbm>>
        %dma_wait3A_889 = arith.constant 0 : i32
        %dma_wait3A_890 = arith.constant 0 : i32
        %dma_wait3A_891 = tpu.memref_slice %arg6[%add3A_879, %dma_wait3A_889, %dma_wait3A_890] : memref<1024x77x512xf32, #tpu.memory_space<hbm>> -> memref<1x77x512xf32, #tpu.memory_space<hbm>>
        tpu.wait_dma2 semaphore(%run_scoped3A : memref<!tpu.dma_semaphore, #tpu.memory_space<semaphore_mem>>) src(%arg13 : memref<1x77x512xf32, #tpu.memory_space<vmem>>) dst(%dma_wait3A_891 : memref<1x77x512xf32, #tpu.memory_space<hbm>>)
        tpu.yield
      }) : () -> ()
    }
    %scan3A_58 = arith.constant 16 : i32
    return
  }
}

</mosaic_0001>

<sc_bundles>
// kernel: _launch.3.cloned.1.call-start
scs
__scs_entry_jumppad:
0x0: {  	(pc) =	sbr.rel $0x88, $3  }
0x1: {  	(tag) =	ssettag $0x0;
	lr =	simm.s32 $0x1  }
0x2: {  	[smem:$0x3F9D] =	sst lr;
	_ =	strace $0xD0000000  }
0x3: {  	_ = 	snop  }
0x4: {  	_ = 	snop  }
0x5: {  	_ = 	snop  }
0x6: {  	_ = 	snop  }
0x7: {  	_ = 	snop  }
__scs_overlays_trampoline_lowered:
0x8: {  	[smem:$0x3FAC] =	sst s0  }
0x9: {  	[smem:$0x3FAD] =	sst s1  }
0xa: {  	[smem:$0x3FAE] =	sst s2  }
0xb: {  	[smem:$0x3FAF] =	sst s3  }
0xc: {  	[smem:$0x3FB0] =	sst s4  }
0xd: {  	[smem:$0x3FB1] =	sst s5  }
0xe: {  	[smem:$0x3FB2] =	sst s6  }
0xf: {  	[smem:$0x3FB3] =	sst s7  }
0x10: {  	[smem:$0x3FB4] =	sst s8  }
0x11: {  	[smem:$0x3FB5] =	sst s9;
	s0 =	simm.s32 @!p0 $0x0  }
0x12: {  	s1 =	sld [smem:$0x3F9B];
	s0 =	simm.s32 @p0 $0x1  }
0x13: {  	[smem:$0x3FB6] =	sst s0;
	s0 =	simm.s32 @!p1 $0x0  }
0x14: {  	s2 =	sld [smem:$0x3F9A];
	s0 =	simm.s32 @p1 $0x1  }
0x15: {  	[smem:$0x3FB7] =	sst s0;
	s0 =	simm.s32 @!p2 $0x0  }
0x16: {  	s3 =	sld [smem:$0x3FDB];
	s0 =	simm.s32 @p2 $0x1  }
0x17: {  	s4 =	simm.s32 $0x1BF5;
	[smem:$0x3FB9] =	sst s0  }
0x18: {  	s0 =	sld [smem:$0x3F9C];
	_ =	swait.ge [sflag:s4], $0x0  }
0x19: {  	s7 =	sld [smem:$0x3F9D]  }
0x1a: {  	s8 =	sadd.s32 $0xFFFFE003, lr  }
0x1b: {  	s9 =	sadd.s32 $0xFFFFFEF7, lr;
	s5 =	simm.s32 $0xFFFFFFFF;
	p2 =	slt.u32 s8, $0xFFFFF086  }
0x1c: {  	p1 =	slt.u32 s9, $0xF7A;
	s5 =	simm.s32 @!p2 $0x0  }
0x1d: {  	s5 =	simm.s32 @p1 $0x1;
	p0 =	seq.s32 s7, s2  }
0x1e: {  	s7 =	smul.u32 @!p0 $0xF7A, s2;
	p2 =	seq.s32 @!p0 s5, $0x0  }
0x1f: {  	s9 =	smul.u32 $0xF7A, s1;
	s8 =	simm.s32 @!p0 $0x1BF5;
	p2 =	por !p2, p0  }
0x20: {  	[sflag:s8] =	ssyncset.s32 @!p0 $0xFFFFF086;
	s6 =	sadd.s32 @!p0 s3, s7;
	s7 =	simm.s32 @!p0 $0x108  }
0x21: {  	s3 =	sadd.s32 s3, s9;
	s6 =	sadd.s32 @!p0 $0x88, s6;
	s7 =	simm.s32 @p2 $0x1082  }
0x22: {  	[simem:s7], [sflag:s8] =	dma.local @!p0 [hbm:s6], $0xF7A  }
0x23: {  	s9 =	sor.u32 $0xD0000000, s2;
	s6 =	simm.s32 $0x108;
	_ =	swait.ge @!p0 [sflag:s8], $0x0  }
0x24: {  	s3 =	sadd.s32 $0x88, s3;
	s6 =	simm.s32 @!p1 $0x1082;
	[sflag:s4] =	ssyncset.s32 $0xFFFFF086  }
0x25: {  	[simem:s6], [sflag:s4] =	dma.local [hbm:s3], $0xF7A  }
0x26: {  	[smem:$0x3F9D] =	sst s1;
	(tag) =	ssettag s2;
	_ =	strace s9  }
0x27: {  	s1 =	sld [smem:$0x3FAD]  }
0x28: {  	s2 =	sld [smem:$0x3FAE]  }
0x29: {  	s4 =	sld [smem:$0x3FB0]  }
0x2a: {  	p0 =	seq.s32 s5, $0x0;
	s5 =	sld [smem:$0x3FB1]  }
0x2b: {  	s6 =	sld [smem:$0x3FB2]  }
0x2c: {  	s7 =	sld [smem:$0x3FB3]  }
0x2d: {  	s3 =	simm.s32 $0x108;
	s8 =	sld [smem:$0x3FB4]  }
0x2e: {  	s3 =	simm.s32 @!p0 $0x1082;
	s9 =	sld [smem:$0x3FB5]  }
0x2f: {  	lr =	sadd.s32 s0, s3;
	s0 =	sld [smem:$0x3FAC]  }
0x30: {  	s3 =	sld [smem:$0x3FAF]  }
0x31: {  	[smem:$0x3FB8] =	sst s10  }
0x32: {  	s10 =	sld [smem:$0x3FB6];
	_ =	sdelay $0x3  }
0x33: {  	p0 =	seq.s32 s10, $0x1;
	s10 =	sld [smem:$0x3FB8];
	_ =	sdelay $0x3  }
0x34: {  	[smem:$0x3FB8] =	sst s10  }
0x35: {  	s10 =	sld [smem:$0x3FB7];
	_ =	sdelay $0x3  }
0x36: {  	p1 =	seq.s32 s10, $0x1;
	s10 =	sld [smem:$0x3FB8];
	_ =	sdelay $0x3  }
0x37: {  	[smem:$0x3FB8] =	sst s10  }
0x38: {  	s10 =	sld [smem:$0x3FB9]  }
0x39: {  	_ = 	snop;
	(pc) =	sbr.ind lr, $3  }
0x3a: {  	_ = 	snop  }
0x3b: {  	_ = 	snop  }
0x3c: {  	p2 =	seq.s32 s10, $0x1;
	s10 =	sld [smem:$0x3FB8]  }
0x3d: {  	_ =	shalt  }
0x3e: {  	_ =	shalt  }
0x3f: {  	_ =	shalt  }
0x40: {  	_ =	shalt  }
0x41: {  	_ =	shalt  }
0x42: {  	_ =	shalt  }
0x43: {  	_ =	shalt  }
0x44: {  	_ =	shalt  }
0x45: {  	_ =	shalt  }
0x46: {  	_ =	shalt  }
0x47: {  	_ =	shalt  }
0x48: {  	_ =	shalt  }
0x49: {  	_ =	shalt  }
0x4a: {  	_ =	shalt  }
0x4b: {  	_ =	shalt  }
0x4c: {  	_ =	shalt  }
0x4d: {  	_ =	shalt  }
0x4e: {  	_ =	shalt  }
0x4f: {  	_ =	shalt  }
0x50: {  	_ =	shalt  }
0x51: {  	_ =	shalt  }
0x52: {  	_ =	shalt  }
0x53: {  	_ =	shalt  }
0x54: {  	_ =	shalt  }
0x55: {  	_ =	shalt  }
0x56: {  	_ =	shalt  }
0x57: {  	_ =	shalt  }
0x58: {  	_ =	shalt  }
0x59: {  	_ =	shalt  }
0x5a: {  	_ =	shalt  }
0x5b: {  	_ =	shalt  }
0x5c: {  	_ =	shalt  }
0x5d: {  	_ =	shalt  }
0x5e: {  	_ =	shalt  }
0x5f: {  	_ =	shalt  }
0x60: {  	_ =	shalt  }
0x61: {  	_ =	shalt  }
0x62: {  	_ =	shalt  }
0x63: {  	_ =	shalt  }
0x64: {  	_ =	shalt  }
0x65: {  	_ =	shalt  }
0x66: {  	_ =	shalt  }
0x67: {  	_ =	shalt  }
0x68: {  	_ =	shalt  }
0x69: {  	_ =	shalt  }
0x6a: {  	_ =	shalt  }
0x6b: {  	_ =	shalt  }
0x6c: {  	_ =	shalt  }
0x6d: {  	_ =	shalt  }
0x6e: {  	_ =	shalt  }
0x6f: {  	_ =	shalt  }
0x70: {  	_ =	shalt  }
0x71: {  	_ =	shalt  }
0x72: {  	_ =	shalt  }
0x73: {  	_ =	shalt  }
0x74: {  	_ =	shalt  }
0x75: {  	_ =	shalt  }
0x76: {  	_ =	shalt  }
0x77: {  	_ =	shalt  }
0x78: {  	_ =	shalt  }
0x79: {  	_ =	shalt  }
0x7a: {  	_ =	shalt  }
0x7b: {  	_ =	shalt  }
0x7c: {  	_ =	shalt  }
0x7d: {  	_ =	shalt  }
0x7e: {  	_ =	shalt  }
0x7f: {  	_ =	shalt  }
0x80: {  	_ =	shalt  }
0x81: {  	_ =	shalt  }
0x82: {  	_ =	shalt  }
0x83: {  	_ =	shalt  }
0x84: {  	_ =	shalt  }
0x85: {  	_ =	shalt  }
0x86: {  	_ =	shalt  }
0x87: {  	_ =	shalt  }
.Lfunc_end0:
.L_simem_size_0:
called_computation_lowered:
.L_overlay_start_0:
0x88: {  	s2 =	sld [smem:$0x3FD9]  }
0x89: {  	s3 =	sld [smem:$0x3FFE];
	_ =	sdelay $0x1  }
0x8a: {  	s1 =	srdreg.scid  }
0x8b: {  	s0 =	sand.u32 $0x1, s1  }
0x8c: {  	s17 =	sshll.u32 s0, $0xA;
	s2 =	sadd.s32 s3, s2  }
0x8d: {  	s2 =	sadd.s32 s2, s17  }
0x8e: {  	[smem:$0x3FC4] =	sst s2  }
0x8f: {  	_ = 	snop  }
0x90: {  	s2 =	sld [smem:$0x3FC9]  }
0x91: {  	s18 =	sld [smem:$0x3FC8]  }
0x92: {  	s4 =	sld [smem:$0x3FC7];
	(tm) =	ssettm $0x1  }
0x93: {  	s5 =	sld [smem:$0x3FFB];
	_ =	sdelay $0x3  }
0x94: {  	_ =	strace s5  }
0x95: {  	s5 =	sld [smem:$0x3FFC];
	_ =	sdelay $0x3  }
0x96: {  	_ =	strace s5  }
0x97: {  	s5 =	sld [smem:$0x3FFD];
	_ =	sdelay $0x3  }
0x98: {  	_ =	strace s5  }
0x99: {  	_ =	strace $0x8FFFFFFF  }
0x9a: {  	s19 =	sld [smem:$0x3FDB];
	_ =	sdelay $0x1  }
0x9b: {  	s6 =	simm.s32 $_scs_section_size  }
0x9c: {  	s7 =	simm.s32 $_size__tile_overlayer_lowered;
	s8 =	simm.s32 $_tile_overlayer_lowered  }
0x9d: {  	s22 =	simm.s32 $0x1BFF;
	s21 =	sshll.u32 s8, $0x1;
	s5 =	sadd.s32 s6, s19  }
0x9e: {  	s9 =	simm.s32 $0x0;
	s20 =	sshll.u32 s7, $0x1;
	s7 =	sadd.s32 s21, s5  }
0x9f: {  	[timem:s9], [sflag:s22] =	dma.local [hbm:s7], s20  }
0xa0: {  	_ =	swait.ge [sflag:s22], s20  }
0xa1: {  	s6 =	ssub.s32 $0x0, s20;
	[sflag:s22] =	ssyncset.done $0x0  }
0xa2: {  	[sflag:s22] =	ssyncadd.s32 s6;
	_ =	sdelay $0x1  }
0xa3: {  	s23 =	simm.s32 $0x1B8B  }
0xa4: {  	_ =	swait.ge [sflag:s23], $0x1  }
0xa5: {  	[sflag:s23] =	ssyncset.done $0x0  }
0xa6: {  	s25 =	simm.s32 $0x1B8E;
	s24 =	sld [smem:$0x3FFE];
	[sflag:s23] =	ssyncadd.s32 $0xFFFFFFFF  }
0xa7: {  	s26 =	simm.s32 $execute0_lowered;
	[smem:$0x3FD2] =	sst s25  }
0xa8: {  	s7 =	sshll.u32 s26, $0x1;
	_ =	strace $0x80000046;
	[dreg:$0x1] =	wrdreg $0xFFFFFFFF  }
0xa9: {  	s28 =	simm.s32 $_size_execute0_lowered;
	s5 =	sadd.s32 s5, s7;
	[dreg:$0x0] =	wrdreg $0x0  }
0xaa: {  	s7 =	sshll.u32 s28, $0x1;
	[dreg:$0x2] =	wrdreg s5  }
0xab: {  	[dreg:$0x3] =	wrdreg s7  }
0xac: {  	[dreg:$0x4] =	wrdreg $0xC0  }
0xad: {  	_ =	task [dreg:s9], $0x5FFFF  }
0xae: {  	[dreg:$0x1] =	wrdreg $0xFFFFFFFF  }
0xaf: {  	[dreg:$0x0] =	wrdreg $0x60  }
0xb0: {  	[dreg:$0x2] =	wrdreg s2  }
0xb1: {  	[dreg:$0x3] =	wrdreg s18  }
0xb2: {  	[dreg:$0x4] =	wrdreg s4  }
0xb3: {  	[dreg:$0x5] =	wrdreg s24  }
0xb4: {  	[dreg:$0x6] =	wrdreg $0x9  }
0xb5: {  	_ =	task.clear_ibuf [dreg:s9], $0x7FFFF;
	_ =	strace $0x90000046  }
0xb6: {  	s29 =	simm.s32 $0x9;
	_ =	strace $0x80000048  }
0xb7: {  	_ =	swait.ge [sflag:s29], $0x1  }
0xb8: {  	[sflag:s29] =	ssyncadd.s32 $0xFFFFFFFF  }
0xb9: {  	_ =	strace $0x90000048  }
0xba: {  	_ =	sfence  }
0xbb: {  	s30 =	sld [smem:$0x0];
	_ =	sdelay $0x2  }
0xbc: {  	s31 =	sshll.u32 s1, $0xD;
	s1 =	sshrl.u32 s1, $0x2  }
0xbd: {  	s3 =	sand.u32 $0x4000, s31;
	s1 =	sadd.s32 s1, s30  }
0xbe: {  	s0 =	sor.u32 s3, s0;
	s1 =	sshll.u32 s1, $0x11  }
0xbf: {  	s0 =	sor.u32 s1, s0  }
0xc0: {  	s0 =	sadd.s32 $0x8F2B, s0  }
0xc1: {  	[sflag:s0] =	ssyncadd.remote.s32 $0x1  }
0xc2: {  	_ =	sfence.sel $0xFFFF  }
0xc3: {  	[dreg:$0x0] =	wrdreg $0xFFFFFFFF;
	(pc) =	sbr.abs _section_cstart, $3  }
0xc4: {  	[dreg:$0x1] =	wrdreg $0xFFFFFFFF  }
0xc5: {  	_ =	task.clear_ibuf [dreg:s9], $0x2FFFF;
	_ =	strace $0x9FFFFFFF  }
0xc6: {  	(tm) =	ssettm $0x7FFFFFFF  }
0xc7: {  	_ =	shalt  }
tec
execute0_lowered:
.L_overlay_start_1:
0x0: {  	(tag) =	ssettag $0x1  }
0x1: {  	s0 =	rddreg [dreg:$0x0]  }
0x2: {  	s1 =	rddreg [dreg:$0x3];
	s3 =	simm.s32 $0x0;
	s2 =	srdreg.scid  }
0x3: {  	s4 =	stileid.u32;
	[smem:$0x7FF] =	sst s3  }
0x4: {  	s2 =	sand.u32 $0x1, s2;
	s4 =	sshll.u32 s4, $0x6;
	s28 =	sadd.s32 $0x400, s1  }
0x5: {  	s1 =	sadd.s32 $0x2710400, s1;
	s26 =	ssub.s32 $0x2, s2;
	s2 =	sshll.u32 s2, $0x5  }
0x6: {  	_ =	strace $0x80000047;
	[smem:$0x7F9] =	sst s28;
	s4 =	sor.u32 s2, s4  }
0x7: {  	[smem:$0x7FB] =	sst s1;
	s5 =	sshrl.u32 s26, $0x1;
	s30 =	sshrl.u32 s4, $0x3  }
0x8: {  	s29 =	ssub.s32 s26, s5;
	[smem:$0x7FA] =	sst s4;
	s0 =	sadd.s32 s0, s30  }
0x9: {  	s31 =	smax.u32 s29, $0x1;
	[smem:$0x7FC] =	sst s0  }
0xa: {  	vm0 =	vmmov $0x1;
	vm1 =	vcmask $0x308;
	s1 =	simm.s32 $0x0;
	[smem:$0x7FD] =	sst s31  }
.LBB2_1:
0xb: {  	s0 =	sld [smem:$0x7FC];
	_ =	sdelay $0x1  }
0xc: {  	[smem:$0x7F8] =	sst s1;
	s2 =	simm.s32 $0x0;
	s3 =	simm.s32 $0x3  }
0xd: {  	[tilespmem:s2], [sflag:$0x3] =	stream.linear.gather [hbm4b:s0+s2], $0x20, $0x38;
	[tilespmem:$0x1C480] =	vst v63  }
0xe: {  	_ =	swait.ge [sflag:s3], $0x20  }
0xf: {  	[sflag:s3] =	ssyncset.done $0x0  }
0x10: {  	[sflag:s3] =	ssyncadd.s32 $0xFFFFFFE0  }
0x11: {  	s26 =	simm.s32 $0x80;
	s28 =	rddreg [dreg:$0x1]  }
0x12: {  	[tilespmem:s26], [sflag:$0x3] =	stream.linear.gather [hbm4b:s28+s2], $0x2000, $0x38;
	[tilespmem:$0x1C480] =	vst v63  }
0x13: {  	s29 =	simm.s32 $0x0;
	_ =	swait.ge [sflag:s3], $0x2000  }
0x14: {  	s0 =	sand.u32 $0x380, s29;
	s2 =	sand.u32 $0x1000, s2;
	[sflag:s3] =	ssyncset.done $0x0  }
0x15: {  	s30 =	sor.u32 s0, s2;
	[sflag:s3] =	ssyncadd.s32 $0xFFFFE000  }
0x16: {  	v0 =	vld [tilespmem:s30+$0x80];
	_ =	sdelay $0x1  }
0x17: {  	s0 =	simm.s32 $0x200  }
0x18: {  	s1 =	sand.u32 $0x380, s26;
	s31 =	sand.u32 $0x3000, s0  }
0x19: {  	s1 =	sor.u32 s1, s31  }
0x1a: {  	[tilespmem:s1+$0x12480] =	vst v0  }
0x1b: {  	v0 =	vld [tilespmem:s30+$0x90];
	_ =	sdelay $0x3  }
0x1c: {  	s1 =	sadd.s32 $0x12480, s1  }
0x1d: {  	[tilespmem:s1+$0x10] =	vst v0  }
0x1e: {  	v0 =	vld [tilespmem:s30+$0xA0];
	_ =	sdelay $0x4  }
0x1f: {  	[tilespmem:s1+$0x20] =	vst v0  }
0x20: {  	v0 =	vld [tilespmem:s30+$0xB0];
	_ =	sdelay $0x4  }
0x21: {  	[tilespmem:s1+$0x30] =	vst v0  }
0x22: {  	v0 =	vld [tilespmem:s30+$0xC0];
	_ =	sdelay $0x4  }
0x23: {  	[tilespmem:s1+$0x40] =	vst v0  }
0x24: {  	v0 =	vld [tilespmem:s30+$0xD0];
	_ =	sdelay $0x4  }
0x25: {  	[tilespmem:s1+$0x50] =	vst v0  }
0x26: {  	v0 =	vld [tilespmem:s30+$0xE0];
	_ =	sdelay $0x4  }
0x27: {  	[tilespmem:s1+$0x60] =	vst v0  }
0x28: {  	v0 =	vld [tilespmem:s30+$0xF0];
	_ =	sdelay $0x4  }
0x29: {  	[tilespmem:s1+$0x70] =	vst v0  }
0x2a: {  	v0 =	vld [tilespmem:s30+$0x480];
	_ =	sdelay $0x4  }
0x2b: {  	[tilespmem:s1+$0x400] =	vst v0  }
0x2c: {  	v0 =	vld [tilespmem:s30+$0x490];
	_ =	sdelay $0x4  }
0x2d: {  	[tilespmem:s1+$0x410] =	vst v0  }
0x2e: {  	v0 =	vld [tilespmem:s30+$0x4A0];
	_ =	sdelay $0x4  }
0x2f: {  	[tilespmem:s1+$0x420] =	vst v0  }
0x30: {  	v0 =	vld [tilespmem:s30+$0x4B0];
	_ =	sdelay $0x4  }
0x31: {  	[tilespmem:s1+$0x430] =	vst v0  }
0x32: {  	v0 =	vld [tilespmem:s30+$0x4C0];
	_ =	sdelay $0x4  }
0x33: {  	[tilespmem:s1+$0x440] =	vst v0  }
0x34: {  	v0 =	vld [tilespmem:s30+$0x4D0];
	_ =	sdelay $0x4  }
0x35: {  	[tilespmem:s1+$0x450] =	vst v0  }
0x36: {  	v0 =	vld [tilespmem:s30+$0x4E0];
	_ =	sdelay $0x4  }
0x37: {  	[tilespmem:s1+$0x460] =	vst v0  }
0x38: {  	v0 =	vld [tilespmem:s30+$0x4F0];
	_ =	sdelay $0x4  }
0x39: {  	[tilespmem:s1+$0x470] =	vst v0  }
0x3a: {  	v0 =	vld [tilespmem:s30+$0x880];
	_ =	sdelay $0x4  }
0x3b: {  	[tilespmem:s1+$0x800] =	vst v0  }
0x3c: {  	v0 =	vld [tilespmem:s30+$0x890];
	_ =	sdelay $0x4  }
0x3d: {  	[tilespmem:s1+$0x810] =	vst v0  }
0x3e: {  	v0 =	vld [tilespmem:s30+$0x8A0];
	_ =	sdelay $0x4  }
0x3f: {  	[tilespmem:s1+$0x820] =	vst v0  }
0x40: {  	v0 =	vld [tilespmem:s30+$0x8B0];
	_ =	sdelay $0x4  }
0x41: {  	[tilespmem:s1+$0x830] =	vst v0  }
0x42: {  	v0 =	vld [tilespmem:s30+$0x8C0];
	_ =	sdelay $0x4  }
0x43: {  	[tilespmem:s1+$0x840] =	vst v0  }
0x44: {  	v0 =	vld [tilespmem:s30+$0x8D0];
	_ =	sdelay $0x4  }
0x45: {  	[tilespmem:s1+$0x850] =	vst v0  }
0x46: {  	v0 =	vld [tilespmem:s30+$0x8E0];
	_ =	sdelay $0x4  }
0x47: {  	[tilespmem:s1+$0x860] =	vst v0  }
0x48: {  	v0 =	vld [tilespmem:s30+$0x8F0];
	_ =	sdelay $0x4  }
0x49: {  	[tilespmem:s1+$0x870] =	vst v0  }
0x4a: {  	v0 =	vld [tilespmem:s30+$0xC80];
	_ =	sdelay $0x4  }
0x4b: {  	[tilespmem:s1+$0xC00] =	vst v0  }
0x4c: {  	v0 =	vld [tilespmem:s30+$0xC90];
	_ =	sdelay $0x4  }
0x4d: {  	[tilespmem:s1+$0xC10] =	vst v0  }
0x4e: {  	v0 =	vld [tilespmem:s30+$0xCA0];
	_ =	sdelay $0x4  }
0x4f: {  	[tilespmem:s1+$0xC20] =	vst v0  }
0x50: {  	v0 =	vld [tilespmem:s30+$0xCB0];
	_ =	sdelay $0x4  }
0x51: {  	[tilespmem:s1+$0xC30] =	vst v0  }
0x52: {  	v0 =	vld [tilespmem:s30+$0xCC0];
	_ =	sdelay $0x4  }
0x53: {  	[tilespmem:s1+$0xC40] =	vst v0  }
0x54: {  	v0 =	vld [tilespmem:s30+$0xCD0];
	_ =	sdelay $0x4  }
0x55: {  	[tilespmem:s1+$0xC50] =	vst v0  }
0x56: {  	v0 =	vld [tilespmem:s30+$0xCE0];
	_ =	sdelay $0x4  }
0x57: {  	[tilespmem:s1+$0xC60] =	vst v0  }
0x58: {  	v0 =	vld [tilespmem:s30+$0xCF0];
	_ =	sdelay $0x2  }
0x59: {  	s4 =	simm.s32 $0x80;
	s2 =	simm.s32 $0x100;
	s3 =	simm.s32 $0x180  }
.LBB2_2:
0x5a: {  	p0 =	sne.s32 s3, $0x800;
	s5 =	sand.u32 $0x1000, s0;
	s4 =	sand.u32 $0x380, s4  }
0x5b: {  	s4 =	sor.u32 s4, s5;
	[tilespmem:s1+$0xC70] =	vst v0  }
0x5c: {  	v0 =	vld [tilespmem:s4+$0x80];
	_ =	sdelay $0x1  }
0x5d: {  	s0 =	sadd.s32 $0x200, s0  }
0x5e: {  	s1 =	sand.u32 $0x3000, s0;
	s5 =	sand.u32 $0x380, s2;
	s2 =	smov.u32 s3  }
0x5f: {  	s1 =	sor.u32 s5, s1  }
0x60: {  	[tilespmem:s1+$0x12480] =	vst v0  }
0x61: {  	v0 =	vld [tilespmem:s4+$0x90];
	_ =	sdelay $0x3  }
0x62: {  	s1 =	sadd.s32 $0x12480, s1  }
0x63: {  	[tilespmem:s1+$0x10] =	vst v0  }
0x64: {  	v0 =	vld [tilespmem:s4+$0xA0];
	_ =	sdelay $0x4  }
0x65: {  	[tilespmem:s1+$0x20] =	vst v0  }
0x66: {  	v0 =	vld [tilespmem:s4+$0xB0];
	_ =	sdelay $0x4  }
0x67: {  	[tilespmem:s1+$0x30] =	vst v0  }
0x68: {  	v0 =	vld [tilespmem:s4+$0xC0];
	_ =	sdelay $0x4  }
0x69: {  	[tilespmem:s1+$0x40] =	vst v0  }
0x6a: {  	v0 =	vld [tilespmem:s4+$0xD0];
	_ =	sdelay $0x4  }
0x6b: {  	[tilespmem:s1+$0x50] =	vst v0  }
0x6c: {  	v0 =	vld [tilespmem:s4+$0xE0];
	_ =	sdelay $0x4  }
0x6d: {  	[tilespmem:s1+$0x60] =	vst v0  }
0x6e: {  	v0 =	vld [tilespmem:s4+$0xF0];
	_ =	sdelay $0x4  }
0x6f: {  	[tilespmem:s1+$0x70] =	vst v0  }
0x70: {  	v0 =	vld [tilespmem:s4+$0x480];
	_ =	sdelay $0x4  }
0x71: {  	[tilespmem:s1+$0x400] =	vst v0  }
0x72: {  	v0 =	vld [tilespmem:s4+$0x490];
	_ =	sdelay $0x4  }
0x73: {  	[tilespmem:s1+$0x410] =	vst v0  }
0x74: {  	v0 =	vld [tilespmem:s4+$0x4A0];
	_ =	sdelay $0x4  }
0x75: {  	[tilespmem:s1+$0x420] =	vst v0  }
0x76: {  	v0 =	vld [tilespmem:s4+$0x4B0];
	_ =	sdelay $0x4  }
0x77: {  	[tilespmem:s1+$0x430] =	vst v0  }
0x78: {  	v0 =	vld [tilespmem:s4+$0x4C0];
	_ =	sdelay $0x4  }
0x79: {  	[tilespmem:s1+$0x440] =	vst v0  }
0x7a: {  	v0 =	vld [tilespmem:s4+$0x4D0];
	_ =	sdelay $0x4  }
0x7b: {  	[tilespmem:s1+$0x450] =	vst v0  }
0x7c: {  	v0 =	vld [tilespmem:s4+$0x4E0];
	_ =	sdelay $0x4  }
0x7d: {  	[tilespmem:s1+$0x460] =	vst v0  }
0x7e: {  	v0 =	vld [tilespmem:s4+$0x4F0];
	_ =	sdelay $0x4  }
0x7f: {  	[tilespmem:s1+$0x470] =	vst v0  }
0x80: {  	v0 =	vld [tilespmem:s4+$0x880];
	_ =	sdelay $0x4  }
0x81: {  	[tilespmem:s1+$0x800] =	vst v0  }
0x82: {  	v0 =	vld [tilespmem:s4+$0x890];
	_ =	sdelay $0x4  }
0x83: {  	[tilespmem:s1+$0x810] =	vst v0  }
0x84: {  	v0 =	vld [tilespmem:s4+$0x8A0];
	_ =	sdelay $0x4  }
0x85: {  	[tilespmem:s1+$0x820] =	vst v0  }
0x86: {  	v0 =	vld [tilespmem:s4+$0x8B0];
	_ =	sdelay $0x4  }
0x87: {  	[tilespmem:s1+$0x830] =	vst v0  }
0x88: {  	v0 =	vld [tilespmem:s4+$0x8C0];
	_ =	sdelay $0x4  }
0x89: {  	[tilespmem:s1+$0x840] =	vst v0  }
0x8a: {  	v0 =	vld [tilespmem:s4+$0x8D0];
	_ =	sdelay $0x4  }
0x8b: {  	[tilespmem:s1+$0x850] =	vst v0  }
0x8c: {  	v0 =	vld [tilespmem:s4+$0x8E0];
	_ =	sdelay $0x4  }
0x8d: {  	[tilespmem:s1+$0x860] =	vst v0  }
0x8e: {  	v0 =	vld [tilespmem:s4+$0x8F0];
	_ =	sdelay $0x4  }
0x8f: {  	[tilespmem:s1+$0x870] =	vst v0  }
0x90: {  	v0 =	vld [tilespmem:s4+$0xC80];
	_ =	sdelay $0x4  }
0x91: {  	[tilespmem:s1+$0xC00] =	vst v0  }
0x92: {  	v0 =	vld [tilespmem:s4+$0xC90];
	_ =	sdelay $0x4  }
0x93: {  	[tilespmem:s1+$0xC10] =	vst v0  }
0x94: {  	v0 =	vld [tilespmem:s4+$0xCA0];
	_ =	sdelay $0x4  }
0x95: {  	[tilespmem:s1+$0xC20] =	vst v0  }
0x96: {  	v0 =	vld [tilespmem:s4+$0xCB0];
	_ =	sdelay $0x4  }
0x97: {  	[tilespmem:s1+$0xC30] =	vst v0  }
0x98: {  	v0 =	vld [tilespmem:s4+$0xCC0];
	_ =	sdelay $0x4  }
0x99: {  	[tilespmem:s1+$0xC40] =	vst v0  }
0x9a: {  	v0 =	vld [tilespmem:s4+$0xCD0];
	_ =	sdelay $0x4  }
0x9b: {  	[tilespmem:s1+$0xC50] =	vst v0  }
0x9c: {  	v0 =	vld [tilespmem:s4+$0xCE0];
	_ =	sdelay $0x4  }
.Ltmp0:
0x9d: {  	[tilespmem:s1+$0xC60] =	vst v0;
	(pc) =	sbr.rel @p0 .LBB2_2-.Ltmp0, $2  }
0x9e: {  	v0 =	vld [tilespmem:s4+$0xCF0];
	_ =	sdelay $0x2  }
0x9f: {  	s3 =	sadd.s32 $0x80, s3;
	s4 =	sadd.s32 $0xFFFFFF80, s2  }
0xa0: {  	s3 =	sand.u32 $0x1000, s0;
	s4 =	sand.u32 $0x380, s4  }
0xa1: {  	s3 =	sor.u32 s4, s3;
	[tilespmem:s1+$0xC70] =	vst v0  }
0xa2: {  	v0 =	vld [tilespmem:s3+$0x80];
	_ =	sdelay $0x1  }
0xa3: {  	s17 =	sadd.s32 $0x200, s0  }
0xa4: {  	s18 =	sand.u32 $0x380, s2;
	s0 =	sand.u32 $0x3000, s17  }
0xa5: {  	s0 =	sor.u32 s18, s0  }
0xa6: {  	[tilespmem:s0+$0x12480] =	vst v0  }
0xa7: {  	v0 =	vld [tilespmem:s3+$0x90];
	_ =	sdelay $0x3  }
0xa8: {  	s0 =	sadd.s32 $0x12480, s0  }
0xa9: {  	[tilespmem:s0+$0x10] =	vst v0  }
0xaa: {  	v0 =	vld [tilespmem:s3+$0xA0];
	_ =	sdelay $0x4  }
0xab: {  	[tilespmem:s0+$0x20] =	vst v0  }
0xac: {  	v0 =	vld [tilespmem:s3+$0xB0];
	_ =	sdelay $0x4  }
0xad: {  	[tilespmem:s0+$0x30] =	vst v0  }
0xae: {  	v0 =	vld [tilespmem:s3+$0xC0];
	_ =	sdelay $0x4  }
0xaf: {  	[tilespmem:s0+$0x40] =	vst v0  }
0xb0: {  	v0 =	vld [tilespmem:s3+$0xD0];
	_ =	sdelay $0x4  }
0xb1: {  	[tilespmem:s0+$0x50] =	vst v0  }
0xb2: {  	v0 =	vld [tilespmem:s3+$0xE0];
	_ =	sdelay $0x4  }
0xb3: {  	[tilespmem:s0+$0x60] =	vst v0  }
0xb4: {  	v0 =	vld [tilespmem:s3+$0xF0];
	_ =	sdelay $0x4  }
0xb5: {  	[tilespmem:s0+$0x70] =	vst v0  }
0xb6: {  	v0 =	vld [tilespmem:s3+$0x480];
	_ =	sdelay $0x4  }
0xb7: {  	[tilespmem:s0+$0x400] =	vst v0  }
0xb8: {  	v0 =	vld [tilespmem:s3+$0x490];
	_ =	sdelay $0x4  }
0xb9: {  	[tilespmem:s0+$0x410] =	vst v0  }
0xba: {  	v0 =	vld [tilespmem:s3+$0x4A0];
	_ =	sdelay $0x4  }
0xbb: {  	[tilespmem:s0+$0x420] =	vst v0  }
0xbc: {  	v0 =	vld [tilespmem:s3+$0x4B0];
	_ =	sdelay $0x4  }
0xbd: {  	[tilespmem:s0+$0x430] =	vst v0  }
0xbe: {  	v0 =	vld [tilespmem:s3+$0x4C0];
	_ =	sdelay $0x4  }
0xbf: {  	[tilespmem:s0+$0x440] =	vst v0  }
0xc0: {  	v0 =	vld [tilespmem:s3+$0x4D0];
	_ =	sdelay $0x4  }
0xc1: {  	[tilespmem:s0+$0x450] =	vst v0  }
0xc2: {  	v0 =	vld [tilespmem:s3+$0x4E0];
	_ =	sdelay $0x4  }
0xc3: {  	[tilespmem:s0+$0x460] =	vst v0  }
0xc4: {  	v0 =	vld [tilespmem:s3+$0x4F0];
	_ =	sdelay $0x4  }
0xc5: {  	[tilespmem:s0+$0x470] =	vst v0  }
0xc6: {  	v0 =	vld [tilespmem:s3+$0x880];
	_ =	sdelay $0x4  }
0xc7: {  	[tilespmem:s0+$0x800] =	vst v0  }
0xc8: {  	v0 =	vld [tilespmem:s3+$0x890];
	_ =	sdelay $0x4  }
0xc9: {  	[tilespmem:s0+$0x810] =	vst v0  }
0xca: {  	v0 =	vld [tilespmem:s3+$0x8A0];
	_ =	sdelay $0x4  }
0xcb: {  	[tilespmem:s0+$0x820] =	vst v0  }
0xcc: {  	v0 =	vld [tilespmem:s3+$0x8B0];
	_ =	sdelay $0x4  }
0xcd: {  	[tilespmem:s0+$0x830] =	vst v0  }
0xce: {  	v0 =	vld [tilespmem:s3+$0x8C0];
	_ =	sdelay $0x4  }
0xcf: {  	[tilespmem:s0+$0x840] =	vst v0  }
0xd0: {  	v0 =	vld [tilespmem:s3+$0x8D0];
	_ =	sdelay $0x4  }
0xd1: {  	[tilespmem:s0+$0x850] =	vst v0  }
0xd2: {  	v0 =	vld [tilespmem:s3+$0x8E0];
	_ =	sdelay $0x4  }
0xd3: {  	[tilespmem:s0+$0x860] =	vst v0  }
0xd4: {  	v0 =	vld [tilespmem:s3+$0x8F0];
	_ =	sdelay $0x4  }
0xd5: {  	[tilespmem:s0+$0x870] =	vst v0  }
0xd6: {  	v0 =	vld [tilespmem:s3+$0xC80];
	_ =	sdelay $0x4  }
0xd7: {  	[tilespmem:s0+$0xC00] =	vst v0  }
0xd8: {  	v0 =	vld [tilespmem:s3+$0xC90];
	_ =	sdelay $0x4  }
0xd9: {  	[tilespmem:s0+$0xC10] =	vst v0  }
0xda: {  	v0 =	vld [tilespmem:s3+$0xCA0];
	_ =	sdelay $0x4  }
0xdb: {  	[tilespmem:s0+$0xC20] =	vst v0  }
0xdc: {  	v0 =	vld [tilespmem:s3+$0xCB0];
	_ =	sdelay $0x4  }
0xdd: {  	[tilespmem:s0+$0xC30] =	vst v0  }
0xde: {  	v0 =	vld [tilespmem:s3+$0xCC0];
	_ =	sdelay $0x4  }
0xdf: {  	[tilespmem:s0+$0xC40] =	vst v0  }
0xe0: {  	v0 =	vld [tilespmem:s3+$0xCD0];
	_ =	sdelay $0x4  }
0xe1: {  	[tilespmem:s0+$0xC50] =	vst v0  }
0xe2: {  	v0 =	vld [tilespmem:s3+$0xCE0];
	_ =	sdelay $0x4  }
0xe3: {  	[tilespmem:s0+$0xC60] =	vst v0  }
0xe4: {  	v0 =	vld [tilespmem:s3+$0xCF0];
	_ =	sdelay $0x4  }
0xe5: {  	[tilespmem:s0+$0xC70] =	vst v0  }
0xe6: {  	v0 =	vld [tilespmem:$0x0];
	_ =	sdelay $0x4  }
0xe7: {  	v1 =	vnsel vm0, $0x0, v0  }
0xe8: {  	(xrf0) =	vadd.scan.msk.s32 $0xffff, v1;
	_ =	sdelay $0x5  }
0xe9: {  	v1, _, _ =	vpop (xrf0)  }
0xea: {  	(v2sf) =	vpush v1, $0xF;
	v1 =	vsel vm1, $0x0, v0  }
0xeb: {  	(xrf0) =	vadd.scan.msk.s32 $0xffff, v1;
	_ =	sdelay $0x5  }
0xec: {  	v1, _, _ =	vpop (xrf0)  }
0xed: {  	(v2sf) =	vpush v1, $0xF;
	_ =	sdelay $0x7  }
0xee: {  	s19 =	spop (v2sf)  }
0xef: {  	s21 =	rddreg [dreg:$0x2];
	s22 =	simm.s32 $0x0;
	s20 =	sshll.u32 s19, $0x6  }
0xf0: {  	s24 =	sld [smem:$0x7F9];
	s0 =	sshll.u32 s19, $0xC;
	s1 =	sand.u32 $0x1FFFFFC0, s20  }
0xf1: {  	s23 =	simm.s32 $0x2080;
	s0 =	sand.u32 $0x1FFFF000, s0;
	s1 =	sadd.s32 s21, s1  }
0xf2: {  	v1 =	vld [tilespmem:$0x10];
	[tilespmem:s23], [sflag:$0x1] =	stream.linear.gather [hbm4b:s1+s22], $0x200, $0x38  }
0xf3: {  	s25 =	simm.s32 $0x2480;
	s0 =	sadd.s32 s24, s0  }
0xf4: {  	[tilespmem:s25], [sflag:$0x1] =	stream.linear.gather [hbm4b:s0+s22], $0x8000, $0x38;
	[tilespmem:$0x1C480] =	vst v63  }
0xf5: {  	s26 =	spop (v2sf)  }
0xf6: {  	s28 =	sshll.u32 s26, $0x6  }
0xf7: {  	s29 =	simm.s32 $0x2280;
	s0 =	sshll.u32 s26, $0xC;
	s1 =	sand.u32 $0x1FFFFFC0, s28  }
0xf8: {  	s31 =	simm.s32 $0x0;
	s0 =	sand.u32 $0x1FFFF000, s0;
	s1 =	sadd.s32 s21, s1  }
0xf9: {  	[tilespmem:s29], [sflag:$0x2] =	stream.linear.gather [hbm4b:s1+s22], $0x200, $0x38;
	[tilespmem:$0x1C480] =	vst v63  }
0xfa: {  	s30 =	simm.s32 $0xA480;
	[smem:$0x7F7] =	sst s31;
	s0 =	sadd.s32 s24, s0  }
0xfb: {  	[tilespmem:s30], [sflag:$0x2] =	stream.linear.gather [hbm4b:s0+s22], $0x8000, $0x38;
	[tilespmem:$0x1C480] =	vst v63  }
.LBB2_4:
0xfc: {  	s0 =	simm.s32 $0x1  }
0xfd: {  	_ =	swait.ge [sflag:s0], $0x200  }
0xfe: {  	[sflag:s0] =	ssyncset.done $0x0  }
0xff: {  	[sflag:s0] =	ssyncadd.s32 $0xFFFFFE00  }
0x100: {  	_ =	swait.ge [sflag:s0], $0x8000  }
0x101: {  	[sflag:s0] =	ssyncset.done $0x0  }
0x102: {  	[sflag:s0] =	ssyncadd.s32 $0xFFFF8000  }
0x103: {  	v2 =	vld [tilespmem:$0x2080]  }
0x104: {  	v3 =	vld [tilespmem:$0x2090];
	_ =	sdelay $0x1  }
0x105: {  	v4 =	vld [tilespmem:$0x20A0]  }
0x106: {  	v5 =	vld [tilespmem:$0x20B0]  }
0x107: {  	v6 =	vld [tilespmem:$0x20C0];
	[tilespmem:$0x12480] =	vst v2  }
0x108: {  	v2 =	vld [tilespmem:$0x20D0];
	[tilespmem:$0x12490] =	vst v3  }
0x109: {  	v3 =	vld [tilespmem:$0x20E0]  }
0x10a: {  	[tilespmem:$0x124A0] =	vst v4;
	v4 =	vld [tilespmem:$0x20F0]  }
0x10b: {  	[tilespmem:$0x124B0] =	vst v5;
	v5 =	vld [tilespmem:$0x2100]  }
0x10c: {  	[tilespmem:$0x124C0] =	vst v6;
	v6 =	vld [tilespmem:$0x2110]  }
0x10d: {  	[tilespmem:$0x124D0] =	vst v2;
	v2 =	vld [tilespmem:$0x2120]  }
0x10e: {  	[tilespmem:$0x124E0] =	vst v3;
	v3 =	vld [tilespmem:$0x2130]  }
0x10f: {  	[tilespmem:$0x124F0] =	vst v4;
	v4 =	vld [tilespmem:$0x2140]  }
0x110: {  	[tilespmem:$0x12880] =	vst v5;
	v5 =	vld [tilespmem:$0x2150]  }
0x111: {  	[tilespmem:$0x12890] =	vst v6;
	v6 =	vld [tilespmem:$0x2160]  }
0x112: {  	[tilespmem:$0x128A0] =	vst v2;
	v2 =	vld [tilespmem:$0x2170]  }
0x113: {  	[tilespmem:$0x128B0] =	vst v3;
	v3 =	vld [tilespmem:$0x2180]  }
0x114: {  	[tilespmem:$0x128C0] =	vst v4;
	v4 =	vld [tilespmem:$0x2190]  }
0x115: {  	[tilespmem:$0x128D0] =	vst v5;
	v5 =	vld [tilespmem:$0x21A0]  }
0x116: {  	[tilespmem:$0x128E0] =	vst v6;
	v6 =	vld [tilespmem:$0x21B0]  }
0x117: {  	[tilespmem:$0x128F0] =	vst v2;
	v2 =	vld [tilespmem:$0x21C0]  }
0x118: {  	[tilespmem:$0x12C80] =	vst v3;
	v3 =	vld [tilespmem:$0x21D0]  }
0x119: {  	[tilespmem:$0x12C90] =	vst v4;
	v4 =	vld [tilespmem:$0x21E0]  }
0x11a: {  	[tilespmem:$0x12CA0] =	vst v5;
	v5 =	vld [tilespmem:$0x21F0]  }
0x11b: {  	[tilespmem:$0x12CB0] =	vst v6;
	v6 =	vld [tilespmem:$0x2200]  }
0x11c: {  	[tilespmem:$0x12CC0] =	vst v2;
	v2 =	vld [tilespmem:$0x2210]  }
0x11d: {  	[tilespmem:$0x12CD0] =	vst v3;
	v3 =	vld [tilespmem:$0x2220]  }
0x11e: {  	[tilespmem:$0x12CE0] =	vst v4;
	v4 =	vld [tilespmem:$0x2230]  }
0x11f: {  	[tilespmem:$0x12CF0] =	vst v5;
	v5 =	vld [tilespmem:$0x2240]  }
0x120: {  	[tilespmem:$0x13080] =	vst v6;
	v6 =	vld [tilespmem:$0x2250]  }
0x121: {  	[tilespmem:$0x13090] =	vst v2;
	v2 =	vld [tilespmem:$0x2260]  }
0x122: {  	[tilespmem:$0x130A0] =	vst v3;
	v3 =	vld [tilespmem:$0x2270]  }
0x123: {  	[tilespmem:$0x130B0] =	vst v4  }
0x124: {  	[tilespmem:$0x130C0] =	vst v5  }
0x125: {  	s5 =	simm.s32 $0x0;
	s15 =	simm.s32 $0x0;
	[tilespmem:$0x130D0] =	vst v6  }
0x126: {  	s1 =	sand.u32 $0x7000, s15;
	s0 =	sand.u32 $0x200, s5;
	[tilespmem:$0x130E0] =	vst v2  }
0x127: {  	s1 =	sor.u32 s0, s1;
	[tilespmem:$0x130F0] =	vst v3  }
0x128: {  	v2 =	vld [tilespmem:s1+$0x2600]  }
0x129: {  	s6 =	simm.s32 $0xA00;
	s2 =	simm.s32 $0x2200;
	v4 =	vld [tilespmem:s1+$0x2500]  }
0x12a: {  	s3 =	simm.s32 $0x2800;
	s4 =	simm.s32 $0x880;
	s7 =	simm.s32 $0x2400;
	v3 =	vld [tilespmem:s1+$0x2480]  }
0x12b: {  	s3 =	sand.u32 $0xF000, s3;
	s5 =	simm.s32 $0x900;
	s0 =	sand.u32 $0x200, s6  }
0x12c: {  	s8 =	sand.u32 $0xF000, s7;
	s9 =	sand.u32 $0x300, s5;
	s0 =	sor.u32 s0, s3;
	v5 =	vld [tilespmem:s1+$0x2580]  }
0x12d: {  	s2 =	sand.u32 $0xF000, s2;
	s4 =	sand.u32 $0x280, s4;
	s3 =	sor.u32 s9, s8;
	[tilespmem:s0+$0x12480] =	vst v2  }
0x12e: {  	s10 =	simm.s32 $0x2600;
	s4 =	sor.u32 s4, s2;
	s6 =	simm.s32 $0x980;
	[tilespmem:s3+$0x12480] =	vst v4;
	v2 =	vld [tilespmem:s1+$0x2610]  }
0x12f: {  	s11 =	sand.u32 $0xF000, s10;
	s12 =	sand.u32 $0x380, s6;
	[tilespmem:s4+$0x12480] =	vst v3;
	v4 =	vld [tilespmem:s1+$0x2510]  }
0x130: {  	s5 =	sor.u32 s12, s11;
	v3 =	vld [tilespmem:s1+$0x2490]  }
0x131: {  	[tilespmem:s5+$0x12480] =	vst v5  }
0x132: {  	s13 =	sadd.s32 $0x12480, s0;
	v5 =	vld [tilespmem:s1+$0x2590]  }
0x133: {  	s3 =	sadd.s32 $0x12480, s3;
	[tilespmem:s13+$0x10] =	vst v2  }
0x134: {  	s19 =	sadd.s32 $0x12480, s4;
	[tilespmem:s3+$0x10] =	vst v4;
	v2 =	vld [tilespmem:s1+$0x2620]  }
0x135: {  	[tilespmem:s19+$0x10] =	vst v3;
	v4 =	vld [tilespmem:s1+$0x2520]  }
0x136: {  	s22 =	sadd.s32 $0x12480, s5;
	v3 =	vld [tilespmem:s1+$0x24A0]  }
0x137: {  	[tilespmem:s22+$0x10] =	vst v5  }
0x138: {  	v5 =	vld [tilespmem:s1+$0x25A0]  }
0x139: {  	[tilespmem:s13+$0x20] =	vst v2  }
0x13a: {  	[tilespmem:s3+$0x20] =	vst v4;
	v2 =	vld [tilespmem:s1+$0x2630]  }
0x13b: {  	[tilespmem:s19+$0x20] =	vst v3;
	v4 =	vld [tilespmem:s1+$0x2530]  }
0x13c: {  	v3 =	vld [tilespmem:s1+$0x24B0]  }
0x13d: {  	[tilespmem:s22+$0x20] =	vst v5  }
0x13e: {  	v5 =	vld [tilespmem:s1+$0x25B0]  }
0x13f: {  	[tilespmem:s13+$0x30] =	vst v2  }
0x140: {  	[tilespmem:s3+$0x30] =	vst v4;
	v2 =	vld [tilespmem:s1+$0x2640]  }
0x141: {  	[tilespmem:s19+$0x30] =	vst v3;
	v4 =	vld [tilespmem:s1+$0x2540]  }
0x142: {  	v3 =	vld [tilespmem:s1+$0x24C0]  }
0x143: {  	[tilespmem:s22+$0x30] =	vst v5  }
0x144: {  	v5 =	vld [tilespmem:s1+$0x25C0]  }
0x145: {  	[tilespmem:s13+$0x40] =	vst v2  }
0x146: {  	[tilespmem:s3+$0x40] =	vst v4;
	v2 =	vld [tilespmem:s1+$0x2650]  }
0x147: {  	[tilespmem:s19+$0x40] =	vst v3;
	v4 =	vld [tilespmem:s1+$0x2550]  }
0x148: {  	v3 =	vld [tilespmem:s1+$0x24D0]  }
0x149: {  	[tilespmem:s22+$0x40] =	vst v5  }
0x14a: {  	v5 =	vld [tilespmem:s1+$0x25D0]  }
0x14b: {  	[tilespmem:s13+$0x50] =	vst v2  }
0x14c: {  	[tilespmem:s3+$0x50] =	vst v4;
	v2 =	vld [tilespmem:s1+$0x2660]  }
0x14d: {  	[tilespmem:s19+$0x50] =	vst v3;
	v4 =	vld [tilespmem:s1+$0x2560]  }
0x14e: {  	v3 =	vld [tilespmem:s1+$0x24E0]  }
0x14f: {  	[tilespmem:s22+$0x50] =	vst v5  }
0x150: {  	v5 =	vld [tilespmem:s1+$0x25E0]  }
0x151: {  	[tilespmem:s13+$0x60] =	vst v2  }
0x152: {  	[tilespmem:s3+$0x60] =	vst v4;
	v2 =	vld [tilespmem:s1+$0x2670]  }
0x153: {  	[tilespmem:s19+$0x60] =	vst v3;
	v4 =	vld [tilespmem:s1+$0x2570]  }
0x154: {  	v3 =	vld [tilespmem:s1+$0x24F0]  }
0x155: {  	[tilespmem:s22+$0x60] =	vst v5  }
0x156: {  	v5 =	vld [tilespmem:s1+$0x25F0]  }
0x157: {  	[tilespmem:s13+$0x70] =	vst v2  }
0x158: {  	[tilespmem:s3+$0x70] =	vst v4;
	v2 =	vld [tilespmem:s1+$0x2A00]  }
0x159: {  	[tilespmem:s19+$0x70] =	vst v3;
	v4 =	vld [tilespmem:s1+$0x2900]  }
0x15a: {  	v3 =	vld [tilespmem:s1+$0x2880]  }
0x15b: {  	[tilespmem:s22+$0x70] =	vst v5  }
0x15c: {  	v5 =	vld [tilespmem:s1+$0x2980]  }
0x15d: {  	[tilespmem:s13+$0x400] =	vst v2  }
0x15e: {  	[tilespmem:s3+$0x400] =	vst v4;
	v2 =	vld [tilespmem:s1+$0x2A10]  }
0x15f: {  	[tilespmem:s19+$0x400] =	vst v3;
	v4 =	vld [tilespmem:s1+$0x2910]  }
0x160: {  	v3 =	vld [tilespmem:s1+$0x2890]  }
0x161: {  	[tilespmem:s22+$0x400] =	vst v5  }
0x162: {  	v5 =	vld [tilespmem:s1+$0x2990]  }
0x163: {  	[tilespmem:s13+$0x410] =	vst v2  }
0x164: {  	[tilespmem:s3+$0x410] =	vst v4;
	v2 =	vld [tilespmem:s1+$0x2A20]  }
0x165: {  	[tilespmem:s19+$0x410] =	vst v3;
	v4 =	vld [tilespmem:s1+$0x2920]  }
0x166: {  	v3 =	vld [tilespmem:s1+$0x28A0]  }
0x167: {  	[tilespmem:s22+$0x410] =	vst v5  }
0x168: {  	v5 =	vld [tilespmem:s1+$0x29A0]  }
0x169: {  	[tilespmem:s13+$0x420] =	vst v2  }
0x16a: {  	[tilespmem:s3+$0x420] =	vst v4;
	v2 =	vld [tilespmem:s1+$0x2A30]  }
0x16b: {  	[tilespmem:s19+$0x420] =	vst v3;
	v4 =	vld [tilespmem:s1+$0x2930]  }
0x16c: {  	v3 =	vld [tilespmem:s1+$0x28B0]  }
0x16d: {  	[tilespmem:s22+$0x420] =	vst v5  }
0x16e: {  	v5 =	vld [tilespmem:s1+$0x29B0]  }
0x16f: {  	[tilespmem:s13+$0x430] =	vst v2  }
0x170: {  	[tilespmem:s3+$0x430] =	vst v4;
	v2 =	vld [tilespmem:s1+$0x2A40]  }
0x171: {  	[tilespmem:s19+$0x430] =	vst v3;
	v4 =	vld [tilespmem:s1+$0x2940]  }
0x172: {  	v3 =	vld [tilespmem:s1+$0x28C0]  }
0x173: {  	[tilespmem:s22+$0x430] =	vst v5  }
0x174: {  	v5 =	vld [tilespmem:s1+$0x29C0]  }
0x175: {  	[tilespmem:s13+$0x440] =	vst v2  }
0x176: {  	[tilespmem:s3+$0x440] =	vst v4;
	v2 =	vld [tilespmem:s1+$0x2A50]  }
0x177: {  	[tilespmem:s19+$0x440] =	vst v3;
	v4 =	vld [tilespmem:s1+$0x2950]  }
0x178: {  	v3 =	vld [tilespmem:s1+$0x28D0]  }
0x179: {  	[tilespmem:s22+$0x440] =	vst v5  }
0x17a: {  	v5 =	vld [tilespmem:s1+$0x29D0]  }
0x17b: {  	[tilespmem:s13+$0x450] =	vst v2  }
0x17c: {  	[tilespmem:s3+$0x450] =	vst v4;
	v2 =	vld [tilespmem:s1+$0x2A60]  }
0x17d: {  	[tilespmem:s19+$0x450] =	vst v3;
	v4 =	vld [tilespmem:s1+$0x2960]  }
0x17e: {  	v3 =	vld [tilespmem:s1+$0x28E0]  }
0x17f: {  	[tilespmem:s22+$0x450] =	vst v5  }
0x180: {  	v5 =	vld [tilespmem:s1+$0x29E0]  }
0x181: {  	[tilespmem:s13+$0x460] =	vst v2  }
0x182: {  	p0 =	por $0x0, $0x0;
	s0 =	simm.s32 $0x1;
	[tilespmem:s3+$0x460] =	vst v4;
	v2 =	vld [tilespmem:s1+$0x2A70]  }
0x183: {  	s0 =	simm.s32 @!p0 $0x0;
	[tilespmem:s19+$0x460] =	vst v3;
	v4 =	vld [tilespmem:s1+$0x2970]  }
0x184: {  	s0 =	sshll.u32 s0, $0x9;
	v3 =	vld [tilespmem:s1+$0x28F0]  }
0x185: {  	s0 =	sadd.s32 $0x0, s0;
	[tilespmem:s22+$0x460] =	vst v5  }
0x186: {  	s5 =	sadd.s32 $0x180, s0;
	v5 =	vld [tilespmem:s1+$0x29F0]  }
0x187: {  	s2 =	sadd.s32 $0x80, s0;
	s14 =	sor.u32 $0x800, s5;
	[tilespmem:s13+$0x470] =	vst v2  }
0x188: {  	p1 =	por $0x1, $0x1;
	s17 =	sor.u32 $0x800, s2;
	s1 =	simm.s32 $0x1;
	[tilespmem:s3+$0x470] =	vst v4;
	v2 =	vld [tilespmem:s14+$0x2480]  }
0x189: {  	s16 =	sor.u32 $0x800, s0;
	s1 =	simm.s32 @!p1 $0x0;
	[tilespmem:s19+$0x470] =	vst v3;
	v4 =	vld [tilespmem:s17+$0x2480]  }
0x18a: {  	s18 =	sshll.u32 s1, $0x9;
	s1 =	sadd.s32 $0x100, s0;
	v3 =	vld [tilespmem:s16+$0x2480]  }
0x18b: {  	s6 =	sadd.s32 $0x2800, s18;
	s20 =	sor.u32 $0x800, s1;
	[tilespmem:s22+$0x470] =	vst v5  }
0x18c: {  	s7 =	sor.u32 $0x800, s6;
	v5 =	vld [tilespmem:s20+$0x2480]  }
0x18d: {  	s21 =	sor.u32 $0x810, s5;
	[tilespmem:s7+$0x12480] =	vst v2  }
0x18e: {  	s24 =	sor.u32 $0x810, s2;
	[tilespmem:s3+$0x800] =	vst v4;
	v2 =	vld [tilespmem:s21+$0x2480]  }
0x18f: {  	s23 =	sor.u32 $0x810, s0;
	[tilespmem:s19+$0x800] =	vst v3;
	v4 =	vld [tilespmem:s24+$0x2480]  }
0x190: {  	v3 =	vld [tilespmem:s23+$0x2480]  }
0x191: {  	s25 =	sor.u32 $0x810, s1;
	[tilespmem:s22+$0x800] =	vst v5  }
0x192: {  	s26 =	sor.u32 $0x810, s6;
	v5 =	vld [tilespmem:s25+$0x2480]  }
0x193: {  	s7 =	sor.u32 $0x820, s5;
	[tilespmem:s26+$0x12480] =	vst v2  }
0x194: {  	s9 =	sor.u32 $0x820, s2;
	[tilespmem:s3+$0x810] =	vst v4;
	v2 =	vld [tilespmem:s7+$0x2480]  }
0x195: {  	s8 =	sor.u32 $0x820, s0;
	[tilespmem:s19+$0x810] =	vst v3;
	v4 =	vld [tilespmem:s9+$0x2480]  }
0x196: {  	v3 =	vld [tilespmem:s8+$0x2480]  }
0x197: {  	s10 =	sor.u32 $0x820, s1;
	s13 =	simm.s32 $0x200;
	s25 =	simm.s32 $0x800;
	[tilespmem:s22+$0x810] =	vst v5  }
0x198: {  	s11 =	sor.u32 $0x820, s6;
	s14 =	sand.u32 $0x7000, s25;
	v5 =	vld [tilespmem:s10+$0x2480];
	s7 =	sand.u32 $0x200, s13  }
0x199: {  	s4 =	sor.u32 s7, s14;
	[tilespmem:s11+$0x12480] =	vst v2  }
0x19a: {  	s12 =	sor.u32 $0x830, s5;
	[tilespmem:s3+$0x820] =	vst v4;
	v4 =	vld [tilespmem:s4+$0x2600]  }
0x19b: {  	s8 =	sor.u32 $0x830, s0;
	[tilespmem:s19+$0x820] =	vst v3;
	v2 =	vld [tilespmem:s12+$0x2480]  }
0x19c: {  	s16 =	sor.u32 $0x830, s2;
	s26 =	simm.s32 $0xC00;
	s9 =	simm.s32 $0x3000;
	v3 =	vld [tilespmem:s8+$0x2480]  }
0x19d: {  	s17 =	sor.u32 $0x830, s1;
	s23 =	sand.u32 $0x200, s26;
	s21 =	sand.u32 $0xF000, s9;
	[tilespmem:s22+$0x820] =	vst v5;
	v6 =	vld [tilespmem:s16+$0x2480]  }
0x19e: {  	s24 =	sor.u32 s23, s21;
	v5 =	vld [tilespmem:s17+$0x2480]  }
0x19f: {  	s18 =	sor.u32 $0x830, s6;
	[tilespmem:s24+$0x12480] =	vst v4  }
0x1a0: {  	s20 =	sor.u32 $0x840, s5;
	[tilespmem:s18+$0x12480] =	vst v2;
	v4 =	vld [tilespmem:s4+$0x2610]  }
0x1a1: {  	s10 =	sor.u32 $0x840, s0;
	[tilespmem:s19+$0x830] =	vst v3;
	v2 =	vld [tilespmem:s20+$0x2480]  }
0x1a2: {  	[tilespmem:s3+$0x830] =	vst v6;
	v3 =	vld [tilespmem:s10+$0x2480]  }
0x1a3: {  	s12 =	sor.u32 $0x840, s2;
	[tilespmem:s22+$0x830] =	vst v5;
	v5 =	vld [tilespmem:s4+$0x2480]  }
0x1a4: {  	s13 =	sor.u32 $0x840, s1;
	s7 =	sadd.s32 $0x12480, s24;
	v6 =	vld [tilespmem:s12+$0x2480]  }
0x1a5: {  	s14 =	sor.u32 $0x840, s6;
	s11 =	simm.s32 $0xA80;
	s18 =	simm.s32 $0x2A00;
	v7 =	vld [tilespmem:s13+$0x2480];
	[tilespmem:s7+$0x10] =	vst v4  }
0x1a6: {  	s11 =	sand.u32 $0x280, s11;
	s9 =	sand.u32 $0xF000, s18;
	[tilespmem:s14+$0x12480] =	vst v2;
	v2 =	vld [tilespmem:s4+$0x2500]  }
0x1a7: {  	s16 =	sor.u32 $0x850, s0;
	s17 =	sor.u32 $0x850, s5;
	s9 =	sor.u32 s11, s9;
	[tilespmem:s19+$0x840] =	vst v3;
	v3 =	vld [tilespmem:s4+$0x2580]  }
0x1a8: {  	s12 =	simm.s32 $0x2C00;
	s13 =	simm.s32 $0xB00;
	s20 =	simm.s32 $0xB80;
	[tilespmem:s9+$0x12480] =	vst v5;
	v4 =	vld [tilespmem:s4+$0x2620]  }
0x1a9: {  	s21 =	sand.u32 $0xF000, s12;
	s23 =	sand.u32 $0x300, s13;
	[tilespmem:s3+$0x840] =	vst v6;
	s14 =	simm.s32 $0x2E00;
	v5 =	vld [tilespmem:s4+$0x2490]  }
0x1aa: {  	s8 =	sand.u32 $0x380, s20;
	s11 =	sor.u32 s23, s21;
	[tilespmem:s22+$0x840] =	vst v7;
	v6 =	vld [tilespmem:s17+$0x2480];
	s24 =	sand.u32 $0xF000, s14  }
0x1ab: {  	v7 =	vld [tilespmem:s16+$0x2480];
	s8 =	sor.u32 s8, s24;
	[tilespmem:s11+$0x12480] =	vst v2  }
0x1ac: {  	[tilespmem:s8+$0x12480] =	vst v3;
	v2 =	vld [tilespmem:s4+$0x2510]  }
0x1ad: {  	s24 =	sadd.s32 $0x12480, s9;
	[tilespmem:s7+$0x20] =	vst v4;
	v3 =	vld [tilespmem:s4+$0x2590]  }
0x1ae: {  	s14 =	sor.u32 $0x850, s6;
	[tilespmem:s24+$0x10] =	vst v5;
	v4 =	vld [tilespmem:s4+$0x2630]  }
0x1af: {  	s16 =	sor.u32 $0x860, s5;
	[tilespmem:s14+$0x12480] =	vst v6;
	v5 =	vld [tilespmem:s4+$0x24A0]  }
0x1b0: {  	s28 =	sadd.s32 $0x12480, s11;
	s17 =	sor.u32 $0x850, s2;
	[tilespmem:s19+$0x850] =	vst v7;
	v6 =	vld [tilespmem:s16+$0x2480]  }
0x1b1: {  	s23 =	sadd.s32 $0x12480, s8;
	v7 =	vld [tilespmem:s17+$0x2480];
	[tilespmem:s28+$0x10] =	vst v2  }
0x1b2: {  	[tilespmem:s23+$0x10] =	vst v3;
	v2 =	vld [tilespmem:s4+$0x2520]  }
0x1b3: {  	[tilespmem:s7+$0x30] =	vst v4;
	v3 =	vld [tilespmem:s4+$0x25A0]  }
0x1b4: {  	s18 =	sor.u32 $0x860, s6;
	[tilespmem:s24+$0x20] =	vst v5;
	v4 =	vld [tilespmem:s4+$0x2640]  }
0x1b5: {  	s20 =	sor.u32 $0x870, s5;
	[tilespmem:s18+$0x12480] =	vst v6;
	v5 =	vld [tilespmem:s4+$0x24B0]  }
0x1b6: {  	s21 =	sor.u32 $0x850, s1;
	[tilespmem:s3+$0x850] =	vst v7;
	v6 =	vld [tilespmem:s20+$0x2480]  }
0x1b7: {  	v7 =	vld [tilespmem:s21+$0x2480];
	[tilespmem:s28+$0x20] =	vst v2  }
0x1b8: {  	[tilespmem:s23+$0x20] =	vst v3;
	v2 =	vld [tilespmem:s4+$0x2530]  }
0x1b9: {  	[tilespmem:s7+$0x40] =	vst v4;
	v3 =	vld [tilespmem:s4+$0x25B0]  }
0x1ba: {  	s9 =	sor.u32 $0x870, s6;
	[tilespmem:s24+$0x30] =	vst v5;
	v4 =	vld [tilespmem:s4+$0x2650]  }
0x1bb: {  	s10 =	sor.u32 $0xC00, s5;
	[tilespmem:s9+$0x12480] =	vst v6;
	v5 =	vld [tilespmem:s4+$0x24C0]  }
0x1bc: {  	s11 =	sor.u32 $0x860, s0;
	[tilespmem:s22+$0x850] =	vst v7;
	v6 =	vld [tilespmem:s10+$0x2480]  }
0x1bd: {  	v7 =	vld [tilespmem:s11+$0x2480];
	[tilespmem:s28+$0x30] =	vst v2  }
0x1be: {  	[tilespmem:s23+$0x30] =	vst v3;
	v2 =	vld [tilespmem:s4+$0x2540]  }
0x1bf: {  	[tilespmem:s7+$0x50] =	vst v4;
	v3 =	vld [tilespmem:s4+$0x25C0]  }
0x1c0: {  	s12 =	sor.u32 $0xC00, s6;
	[tilespmem:s24+$0x40] =	vst v5;
	v4 =	vld [tilespmem:s4+$0x2660]  }
0x1c1: {  	s13 =	sor.u32 $0xC10, s5;
	[tilespmem:s12+$0x12480] =	vst v6;
	v5 =	vld [tilespmem:s4+$0x24D0]  }
0x1c2: {  	s14 =	sor.u32 $0x860, s2;
	[tilespmem:s19+$0x860] =	vst v7;
	v6 =	vld [tilespmem:s13+$0x2480]  }
0x1c3: {  	v7 =	vld [tilespmem:s14+$0x2480];
	[tilespmem:s28+$0x40] =	vst v2  }
0x1c4: {  	[tilespmem:s23+$0x40] =	vst v3;
	v2 =	vld [tilespmem:s4+$0x2550]  }
0x1c5: {  	[tilespmem:s7+$0x60] =	vst v4;
	v3 =	vld [tilespmem:s4+$0x25D0]  }
0x1c6: {  	s16 =	sor.u32 $0xC10, s6;
	[tilespmem:s24+$0x50] =	vst v5;
	v4 =	vld [tilespmem:s4+$0x2670]  }
0x1c7: {  	s17 =	sor.u32 $0xC20, s5;
	[tilespmem:s16+$0x12480] =	vst v6;
	v5 =	vld [tilespmem:s4+$0x24E0]  }
0x1c8: {  	s18 =	sor.u32 $0x860, s1;
	[tilespmem:s3+$0x860] =	vst v7;
	v6 =	vld [tilespmem:s17+$0x2480]  }
0x1c9: {  	v7 =	vld [tilespmem:s18+$0x2480];
	[tilespmem:s28+$0x50] =	vst v2  }
0x1ca: {  	[tilespmem:s23+$0x50] =	vst v3;
	v2 =	vld [tilespmem:s4+$0x2560]  }
0x1cb: {  	[tilespmem:s7+$0x70] =	vst v4;
	v3 =	vld [tilespmem:s4+$0x25E0]  }
0x1cc: {  	s20 =	sor.u32 $0xC20, s6;
	[tilespmem:s24+$0x60] =	vst v5;
	v4 =	vld [tilespmem:s4+$0x2A00]  }
0x1cd: {  	s21 =	sor.u32 $0xC30, s5;
	[tilespmem:s20+$0x12480] =	vst v6;
	v5 =	vld [tilespmem:s4+$0x24F0]  }
0x1ce: {  	s9 =	sor.u32 $0x870, s0;
	[tilespmem:s22+$0x860] =	vst v7;
	v6 =	vld [tilespmem:s21+$0x2480]  }
0x1cf: {  	v7 =	vld [tilespmem:s9+$0x2480];
	[tilespmem:s28+$0x60] =	vst v2  }
0x1d0: {  	[tilespmem:s23+$0x60] =	vst v3;
	v2 =	vld [tilespmem:s4+$0x2570]  }
0x1d1: {  	[tilespmem:s7+$0x400] =	vst v4;
	v3 =	vld [tilespmem:s4+$0x25F0]  }
0x1d2: {  	s10 =	sor.u32 $0xC30, s6;
	[tilespmem:s24+$0x70] =	vst v5;
	v4 =	vld [tilespmem:s4+$0x2A10]  }
0x1d3: {  	s11 =	sor.u32 $0xC40, s5;
	[tilespmem:s10+$0x12480] =	vst v6;
	v5 =	vld [tilespmem:s4+$0x2880]  }
0x1d4: {  	s12 =	sor.u32 $0x870, s2;
	[tilespmem:s19+$0x870] =	vst v7;
	v6 =	vld [tilespmem:s11+$0x2480]  }
0x1d5: {  	v7 =	vld [tilespmem:s12+$0x2480];
	[tilespmem:s28+$0x70] =	vst v2  }
0x1d6: {  	[tilespmem:s23+$0x70] =	vst v3;
	v2 =	vld [tilespmem:s4+$0x2900]  }
0x1d7: {  	[tilespmem:s7+$0x410] =	vst v4;
	v3 =	vld [tilespmem:s4+$0x2980]  }
0x1d8: {  	s13 =	sor.u32 $0xC40, s6;
	[tilespmem:s24+$0x400] =	vst v5;
	v4 =	vld [tilespmem:s4+$0x2A20]  }
0x1d9: {  	s14 =	sor.u32 $0xC50, s5;
	[tilespmem:s13+$0x12480] =	vst v6;
	v5 =	vld [tilespmem:s4+$0x2890]  }
0x1da: {  	s16 =	sor.u32 $0x870, s1;
	[tilespmem:s3+$0x870] =	vst v7;
	v6 =	vld [tilespmem:s14+$0x2480]  }
0x1db: {  	v7 =	vld [tilespmem:s16+$0x2480];
	[tilespmem:s28+$0x400] =	vst v2  }
0x1dc: {  	[tilespmem:s23+$0x400] =	vst v3;
	v2 =	vld [tilespmem:s4+$0x2910]  }
0x1dd: {  	[tilespmem:s7+$0x420] =	vst v4;
	v3 =	vld [tilespmem:s4+$0x2990]  }
0x1de: {  	s17 =	sor.u32 $0xC50, s6;
	[tilespmem:s24+$0x410] =	vst v5;
	v4 =	vld [tilespmem:s4+$0x2A30]  }
0x1df: {  	s18 =	sor.u32 $0xC60, s5;
	[tilespmem:s17+$0x12480] =	vst v6;
	v5 =	vld [tilespmem:s4+$0x28A0]  }
0x1e0: {  	s20 =	sor.u32 $0xC00, s0;
	[tilespmem:s22+$0x870] =	vst v7;
	v6 =	vld [tilespmem:s18+$0x2480]  }
0x1e1: {  	v7 =	vld [tilespmem:s20+$0x2480];
	[tilespmem:s28+$0x410] =	vst v2  }
0x1e2: {  	[tilespmem:s23+$0x410] =	vst v3;
	v2 =	vld [tilespmem:s4+$0x2920]  }
0x1e3: {  	[tilespmem:s7+$0x430] =	vst v4;
	v3 =	vld [tilespmem:s4+$0x29A0]  }
0x1e4: {  	s21 =	sor.u32 $0xC60, s6;
	[tilespmem:s24+$0x420] =	vst v5;
	v4 =	vld [tilespmem:s4+$0x2A40]  }
0x1e5: {  	s8 =	sor.u32 $0xC70, s5;
	[tilespmem:s21+$0x12480] =	vst v6;
	v5 =	vld [tilespmem:s4+$0x28B0]  }
0x1e6: {  	s9 =	sor.u32 $0xC00, s2;
	[tilespmem:s19+$0xC00] =	vst v7;
	v6 =	vld [tilespmem:s8+$0x2480]  }
0x1e7: {  	s10 =	sand.u32 $0x3, s15;
	v7 =	vld [tilespmem:s9+$0x2480];
	[tilespmem:s28+$0x420] =	vst v2  }
0x1e8: {  	s11 =	sshll.u32 s10, $0x8;
	[tilespmem:s23+$0x420] =	vst v3;
	v2 =	vld [tilespmem:s4+$0x2930]  }
0x1e9: {  	s3 =	sadd.s32 $0x0, s11;
	[tilespmem:s7+$0x440] =	vst v4;
	v3 =	vld [tilespmem:s4+$0x29B0]  }
0x1ea: {  	s12 =	sor.u32 $0xC00, s1;
	s6 =	sor.u32 $0xC70, s6;
	s5 =	sadd.s32 $0x2500, s3;
	[tilespmem:s24+$0x430] =	vst v5;
	v4 =	vld [tilespmem:s4+$0x2A50]  }
0x1eb: {  	s13 =	sor.u32 $0xC00, s5;
	[tilespmem:s6+$0x12480] =	vst v6;
	v6 =	vld [tilespmem:s12+$0x2480]  }
0x1ec: {  	s14 =	sor.u32 $0xC10, s2;
	[tilespmem:s13+$0x12480] =	vst v7;
	v5 =	vld [tilespmem:s4+$0x28C0]  }
0x1ed: {  	v7 =	vld [tilespmem:s14+$0x2480];
	[tilespmem:s28+$0x430] =	vst v2  }
0x1ee: {  	[tilespmem:s23+$0x430] =	vst v3;
	v2 =	vld [tilespmem:s4+$0x2940]  }
0x1ef: {  	[tilespmem:s7+$0x450] =	vst v4;
	v3 =	vld [tilespmem:s4+$0x29C0]  }
0x1f0: {  	s15 =	sor.u32 $0xC10, s0;
	[tilespmem:s22+$0xC00] =	vst v6;
	v4 =	vld [tilespmem:s4+$0x2A60]  }
0x1f1: {  	s16 =	sor.u32 $0xC10, s5;
	v6 =	vld [tilespmem:s15+$0x2480];
	[tilespmem:s24+$0x440] =	vst v5  }
0x1f2: {  	s17 =	sor.u32 $0xC20, s2;
	[tilespmem:s16+$0x12480] =	vst v7;
	v5 =	vld [tilespmem:s4+$0x28D0]  }
0x1f3: {  	v7 =	vld [tilespmem:s17+$0x2480];
	[tilespmem:s28+$0x440] =	vst v2  }
0x1f4: {  	[tilespmem:s23+$0x440] =	vst v3;
	v2 =	vld [tilespmem:s4+$0x2950]  }
0x1f5: {  	[tilespmem:s7+$0x460] =	vst v4;
	v3 =	vld [tilespmem:s4+$0x29D0]  }
0x1f6: {  	p0 =	por !p0, !p0;
	s18 =	sor.u32 $0xC10, s1;
	s6 =	simm.s32 $0x1;
	[tilespmem:s19+$0xC10] =	vst v6;
	v4 =	vld [tilespmem:s4+$0x2A70]  }
0x1f7: {  	s20 =	sor.u32 $0xC20, s5;
	s6 =	simm.s32 @!p0 $0x0;
	v6 =	vld [tilespmem:s18+$0x2480];
	[tilespmem:s24+$0x450] =	vst v5  }
0x1f8: {  	s21 =	sor.u32 $0xC30, s2;
	[tilespmem:s20+$0x12480] =	vst v7;
	s6 =	sshll.u32 s6, $0x9;
	v5 =	vld [tilespmem:s4+$0x28E0]  }
0x1f9: {  	s3 =	sadd.s32 $0x800, s6;
	[tilespmem:s28+$0x450] =	vst v2;
	v2 =	vld [tilespmem:s21+$0x2480]  }
0x1fa: {  	s8 =	sadd.s32 $0x180, s3;
	[tilespmem:s23+$0x450] =	vst v3;
	v7 =	vld [tilespmem:s4+$0x2960]  }
0x1fb: {  	[tilespmem:s7+$0x470] =	vst v4;
	s7 =	sor.u32 $0x800, s8;
	v3 =	vld [tilespmem:s4+$0x29E0]  }
0x1fc: {  	p1 =	por !p1, !p1;
	s9 =	sor.u32 $0xC20, s0;
	s6 =	simm.s32 $0x1;
	[tilespmem:s22+$0xC10] =	vst v6;
	v4 =	vld [tilespmem:s7+$0x2480]  }
0x1fd: {  	s10 =	sor.u32 $0xC30, s5;
	s6 =	simm.s32 @!p1 $0x0;
	v6 =	vld [tilespmem:s9+$0x2480];
	[tilespmem:s24+$0x460] =	vst v5  }
0x1fe: {  	s11 =	sor.u32 $0xC40, s2;
	s6 =	sshll.u32 s6, $0x9;
	v5 =	vld [tilespmem:s4+$0x28F0];
	[tilespmem:s10+$0x12480] =	vst v2  }
0x1ff: {  	s16 =	sadd.s32 $0x3000, s6;
	[tilespmem:s28+$0x460] =	vst v7;
	v2 =	vld [tilespmem:s11+$0x2480]  }
0x200: {  	s12 =	sor.u32 $0xC40, s5;
	s6 =	sor.u32 $0x800, s16;
	[tilespmem:s23+$0x460] =	vst v3;
	v7 =	vld [tilespmem:s4+$0x2970]  }
0x201: {  	s11 =	sor.u32 $0xC50, s5;
	[tilespmem:s6+$0x12480] =	vst v4;
	v3 =	vld [tilespmem:s4+$0x29F0];
	s4 =	sor.u32 $0xC60, s5;
	s5 =	sor.u32 $0xC70, s5  }
0x202: {  	s15 =	sor.u32 $0x810, s8;
	[dreg:$0xa] =	wrdreg s5  }
0x203: {  	s17 =	sor.u32 $0xC20, s1;
	[tilespmem:s19+$0xC20] =	vst v6;
	v4 =	vld [tilespmem:s15+$0x2480]  }
0x204: {  	s18 =	sor.u32 $0xC30, s0;
	v6 =	vld [tilespmem:s17+$0x2480];
	[tilespmem:s24+$0x470] =	vst v5  }
0x205: {  	s13 =	sor.u32 $0xC40, s0;
	s14 =	sor.u32 $0xC40, s1;
	s20 =	sor.u32 $0xC50, s2;
	v5 =	vld [tilespmem:s18+$0x2480];
	[tilespmem:s12+$0x12480] =	vst v2  }
0x206: {  	s21 =	simm.s32 $0x2;
	s5 =	sadd.s32 $0x80, s3;
	s18 =	sor.u32 $0x800, s3;
	[tilespmem:s28+$0x470] =	vst v7;
	v2 =	vld [tilespmem:s20+$0x2480]  }
0x207: {  	s7 =	sadd.s32 $0x100, s3;
	s17 =	sor.u32 $0x810, s16;
	s20 =	sor.u32 $0x800, s5;
	v7 =	vld [tilespmem:s18+$0x2480];
	[tilespmem:s23+$0x470] =	vst v3  }
0x208: {  	s9 =	sor.u32 $0xC60, s1;
	s12 =	sand.u32 $0x3, s21;
	s21 =	sor.u32 $0x800, s7;
	v3 =	vld [tilespmem:s20+$0x2480];
	[tilespmem:s17+$0x12480] =	vst v4  }
0x209: {  	s10 =	sor.u32 $0xC30, s1;
	s17 =	sor.u32 $0xC60, s2;
	v4 =	vld [tilespmem:s21+$0x2480];
	[tilespmem:s22+$0xC20] =	vst v6;
	s2 =	sor.u32 $0xC70, s2  }
0x20a: {  	s6 =	sor.u32 $0xC50, s1;
	s12 =	sshll.u32 s12, $0x8;
	v6 =	vld [tilespmem:s10+$0x2480];
	[dreg:$0x1c] =	wrdreg s2  }
0x20b: {  	s1 =	sor.u32 $0xC70, s1;
	s15 =	sor.u32 $0xC50, s0;
	s18 =	sadd.s32 $0x800, s12;
	[tilespmem:s19+$0xC30] =	vst v5  }
0x20c: {  	s12 =	sor.u32 $0xC70, s0;
	s10 =	sor.u32 $0xC60, s0;
	s0 =	sadd.s32 $0x2500, s18;
	[tilespmem:s11+$0x12480] =	vst v2  }
0x20d: {  	s21 =	sor.u32 $0xC00, s0;
	v5 =	vld [tilespmem:s13+$0x2480];
	[dreg:$0x1e] =	wrdreg s1  }
0x20e: {  	s20 =	sor.u32 $0x820, s8;
	[dreg:$0x11] =	wrdreg s21  }
0x20f: {  	s11 =	sor.u32 $0x810, s3;
	s13 =	sor.u32 $0xC10, s0;
	v2 =	vld [tilespmem:s20+$0x2480];
	[tilespmem:s24+$0x800] =	vst v7  }
0x210: {  	v7 =	vld [tilespmem:s11+$0x2480];
	[dreg:$0xf] =	wrdreg s13  }
0x211: {  	s18 =	sor.u32 $0xC20, s0;
	[tilespmem:s28+$0x800] =	vst v3  }
0x212: {  	[dreg:$0xe] =	wrdreg s18  }
0x213: {  	s21 =	sor.u32 $0xC30, s0;
	s20 =	sor.u32 $0x810, s5;
	[tilespmem:s23+$0x800] =	vst v4  }
0x214: {  	s2 =	sor.u32 $0xC40, s0;
	v3 =	vld [tilespmem:s20+$0x2480];
	[dreg:$0xb] =	wrdreg s21  }
0x215: {  	s11 =	sor.u32 $0x810, s7;
	s13 =	sor.u32 $0xC50, s0;
	[dreg:$0x1b] =	wrdreg s2  }
0x216: {  	s21 =	sor.u32 $0xC60, s0;
	s0 =	sor.u32 $0xC70, s0;
	v4 =	vld [tilespmem:s11+$0x2480];
	[dreg:$0x9] =	wrdreg s13  }
0x217: {  	[dreg:$0x6] =	wrdreg s0  }
0x218: {  	[tilespmem:s22+$0xC30] =	vst v6  }
0x219: {  	s18 =	sor.u32 $0x820, s16;
	[tilespmem:s19+$0xC40] =	vst v5  }
0x21a: {  	[tilespmem:s18+$0x12480] =	vst v2;
	v2 =	vld [tilespmem:s17+$0x2480]  }
0x21b: {  	s20 =	sor.u32 $0x870, s5;
	[tilespmem:s24+$0x810] =	vst v7;
	v6 =	vld [tilespmem:s14+$0x2480]  }
0x21c: {  	v5 =	vld [tilespmem:s15+$0x2480];
	[smem:$0x7E4] =	sst s20  }
0x21d: {  	s14 =	sor.u32 $0x820, s3;
	s15 =	sor.u32 $0xC00, s5;
	[tilespmem:s28+$0x810] =	vst v3  }
0x21e: {  	s17 =	sor.u32 $0xC10, s5;
	v7 =	vld [tilespmem:s14+$0x2480];
	[smem:$0x7E5] =	sst s15  }
0x21f: {  	s20 =	sor.u32 $0xC20, s5;
	[smem:$0x7E6] =	sst s17  }
0x220: {  	[smem:$0x7E7] =	sst s20  }
0x221: {  	s11 =	sor.u32 $0x820, s5;
	s15 =	sor.u32 $0xC30, s5;
	[tilespmem:s23+$0x810] =	vst v4  }
0x222: {  	s17 =	sor.u32 $0xC40, s5;
	v3 =	vld [tilespmem:s11+$0x2480];
	[smem:$0x7E8] =	sst s15  }
0x223: {  	s20 =	sor.u32 $0xC50, s5;
	[smem:$0x7E9] =	sst s17  }
0x224: {  	[dreg:$0x17] =	wrdreg s20  }
0x225: {  	s13 =	sor.u32 $0x820, s7;
	[tilespmem:s22+$0xC40] =	vst v6  }
0x226: {  	v4 =	vld [tilespmem:s13+$0x2480];
	[tilespmem:s19+$0xC50] =	vst v5  }
0x227: {  	s1 =	sor.u32 $0x840, s5;
	s2 =	sor.u32 $0x860, s5;
	[tilespmem:s4+$0x12480] =	vst v2;
	v6 =	vld [tilespmem:s6+$0x2480];
	s6 =	sor.u32 $0x870, s3  }
0x228: {  	s0 =	sor.u32 $0x850, s5;
	v5 =	vld [tilespmem:s10+$0x2480];
	s10 =	sor.u32 $0xC00, s3;
	[smem:$0x7EA] =	sst s6  }
0x229: {  	s18 =	sor.u32 $0x830, s5;
	s15 =	sor.u32 $0xC60, s5;
	[smem:$0x7EB] =	sst s10  }
0x22a: {  	s17 =	sor.u32 $0xC70, s5;
	s5 =	sor.u32 $0x830, s8;
	s6 =	sor.u32 $0xC10, s3;
	[tilespmem:s24+$0x820] =	vst v7  }
0x22b: {  	s10 =	sor.u32 $0xC20, s3;
	v8 =	vld [tilespmem:s5+$0x2480];
	[smem:$0x7EC] =	sst s6  }
0x22c: {  	s5 =	sor.u32 $0xC30, s3;
	[smem:$0x7ED] =	sst s10  }
0x22d: {  	[smem:$0x7EE] =	sst s5  }
0x22e: {  	s14 =	sor.u32 $0x830, s3;
	s6 =	sor.u32 $0xC40, s3;
	[tilespmem:s28+$0x820] =	vst v3  }
0x22f: {  	s10 =	sor.u32 $0xC50, s3;
	v7 =	vld [tilespmem:s14+$0x2480];
	[smem:$0x7EF] =	sst s6  }
0x230: {  	s14 =	sor.u32 $0xC60, s3;
	[smem:$0x7F0] =	sst s10  }
0x231: {  	[dreg:$0x14] =	wrdreg s14  }
0x232: {  	[tilespmem:s23+$0x820] =	vst v4  }
0x233: {  	s4 =	sor.u32 $0x830, s7;
	s5 =	sor.u32 $0x870, s7;
	v9 =	vld [tilespmem:s18+$0x2480];
	[tilespmem:s22+$0xC50] =	vst v6  }
0x234: {  	v4 =	vld [tilespmem:s4+$0x2480];
	[smem:$0x7F1] =	sst s5  }
0x235: {  	s18 =	sor.u32 $0xC00, s7;
	[tilespmem:s19+$0xC60] =	vst v5  }
0x236: {  	s5 =	sor.u32 $0xC10, s7;
	v2 =	vld [tilespmem:s9+$0x2480];
	[smem:$0x7F2] =	sst s18  }
0x237: {  	s9 =	sor.u32 $0x830, s16;
	[smem:$0x7F3] =	sst s5  }
0x238: {  	s29 =	simm.s32 $0x4;
	s18 =	sor.u32 $0xC20, s7;
	[tilespmem:s9+$0x12480] =	vst v8  }
0x239: {  	s30 =	simm.s32 $0x4;
	s5 =	sor.u32 $0xC30, s7;
	v3 =	vld [tilespmem:s12+$0x2480];
	[smem:$0x7F4] =	sst s18  }
0x23a: {  	s31 =	sor.u32 $0xC70, s7;
	s11 =	sor.u32 $0x850, s3;
	[smem:$0x7F5] =	sst s5  }
0x23b: {  	s20 =	sor.u32 $0x860, s3;
	s9 =	sor.u32 $0x840, s8;
	s12 =	sor.u32 $0xC40, s7;
	[tilespmem:s24+$0x830] =	vst v7  }
0x23c: {  	s13 =	sor.u32 $0x840, s3;
	s18 =	sor.u32 $0xC50, s7;
	v6 =	vld [tilespmem:s9+$0x2480];
	[smem:$0x7F6] =	sst s12  }
0x23d: {  	s14 =	sor.u32 $0xC70, s3;
	s6 =	sor.u32 $0x840, s7;
	[dreg:$0x1f] =	wrdreg s18  }
0x23e: {  	s3 =	sor.u32 $0x850, s7;
	s10 =	sor.u32 $0x860, s7;
	s5 =	sor.u32 $0xC60, s7;
	v5 =	vld [tilespmem:s13+$0x2480];
	[tilespmem:s28+$0x830] =	vst v9  }
.LBB2_5:
0x23f: {  	[smem:$0x7DD] =	sst s15  }
0x240: {  	[smem:$0x7E0] =	sst s21  }
0x241: {  	[smem:$0x7E3] =	sst s14;
	v7 =	vld [tilespmem:s1+$0x2480];
	[tilespmem:s23+$0x830] =	vst v4  }
0x242: {  	s7 =	rddreg [dreg:$0x1c];
	v4 =	vld [tilespmem:s6+$0x2480];
	[tilespmem:s19+$0xC70] =	vst v3  }
0x243: {  	s26 =	sadd.s32 $0x200, s26;
	s13 =	rddreg [dreg:$0x1e];
	s6 =	sor.u32 $0x840, s16;
	[tilespmem:s22+$0xC60] =	vst v2;
	v2 =	vld [tilespmem:s7+$0x2480]  }
0x244: {  	s25 =	sadd.s32 $0x800, s25;
	s12 =	sor.u32 $0x850, s8;
	s9 =	sadd.s32 $0xFFFFF600, s26;
	[tilespmem:s6+$0x12480] =	vst v6;
	v3 =	vld [tilespmem:s13+$0x2480]  }
0x245: {  	s4 =	sand.u32 $0x3, s30;
	s7 =	sand.u32 $0x7000, s25;
	s6 =	sand.u32 $0x200, s9;
	[tilespmem:s24+$0x840] =	vst v5;
	v5 =	vld [tilespmem:s12+$0x2480]  }
0x246: {  	s18 =	rddreg [dreg:$0xa];
	s21 =	sor.u32 $0x850, s16;
	s6 =	sor.u32 s6, s7;
	v6 =	vld [tilespmem:s11+$0x2480];
	[tilespmem:s28+$0x840] =	vst v7  }
0x247: {  	s1 =	sshll.u32 s4, $0x8;
	s14 =	sadd.s32 $0x2200, s25;
	s15 =	sadd.s32 $0xFFFFFE80, s26;
	v7 =	vld [tilespmem:s6+$0x2600];
	[tilespmem:s23+$0x840] =	vst v4  }
0x248: {  	s4 =	sand.u32 $0xF000, s14;
	s19 =	sadd.s32 $0x2800, s25;
	s9 =	sadd.s32 $0x2400, s25;
	v4 =	vld [tilespmem:s6+$0x2480];
	[tilespmem:s18+$0x12480] =	vst v2  }
0x249: {  	[smem:$0x7DC] =	sst s19;
	s11 =	sadd.s32 $0xFFFFFF00, s26;
	s7 =	sand.u32 $0x280, s15;
	v2 =	vld [tilespmem:s6+$0x2500];
	[tilespmem:s22+$0xC70] =	vst v3  }
0x24a: {  	s15 =	sand.u32 $0x200, s26;
	s18 =	sand.u32 $0xF000, s19;
	s19 =	sor.u32 $0x860, s8;
	[tilespmem:s21+$0x12480] =	vst v5;
	v3 =	vld [tilespmem:s6+$0x2580]  }
0x24b: {  	s12 =	sadd.s32 $0x2600, s25;
	s13 =	sadd.s32 $0xFFFFFF80, s26;
	s18 =	sor.u32 s15, s18;
	[tilespmem:s24+$0x850] =	vst v6;
	v5 =	vld [tilespmem:s19+$0x2480]  }
0x24c: {  	s9 =	sand.u32 $0xF000, s9;
	s11 =	sand.u32 $0x300, s11;
	s4 =	sor.u32 s7, s4;
	v6 =	vld [tilespmem:s0+$0x2480];
	[tilespmem:s18+$0x12480] =	vst v7  }
0x24d: {  	s12 =	sand.u32 $0xF000, s12;
	s9 =	sor.u32 s11, s9;
	s22 =	sand.u32 $0x380, s13;
	[tilespmem:s4+$0x12480] =	vst v4;
	v4 =	vld [tilespmem:s6+$0x2610]  }
0x24e: {  	s11 =	sor.u32 s22, s12;
	v7 =	vld [tilespmem:s6+$0x2490];
	[tilespmem:s9+$0x12480] =	vst v2  }
0x24f: {  	s13 =	sor.u32 $0x860, s16;
	v2 =	vld [tilespmem:s6+$0x2510];
	[tilespmem:s11+$0x12480] =	vst v3  }
0x250: {  	[smem:$0x7E1] =	sst s5;
	[tilespmem:s13+$0x12480] =	vst v5  }
0x251: {  	s14 =	sor.u32 $0x870, s8;
	s5 =	sadd.s32 $0x12480, s4;
	s0 =	sadd.s32 $0x12480, s18;
	[tilespmem:s28+$0x850] =	vst v6;
	v3 =	vld [tilespmem:s6+$0x2590]  }
0x252: {  	s1 =	sadd.s32 s25, s1;
	s15 =	smov.u32 s24;
	s24 =	smov.u32 s5;
	v5 =	vld [tilespmem:s14+$0x2480];
	[tilespmem:s0+$0x10] =	vst v4  }
0x253: {  	s7 =	sadd.s32 $0x12480, s9;
	s12 =	sadd.s32 $0x2500, s1;
	v4 =	vld [tilespmem:s3+$0x2480];
	[tilespmem:s24+$0x10] =	vst v7  }
0x254: {  	s22 =	sor.u32 $0xC60, s12;
	s9 =	sadd.s32 $0x12480, s11;
	v7 =	vld [tilespmem:s6+$0x24A0];
	[tilespmem:s7+$0x10] =	vst v2  }
0x255: {  	[smem:$0x7E2] =	sst s22;
	s22 =	smov.u32 s23;
	s23 =	smov.u32 s9;
	v2 =	vld [tilespmem:s6+$0x2520]  }
0x256: {  	s21 =	sor.u32 $0xC50, s12;
	s9 =	sor.u32 $0x870, s16;
	s14 =	sor.u32 $0xC70, s12;
	v6 =	vld [tilespmem:s6+$0x2620];
	[tilespmem:s23+$0x10] =	vst v3  }
0x257: {  	[smem:$0x7DF] =	sst s21;
	s21 =	smov.u32 s14;
	s14 =	sor.u32 $0xC00, s8;
	[tilespmem:s9+$0x12480] =	vst v5;
	v3 =	vld [tilespmem:s6+$0x25A0]  }
0x258: {  	[tilespmem:s22+$0x850] =	vst v4;
	v4 =	vld [tilespmem:s14+$0x2480]  }
0x259: {  	v5 =	vld [tilespmem:s20+$0x2480];
	[tilespmem:s24+$0x20] =	vst v7  }
0x25a: {  	v7 =	vld [tilespmem:s6+$0x24B0];
	[tilespmem:s7+$0x20] =	vst v2  }
0x25b: {  	s18 =	rddreg [dreg:$0x6];
	[tilespmem:s0+$0x20] =	vst v6;
	v2 =	vld [tilespmem:s6+$0x2530]  }
0x25c: {  	s4 =	smov.u32 s17;
	s17 =	sor.u32 $0xC00, s16;
	s19 =	sor.u32 $0xC40, s12;
	v6 =	vld [tilespmem:s6+$0x2630];
	[tilespmem:s23+$0x20] =	vst v3  }
0x25d: {  	[smem:$0x7DE] =	sst s19;
	s19 =	smov.u32 s18;
	s18 =	sor.u32 $0xC10, s8;
	[tilespmem:s17+$0x12480] =	vst v4;
	v3 =	vld [tilespmem:s6+$0x25B0]  }
0x25e: {  	[tilespmem:s15+$0x860] =	vst v5;
	v4 =	vld [tilespmem:s18+$0x2480]  }
0x25f: {  	v5 =	vld [tilespmem:s2+$0x2480];
	[tilespmem:s24+$0x30] =	vst v7  }
0x260: {  	v7 =	vld [tilespmem:s6+$0x24C0];
	[tilespmem:s7+$0x30] =	vst v2  }
0x261: {  	[tilespmem:s0+$0x30] =	vst v6;
	v2 =	vld [tilespmem:s6+$0x2540]  }
0x262: {  	[dreg:$0xa] =	wrdreg s19;
	s19 =	sor.u32 $0xC10, s16;
	v6 =	vld [tilespmem:s6+$0x2640];
	[tilespmem:s23+$0x30] =	vst v3  }
0x263: {  	s20 =	sor.u32 $0xC20, s8;
	[tilespmem:s19+$0x12480] =	vst v4;
	v3 =	vld [tilespmem:s6+$0x25C0]  }
0x264: {  	[tilespmem:s28+$0x860] =	vst v5;
	v4 =	vld [tilespmem:s20+$0x2480]  }
0x265: {  	v5 =	vld [tilespmem:s10+$0x2480];
	[tilespmem:s24+$0x40] =	vst v7  }
0x266: {  	[dreg:$0x1c] =	wrdreg s4;
	v7 =	vld [tilespmem:s6+$0x24D0];
	[tilespmem:s7+$0x40] =	vst v2  }
0x267: {  	s4 =	sld [smem:$0x7EA];
	[tilespmem:s0+$0x40] =	vst v6;
	v2 =	vld [tilespmem:s6+$0x2550]  }
0x268: {  	[dreg:$0x6] =	wrdreg s21;
	s21 =	sor.u32 $0xC20, s16;
	v6 =	vld [tilespmem:s6+$0x2650];
	[tilespmem:s23+$0x40] =	vst v3  }
0x269: {  	s2 =	sor.u32 $0xC30, s8;
	[tilespmem:s21+$0x12480] =	vst v4;
	v3 =	vld [tilespmem:s6+$0x25D0]  }
0x26a: {  	[tilespmem:s22+$0x860] =	vst v5;
	v4 =	vld [tilespmem:s2+$0x2480]  }
0x26b: {  	s1 =	sor.u32 $0xC10, s12;
	s5 =	sor.u32 $0xC30, s12;
	v5 =	vld [tilespmem:s4+$0x2480];
	[tilespmem:s24+$0x50] =	vst v7  }
0x26c: {  	s11 =	sor.u32 $0xC00, s12;
	s13 =	sor.u32 $0xC20, s12;
	s12 =	smov.u32 s31;
	v7 =	vld [tilespmem:s6+$0x24E0];
	[tilespmem:s7+$0x50] =	vst v2  }
0x26d: {  	[dreg:$0x1e] =	wrdreg s12;
	[tilespmem:s0+$0x50] =	vst v6;
	v2 =	vld [tilespmem:s6+$0x2560]  }
0x26e: {  	s12 =	sld [smem:$0x7E4];
	s9 =	sor.u32 $0xC30, s16;
	v6 =	vld [tilespmem:s6+$0x2660];
	[tilespmem:s23+$0x50] =	vst v3  }
0x26f: {  	s10 =	sor.u32 $0xC40, s8;
	[tilespmem:s9+$0x12480] =	vst v4;
	v3 =	vld [tilespmem:s6+$0x25E0]  }
0x270: {  	[tilespmem:s15+$0x870] =	vst v5;
	v4 =	vld [tilespmem:s10+$0x2480]  }
0x271: {  	v5 =	vld [tilespmem:s12+$0x2480];
	[tilespmem:s24+$0x60] =	vst v7  }
0x272: {  	v7 =	vld [tilespmem:s6+$0x24F0];
	[tilespmem:s7+$0x60] =	vst v2  }
0x273: {  	[tilespmem:s0+$0x60] =	vst v6;
	v2 =	vld [tilespmem:s6+$0x2570]  }
0x274: {  	s14 =	sor.u32 $0xC40, s16;
	s18 =	sld [smem:$0x7F1];
	v6 =	vld [tilespmem:s6+$0x2670];
	[tilespmem:s23+$0x60] =	vst v3  }
0x275: {  	s17 =	sor.u32 $0xC50, s8;
	[tilespmem:s14+$0x12480] =	vst v4;
	v3 =	vld [tilespmem:s6+$0x25F0]  }
0x276: {  	[tilespmem:s28+$0x870] =	vst v5;
	v4 =	vld [tilespmem:s17+$0x2480]  }
0x277: {  	s28 =	smov.u32 s7;
	v5 =	vld [tilespmem:s18+$0x2480];
	[tilespmem:s24+$0x70] =	vst v7  }
0x278: {  	v7 =	vld [tilespmem:s6+$0x2880];
	[tilespmem:s28+$0x70] =	vst v2  }
0x279: {  	[tilespmem:s0+$0x70] =	vst v6;
	v2 =	vld [tilespmem:s6+$0x2900]  }
0x27a: {  	s19 =	sor.u32 $0xC50, s16;
	s21 =	sld [smem:$0x7EB];
	v6 =	vld [tilespmem:s6+$0x2A00];
	[tilespmem:s23+$0x70] =	vst v3  }
0x27b: {  	s20 =	sor.u32 $0xC60, s8;
	[tilespmem:s19+$0x12480] =	vst v4;
	v3 =	vld [tilespmem:s6+$0x2980]  }
0x27c: {  	[tilespmem:s22+$0x870] =	vst v5;
	v4 =	vld [tilespmem:s20+$0x2480]  }
0x27d: {  	v5 =	vld [tilespmem:s21+$0x2480];
	[tilespmem:s24+$0x400] =	vst v7  }
0x27e: {  	v7 =	vld [tilespmem:s6+$0x2890];
	[tilespmem:s28+$0x400] =	vst v2  }
0x27f: {  	[tilespmem:s0+$0x400] =	vst v6;
	v2 =	vld [tilespmem:s6+$0x2910]  }
0x280: {  	s3 =	sor.u32 $0xC60, s16;
	s7 =	sld [smem:$0x7E5];
	v6 =	vld [tilespmem:s6+$0x2A10];
	[tilespmem:s23+$0x400] =	vst v3  }
0x281: {  	s4 =	sor.u32 $0xC70, s8;
	[tilespmem:s3+$0x12480] =	vst v4;
	v3 =	vld [tilespmem:s6+$0x2990]  }
0x282: {  	[tilespmem:s15+$0xC00] =	vst v5;
	v4 =	vld [tilespmem:s4+$0x2480]  }
0x283: {  	v5 =	vld [tilespmem:s7+$0x2480];
	[tilespmem:s24+$0x410] =	vst v7  }
0x284: {  	v7 =	vld [tilespmem:s6+$0x28A0];
	[tilespmem:s28+$0x410] =	vst v2  }
0x285: {  	s14 =	sld [smem:$0x7EC];
	[tilespmem:s0+$0x410] =	vst v6;
	v2 =	vld [tilespmem:s6+$0x2920]  }
0x286: {  	s8 =	sor.u32 $0xC70, s16;
	s10 =	sld [smem:$0x7F2];
	v6 =	vld [tilespmem:s6+$0x2A20];
	[tilespmem:s23+$0x410] =	vst v3  }
0x287: {  	s9 =	rddreg [dreg:$0x11];
	[tilespmem:s8+$0x12480] =	vst v4;
	v3 =	vld [tilespmem:s6+$0x29A0]  }
0x288: {  	[tilespmem:s9+$0x12480] =	vst v5;
	v5 =	vld [tilespmem:s14+$0x2480]  }
0x289: {  	v4 =	vld [tilespmem:s10+$0x2480];
	[tilespmem:s24+$0x420] =	vst v7  }
0x28a: {  	v7 =	vld [tilespmem:s6+$0x28B0];
	[tilespmem:s28+$0x420] =	vst v2  }
0x28b: {  	s16 =	sld [smem:$0x7E6];
	v2 =	vld [tilespmem:s6+$0x2930]  }
0x28c: {  	s17 =	sld [smem:$0x7F3];
	[tilespmem:s23+$0x420] =	vst v3  }
0x28d: {  	[tilespmem:s15+$0xC10] =	vst v5;
	v3 =	vld [tilespmem:s6+$0x29B0]  }
0x28e: {  	[tilespmem:s22+$0xC00] =	vst v4;
	v4 =	vld [tilespmem:s16+$0x2480]  }
0x28f: {  	[tilespmem:s24+$0x430] =	vst v7;
	v5 =	vld [tilespmem:s17+$0x2480]  }
0x290: {  	s18 =	rddreg [dreg:$0xf];
	v7 =	vld [tilespmem:s6+$0x28C0];
	[tilespmem:s28+$0x430] =	vst v2  }
0x291: {  	s20 =	sld [smem:$0x7ED];
	[tilespmem:s0+$0x420] =	vst v6;
	v2 =	vld [tilespmem:s6+$0x2940]  }
0x292: {  	s21 =	sld [smem:$0x7E7];
	v6 =	vld [tilespmem:s6+$0x2A30];
	[tilespmem:s23+$0x430] =	vst v3  }
0x293: {  	[tilespmem:s18+$0x12480] =	vst v4;
	v3 =	vld [tilespmem:s6+$0x29C0]  }
0x294: {  	v4 =	vld [tilespmem:s20+$0x2480];
	[tilespmem:s22+$0xC10] =	vst v5  }
0x295: {  	v5 =	vld [tilespmem:s21+$0x2480];
	[tilespmem:s24+$0x440] =	vst v7  }
0x296: {  	v7 =	vld [tilespmem:s6+$0x28D0];
	[tilespmem:s28+$0x440] =	vst v2  }
0x297: {  	s7 =	sld [smem:$0x7EE];
	[tilespmem:s0+$0x430] =	vst v6;
	v2 =	vld [tilespmem:s6+$0x2950]  }
0x298: {  	s3 =	sld [smem:$0x7F4];
	v6 =	vld [tilespmem:s6+$0x2A40];
	[tilespmem:s23+$0x440] =	vst v3  }
0x299: {  	s2 =	rddreg [dreg:$0xe];
	[tilespmem:s15+$0xC20] =	vst v4;
	v3 =	vld [tilespmem:s6+$0x29D0]  }
0x29a: {  	[tilespmem:s2+$0x12480] =	vst v5;
	v5 =	vld [tilespmem:s7+$0x2480]  }
0x29b: {  	v4 =	vld [tilespmem:s3+$0x2480];
	[tilespmem:s24+$0x450] =	vst v7  }
0x29c: {  	v7 =	vld [tilespmem:s6+$0x28E0];
	[tilespmem:s28+$0x450] =	vst v2  }
0x29d: {  	s8 =	sld [smem:$0x7E8];
	[tilespmem:s0+$0x440] =	vst v6;
	v2 =	vld [tilespmem:s6+$0x2960]  }
0x29e: {  	s9 =	sld [smem:$0x7F5];
	v6 =	vld [tilespmem:s6+$0x2A50];
	[tilespmem:s23+$0x450] =	vst v3  }
0x29f: {  	[tilespmem:s15+$0xC30] =	vst v5;
	v3 =	vld [tilespmem:s6+$0x29E0]  }
0x2a0: {  	s12 =	smov.u32 s11;
	[tilespmem:s22+$0xC20] =	vst v4;
	v4 =	vld [tilespmem:s8+$0x2480]  }
0x2a1: {  	[dreg:$0x11] =	wrdreg s12;
	[tilespmem:s24+$0x460] =	vst v7;
	v5 =	vld [tilespmem:s9+$0x2480]  }
0x2a2: {  	p0 =	por !p0, !p0;
	s12 =	sld [smem:$0x7EF];
	v7 =	vld [tilespmem:s6+$0x28F0];
	[tilespmem:s28+$0x460] =	vst v2  }
0x2a3: {  	s19 =	smov.u32 s1;
	s1 =	simm.s32 $0x1;
	s10 =	rddreg [dreg:$0xb];
	[tilespmem:s0+$0x450] =	vst v6;
	v2 =	vld [tilespmem:s6+$0x2970]  }
0x2a4: {  	s1 =	simm.s32 @!p0 $0x0;
	s18 =	sld [smem:$0x7E9];
	v6 =	vld [tilespmem:s6+$0x2A60];
	[tilespmem:s23+$0x460] =	vst v3  }
0x2a5: {  	s1 =	sshll.u32 s1, $0x9;
	[tilespmem:s10+$0x12480] =	vst v4;
	v3 =	vld [tilespmem:s6+$0x29F0]  }
0x2a6: {  	s7 =	sadd.s32 s1, s25;
	v4 =	vld [tilespmem:s12+$0x2480];
	[tilespmem:s22+$0xC30] =	vst v5  }
0x2a7: {  	[dreg:$0xf] =	wrdreg s19;
	s17 =	sadd.s32 $0x80, s7;
	s19 =	sor.u32 $0x800, s7;
	v5 =	vld [tilespmem:s18+$0x2480];
	[tilespmem:s24+$0x470] =	vst v7  }
0x2a8: {  	s4 =	smov.u32 s13;
	s13 =	sor.u32 $0x800, s17;
	v7 =	vld [tilespmem:s19+$0x2480];
	[tilespmem:s28+$0x470] =	vst v2  }
0x2a9: {  	[dreg:$0xe] =	wrdreg s4;
	s31 =	sadd.s32 $0x100, s7;
	[tilespmem:s0+$0x460] =	vst v6;
	v2 =	vld [tilespmem:s13+$0x2480]  }
0x2aa: {  	s14 =	sor.u32 $0x800, s31;
	s12 =	sld [smem:$0x7F0];
	[tilespmem:s23+$0x470] =	vst v3  }
0x2ab: {  	s11 =	smov.u32 s5;
	s3 =	rddreg [dreg:$0x1b];
	[tilespmem:s15+$0xC40] =	vst v4;
	v3 =	vld [tilespmem:s14+$0x2480]  }
0x2ac: {  	[dreg:$0xb] =	wrdreg s11;
	v6 =	vld [tilespmem:s6+$0x2A70];
	[tilespmem:s3+$0x12480] =	vst v5  }
0x2ad: {  	s20 =	sor.u32 $0x810, s7;
	s6 =	sld [smem:$0x7F6];
	v5 =	vld [tilespmem:s12+$0x2480];
	[tilespmem:s24+$0x800] =	vst v7  }
0x2ae: {  	p1 =	por !p1, !p1;
	s2 =	sld [smem:$0x7DC];
	s5 =	sor.u32 $0x810, s17;
	v7 =	vld [tilespmem:s20+$0x2480];
	[tilespmem:s28+$0x800] =	vst v2  }
0x2af: {  	s21 =	sor.u32 $0x820, s7;
	s8 =	sadd.s32 $0x180, s7;
	v2 =	vld [tilespmem:s5+$0x2480];
	s5 =	sor.u32 $0x870, s17  }
0x2b0: {  	s19 =	sor.u32 $0x810, s31;
	v4 =	vld [tilespmem:s6+$0x2480];
	[tilespmem:s23+$0x800] =	vst v3;
	[smem:$0x7E4] =	sst s5;
	s5 =	sor.u32 $0x870, s31  }
0x2b1: {  	s16 =	sor.u32 $0x800, s8;
	[tilespmem:s0+$0x470] =	vst v6;
	v3 =	vld [tilespmem:s19+$0x2480];
	s19 =	sor.u32 $0xC00, s31;
	[smem:$0x7F1] =	sst s5  }
0x2b2: {  	s0 =	simm.s32 $0x1;
	v6 =	vld [tilespmem:s16+$0x2480];
	[tilespmem:s15+$0xC50] =	vst v5;
	s5 =	sor.u32 $0x870, s7;
	[smem:$0x7F2] =	sst s19  }
0x2b3: {  	s0 =	simm.s32 @!p1 $0x0;
	[tilespmem:s24+$0x810] =	vst v7;
	s19 =	sor.u32 $0xC00, s7;
	[smem:$0x7EA] =	sst s5  }
0x2b4: {  	s0 =	sshll.u32 s0, $0x9;
	v7 =	vld [tilespmem:s21+$0x2480];
	s21 =	sor.u32 $0xC30, s17;
	[smem:$0x7EB] =	sst s19  }
0x2b5: {  	s16 =	sadd.s32 s0, s2;
	s5 =	sor.u32 $0xC00, s17;
	[smem:$0x7E8] =	sst s21  }
0x2b6: {  	s0 =	sor.u32 $0x800, s16;
	s19 =	sor.u32 $0xC10, s17;
	[smem:$0x7E5] =	sst s5  }
0x2b7: {  	s11 =	sor.u32 $0x810, s8;
	[tilespmem:s0+$0x12480] =	vst v6;
	[smem:$0x7E6] =	sst s19  }
0x2b8: {  	v6 =	vld [tilespmem:s11+$0x2480];
	s21 =	sor.u32 $0xC40, s7;
	s5 =	rddreg [dreg:$0x17]  }
0x2b9: {  	[smem:$0x7EF] =	sst s21;
	s21 =	sor.u32 $0xC50, s7  }
0x2ba: {  	[smem:$0x7F0] =	sst s21  }
0x2bb: {  	[tilespmem:s22+$0xC40] =	vst v4;
	v4 =	vld [tilespmem:s5+$0x2480];
	s5 =	sor.u32 $0xC10, s7;
	s21 =	rddreg [dreg:$0x9]  }
0x2bc: {  	s19 =	sor.u32 $0x810, s16;
	[smem:$0x7EC] =	sst s5;
	s5 =	sor.u32 $0xC10, s31  }
0x2bd: {  	[tilespmem:s19+$0x12480] =	vst v6;
	s19 =	sor.u32 $0x820, s8;
	[smem:$0x7F3] =	sst s5  }
0x2be: {  	s18 =	sor.u32 $0x820, s17;
	[tilespmem:s28+$0x810] =	vst v2;
	v6 =	vld [tilespmem:s19+$0x2480];
	s19 =	sor.u32 $0xC30, s7;
	s5 =	rddreg [dreg:$0x1f]  }
0x2bf: {  	v2 =	vld [tilespmem:s18+$0x2480];
	s18 =	sor.u32 $0xC40, s17;
	[smem:$0x7EE] =	sst s19  }
0x2c0: {  	s19 =	sor.u32 $0xC30, s31;
	[smem:$0x7E9] =	sst s18  }
0x2c1: {  	v5 =	vld [tilespmem:s5+$0x2480];
	s5 =	sor.u32 $0xC20, s7;
	[smem:$0x7F5] =	sst s19  }
0x2c2: {  	s19 =	sor.u32 $0xC40, s31;
	[smem:$0x7ED] =	sst s5  }
0x2c3: {  	s5 =	sor.u32 $0xC20, s17;
	[smem:$0x7F6] =	sst s19  }
0x2c4: {  	s19 =	sor.u32 $0xC50, s31;
	[smem:$0x7E7] =	sst s5  }
0x2c5: {  	s29 =	sadd.s32 $0x4, s29;
	[dreg:$0x1f] =	wrdreg s19  }
0x2c6: {  	s4 =	sor.u32 $0x820, s31;
	s5 =	sor.u32 $0xC20, s31;
	[tilespmem:s21+$0x12480] =	vst v4;
	s21 =	sld [smem:$0x7DD]  }
0x2c7: {  	[tilespmem:s23+$0x810] =	vst v3;
	s19 =	sor.u32 $0x820, s16;
	[smem:$0x7F4] =	sst s5;
	s5 =	sor.u32 $0xC50, s17  }
0x2c8: {  	s30 =	sadd.s32 $0x2, s30;
	v3 =	vld [tilespmem:s4+$0x2480];
	[tilespmem:s19+$0x12480] =	vst v6;
	s19 =	sor.u32 $0x830, s8;
	[dreg:$0x17] =	wrdreg s5  }
0x2c9: {  	p2 =	slt.u32 s29, $0x38;
	s1 =	sor.u32 $0x840, s17;
	s5 =	rddreg [dreg:$0x14];
	v6 =	vld [tilespmem:s19+$0x2480]  }
0x2ca: {  	s19 =	smov.u32 s15;
	s15 =	sld [smem:$0x7DF];
	v8 =	vld [tilespmem:s5+$0x2480];
	s5 =	sor.u32 $0xC60, s7  }
0x2cb: {  	s9 =	sor.u32 $0x830, s7;
	s10 =	sor.u32 $0x860, s31;
	[tilespmem:s22+$0xC50] =	vst v5;
	[dreg:$0x14] =	wrdreg s5  }
0x2cc: {  	s2 =	sor.u32 $0x860, s17;
	s13 =	sor.u32 $0x830, s17;
	[tilespmem:s24+$0x820] =	vst v7;
	s5 =	sld [smem:$0x7DE]  }
0x2cd: {  	s12 =	sor.u32 $0x840, s7;
	s14 =	sor.u32 $0x830, s31;
	v7 =	vld [tilespmem:s9+$0x2480];
	[tilespmem:s23+$0x820] =	vst v3;
	s9 =	sld [smem:$0x7E2]  }
0x2ce: {  	s3 =	sor.u32 $0x850, s31;
	s18 =	sor.u32 $0xC60, s31;
	v4 =	vld [tilespmem:s14+$0x2480];
	s14 =	sld [smem:$0x7E0]  }
0x2cf: {  	v5 =	vld [tilespmem:s21+$0x2480];
	[tilespmem:s28+$0x820] =	vst v2;
	s21 =	smov.u32 s5;
	s5 =	smov.u32 s18;
	s18 =	sld [smem:$0x7E3]  }
0x2d0: {  	v9 =	vld [tilespmem:s13+$0x2480];
	s13 =	sor.u32 $0x830, s16;
	[dreg:$0x1b] =	wrdreg s21;
	s21 =	smov.u32 s15  }
.Ltmp1:
0x2d1: {  	[tilespmem:s13+$0x12480] =	vst v6;
	s13 =	sor.u32 $0x840, s8;
	[dreg:$0x9] =	wrdreg s21;
	(pc) =	sbr.rel @p2 .LBB2_5-.Ltmp1, $4  }
0x2d2: {  	s6 =	sor.u32 $0x840, s31;
	s0 =	sor.u32 $0x850, s17;
	[tilespmem:s19+$0xC60] =	vst v8;
	v6 =	vld [tilespmem:s13+$0x2480];
	s21 =	sld [smem:$0x7E1]  }
0x2d3: {  	s11 =	sor.u32 $0x850, s7;
	s20 =	sor.u32 $0x860, s7;
	s4 =	sor.u32 $0xC60, s17;
	v3 =	vld [tilespmem:s18+$0x2480];
	[tilespmem:s24+$0x830] =	vst v7  }
0x2d4: {  	s31 =	sor.u32 $0xC70, s31;
	s17 =	sor.u32 $0xC70, s17;
	s7 =	sor.u32 $0xC70, s7;
	[tilespmem:s14+$0x12480] =	vst v5;
	v5 =	vld [tilespmem:s12+$0x2480]  }
0x2d5: {  	s15 =	smov.u32 s4;
	s14 =	smov.u32 s7;
	[tilespmem:s28+$0x830] =	vst v9;
	v2 =	vld [tilespmem:s21+$0x2480];
	s21 =	smov.u32 s9  }
0x2d6: {  	s4 =	sor.u32 $0x840, s16  }
0x2d7: {  	s18 =	sor.u32 $0x850, s8;
	[tilespmem:s4+$0x12480] =	vst v6  }
0x2d8: {  	v6 =	vld [tilespmem:s18+$0x2480];
	_ =	sdelay $0x3  }
0x2d9: {  	s25 =	sor.u32 $0x850, s16  }
0x2da: {  	s26 =	sor.u32 $0x860, s8;
	[tilespmem:s25+$0x12480] =	vst v6  }
0x2db: {  	v6 =	vld [tilespmem:s26+$0x2480]  }
0x2dc: {  	v7 =	vld [tilespmem:s1+$0x2480];
	_ =	sdelay $0x1  }
0x2dd: {  	[tilespmem:s23+$0x830] =	vst v4  }
0x2de: {  	v4 =	vld [tilespmem:s6+$0x2480];
	s4 =	sor.u32 $0x860, s16;
	[tilespmem:s24+$0x840] =	vst v5  }
0x2df: {  	s6 =	sor.u32 $0x870, s8;
	v5 =	vld [tilespmem:s11+$0x2480];
	[tilespmem:s4+$0x12480] =	vst v6  }
0x2e0: {  	[tilespmem:s28+$0x840] =	vst v7;
	v6 =	vld [tilespmem:s6+$0x2480]  }
0x2e1: {  	v7 =	vld [tilespmem:s0+$0x2480];
	_ =	sdelay $0x1  }
0x2e2: {  	[tilespmem:s23+$0x840] =	vst v4  }
0x2e3: {  	s7 =	sor.u32 $0x870, s16;
	v4 =	vld [tilespmem:s3+$0x2480];
	[tilespmem:s24+$0x850] =	vst v5  }
0x2e4: {  	s9 =	sor.u32 $0xC00, s8;
	v5 =	vld [tilespmem:s20+$0x2480];
	[tilespmem:s7+$0x12480] =	vst v6  }
0x2e5: {  	[tilespmem:s28+$0x850] =	vst v7;
	v6 =	vld [tilespmem:s9+$0x2480]  }
0x2e6: {  	v7 =	vld [tilespmem:s2+$0x2480];
	_ =	sdelay $0x1  }
0x2e7: {  	[tilespmem:s23+$0x850] =	vst v4  }
0x2e8: {  	s11 =	sor.u32 $0xC00, s16;
	[tilespmem:s24+$0x860] =	vst v5  }
0x2e9: {  	[tilespmem:s11+$0x12480] =	vst v6  }
0x2ea: {  	s13 =	sld [smem:$0x7EA];
	[tilespmem:s28+$0x860] =	vst v7  }
0x2eb: {  	s12 =	sor.u32 $0xC10, s8;
	v4 =	vld [tilespmem:s10+$0x2480];
	s18 =	sld [smem:$0x7E4]  }
0x2ec: {  	v6 =	vld [tilespmem:s12+$0x2480]  }
0x2ed: {  	v5 =	vld [tilespmem:s13+$0x2480]  }
0x2ee: {  	v7 =	vld [tilespmem:s18+$0x2480];
	_ =	sdelay $0x1  }
0x2ef: {  	s25 =	sor.u32 $0xC10, s16;
	[tilespmem:s23+$0x860] =	vst v4  }
0x2f0: {  	s20 =	sld [smem:$0x7F1];
	[tilespmem:s25+$0x12480] =	vst v6  }
0x2f1: {  	[tilespmem:s24+$0x870] =	vst v5  }
0x2f2: {  	[tilespmem:s28+$0x870] =	vst v7  }
0x2f3: {  	s1 =	sld [smem:$0x7EB]  }
0x2f4: {  	s26 =	sor.u32 $0xC20, s8;
	v4 =	vld [tilespmem:s20+$0x2480]  }
0x2f5: {  	v6 =	vld [tilespmem:s26+$0x2480];
	s2 =	sld [smem:$0x7E5]  }
0x2f6: {  	v5 =	vld [tilespmem:s1+$0x2480];
	_ =	sdelay $0x1  }
0x2f7: {  	v7 =	vld [tilespmem:s2+$0x2480]  }
0x2f8: {  	s4 =	sor.u32 $0xC20, s16;
	[tilespmem:s23+$0x870] =	vst v4  }
0x2f9: {  	s3 =	sld [smem:$0x7F2];
	[tilespmem:s4+$0x12480] =	vst v6  }
0x2fa: {  	[tilespmem:s24+$0xC00] =	vst v5  }
0x2fb: {  	s7 =	rddreg [dreg:$0x11]  }
0x2fc: {  	[tilespmem:s7+$0x12480] =	vst v7  }
0x2fd: {  	s0 =	sld [smem:$0x7EC]  }
0x2fe: {  	s6 =	sor.u32 $0xC30, s8;
	v4 =	vld [tilespmem:s3+$0x2480]  }
0x2ff: {  	v6 =	vld [tilespmem:s6+$0x2480];
	s9 =	sld [smem:$0x7E6]  }
0x300: {  	v5 =	vld [tilespmem:s0+$0x2480];
	_ =	sdelay $0x1  }
0x301: {  	v7 =	vld [tilespmem:s9+$0x2480]  }
0x302: {  	s11 =	sor.u32 $0xC30, s16;
	[tilespmem:s23+$0xC00] =	vst v4  }
0x303: {  	s10 =	sld [smem:$0x7F3];
	[tilespmem:s11+$0x12480] =	vst v6  }
0x304: {  	[tilespmem:s24+$0xC10] =	vst v5  }
0x305: {  	s13 =	rddreg [dreg:$0xf]  }
0x306: {  	[tilespmem:s13+$0x12480] =	vst v7  }
0x307: {  	v4 =	vld [tilespmem:s10+$0x2480];
	s0 =	sld [smem:$0x7ED]  }
0x308: {  	s12 =	sor.u32 $0xC40, s8  }
0x309: {  	v6 =	vld [tilespmem:s12+$0x2480];
	s18 =	sld [smem:$0x7E7]  }
0x30a: {  	v5 =	vld [tilespmem:s0+$0x2480];
	_ =	sdelay $0x1  }
0x30b: {  	[tilespmem:s23+$0xC10] =	vst v4;
	v7 =	vld [tilespmem:s18+$0x2480]  }
0x30c: {  	s25 =	sor.u32 $0xC40, s16;
	s20 =	sld [smem:$0x7F4]  }
0x30d: {  	[tilespmem:s25+$0x12480] =	vst v6  }
0x30e: {  	[tilespmem:s24+$0xC20] =	vst v5  }
0x30f: {  	v4 =	vld [tilespmem:s20+$0x2480];
	s1 =	rddreg [dreg:$0xe]  }
0x310: {  	[tilespmem:s1+$0x12480] =	vst v7  }
0x311: {  	s0 =	sld [smem:$0x7EE]  }
0x312: {  	s26 =	sor.u32 $0xC50, s8  }
0x313: {  	v6 =	vld [tilespmem:s26+$0x2480];
	s2 =	sld [smem:$0x7E8]  }
0x314: {  	[tilespmem:s23+$0xC20] =	vst v4;
	v5 =	vld [tilespmem:s0+$0x2480]  }
0x315: {  	s3 =	sld [smem:$0x7F5]  }
0x316: {  	v7 =	vld [tilespmem:s2+$0x2480]  }
0x317: {  	s4 =	sor.u32 $0xC50, s16  }
0x318: {  	[tilespmem:s4+$0x12480] =	vst v6;
	v4 =	vld [tilespmem:s3+$0x2480]  }
0x319: {  	[tilespmem:s24+$0xC30] =	vst v5  }
0x31a: {  	s7 =	rddreg [dreg:$0xb]  }
0x31b: {  	[tilespmem:s7+$0x12480] =	vst v7  }
0x31c: {  	s0 =	sld [smem:$0x7EF]  }
0x31d: {  	s6 =	sor.u32 $0xC60, s8;
	[tilespmem:s23+$0xC30] =	vst v4  }
0x31e: {  	v6 =	vld [tilespmem:s6+$0x2480];
	s9 =	sld [smem:$0x7E9];
	[tilespmem:s22+$0xC60] =	vst v2  }
0x31f: {  	s10 =	sld [smem:$0x7F6];
	v5 =	vld [tilespmem:s0+$0x2480];
	_ =	sdelay $0x1  }
0x320: {  	[tilespmem:s19+$0xC70] =	vst v3;
	v4 =	vld [tilespmem:s9+$0x2480]  }
0x321: {  	s12 =	sor.u32 $0xC60, s16;
	s11 =	rddreg [dreg:$0x1c];
	v2 =	vld [tilespmem:s10+$0x2480]  }
0x322: {  	s13 =	rddreg [dreg:$0x1e];
	[tilespmem:s12+$0x12480] =	vst v6  }
0x323: {  	v3 =	vld [tilespmem:s11+$0x2480];
	[tilespmem:s24+$0xC40] =	vst v5  }
0x324: {  	s19 =	rddreg [dreg:$0x1b]  }
0x325: {  	[tilespmem:s19+$0x12480] =	vst v4  }
0x326: {  	s0 =	sld [smem:$0x7F0];
	[tilespmem:s23+$0xC40] =	vst v2  }
0x327: {  	s18 =	sor.u32 $0xC70, s8;
	v7 =	vld [tilespmem:s13+$0x2480];
	s25 =	rddreg [dreg:$0xa]  }
0x328: {  	v6 =	vld [tilespmem:s18+$0x2480];
	s20 =	rddreg [dreg:$0x17];
	[tilespmem:s25+$0x12480] =	vst v3  }
0x329: {  	v4 =	vld [tilespmem:s0+$0x2480];
	s2 =	sld [smem:$0x7F7];
	_ =	sdelay $0x1  }
0x32a: {  	v2 =	vld [tilespmem:s20+$0x2480];
	s0 =	rddreg [dreg:$0x1f]  }
0x32b: {  	s26 =	sor.u32 $0xC70, s16;
	[tilespmem:s22+$0xC70] =	vst v7;
	v3 =	vld [tilespmem:s0+$0x2480];
	s4 =	sshll.u32 s2, $0x1;
	p0 =	seq.s32 s2, $0xF  }
0x32c: {  	[tilespmem:s26+$0x12480] =	vst v6;
	s1 =	sadd.s32 @!p0 $0x2, s4  }
0x32d: {  	p1 =	slt.u32 @!p0 s2, $0x7;
	s0 =	sand.u32 @!p0 $0xE, s1;
	[tilespmem:s24+$0xC50] =	vst v4  }
0x32e: {  	v5 =	vlaneseq.u32 @!p0;
	p1 =	por !p1, p0;
	v4 =	vmov @!p0 s0;
	s2 =	rddreg [dreg:$0x9]  }
0x32f: {  	[tilespmem:s2+$0x12480] =	vst v2;
	v2 =	vpsel p1, v1, v0;
	vm2 =	veq.s32 @!p0 v4, v5  }
0x330: {  	s0 =	rddreg [dreg:$0x14];
	[tilespmem:s23+$0xC50] =	vst v3;
	v3 =	vnsel @!p0 vm2, $0x0, v2  }
0x331: {  	(xrf0) =	vadd.scan.msk.s32 @!p0 $0xffff, v3;
	_ =	sdelay $0x5  }
0x332: {  	v3, _, _ =	vpop @!p0 (xrf0)  }
0x333: {  	(v2sf) =	vpush @!p0 v3, $0xF;
	_ =	sdelay $0x2  }
0x334: {  	v6 =	vld [tilespmem:s0+$0x2480]  }
0x335: {  	v4 =	vld [tilespmem:s5+$0x2480]  }
0x336: {  	v3 =	vld [tilespmem:s15+$0x2480];
	_ =	sdelay $0x2  }
0x337: {  	[tilespmem:s24+$0xC60] =	vst v6  }
0x338: {  	[tilespmem:s23+$0xC60] =	vst v4  }
0x339: {  	[tilespmem:s21+$0x12480] =	vst v3;
	v3 =	vld [tilespmem:s14+$0x2480]  }
0x33a: {  	v5 =	vld [tilespmem:s31+$0x2480]  }
0x33b: {  	v4 =	vld [tilespmem:s17+$0x2480];
	_ =	sdelay $0x2  }
0x33c: {  	[tilespmem:s24+$0xC70] =	vst v3;
	s0 =	spop @!p0 (v2sf)  }
0x33d: {  	s3 =	rddreg [dreg:$0x6];
	[tilespmem:s23+$0xC70] =	vst v5;
	s1 =	sshll.u32 @!p0 s0, $0x6  }
0x33e: {  	s2 =	rddreg [dreg:$0x2];
	[tilespmem:s3+$0x12480] =	vst v4;
	s3 =	simm.s32 @!p0 $0x2080;
	s1 =	sand.u32 @!p0 $0x1FFFFFC0, s1  }
0x33f: {  	s5 =	sld [smem:$0x7FA];
	s1 =	sadd.s32 @!p0 s2, s1;
	s2 =	simm.s32 @!p0 $0x0  }
0x340: {  	[tilespmem:s3], [sflag:$0x1] =	stream.linear.gather @!p0 [hbm4b:s1+s2], $0x200, $0x38;
	[tilespmem:$0x1C480] =	vst v63  }
0x341: {  	s3 =	sld [smem:$0x7F9]  }
0x342: {  	s8 =	simm.s32 $0x3;
	s7 =	simm.s32 $0x12480;
	s0 =	sshll.u32 @!p0 s0, $0xC  }
0x343: {  	s6 =	sld [smem:$0x7FB];
	s0 =	sand.u32 @!p0 $0x1FFFF000, s0;
	s1 =	sadd.s32 s5, s4  }
0x344: {  	s1 =	smul.u32 $0x1400, s1;
	s0 =	sadd.s32 @!p0 s3, s0;
	s3 =	simm.s32 @!p0 $0x2480  }
0x345: {  	[tilespmem:s3], [sflag:$0x1] =	stream.linear.gather @!p0 [hbm4b:s0+s2], $0x8000, $0x38;
	[tilespmem:$0x1C480] =	vst v63  }
0x346: {  	[smem:$0x7C8] =	sst s4;
	s1 =	sadd.s32 s6, s1;
	s0 =	simm.s32 $0x0  }
0x347: {  	[hbm4b:s1+s0] =	stream.linear.scatter [tilespmem:s7], [sflag:$0x3], $0xA000, $0x38;
	[tilespmem:$0x1C480] =	vst v63  }
0x348: {  	_ =	swait.ge [sflag:s8], $0xA000  }
0x349: {  	[sflag:s8] =	ssyncset.done $0x0  }
0x34a: {  	s9 =	simm.s32 $0x2;
	[sflag:s8] =	ssyncadd.s32 $0xFFFF6000  }
0x34b: {  	_ =	swait.ge [sflag:s9], $0x200  }
0x34c: {  	[sflag:s9] =	ssyncset.done $0x0  }
0x34d: {  	[sflag:s9] =	ssyncadd.s32 $0xFFFFFE00  }
0x34e: {  	_ =	swait.ge [sflag:s9], $0x8000  }
0x34f: {  	[sflag:s9] =	ssyncset.done $0x0  }
0x350: {  	[sflag:s9] =	ssyncadd.s32 $0xFFFF8000  }
0x351: {  	v3 =	vld [tilespmem:$0x2280]  }
0x352: {  	v4 =	vld [tilespmem:$0x2290];
	_ =	sdelay $0x1  }
0x353: {  	v5 =	vld [tilespmem:$0x22A0]  }
0x354: {  	v6 =	vld [tilespmem:$0x22B0]  }
0x355: {  	v7 =	vld [tilespmem:$0x22C0];
	[tilespmem:$0x12480] =	vst v3  }
0x356: {  	v3 =	vld [tilespmem:$0x22D0];
	[tilespmem:$0x12490] =	vst v4  }
0x357: {  	v4 =	vld [tilespmem:$0x22E0]  }
0x358: {  	[tilespmem:$0x124A0] =	vst v5;
	v5 =	vld [tilespmem:$0x22F0]  }
0x359: {  	[tilespmem:$0x124B0] =	vst v6;
	v6 =	vld [tilespmem:$0x2300]  }
0x35a: {  	[tilespmem:$0x124C0] =	vst v7;
	v7 =	vld [tilespmem:$0x2310]  }
0x35b: {  	[tilespmem:$0x124D0] =	vst v3;
	v3 =	vld [tilespmem:$0x2320]  }
0x35c: {  	[tilespmem:$0x124E0] =	vst v4;
	v4 =	vld [tilespmem:$0x2330]  }
0x35d: {  	[tilespmem:$0x124F0] =	vst v5;
	v5 =	vld [tilespmem:$0x2340]  }
0x35e: {  	[tilespmem:$0x12880] =	vst v6;
	v6 =	vld [tilespmem:$0x2350]  }
0x35f: {  	[tilespmem:$0x12890] =	vst v7;
	v7 =	vld [tilespmem:$0x2360]  }
0x360: {  	[tilespmem:$0x128A0] =	vst v3;
	v3 =	vld [tilespmem:$0x2370]  }
0x361: {  	[tilespmem:$0x128B0] =	vst v4;
	v4 =	vld [tilespmem:$0x2380]  }
0x362: {  	[tilespmem:$0x128C0] =	vst v5;
	v5 =	vld [tilespmem:$0x2390]  }
0x363: {  	[tilespmem:$0x128D0] =	vst v6;
	v6 =	vld [tilespmem:$0x23A0]  }
0x364: {  	[tilespmem:$0x128E0] =	vst v7;
	v7 =	vld [tilespmem:$0x23B0]  }
0x365: {  	[tilespmem:$0x128F0] =	vst v3;
	v3 =	vld [tilespmem:$0x23C0]  }
0x366: {  	[tilespmem:$0x12C80] =	vst v4;
	v4 =	vld [tilespmem:$0x23D0]  }
0x367: {  	[tilespmem:$0x12C90] =	vst v5;
	v5 =	vld [tilespmem:$0x23E0]  }
0x368: {  	[tilespmem:$0x12CA0] =	vst v6;
	v6 =	vld [tilespmem:$0x23F0]  }
0x369: {  	[tilespmem:$0x12CB0] =	vst v7;
	v7 =	vld [tilespmem:$0x2400]  }
0x36a: {  	[tilespmem:$0x12CC0] =	vst v3;
	v3 =	vld [tilespmem:$0x2410]  }
0x36b: {  	[tilespmem:$0x12CD0] =	vst v4;
	v4 =	vld [tilespmem:$0x2420]  }
0x36c: {  	[tilespmem:$0x12CE0] =	vst v5;
	v5 =	vld [tilespmem:$0x2430]  }
0x36d: {  	[tilespmem:$0x12CF0] =	vst v6;
	v6 =	vld [tilespmem:$0x2440]  }
0x36e: {  	[tilespmem:$0x13080] =	vst v7;
	v7 =	vld [tilespmem:$0x2450]  }
0x36f: {  	[tilespmem:$0x13090] =	vst v3;
	v3 =	vld [tilespmem:$0x2460]  }
0x370: {  	[tilespmem:$0x130A0] =	vst v4;
	v4 =	vld [tilespmem:$0x2470]  }
0x371: {  	[tilespmem:$0x130B0] =	vst v5  }
0x372: {  	[tilespmem:$0x130C0] =	vst v6  }
0x373: {  	s10 =	simm.s32 $0x0;
	[tilespmem:$0x130D0] =	vst v7  }
0x374: {  	s11 =	sand.u32 $0x7000, s0;
	s1 =	sand.u32 $0x200, s10;
	[tilespmem:$0x130E0] =	vst v3  }
0x375: {  	s12 =	sor.u32 s1, s11;
	[tilespmem:$0x130F0] =	vst v4  }
0x376: {  	s16 =	simm.s32 $0x880;
	v3 =	vld [tilespmem:s12+$0xA600]  }
0x377: {  	s13 =	simm.s32 $0xA00;
	s18 =	simm.s32 $0x900;
	s15 =	simm.s32 $0x2200;
	v4 =	vld [tilespmem:s12+$0xA480]  }
0x378: {  	s19 =	simm.s32 $0x2600;
	s14 =	simm.s32 $0x2800;
	s4 =	sand.u32 $0xF000, s15;
	v5 =	vld [tilespmem:s12+$0xA500]  }
0x379: {  	s5 =	sand.u32 $0x280, s16;
	s2 =	sand.u32 $0xF000, s14;
	s1 =	sand.u32 $0x200, s13;
	v6 =	vld [tilespmem:s12+$0xA580]  }
0x37a: {  	s17 =	simm.s32 $0x2400;
	s5 =	sor.u32 s5, s4;
	s1 =	sor.u32 s1, s2  }
0x37b: {  	s6 =	sand.u32 $0xF000, s17;
	s7 =	simm.s32 $0x980;
	s2 =	sand.u32 $0x300, s18;
	[tilespmem:s1+$0x12480] =	vst v3  }
0x37c: {  	s4 =	sand.u32 $0xF000, s19;
	s20 =	sand.u32 $0x380, s7;
	s2 =	sor.u32 s2, s6;
	[tilespmem:s5+$0x12480] =	vst v4;
	v3 =	vld [tilespmem:s12+$0xA610]  }
0x37d: {  	s6 =	sor.u32 s20, s4;
	[tilespmem:s2+$0x12480] =	vst v5;
	v4 =	vld [tilespmem:s12+$0xA490]  }
0x37e: {  	[tilespmem:s6+$0x12480] =	vst v6;
	v5 =	vld [tilespmem:s12+$0xA510]  }
0x37f: {  	v6 =	vld [tilespmem:s12+$0xA590]  }
0x380: {  	s21 =	sadd.s32 $0x12480, s1  }
0x381: {  	s19 =	sadd.s32 $0x12480, s5;
	[tilespmem:s21+$0x10] =	vst v3  }
0x382: {  	s1 =	sadd.s32 $0x12480, s2;
	[tilespmem:s19+$0x10] =	vst v4;
	v3 =	vld [tilespmem:s12+$0xA620]  }
0x383: {  	s22 =	sadd.s32 $0x12480, s6;
	[tilespmem:s1+$0x10] =	vst v5;
	v4 =	vld [tilespmem:s12+$0xA4A0]  }
0x384: {  	[tilespmem:s22+$0x10] =	vst v6;
	v5 =	vld [tilespmem:s12+$0xA520]  }
0x385: {  	v6 =	vld [tilespmem:s12+$0xA5A0];
	_ =	sdelay $0x1  }
0x386: {  	[tilespmem:s21+$0x20] =	vst v3  }
0x387: {  	[tilespmem:s19+$0x20] =	vst v4;
	v3 =	vld [tilespmem:s12+$0xA630]  }
0x388: {  	[tilespmem:s1+$0x20] =	vst v5;
	v4 =	vld [tilespmem:s12+$0xA4B0]  }
0x389: {  	[tilespmem:s22+$0x20] =	vst v6;
	v5 =	vld [tilespmem:s12+$0xA530]  }
0x38a: {  	v6 =	vld [tilespmem:s12+$0xA5B0];
	_ =	sdelay $0x1  }
0x38b: {  	[tilespmem:s21+$0x30] =	vst v3  }
0x38c: {  	[tilespmem:s19+$0x30] =	vst v4;
	v3 =	vld [tilespmem:s12+$0xA640]  }
0x38d: {  	[tilespmem:s1+$0x30] =	vst v5;
	v4 =	vld [tilespmem:s12+$0xA4C0]  }
0x38e: {  	[tilespmem:s22+$0x30] =	vst v6;
	v5 =	vld [tilespmem:s12+$0xA540]  }
0x38f: {  	v6 =	vld [tilespmem:s12+$0xA5C0];
	_ =	sdelay $0x1  }
0x390: {  	[tilespmem:s21+$0x40] =	vst v3  }
0x391: {  	[tilespmem:s19+$0x40] =	vst v4;
	v3 =	vld [tilespmem:s12+$0xA650]  }
0x392: {  	[tilespmem:s1+$0x40] =	vst v5;
	v4 =	vld [tilespmem:s12+$0xA4D0]  }
0x393: {  	[tilespmem:s22+$0x40] =	vst v6;
	v5 =	vld [tilespmem:s12+$0xA550]  }
0x394: {  	v6 =	vld [tilespmem:s12+$0xA5D0];
	_ =	sdelay $0x1  }
0x395: {  	[tilespmem:s21+$0x50] =	vst v3  }
0x396: {  	[tilespmem:s19+$0x50] =	vst v4;
	v3 =	vld [tilespmem:s12+$0xA660]  }
0x397: {  	[tilespmem:s1+$0x50] =	vst v5;
	v4 =	vld [tilespmem:s12+$0xA4E0]  }
0x398: {  	[tilespmem:s22+$0x50] =	vst v6;
	v5 =	vld [tilespmem:s12+$0xA560]  }
0x399: {  	v6 =	vld [tilespmem:s12+$0xA5E0];
	_ =	sdelay $0x1  }
0x39a: {  	[tilespmem:s21+$0x60] =	vst v3  }
0x39b: {  	[tilespmem:s19+$0x60] =	vst v4;
	v3 =	vld [tilespmem:s12+$0xA670]  }
0x39c: {  	[tilespmem:s1+$0x60] =	vst v5;
	v4 =	vld [tilespmem:s12+$0xA4F0]  }
0x39d: {  	[tilespmem:s22+$0x60] =	vst v6;
	v5 =	vld [tilespmem:s12+$0xA570]  }
0x39e: {  	v6 =	vld [tilespmem:s12+$0xA5F0];
	_ =	sdelay $0x1  }
0x39f: {  	[tilespmem:s21+$0x70] =	vst v3  }
0x3a0: {  	[tilespmem:s19+$0x70] =	vst v4;
	v3 =	vld [tilespmem:s12+$0xAA00]  }
0x3a1: {  	[tilespmem:s1+$0x70] =	vst v5;
	v4 =	vld [tilespmem:s12+$0xA880]  }
0x3a2: {  	[tilespmem:s22+$0x70] =	vst v6;
	v5 =	vld [tilespmem:s12+$0xA900]  }
0x3a3: {  	v6 =	vld [tilespmem:s12+$0xA980];
	_ =	sdelay $0x1  }
0x3a4: {  	[tilespmem:s21+$0x400] =	vst v3  }
0x3a5: {  	[tilespmem:s19+$0x400] =	vst v4;
	v3 =	vld [tilespmem:s12+$0xAA10]  }
0x3a6: {  	[tilespmem:s1+$0x400] =	vst v5;
	v4 =	vld [tilespmem:s12+$0xA890]  }
0x3a7: {  	[tilespmem:s22+$0x400] =	vst v6;
	v5 =	vld [tilespmem:s12+$0xA910]  }
0x3a8: {  	v6 =	vld [tilespmem:s12+$0xA990];
	_ =	sdelay $0x1  }
0x3a9: {  	[tilespmem:s21+$0x410] =	vst v3  }
0x3aa: {  	[tilespmem:s19+$0x410] =	vst v4;
	v3 =	vld [tilespmem:s12+$0xAA20]  }
0x3ab: {  	[tilespmem:s1+$0x410] =	vst v5;
	v4 =	vld [tilespmem:s12+$0xA8A0]  }
0x3ac: {  	[tilespmem:s22+$0x410] =	vst v6;
	v5 =	vld [tilespmem:s12+$0xA920]  }
0x3ad: {  	v6 =	vld [tilespmem:s12+$0xA9A0];
	_ =	sdelay $0x1  }
0x3ae: {  	[tilespmem:s21+$0x420] =	vst v3  }
0x3af: {  	[tilespmem:s19+$0x420] =	vst v4;
	v3 =	vld [tilespmem:s12+$0xAA30]  }
0x3b0: {  	[tilespmem:s1+$0x420] =	vst v5;
	v4 =	vld [tilespmem:s12+$0xA8B0]  }
0x3b1: {  	[tilespmem:s22+$0x420] =	vst v6;
	v5 =	vld [tilespmem:s12+$0xA930]  }
0x3b2: {  	v6 =	vld [tilespmem:s12+$0xA9B0];
	_ =	sdelay $0x1  }
0x3b3: {  	[tilespmem:s21+$0x430] =	vst v3  }
0x3b4: {  	[tilespmem:s19+$0x430] =	vst v4;
	v3 =	vld [tilespmem:s12+$0xAA40]  }
0x3b5: {  	[tilespmem:s1+$0x430] =	vst v5;
	v4 =	vld [tilespmem:s12+$0xA8C0]  }
0x3b6: {  	[tilespmem:s22+$0x430] =	vst v6;
	v5 =	vld [tilespmem:s12+$0xA940]  }
0x3b7: {  	v6 =	vld [tilespmem:s12+$0xA9C0];
	_ =	sdelay $0x1  }
0x3b8: {  	[tilespmem:s21+$0x440] =	vst v3  }
0x3b9: {  	[tilespmem:s19+$0x440] =	vst v4;
	v3 =	vld [tilespmem:s12+$0xAA50]  }
0x3ba: {  	[tilespmem:s1+$0x440] =	vst v5;
	v4 =	vld [tilespmem:s12+$0xA8D0]  }
0x3bb: {  	[tilespmem:s22+$0x440] =	vst v6;
	v5 =	vld [tilespmem:s12+$0xA950]  }
0x3bc: {  	v6 =	vld [tilespmem:s12+$0xA9D0];
	_ =	sdelay $0x1  }
0x3bd: {  	[tilespmem:s21+$0x450] =	vst v3  }
0x3be: {  	[tilespmem:s19+$0x450] =	vst v4;
	v3 =	vld [tilespmem:s12+$0xAA60]  }
0x3bf: {  	[tilespmem:s1+$0x450] =	vst v5;
	v4 =	vld [tilespmem:s12+$0xA8E0]  }
0x3c0: {  	[tilespmem:s22+$0x450] =	vst v6;
	v5 =	vld [tilespmem:s12+$0xA960]  }
0x3c1: {  	v6 =	vld [tilespmem:s12+$0xA9E0];
	_ =	sdelay $0x1  }
0x3c2: {  	[tilespmem:s21+$0x460] =	vst v3  }
0x3c3: {  	p1 =	por $0x0, $0x0;
	s2 =	simm.s32 $0x1;
	[tilespmem:s19+$0x460] =	vst v4;
	v3 =	vld [tilespmem:s12+$0xAA70]  }
0x3c4: {  	s2 =	simm.s32 @!p1 $0x0;
	[tilespmem:s1+$0x460] =	vst v5;
	v4 =	vld [tilespmem:s12+$0xA8F0]  }
0x3c5: {  	s2 =	sshll.u32 s2, $0x9;
	[tilespmem:s22+$0x460] =	vst v6;
	v5 =	vld [tilespmem:s12+$0xA970]  }
0x3c6: {  	s2 =	sadd.s32 $0x0, s2;
	v6 =	vld [tilespmem:s12+$0xA9F0]  }
0x3c7: {  	s6 =	sadd.s32 $0x180, s2  }
0x3c8: {  	p2 =	por $0x1, $0x1;
	s3 =	simm.s32 $0x1;
	s23 =	sor.u32 $0x800, s6;
	[tilespmem:s21+$0x470] =	vst v3  }
0x3c9: {  	s3 =	simm.s32 @!p2 $0x0;
	s4 =	sadd.s32 $0x80, s2;
	s24 =	sor.u32 $0x800, s2;
	[tilespmem:s19+$0x470] =	vst v4;
	v3 =	vld [tilespmem:s23+$0xA480]  }
0x3ca: {  	s26 =	sshll.u32 s3, $0x9;
	s3 =	sadd.s32 $0x100, s2;
	s25 =	sor.u32 $0x800, s4;
	[tilespmem:s1+$0x470] =	vst v5;
	v4 =	vld [tilespmem:s24+$0xA480]  }
0x3cb: {  	s8 =	sor.u32 $0x800, s3;
	[tilespmem:s22+$0x470] =	vst v6;
	v5 =	vld [tilespmem:s25+$0xA480]  }
0x3cc: {  	s7 =	sadd.s32 $0x2800, s26;
	v6 =	vld [tilespmem:s8+$0xA480]  }
0x3cd: {  	s9 =	sor.u32 $0x800, s7  }
0x3ce: {  	s10 =	sor.u32 $0x810, s6;
	[tilespmem:s9+$0x12480] =	vst v3  }
0x3cf: {  	s11 =	sor.u32 $0x810, s2;
	[tilespmem:s19+$0x800] =	vst v4;
	v3 =	vld [tilespmem:s10+$0xA480]  }
0x3d0: {  	s12 =	sor.u32 $0x810, s4;
	[tilespmem:s1+$0x800] =	vst v5;
	v4 =	vld [tilespmem:s11+$0xA480]  }
0x3d1: {  	s13 =	sor.u32 $0x810, s3;
	[tilespmem:s22+$0x800] =	vst v6;
	v5 =	vld [tilespmem:s12+$0xA480]  }
0x3d2: {  	v6 =	vld [tilespmem:s13+$0xA480]  }
0x3d3: {  	s14 =	sor.u32 $0x810, s7  }
0x3d4: {  	s15 =	sor.u32 $0x820, s6;
	[tilespmem:s14+$0x12480] =	vst v3  }
0x3d5: {  	s16 =	sor.u32 $0x820, s2;
	[tilespmem:s19+$0x810] =	vst v4;
	v3 =	vld [tilespmem:s15+$0xA480]  }
0x3d6: {  	s17 =	sor.u32 $0x820, s4;
	[tilespmem:s1+$0x810] =	vst v5;
	v4 =	vld [tilespmem:s16+$0xA480]  }
0x3d7: {  	s18 =	sor.u32 $0x820, s3;
	[tilespmem:s22+$0x810] =	vst v6;
	v5 =	vld [tilespmem:s17+$0xA480]  }
0x3d8: {  	s26 =	simm.s32 $0x800;
	s9 =	simm.s32 $0x200;
	v6 =	vld [tilespmem:s18+$0xA480]  }
0x3d9: {  	s20 =	sor.u32 $0x820, s7;
	s23 =	sand.u32 $0x7000, s26;
	s9 =	sand.u32 $0x200, s9  }
0x3da: {  	s5 =	sor.u32 s9, s23;
	[tilespmem:s20+$0x12480] =	vst v3  }
0x3db: {  	s21 =	sor.u32 $0x830, s6;
	[tilespmem:s19+$0x820] =	vst v4;
	v4 =	vld [tilespmem:s5+$0xA600]  }
0x3dc: {  	s25 =	sor.u32 $0x830, s4;
	[tilespmem:s1+$0x820] =	vst v5;
	v3 =	vld [tilespmem:s21+$0xA480]  }
0x3dd: {  	s10 =	sor.u32 $0x830, s3;
	s11 =	simm.s32 $0x3000;
	s23 =	simm.s32 $0xC00;
	[tilespmem:s22+$0x820] =	vst v6;
	v5 =	vld [tilespmem:s25+$0xA480]  }
0x3de: {  	s24 =	sor.u32 $0x830, s2;
	s9 =	sand.u32 $0xF000, s11;
	s13 =	sand.u32 $0x200, s23;
	v6 =	vld [tilespmem:s10+$0xA480]  }
0x3df: {  	s9 =	sor.u32 s13, s9;
	v7 =	vld [tilespmem:s24+$0xA480]  }
0x3e0: {  	s12 =	sor.u32 $0x830, s7;
	[tilespmem:s9+$0x12480] =	vst v4  }
0x3e1: {  	s14 =	sor.u32 $0x840, s6;
	[tilespmem:s12+$0x12480] =	vst v3;
	v4 =	vld [tilespmem:s5+$0xA610]  }
0x3e2: {  	[tilespmem:s1+$0x830] =	vst v5;
	v3 =	vld [tilespmem:s14+$0xA480]  }
0x3e3: {  	s16 =	sor.u32 $0x840, s4;
	[tilespmem:s22+$0x830] =	vst v6;
	v6 =	vld [tilespmem:s5+$0xA480]  }
0x3e4: {  	s8 =	sadd.s32 $0x12480, s9;
	s15 =	sor.u32 $0x840, s2;
	[tilespmem:s19+$0x830] =	vst v7;
	v5 =	vld [tilespmem:s16+$0xA480]  }
0x3e5: {  	s17 =	sor.u32 $0x840, s3;
	s20 =	simm.s32 $0x2A00;
	s21 =	simm.s32 $0xA80;
	v7 =	vld [tilespmem:s15+$0xA480]  }
0x3e6: {  	s18 =	sor.u32 $0x840, s7;
	s10 =	sand.u32 $0x280, s21;
	s9 =	sand.u32 $0xF000, s20;
	v8 =	vld [tilespmem:s17+$0xA480];
	[tilespmem:s8+$0x10] =	vst v4  }
0x3e7: {  	s9 =	sor.u32 s10, s9;
	[tilespmem:s18+$0x12480] =	vst v3;
	v3 =	vld [tilespmem:s5+$0xA500]  }
0x3e8: {  	[tilespmem:s9+$0x12480] =	vst v6;
	v4 =	vld [tilespmem:s5+$0xA620]  }
0x3e9: {  	s13 =	simm.s32 $0xB00;
	s24 =	sor.u32 $0x850, s6;
	s12 =	simm.s32 $0x2C00;
	[tilespmem:s1+$0x840] =	vst v5;
	v5 =	vld [tilespmem:s5+$0xA580]  }
0x3ea: {  	s25 =	sor.u32 $0x850, s2;
	s12 =	sand.u32 $0xF000, s12;
	s14 =	sand.u32 $0x300, s13;
	[tilespmem:s19+$0x840] =	vst v7;
	v6 =	vld [tilespmem:s5+$0xA490]  }
0x3eb: {  	s15 =	simm.s32 $0x2E00;
	s16 =	simm.s32 $0xB80;
	s11 =	sor.u32 s14, s12;
	[tilespmem:s22+$0x840] =	vst v8;
	v7 =	vld [tilespmem:s24+$0xA480]  }
0x3ec: {  	s17 =	sand.u32 $0xF000, s15;
	s18 =	sand.u32 $0x380, s16;
	v8 =	vld [tilespmem:s25+$0xA480];
	[tilespmem:s11+$0x12480] =	vst v3  }
0x3ed: {  	s10 =	sor.u32 s18, s17;
	[tilespmem:s8+$0x20] =	vst v4;
	v3 =	vld [tilespmem:s5+$0xA510]  }
0x3ee: {  	s24 =	sadd.s32 $0x12480, s9;
	[tilespmem:s10+$0x12480] =	vst v5;
	v4 =	vld [tilespmem:s5+$0xA630]  }
0x3ef: {  	s20 =	sor.u32 $0x850, s7;
	[tilespmem:s24+$0x10] =	vst v6;
	v5 =	vld [tilespmem:s5+$0xA590]  }
0x3f0: {  	s21 =	sor.u32 $0x860, s6;
	[tilespmem:s20+$0x12480] =	vst v7;
	v6 =	vld [tilespmem:s5+$0xA4A0]  }
0x3f1: {  	s29 =	sadd.s32 $0x12480, s11;
	s25 =	sor.u32 $0x850, s4;
	[tilespmem:s19+$0x850] =	vst v8;
	v7 =	vld [tilespmem:s21+$0xA480]  }
0x3f2: {  	v8 =	vld [tilespmem:s25+$0xA480];
	[tilespmem:s29+$0x10] =	vst v3  }
0x3f3: {  	s25 =	sadd.s32 $0x12480, s10;
	[tilespmem:s8+$0x30] =	vst v4;
	v3 =	vld [tilespmem:s5+$0xA520]  }
0x3f4: {  	[tilespmem:s25+$0x10] =	vst v5;
	v4 =	vld [tilespmem:s5+$0xA640]  }
0x3f5: {  	s10 =	sor.u32 $0x860, s7;
	[tilespmem:s24+$0x20] =	vst v6;
	v5 =	vld [tilespmem:s5+$0xA5A0]  }
0x3f6: {  	s11 =	sor.u32 $0x870, s6;
	[tilespmem:s10+$0x12480] =	vst v7;
	v6 =	vld [tilespmem:s5+$0xA4B0]  }
0x3f7: {  	s12 =	sor.u32 $0x850, s3;
	[tilespmem:s1+$0x850] =	vst v8;
	v7 =	vld [tilespmem:s11+$0xA480]  }
0x3f8: {  	v8 =	vld [tilespmem:s12+$0xA480];
	[tilespmem:s29+$0x20] =	vst v3  }
0x3f9: {  	[tilespmem:s8+$0x40] =	vst v4;
	v3 =	vld [tilespmem:s5+$0xA530]  }
0x3fa: {  	[tilespmem:s25+$0x20] =	vst v5;
	v4 =	vld [tilespmem:s5+$0xA650]  }
0x3fb: {  	s13 =	sor.u32 $0x870, s7;
	[tilespmem:s24+$0x30] =	vst v6;
	v5 =	vld [tilespmem:s5+$0xA5B0]  }
0x3fc: {  	s14 =	sor.u32 $0xC00, s6;
	[tilespmem:s13+$0x12480] =	vst v7;
	v6 =	vld [tilespmem:s5+$0xA4C0]  }
0x3fd: {  	s15 =	sor.u32 $0x860, s2;
	[tilespmem:s22+$0x850] =	vst v8;
	v7 =	vld [tilespmem:s14+$0xA480]  }
0x3fe: {  	v8 =	vld [tilespmem:s15+$0xA480];
	[tilespmem:s29+$0x30] =	vst v3  }
0x3ff: {  	[tilespmem:s8+$0x50] =	vst v4;
	v3 =	vld [tilespmem:s5+$0xA540]  }
0x400: {  	[tilespmem:s25+$0x30] =	vst v5;
	v4 =	vld [tilespmem:s5+$0xA660]  }
0x401: {  	s16 =	sor.u32 $0xC00, s7;
	[tilespmem:s24+$0x40] =	vst v6;
	v5 =	vld [tilespmem:s5+$0xA5C0]  }
0x402: {  	s17 =	sor.u32 $0xC10, s6;
	[tilespmem:s16+$0x12480] =	vst v7;
	v6 =	vld [tilespmem:s5+$0xA4D0]  }
0x403: {  	s18 =	sor.u32 $0x860, s4;
	[tilespmem:s19+$0x860] =	vst v8;
	v7 =	vld [tilespmem:s17+$0xA480]  }
0x404: {  	v8 =	vld [tilespmem:s18+$0xA480];
	[tilespmem:s29+$0x40] =	vst v3  }
0x405: {  	[tilespmem:s8+$0x60] =	vst v4;
	v3 =	vld [tilespmem:s5+$0xA550]  }
0x406: {  	[tilespmem:s25+$0x40] =	vst v5;
	v4 =	vld [tilespmem:s5+$0xA670]  }
0x407: {  	s20 =	sor.u32 $0xC10, s7;
	[tilespmem:s24+$0x50] =	vst v6;
	v5 =	vld [tilespmem:s5+$0xA5D0]  }
0x408: {  	s21 =	sor.u32 $0xC20, s6;
	[tilespmem:s20+$0x12480] =	vst v7;
	v6 =	vld [tilespmem:s5+$0xA4E0]  }
0x409: {  	s10 =	sor.u32 $0x860, s3;
	[tilespmem:s1+$0x860] =	vst v8;
	v7 =	vld [tilespmem:s21+$0xA480]  }
0x40a: {  	v8 =	vld [tilespmem:s10+$0xA480];
	[tilespmem:s29+$0x50] =	vst v3  }
0x40b: {  	[tilespmem:s8+$0x70] =	vst v4;
	v3 =	vld [tilespmem:s5+$0xA560]  }
0x40c: {  	[tilespmem:s25+$0x50] =	vst v5;
	v4 =	vld [tilespmem:s5+$0xAA00]  }
0x40d: {  	s11 =	sor.u32 $0xC20, s7;
	[tilespmem:s24+$0x60] =	vst v6;
	v5 =	vld [tilespmem:s5+$0xA5E0]  }
0x40e: {  	s12 =	sor.u32 $0xC30, s6;
	[tilespmem:s11+$0x12480] =	vst v7;
	v6 =	vld [tilespmem:s5+$0xA4F0]  }
0x40f: {  	s13 =	sor.u32 $0x870, s2;
	[tilespmem:s22+$0x860] =	vst v8;
	v7 =	vld [tilespmem:s12+$0xA480]  }
0x410: {  	v8 =	vld [tilespmem:s13+$0xA480];
	[tilespmem:s29+$0x60] =	vst v3  }
0x411: {  	[tilespmem:s8+$0x400] =	vst v4;
	v3 =	vld [tilespmem:s5+$0xA570]  }
0x412: {  	[tilespmem:s25+$0x60] =	vst v5;
	v4 =	vld [tilespmem:s5+$0xAA10]  }
0x413: {  	s14 =	sor.u32 $0xC30, s7;
	[tilespmem:s24+$0x70] =	vst v6;
	v5 =	vld [tilespmem:s5+$0xA5F0]  }
0x414: {  	s15 =	sor.u32 $0xC40, s6;
	[tilespmem:s14+$0x12480] =	vst v7;
	v6 =	vld [tilespmem:s5+$0xA880]  }
0x415: {  	s16 =	sor.u32 $0x870, s4;
	[tilespmem:s19+$0x870] =	vst v8;
	v7 =	vld [tilespmem:s15+$0xA480]  }
0x416: {  	v8 =	vld [tilespmem:s16+$0xA480];
	[tilespmem:s29+$0x70] =	vst v3  }
0x417: {  	[tilespmem:s8+$0x410] =	vst v4;
	v3 =	vld [tilespmem:s5+$0xA900]  }
0x418: {  	[tilespmem:s25+$0x70] =	vst v5;
	v4 =	vld [tilespmem:s5+$0xAA20]  }
0x419: {  	s17 =	sor.u32 $0xC40, s7;
	[tilespmem:s24+$0x400] =	vst v6;
	v5 =	vld [tilespmem:s5+$0xA980]  }
0x41a: {  	s18 =	sor.u32 $0xC50, s6;
	[tilespmem:s17+$0x12480] =	vst v7;
	v6 =	vld [tilespmem:s5+$0xA890]  }
0x41b: {  	s20 =	sor.u32 $0x870, s3;
	[tilespmem:s1+$0x870] =	vst v8;
	v7 =	vld [tilespmem:s18+$0xA480]  }
0x41c: {  	v8 =	vld [tilespmem:s20+$0xA480];
	[tilespmem:s29+$0x400] =	vst v3  }
0x41d: {  	[tilespmem:s8+$0x420] =	vst v4;
	v3 =	vld [tilespmem:s5+$0xA910]  }
0x41e: {  	[tilespmem:s25+$0x400] =	vst v5;
	v4 =	vld [tilespmem:s5+$0xAA30]  }
0x41f: {  	s21 =	sor.u32 $0xC50, s7;
	[tilespmem:s24+$0x410] =	vst v6;
	v5 =	vld [tilespmem:s5+$0xA990]  }
0x420: {  	s9 =	sor.u32 $0xC60, s6;
	[tilespmem:s21+$0x12480] =	vst v7;
	v6 =	vld [tilespmem:s5+$0xA8A0]  }
0x421: {  	s10 =	sor.u32 $0xC00, s2;
	[tilespmem:s22+$0x870] =	vst v8;
	v7 =	vld [tilespmem:s9+$0xA480]  }
0x422: {  	v8 =	vld [tilespmem:s10+$0xA480];
	[tilespmem:s29+$0x410] =	vst v3  }
0x423: {  	[tilespmem:s8+$0x430] =	vst v4;
	v3 =	vld [tilespmem:s5+$0xA920]  }
0x424: {  	[tilespmem:s25+$0x410] =	vst v5;
	v4 =	vld [tilespmem:s5+$0xAA40]  }
0x425: {  	s11 =	sor.u32 $0xC60, s7;
	[tilespmem:s24+$0x420] =	vst v6;
	v5 =	vld [tilespmem:s5+$0xA9A0]  }
0x426: {  	s12 =	sor.u32 $0xC70, s6;
	[tilespmem:s11+$0x12480] =	vst v7;
	v6 =	vld [tilespmem:s5+$0xA8B0]  }
0x427: {  	s13 =	sor.u32 $0xC00, s4;
	[tilespmem:s19+$0xC00] =	vst v8;
	v7 =	vld [tilespmem:s12+$0xA480]  }
0x428: {  	s0 =	sand.u32 $0x3, s0;
	v8 =	vld [tilespmem:s13+$0xA480];
	[tilespmem:s29+$0x420] =	vst v3  }
0x429: {  	s0 =	sshll.u32 s0, $0x8;
	[tilespmem:s8+$0x440] =	vst v4;
	v3 =	vld [tilespmem:s5+$0xA930]  }
0x42a: {  	s0 =	sadd.s32 $0x0, s0;
	[tilespmem:s25+$0x420] =	vst v5;
	v4 =	vld [tilespmem:s5+$0xAA50]  }
0x42b: {  	s0 =	sadd.s32 $0x2500, s0;
	s14 =	sor.u32 $0xC70, s7;
	s15 =	sor.u32 $0xC00, s3;
	[tilespmem:s24+$0x430] =	vst v6;
	v5 =	vld [tilespmem:s5+$0xA9B0]  }
0x42c: {  	s16 =	sor.u32 $0xC00, s0;
	[tilespmem:s14+$0x12480] =	vst v7;
	v7 =	vld [tilespmem:s15+$0xA480]  }
0x42d: {  	s17 =	sor.u32 $0xC10, s4;
	[tilespmem:s16+$0x12480] =	vst v8;
	v6 =	vld [tilespmem:s5+$0xA8C0]  }
0x42e: {  	v8 =	vld [tilespmem:s17+$0xA480];
	[tilespmem:s29+$0x430] =	vst v3  }
0x42f: {  	[tilespmem:s8+$0x450] =	vst v4;
	v3 =	vld [tilespmem:s5+$0xA940]  }
0x430: {  	[tilespmem:s25+$0x430] =	vst v5;
	v4 =	vld [tilespmem:s5+$0xAA60]  }
0x431: {  	s18 =	sor.u32 $0xC10, s2;
	[tilespmem:s22+$0xC00] =	vst v7;
	v5 =	vld [tilespmem:s5+$0xA9C0]  }
0x432: {  	s20 =	sor.u32 $0xC10, s0;
	v7 =	vld [tilespmem:s18+$0xA480];
	[tilespmem:s24+$0x440] =	vst v6  }
0x433: {  	s21 =	sor.u32 $0xC20, s4;
	[tilespmem:s20+$0x12480] =	vst v8;
	v6 =	vld [tilespmem:s5+$0xA8D0]  }
0x434: {  	v8 =	vld [tilespmem:s21+$0xA480];
	[tilespmem:s29+$0x440] =	vst v3  }
0x435: {  	[tilespmem:s8+$0x460] =	vst v4;
	v3 =	vld [tilespmem:s5+$0xA950]  }
0x436: {  	p1 =	por !p1, !p1;
	s1 =	simm.s32 $0x1;
	[tilespmem:s25+$0x440] =	vst v5;
	v4 =	vld [tilespmem:s5+$0xAA70]  }
0x437: {  	s7 =	sor.u32 $0xC10, s3;
	s1 =	simm.s32 @!p1 $0x0;
	[tilespmem:s19+$0xC10] =	vst v7;
	v5 =	vld [tilespmem:s5+$0xA9D0]  }
0x438: {  	s1 =	sshll.u32 s1, $0x9;
	s9 =	sor.u32 $0xC20, s0;
	v7 =	vld [tilespmem:s7+$0xA480];
	[tilespmem:s24+$0x450] =	vst v6  }
0x439: {  	s10 =	sor.u32 $0xC30, s4;
	s11 =	sadd.s32 $0x800, s1;
	[tilespmem:s9+$0x12480] =	vst v8;
	v6 =	vld [tilespmem:s5+$0xA8E0]  }
0x43a: {  	s1 =	sadd.s32 $0x180, s11;
	[tilespmem:s29+$0x450] =	vst v3;
	v3 =	vld [tilespmem:s10+$0xA480]  }
0x43b: {  	s12 =	sor.u32 $0x800, s1;
	[tilespmem:s8+$0x470] =	vst v4;
	v8 =	vld [tilespmem:s5+$0xA960]  }
0x43c: {  	p2 =	por !p2, !p2;
	s6 =	simm.s32 $0x1;
	[tilespmem:s25+$0x450] =	vst v5;
	v4 =	vld [tilespmem:s12+$0xA480]  }
0x43d: {  	s6 =	simm.s32 @!p2 $0x0;
	[tilespmem:s22+$0xC10] =	vst v7;
	v5 =	vld [tilespmem:s5+$0xA9E0]  }
0x43e: {  	s6 =	sshll.u32 s6, $0x9;
	s13 =	sor.u32 $0xC20, s2;
	s14 =	sor.u32 $0xC30, s0;
	[tilespmem:s24+$0x460] =	vst v6  }
0x43f: {  	s9 =	sadd.s32 $0x3000, s6;
	v7 =	vld [tilespmem:s13+$0xA480];
	[tilespmem:s14+$0x12480] =	vst v3  }
0x440: {  	s15 =	sor.u32 $0xC40, s4;
	s6 =	sor.u32 $0x800, s9;
	v6 =	vld [tilespmem:s5+$0xA8F0];
	[tilespmem:s29+$0x460] =	vst v8  }
0x441: {  	s17 =	sor.u32 $0xC40, s0;
	s16 =	sor.u32 $0x810, s1;
	v3 =	vld [tilespmem:s15+$0xA480];
	[tilespmem:s6+$0x12480] =	vst v4  }
0x442: {  	s10 =	sor.u32 $0xC50, s0;
	s8 =	sor.u32 $0xC60, s0;
	s0 =	sor.u32 $0xC70, s0;
	[tilespmem:s25+$0x460] =	vst v5;
	v8 =	vld [tilespmem:s5+$0xA970]  }
0x443: {  	v4 =	vld [tilespmem:s16+$0xA480];
	[dreg:$0x8] =	wrdreg s0  }
0x444: {  	s18 =	sor.u32 $0xC20, s3;
	[tilespmem:s19+$0xC20] =	vst v7;
	v5 =	vld [tilespmem:s5+$0xA9F0]  }
0x445: {  	s20 =	sor.u32 $0xC30, s2;
	v7 =	vld [tilespmem:s18+$0xA480];
	[tilespmem:s24+$0x470] =	vst v6  }
0x446: {  	s21 =	sor.u32 $0xC50, s4;
	s13 =	sadd.s32 $0x100, s11;
	s12 =	sor.u32 $0xC40, s2;
	v6 =	vld [tilespmem:s20+$0xA480];
	[tilespmem:s17+$0x12480] =	vst v3  }
0x447: {  	s14 =	sor.u32 $0x800, s11;
	s0 =	sadd.s32 $0x80, s11;
	s17 =	sor.u32 $0x810, s9;
	[tilespmem:s29+$0x470] =	vst v8;
	v3 =	vld [tilespmem:s21+$0xA480]  }
0x448: {  	s6 =	sor.u32 $0xC30, s3;
	s18 =	simm.s32 $0x2;
	s20 =	sor.u32 $0x800, s0;
	v8 =	vld [tilespmem:s14+$0xA480];
	[tilespmem:s17+$0x12480] =	vst v4  }
0x449: {  	s15 =	sor.u32 $0xC40, s3;
	s21 =	sand.u32 $0x3, s18;
	s18 =	sor.u32 $0x800, s13;
	v4 =	vld [tilespmem:s20+$0xA480];
	[tilespmem:s25+$0x470] =	vst v5  }
0x44a: {  	s16 =	sor.u32 $0xC50, s2;
	s17 =	sor.u32 $0xC60, s4;
	s4 =	sor.u32 $0xC70, s4;
	[tilespmem:s22+$0xC20] =	vst v7;
	v5 =	vld [tilespmem:s18+$0xA480]  }
0x44b: {  	s5 =	sor.u32 $0xC50, s3;
	s7 =	sshll.u32 s21, $0x8;
	v7 =	vld [tilespmem:s6+$0xA480];
	[dreg:$0x19] =	wrdreg s4  }
0x44c: {  	s14 =	sor.u32 $0xC60, s3;
	s3 =	sor.u32 $0xC70, s3;
	s20 =	sadd.s32 $0x800, s7;
	[tilespmem:s19+$0xC30] =	vst v6  }
0x44d: {  	s18 =	sor.u32 $0xC60, s2;
	s4 =	sor.u32 $0xC70, s2;
	s2 =	sadd.s32 $0x2500, s20;
	[tilespmem:s10+$0x12480] =	vst v3  }
0x44e: {  	s21 =	sor.u32 $0x820, s1;
	v6 =	vld [tilespmem:s12+$0xA480];
	s7 =	sor.u32 $0xC00, s2;
	[dreg:$0x1a] =	wrdreg s3  }
0x44f: {  	v3 =	vld [tilespmem:s21+$0xA480];
	[dreg:$0x15] =	wrdreg s7  }
0x450: {  	[tilespmem:s24+$0x800] =	vst v8  }
0x451: {  	s12 =	sor.u32 $0xC10, s2;
	s10 =	sor.u32 $0x810, s11;
	[tilespmem:s29+$0x800] =	vst v4  }
0x452: {  	s20 =	sor.u32 $0xC20, s2;
	v8 =	vld [tilespmem:s10+$0xA480];
	[dreg:$0x13] =	wrdreg s12  }
0x453: {  	[dreg:$0x10] =	wrdreg s20  }
0x454: {  	s6 =	sor.u32 $0xC30, s2;
	s21 =	sor.u32 $0x810, s0;
	[tilespmem:s25+$0x800] =	vst v5  }
0x455: {  	s7 =	sor.u32 $0xC40, s2;
	v4 =	vld [tilespmem:s21+$0xA480];
	[dreg:$0xc] =	wrdreg s6  }
0x456: {  	s10 =	sor.u32 $0x810, s13;
	s12 =	sor.u32 $0xC50, s2;
	[dreg:$0x1d] =	wrdreg s7  }
0x457: {  	s28 =	sor.u32 $0xC60, s2;
	s2 =	sor.u32 $0xC70, s2;
	v5 =	vld [tilespmem:s10+$0xA480];
	[dreg:$0xd] =	wrdreg s12  }
0x458: {  	[dreg:$0x7] =	wrdreg s2  }
0x459: {  	[tilespmem:s22+$0xC30] =	vst v7  }
0x45a: {  	[tilespmem:s19+$0xC40] =	vst v6  }
0x45b: {  	v7 =	vld [tilespmem:s15+$0xA480];
	s15 =	sor.u32 $0x820, s9;
	[tilespmem:s24+$0x810] =	vst v8  }
0x45c: {  	s21 =	sor.u32 $0x870, s0;
	v6 =	vld [tilespmem:s16+$0xA480];
	[tilespmem:s15+$0x12480] =	vst v3  }
0x45d: {  	v3 =	vld [tilespmem:s17+$0xA480];
	[smem:$0x7C9] =	sst s21  }
0x45e: {  	s16 =	sor.u32 $0x820, s11;
	s15 =	sor.u32 $0xC00, s0;
	[tilespmem:s29+$0x810] =	vst v4  }
0x45f: {  	v8 =	vld [tilespmem:s16+$0xA480];
	s16 =	sor.u32 $0xC10, s0;
	[smem:$0x7CA] =	sst s15  }
0x460: {  	s21 =	sor.u32 $0xC20, s0;
	[smem:$0x7CB] =	sst s16  }
0x461: {  	[smem:$0x7CC] =	sst s21  }
0x462: {  	s7 =	sor.u32 $0xC30, s0;
	s2 =	sor.u32 $0x820, s0;
	[tilespmem:s25+$0x810] =	vst v5  }
0x463: {  	s10 =	sor.u32 $0xC40, s0;
	v4 =	vld [tilespmem:s2+$0xA480];
	[smem:$0x7CD] =	sst s7  }
0x464: {  	s15 =	sor.u32 $0xC50, s0;
	[smem:$0x7CE] =	sst s10  }
0x465: {  	[dreg:$0x18] =	wrdreg s15  }
0x466: {  	s3 =	sor.u32 $0x820, s13;
	s16 =	sor.u32 $0xC60, s0;
	[tilespmem:s22+$0xC40] =	vst v7  }
0x467: {  	v5 =	vld [tilespmem:s3+$0xA480];
	[dreg:$0x12] =	wrdreg s16  }
0x468: {  	[tilespmem:s19+$0xC50] =	vst v6  }
0x469: {  	s21 =	sor.u32 $0xC00, s11;
	v7 =	vld [tilespmem:s5+$0xA480];
	[tilespmem:s8+$0x12480] =	vst v3  }
0x46a: {  	v6 =	vld [tilespmem:s18+$0xA480];
	[smem:$0x7CF] =	sst s21  }
0x46b: {  	s16 =	sor.u32 $0xC10, s11;
	s8 =	sor.u32 $0x830, s1;
	[tilespmem:s24+$0x820] =	vst v8  }
0x46c: {  	s18 =	sor.u32 $0xC20, s11;
	v9 =	vld [tilespmem:s8+$0xA480];
	[smem:$0x7D0] =	sst s16  }
0x46d: {  	s21 =	sor.u32 $0xC30, s11;
	[smem:$0x7D1] =	sst s18  }
0x46e: {  	[smem:$0x7D2] =	sst s21  }
0x46f: {  	s2 =	sor.u32 $0x830, s11;
	s8 =	sor.u32 $0xC40, s11;
	[tilespmem:s29+$0x820] =	vst v4  }
0x470: {  	s16 =	sor.u32 $0xC50, s11;
	v8 =	vld [tilespmem:s2+$0xA480];
	[smem:$0x7D3] =	sst s8  }
0x471: {  	s18 =	sor.u32 $0xC60, s11;
	[smem:$0x7D4] =	sst s16  }
0x472: {  	[dreg:$0x16] =	wrdreg s18  }
0x473: {  	s12 =	sor.u32 $0x830, s0;
	[tilespmem:s25+$0x820] =	vst v5  }
0x474: {  	s5 =	sor.u32 $0x870, s13;
	s21 =	sor.u32 $0x830, s13;
	v10 =	vld [tilespmem:s12+$0xA480];
	[tilespmem:s22+$0xC50] =	vst v7  }
0x475: {  	v5 =	vld [tilespmem:s21+$0xA480];
	[smem:$0x7D5] =	sst s5  }
0x476: {  	s30 =	simm.s32 $0x4;
	s31 =	simm.s32 $0x4;
	s8 =	sor.u32 $0xC00, s13;
	[tilespmem:s19+$0xC60] =	vst v6  }
0x477: {  	s20 =	sor.u32 $0x850, s0;
	v3 =	vld [tilespmem:s14+$0xA480];
	s14 =	sor.u32 $0xC10, s13;
	[smem:$0x7D6] =	sst s8  }
0x478: {  	s6 =	sor.u32 $0x840, s0;
	s18 =	sor.u32 $0x830, s9;
	[smem:$0x7D7] =	sst s14  }
0x479: {  	s17 =	sor.u32 $0x860, s0;
	s10 =	sor.u32 $0xC70, s0;
	[tilespmem:s18+$0x12480] =	vst v9;
	v4 =	vld [tilespmem:s4+$0xA480];
	s4 =	sor.u32 $0xC20, s13  }
0x47a: {  	s7 =	sor.u32 $0x850, s11;
	s5 =	sor.u32 $0xC30, s13;
	[smem:$0x7D8] =	sst s4  }
0x47b: {  	s0 =	sor.u32 $0x860, s11;
	s15 =	sor.u32 $0x870, s11;
	[smem:$0x7D9] =	sst s5  }
0x47c: {  	s3 =	sor.u32 $0x840, s11;
	s8 =	sor.u32 $0x840, s1;
	s14 =	sor.u32 $0xC40, s13;
	[tilespmem:s24+$0x830] =	vst v8  }
0x47d: {  	s16 =	sor.u32 $0xC70, s11;
	s18 =	sor.u32 $0xC50, s13;
	v7 =	vld [tilespmem:s8+$0xA480];
	[smem:$0x7DA] =	sst s14  }
0x47e: {  	s11 =	sor.u32 $0x850, s13;
	s12 =	sor.u32 $0x840, s13;
	[smem:$0x7DB] =	sst s18  }
0x47f: {  	s21 =	sor.u32 $0x860, s13;
	s5 =	sor.u32 $0xC60, s13;
	v6 =	vld [tilespmem:s3+$0xA480];
	s3 =	sor.u32 $0xC70, s13;
	[tilespmem:s29+$0x830] =	vst v10  }
.LBB2_7:
0x480: {  	_ = 	snop  }
0x481: {  	[smem:$0x7C7] =	sst s16  }
0x482: {  	[smem:$0x7C5] =	sst s5;
	v8 =	vld [tilespmem:s6+$0xA480];
	[tilespmem:s25+$0x830] =	vst v5  }
0x483: {  	s4 =	sor.u32 $0x840, s9;
	s8 =	rddreg [dreg:$0x19];
	v5 =	vld [tilespmem:s12+$0xA480];
	[tilespmem:s19+$0xC70] =	vst v4  }
0x484: {  	s23 =	sadd.s32 $0x200, s23;
	s26 =	sadd.s32 $0x800, s26;
	s14 =	rddreg [dreg:$0x1a];
	[tilespmem:s22+$0xC60] =	vst v3;
	v3 =	vld [tilespmem:s8+$0xA480]  }
0x485: {  	s13 =	sor.u32 $0x850, s1;
	s5 =	rddreg [dreg:$0x8];
	s12 =	sadd.s32 $0xFFFFF600, s23;
	[tilespmem:s4+$0x12480] =	vst v7;
	v4 =	vld [tilespmem:s14+$0xA480]  }
0x486: {  	[dreg:$0x5] =	wrdreg s23;
	s6 =	sand.u32 $0x200, s12;
	s8 =	sand.u32 $0x7000, s26;
	[tilespmem:s24+$0x840] =	vst v6;
	v6 =	vld [tilespmem:s13+$0xA480]  }
0x487: {  	s16 =	sadd.s32 $0x2200, s26;
	s18 =	sadd.s32 $0xFFFFFE80, s23;
	s6 =	sor.u32 s6, s8;
	v7 =	vld [tilespmem:s7+$0xA480];
	[tilespmem:s29+$0x840] =	vst v8  }
0x488: {  	s12 =	sadd.s32 $0xFFFFFF00, s23;
	s19 =	sadd.s32 $0x2400, s26;
	s4 =	sand.u32 $0xF000, s16;
	v8 =	vld [tilespmem:s6+$0xA600];
	[tilespmem:s25+$0x840] =	vst v5  }
0x489: {  	s16 =	sor.u32 $0x850, s9;
	s8 =	sand.u32 $0x280, s18;
	s14 =	sadd.s32 $0xFFFFFF80, s23;
	v5 =	vld [tilespmem:s6+$0xA480];
	[tilespmem:s5+$0x12480] =	vst v3  }
0x48a: {  	s7 =	sand.u32 $0xF000, s19;
	s18 =	sadd.s32 $0x2800, s26;
	s19 =	sand.u32 $0x200, s23;
	v3 =	vld [tilespmem:s6+$0xA500];
	[tilespmem:s22+$0xC70] =	vst v4  }
0x48b: {  	s23 =	sor.u32 $0x860, s1;
	[smem:$0x7C1] =	sst s18;
	s18 =	sand.u32 $0xF000, s18;
	[tilespmem:s16+$0x12480] =	vst v6;
	v4 =	vld [tilespmem:s6+$0xA580]  }
0x48c: {  	s18 =	sor.u32 s19, s18;
	[tilespmem:s24+$0x850] =	vst v7;
	v6 =	vld [tilespmem:s23+$0xA480]  }
0x48d: {  	s12 =	sand.u32 $0x300, s12;
	s13 =	sadd.s32 $0x2600, s26;
	s4 =	sor.u32 s8, s4;
	v7 =	vld [tilespmem:s20+$0xA480];
	[tilespmem:s18+$0x12480] =	vst v8  }
0x48e: {  	s7 =	sor.u32 s12, s7;
	s19 =	sand.u32 $0x380, s14;
	s5 =	sand.u32 $0xF000, s13;
	[tilespmem:s4+$0x12480] =	vst v5;
	v5 =	vld [tilespmem:s6+$0xA610]  }
0x48f: {  	s5 =	sor.u32 s19, s5;
	v8 =	vld [tilespmem:s6+$0xA490];
	[tilespmem:s7+$0x12480] =	vst v3  }
0x490: {  	[smem:$0x7C4] =	sst s28;
	s2 =	sand.u32 $0x3, s31;
	s14 =	sor.u32 $0x860, s9;
	v3 =	vld [tilespmem:s6+$0xA510];
	[tilespmem:s5+$0x12480] =	vst v4  }
0x491: {  	s28 =	smov.u32 s24;
	s2 =	sshll.u32 s2, $0x8;
	s16 =	sor.u32 $0x870, s1;
	[tilespmem:s14+$0x12480] =	vst v6;
	v4 =	vld [tilespmem:s6+$0xA590]  }
0x492: {  	s2 =	sadd.s32 s26, s2;
	s22 =	sadd.s32 $0x12480, s4;
	s20 =	sadd.s32 $0x12480, s18;
	[tilespmem:s29+$0x850] =	vst v7;
	v6 =	vld [tilespmem:s16+$0xA480]  }
0x493: {  	s2 =	sadd.s32 $0x2500, s2;
	s13 =	sadd.s32 $0x12480, s7;
	s24 =	smov.u32 s22;
	[tilespmem:s20+$0x10] =	vst v5;
	v5 =	vld [tilespmem:s11+$0xA480]  }
0x494: {  	s8 =	sadd.s32 $0x12480, s5;
	s22 =	sor.u32 $0xC50, s2;
	s23 =	sor.u32 $0xC60, s2;
	[tilespmem:s24+$0x10] =	vst v8;
	v7 =	vld [tilespmem:s6+$0xA620]  }
0x495: {  	[smem:$0x7C3] =	sst s22;
	s22 =	smov.u32 s25;
	s25 =	smov.u32 s8;
	v8 =	vld [tilespmem:s6+$0xA4A0];
	[tilespmem:s13+$0x10] =	vst v3  }
0x496: {  	s19 =	sor.u32 $0xC40, s2;
	[smem:$0x7C6] =	sst s23;
	s23 =	sor.u32 $0x870, s9;
	v3 =	vld [tilespmem:s6+$0xA520];
	[tilespmem:s25+$0x10] =	vst v4  }
0x497: {  	[smem:$0x7C2] =	sst s19;
	s19 =	smov.u32 s10;
	s10 =	sor.u32 $0xC00, s1;
	[tilespmem:s23+$0x12480] =	vst v6;
	v4 =	vld [tilespmem:s6+$0xA5A0]  }
0x498: {  	[tilespmem:s22+$0x850] =	vst v5;
	v5 =	vld [tilespmem:s10+$0xA480]  }
0x499: {  	v6 =	vld [tilespmem:s0+$0xA480];
	[tilespmem:s20+$0x20] =	vst v7  }
0x49a: {  	[tilespmem:s24+$0x20] =	vst v8;
	v7 =	vld [tilespmem:s6+$0xA630]  }
0x49b: {  	s11 =	rddreg [dreg:$0x7];
	v8 =	vld [tilespmem:s6+$0xA4B0];
	[tilespmem:s13+$0x20] =	vst v3  }
0x49c: {  	s16 =	smov.u32 s11;
	s11 =	sor.u32 $0xC00, s9;
	v3 =	vld [tilespmem:s6+$0xA530];
	[tilespmem:s25+$0x20] =	vst v4  }
0x49d: {  	[dreg:$0x8] =	wrdreg s16;
	s16 =	sor.u32 $0xC10, s1;
	[tilespmem:s11+$0x12480] =	vst v5;
	v4 =	vld [tilespmem:s6+$0xA5B0]  }
0x49e: {  	[tilespmem:s28+$0x860] =	vst v6;
	v5 =	vld [tilespmem:s16+$0xA480]  }
0x49f: {  	s12 =	sor.u32 $0xC00, s2;
	s7 =	sor.u32 $0xC10, s2;
	v6 =	vld [tilespmem:s17+$0xA480];
	[tilespmem:s20+$0x30] =	vst v7  }
0x4a0: {  	s14 =	sor.u32 $0xC20, s2;
	s5 =	sor.u32 $0xC30, s2;
	s2 =	sor.u32 $0xC70, s2;
	[tilespmem:s24+$0x30] =	vst v8;
	v7 =	vld [tilespmem:s6+$0xA640]  }
0x4a1: {  	s18 =	smov.u32 s2;
	v8 =	vld [tilespmem:s6+$0xA4C0];
	[tilespmem:s13+$0x30] =	vst v3  }
0x4a2: {  	[dreg:$0x7] =	wrdreg s18;
	s18 =	sor.u32 $0xC10, s9;
	v3 =	vld [tilespmem:s6+$0xA540];
	[tilespmem:s25+$0x30] =	vst v4  }
0x4a3: {  	[dreg:$0x19] =	wrdreg s19;
	s19 =	sor.u32 $0xC20, s1;
	[tilespmem:s18+$0x12480] =	vst v5;
	v4 =	vld [tilespmem:s6+$0xA5C0]  }
0x4a4: {  	[tilespmem:s29+$0x860] =	vst v6;
	v5 =	vld [tilespmem:s19+$0xA480]  }
0x4a5: {  	[tilespmem:s20+$0x40] =	vst v7;
	v6 =	vld [tilespmem:s21+$0xA480]  }
0x4a6: {  	[tilespmem:s24+$0x40] =	vst v8;
	v7 =	vld [tilespmem:s6+$0xA650]  }
0x4a7: {  	v8 =	vld [tilespmem:s6+$0xA4D0];
	[tilespmem:s13+$0x40] =	vst v3  }
0x4a8: {  	s23 =	sor.u32 $0xC20, s9;
	v3 =	vld [tilespmem:s6+$0xA550];
	[tilespmem:s25+$0x40] =	vst v4  }
0x4a9: {  	s2 =	sor.u32 $0xC30, s1;
	[tilespmem:s23+$0x12480] =	vst v5;
	v4 =	vld [tilespmem:s6+$0xA5D0]  }
0x4aa: {  	[tilespmem:s22+$0x860] =	vst v6;
	v5 =	vld [tilespmem:s2+$0xA480]  }
0x4ab: {  	[tilespmem:s20+$0x50] =	vst v7;
	v6 =	vld [tilespmem:s15+$0xA480]  }
0x4ac: {  	s8 =	smov.u32 s3;
	[tilespmem:s24+$0x50] =	vst v8;
	v7 =	vld [tilespmem:s6+$0xA660]  }
0x4ad: {  	[dreg:$0x1a] =	wrdreg s8;
	v8 =	vld [tilespmem:s6+$0xA4E0];
	[tilespmem:s13+$0x50] =	vst v3  }
0x4ae: {  	s3 =	sor.u32 $0xC30, s9;
	s8 =	sld [smem:$0x7C9];
	v3 =	vld [tilespmem:s6+$0xA560];
	[tilespmem:s25+$0x50] =	vst v4  }
0x4af: {  	s4 =	sor.u32 $0xC40, s1;
	[tilespmem:s3+$0x12480] =	vst v5;
	v4 =	vld [tilespmem:s6+$0xA5E0]  }
0x4b0: {  	[tilespmem:s28+$0x870] =	vst v6;
	v5 =	vld [tilespmem:s4+$0xA480]  }
0x4b1: {  	v6 =	vld [tilespmem:s8+$0xA480];
	[tilespmem:s20+$0x60] =	vst v7  }
0x4b2: {  	[tilespmem:s24+$0x60] =	vst v8;
	v7 =	vld [tilespmem:s6+$0xA670]  }
0x4b3: {  	[tilespmem:s13+$0x60] =	vst v3  }
0x4b4: {  	s10 =	sor.u32 $0xC40, s9;
	v8 =	vld [tilespmem:s6+$0xA4F0];
	[tilespmem:s25+$0x60] =	vst v4  }
0x4b5: {  	v3 =	vld [tilespmem:s6+$0xA570];
	[tilespmem:s10+$0x12480] =	vst v5  }
0x4b6: {  	s11 =	sor.u32 $0xC50, s1;
	[tilespmem:s29+$0x870] =	vst v6;
	s29 =	smov.u32 s13;
	s13 =	sld [smem:$0x7D5];
	v4 =	vld [tilespmem:s6+$0xA5F0]  }
0x4b7: {  	v5 =	vld [tilespmem:s11+$0xA480];
	[tilespmem:s20+$0x70] =	vst v7  }
0x4b8: {  	v7 =	vld [tilespmem:s6+$0xAA00]  }
0x4b9: {  	[tilespmem:s24+$0x70] =	vst v8;
	v6 =	vld [tilespmem:s13+$0xA480]  }
0x4ba: {  	v8 =	vld [tilespmem:s6+$0xA880];
	[tilespmem:s29+$0x70] =	vst v3  }
0x4bb: {  	s17 =	sld [smem:$0x7CF];
	s15 =	sor.u32 $0xC50, s9;
	v3 =	vld [tilespmem:s6+$0xA900];
	[tilespmem:s25+$0x70] =	vst v4  }
0x4bc: {  	s16 =	sor.u32 $0xC60, s1;
	[tilespmem:s15+$0x12480] =	vst v5;
	v4 =	vld [tilespmem:s6+$0xA980]  }
0x4bd: {  	v5 =	vld [tilespmem:s16+$0xA480];
	[tilespmem:s20+$0x400] =	vst v7  }
0x4be: {  	[tilespmem:s22+$0x870] =	vst v6;
	v6 =	vld [tilespmem:s17+$0xA480]  }
0x4bf: {  	[tilespmem:s24+$0x400] =	vst v8;
	v7 =	vld [tilespmem:s6+$0xAA10]  }
0x4c0: {  	v8 =	vld [tilespmem:s6+$0xA890];
	[tilespmem:s29+$0x400] =	vst v3  }
0x4c1: {  	s18 =	sor.u32 $0xC60, s9;
	s21 =	sld [smem:$0x7CA];
	v3 =	vld [tilespmem:s6+$0xA910];
	[tilespmem:s25+$0x400] =	vst v4  }
0x4c2: {  	s19 =	sor.u32 $0xC70, s1;
	[tilespmem:s18+$0x12480] =	vst v5;
	v4 =	vld [tilespmem:s6+$0xA990]  }
0x4c3: {  	[tilespmem:s28+$0xC00] =	vst v6;
	v5 =	vld [tilespmem:s19+$0xA480]  }
0x4c4: {  	[tilespmem:s20+$0x410] =	vst v7;
	v6 =	vld [tilespmem:s21+$0xA480]  }
0x4c5: {  	[tilespmem:s24+$0x410] =	vst v8;
	v7 =	vld [tilespmem:s6+$0xAA20]  }
0x4c6: {  	s4 =	sld [smem:$0x7D0];
	v8 =	vld [tilespmem:s6+$0xA8A0];
	[tilespmem:s29+$0x410] =	vst v3  }
0x4c7: {  	s23 =	sor.u32 $0xC70, s9;
	s2 =	sld [smem:$0x7D6];
	v3 =	vld [tilespmem:s6+$0xA920];
	[tilespmem:s25+$0x410] =	vst v4  }
0x4c8: {  	s1 =	rddreg [dreg:$0x15];
	[tilespmem:s23+$0x12480] =	vst v5;
	v4 =	vld [tilespmem:s6+$0xA9A0]  }
0x4c9: {  	[tilespmem:s1+$0x12480] =	vst v6;
	v6 =	vld [tilespmem:s4+$0xA480]  }
0x4ca: {  	v5 =	vld [tilespmem:s2+$0xA480];
	[tilespmem:s20+$0x420] =	vst v7  }
0x4cb: {  	[tilespmem:s24+$0x420] =	vst v8;
	v7 =	vld [tilespmem:s6+$0xAA30]  }
0x4cc: {  	s8 =	sld [smem:$0x7CB];
	v8 =	vld [tilespmem:s6+$0xA8B0];
	[tilespmem:s29+$0x420] =	vst v3  }
0x4cd: {  	s9 =	sld [smem:$0x7D7];
	v3 =	vld [tilespmem:s6+$0xA930];
	[tilespmem:s25+$0x420] =	vst v4  }
0x4ce: {  	[tilespmem:s28+$0xC10] =	vst v6;
	v4 =	vld [tilespmem:s6+$0xA9B0]  }
0x4cf: {  	[tilespmem:s22+$0xC00] =	vst v5;
	v5 =	vld [tilespmem:s8+$0xA480]  }
0x4d0: {  	[tilespmem:s20+$0x430] =	vst v7;
	v6 =	vld [tilespmem:s9+$0xA480]  }
0x4d1: {  	s3 =	smov.u32 s12;
	s12 =	sld [smem:$0x7D1];
	[tilespmem:s24+$0x430] =	vst v8;
	v7 =	vld [tilespmem:s6+$0xAA40]  }
0x4d2: {  	s10 =	rddreg [dreg:$0x13];
	v8 =	vld [tilespmem:s6+$0xA8C0];
	[tilespmem:s29+$0x430] =	vst v3  }
0x4d3: {  	s13 =	sld [smem:$0x7CC];
	v3 =	vld [tilespmem:s6+$0xA940];
	[tilespmem:s25+$0x430] =	vst v4  }
0x4d4: {  	[tilespmem:s10+$0x12480] =	vst v5;
	v4 =	vld [tilespmem:s6+$0xA9C0]  }
0x4d5: {  	v5 =	vld [tilespmem:s12+$0xA480];
	[tilespmem:s22+$0xC10] =	vst v6  }
0x4d6: {  	[tilespmem:s20+$0x440] =	vst v7;
	v6 =	vld [tilespmem:s13+$0xA480]  }
0x4d7: {  	[tilespmem:s24+$0x440] =	vst v8;
	v7 =	vld [tilespmem:s6+$0xAA50]  }
0x4d8: {  	s18 =	sld [smem:$0x7D2];
	v8 =	vld [tilespmem:s6+$0xA8D0];
	[tilespmem:s29+$0x440] =	vst v3  }
0x4d9: {  	s16 =	sld [smem:$0x7D8];
	v3 =	vld [tilespmem:s6+$0xA950];
	[tilespmem:s25+$0x440] =	vst v4  }
0x4da: {  	s15 =	rddreg [dreg:$0x10];
	[tilespmem:s28+$0xC20] =	vst v5;
	v4 =	vld [tilespmem:s6+$0xA9D0]  }
0x4db: {  	[tilespmem:s15+$0x12480] =	vst v6;
	v6 =	vld [tilespmem:s18+$0xA480]  }
0x4dc: {  	v5 =	vld [tilespmem:s16+$0xA480];
	[tilespmem:s20+$0x450] =	vst v7  }
0x4dd: {  	[tilespmem:s24+$0x450] =	vst v8;
	v7 =	vld [tilespmem:s6+$0xAA60]  }
0x4de: {  	s19 =	sld [smem:$0x7CD];
	v8 =	vld [tilespmem:s6+$0xA8E0];
	[tilespmem:s29+$0x450] =	vst v3  }
0x4df: {  	s21 =	sld [smem:$0x7D9];
	v3 =	vld [tilespmem:s6+$0xA960];
	[tilespmem:s25+$0x450] =	vst v4  }
0x4e0: {  	[tilespmem:s28+$0xC30] =	vst v6;
	v4 =	vld [tilespmem:s6+$0xA9E0]  }
0x4e1: {  	[tilespmem:s22+$0xC20] =	vst v5;
	v5 =	vld [tilespmem:s19+$0xA480]  }
0x4e2: {  	[tilespmem:s20+$0x460] =	vst v7;
	v6 =	vld [tilespmem:s21+$0xA480]  }
0x4e3: {  	p1 =	por !p1, !p1;
	s0 =	simm.s32 $0x1;
	s2 =	sld [smem:$0x7D3];
	[tilespmem:s24+$0x460] =	vst v8;
	v7 =	vld [tilespmem:s6+$0xAA70]  }
0x4e4: {  	s0 =	simm.s32 @!p1 $0x0;
	s23 =	rddreg [dreg:$0xc];
	v8 =	vld [tilespmem:s6+$0xA8F0];
	[tilespmem:s29+$0x460] =	vst v3  }
0x4e5: {  	s0 =	sshll.u32 s0, $0x9;
	s8 =	sld [smem:$0x7CE];
	v3 =	vld [tilespmem:s6+$0xA970];
	[tilespmem:s25+$0x460] =	vst v4  }
0x4e6: {  	p2 =	por !p2, !p2;
	[dreg:$0x15] =	wrdreg s3;
	s3 =	sadd.s32 s0, s26;
	[tilespmem:s23+$0x12480] =	vst v5;
	v5 =	vld [tilespmem:s2+$0xA480]  }
0x4e7: {  	s11 =	smov.u32 s7;
	s12 =	sld [smem:$0x7C1];
	s2 =	simm.s32 $0x1;
	v4 =	vld [tilespmem:s6+$0xA9F0];
	[tilespmem:s22+$0xC30] =	vst v6  }
0x4e8: {  	[dreg:$0x13] =	wrdreg s11;
	s17 =	smov.u32 s14;
	[tilespmem:s20+$0x470] =	vst v7;
	v6 =	vld [tilespmem:s8+$0xA480];
	s2 =	simm.s32 @!p2 $0x0  }
0x4e9: {  	[dreg:$0x10] =	wrdreg s17;
	s9 =	sor.u32 $0x800, s3;
	[tilespmem:s24+$0x470] =	vst v8;
	s11 =	sshll.u32 s2, $0x9  }
0x4ea: {  	s10 =	sadd.s32 $0x80, s3;
	v8 =	vld [tilespmem:s9+$0xA480];
	s9 =	sadd.s32 s11, s12;
	s11 =	sld [smem:$0x7D4];
	[tilespmem:s29+$0x470] =	vst v3  }
0x4eb: {  	s17 =	rddreg [dreg:$0x1d];
	s4 =	sor.u32 $0x800, s10;
	[tilespmem:s28+$0xC40] =	vst v5  }
0x4ec: {  	s13 =	sadd.s32 $0x100, s3;
	s20 =	sld [smem:$0x7DA];
	v3 =	vld [tilespmem:s4+$0xA480];
	[tilespmem:s25+$0x470] =	vst v4  }
0x4ed: {  	s6 =	sor.u32 $0x800, s13;
	[tilespmem:s17+$0x12480] =	vst v6;
	v6 =	vld [tilespmem:s11+$0xA480]  }
0x4ee: {  	s1 =	smov.u32 s5;
	v4 =	vld [tilespmem:s6+$0xA480]  }
0x4ef: {  	s5 =	sor.u32 $0x810, s3;
	[dreg:$0xc] =	wrdreg s1;
	s1 =	sadd.s32 $0x180, s3;
	v5 =	vld [tilespmem:s20+$0xA480];
	[tilespmem:s24+$0x800] =	vst v8  }
0x4f0: {  	s7 =	sor.u32 $0x800, s1;
	v8 =	vld [tilespmem:s5+$0xA480];
	s5 =	sor.u32 $0xC00, s10  }
0x4f1: {  	s15 =	sor.u32 $0x810, s10;
	v7 =	vld [tilespmem:s7+$0xA480];
	[smem:$0x7CA] =	sst s5;
	[tilespmem:s29+$0x800] =	vst v3  }
0x4f2: {  	s5 =	rddreg [dreg:$0x18];
	v3 =	vld [tilespmem:s15+$0xA480];
	s15 =	sor.u32 $0x870, s10  }
0x4f3: {  	s19 =	sor.u32 $0x810, s13;
	[tilespmem:s25+$0x800] =	vst v4;
	[smem:$0x7C9] =	sst s15;
	s15 =	sor.u32 $0x870, s13  }
0x4f4: {  	v4 =	vld [tilespmem:s19+$0xA480];
	s19 =	sor.u32 $0xC00, s13;
	[smem:$0x7D5] =	sst s15  }
0x4f5: {  	[tilespmem:s22+$0xC40] =	vst v5;
	v5 =	vld [tilespmem:s5+$0xA480];
	s5 =	sor.u32 $0xC10, s3;
	[smem:$0x7D6] =	sst s19  }
0x4f6: {  	s0 =	sor.u32 $0x800, s9;
	s19 =	sor.u32 $0xC00, s3;
	[smem:$0x7D0] =	sst s5  }
0x4f7: {  	[tilespmem:s0+$0x12480] =	vst v7;
	s5 =	sor.u32 $0xC10, s13;
	[smem:$0x7CF] =	sst s19  }
0x4f8: {  	s21 =	sor.u32 $0x810, s1;
	[tilespmem:s28+$0xC50] =	vst v6;
	[smem:$0x7D7] =	sst s5  }
0x4f9: {  	s23 =	sor.u32 $0x820, s3;
	v7 =	vld [tilespmem:s21+$0xA480];
	[tilespmem:s24+$0x810] =	vst v8;
	s19 =	sor.u32 $0xC10, s10;
	s5 =	sld [smem:$0x7DB]  }
0x4fa: {  	v8 =	vld [tilespmem:s23+$0xA480];
	s23 =	sor.u32 $0xC30, s10;
	[smem:$0x7CB] =	sst s19  }
0x4fb: {  	s18 =	sor.u32 $0x830, s13;
	[smem:$0x7CD] =	sst s23;
	s23 =	sor.u32 $0xC40, s3  }
0x4fc: {  	s16 =	sor.u32 $0x820, s13;
	[smem:$0x7D3] =	sst s23;
	s23 =	sor.u32 $0xC50, s3  }
0x4fd: {  	s8 =	sor.u32 $0x840, s3;
	s19 =	sor.u32 $0x810, s9;
	[smem:$0x7D4] =	sst s23  }
0x4fe: {  	[tilespmem:s19+$0x12480] =	vst v7;
	s19 =	sor.u32 $0x820, s1;
	v6 =	vld [tilespmem:s5+$0xA480];
	s5 =	sor.u32 $0xC20, s3;
	s23 =	rddreg [dreg:$0xd]  }
0x4ff: {  	s2 =	sor.u32 $0x820, s10;
	v7 =	vld [tilespmem:s19+$0xA480];
	s19 =	sor.u32 $0xC30, s3;
	[smem:$0x7D1] =	sst s5  }
0x500: {  	s7 =	sor.u32 $0x850, s3;
	s5 =	sor.u32 $0xC20, s10;
	[smem:$0x7D2] =	sst s19  }
0x501: {  	s12 =	sor.u32 $0x840, s13;
	s19 =	sor.u32 $0xC30, s13;
	[smem:$0x7CC] =	sst s5  }
0x502: {  	s4 =	sor.u32 $0x830, s3;
	s5 =	sor.u32 $0xC20, s13;
	[smem:$0x7D9] =	sst s19  }
0x503: {  	s11 =	sor.u32 $0x850, s13;
	s19 =	sor.u32 $0xC40, s13;
	[smem:$0x7D8] =	sst s5  }
0x504: {  	s0 =	sor.u32 $0x860, s3;
	s5 =	sor.u32 $0xC40, s10;
	[smem:$0x7DA] =	sst s19  }
0x505: {  	s21 =	sor.u32 $0x860, s13;
	[tilespmem:s25+$0x810] =	vst v4;
	s19 =	sor.u32 $0xC50, s13;
	[smem:$0x7CE] =	sst s5  }
0x506: {  	s15 =	sor.u32 $0x870, s3;
	[tilespmem:s29+$0x810] =	vst v3;
	v4 =	vld [tilespmem:s16+$0xA480];
	s5 =	sor.u32 $0xC50, s10;
	[smem:$0x7DB] =	sst s19  }
0x507: {  	v3 =	vld [tilespmem:s2+$0xA480];
	[tilespmem:s23+$0x12480] =	vst v5;
	s16 =	sor.u32 $0xC60, s13;
	s19 =	sor.u32 $0x820, s9;
	[dreg:$0x18] =	wrdreg s5  }
0x508: {  	s23 =	sor.u32 $0xC70, s3;
	s5 =	rddreg [dreg:$0x16];
	[tilespmem:s19+$0x12480] =	vst v7;
	s19 =	sor.u32 $0x830, s1  }
0x509: {  	[tilespmem:s22+$0xC50] =	vst v6;
	v9 =	vld [tilespmem:s5+$0xA480];
	s5 =	sor.u32 $0xC60, s3;
	s3 =	sor.u32 $0xC70, s13;
	s13 =	sld [smem:$0x7C2]  }
0x50a: {  	[tilespmem:s24+$0x820] =	vst v8;
	v7 =	vld [tilespmem:s19+$0xA480];
	[dreg:$0x16] =	wrdreg s5  }
0x50b: {  	[tilespmem:s25+$0x820] =	vst v4;
	s5 =	rddreg [dreg:$0x12];
	v8 =	vld [tilespmem:s4+$0xA480]  }
0x50c: {  	s4 =	sld [smem:$0x7C3];
	v5 =	vld [tilespmem:s18+$0xA480]  }
0x50d: {  	s18 =	sld [smem:$0x7C4];
	v6 =	vld [tilespmem:s5+$0xA480];
	s5 =	smov.u32 s13  }
0x50e: {  	s30 =	sadd.s32 $0x4, s30;
	s14 =	sor.u32 $0x830, s10;
	[dreg:$0x1d] =	wrdreg s5  }
0x50f: {  	s2 =	sor.u32 $0xC60, s10;
	[tilespmem:s29+$0x820] =	vst v3;
	s13 =	smov.u32 s4;
	s5 =	sld [smem:$0x7C5]  }
0x510: {  	v10 =	vld [tilespmem:s14+$0xA480];
	s14 =	sor.u32 $0x830, s9;
	[dreg:$0xd] =	wrdreg s13;
	s13 =	smov.u32 s2  }
0x511: {  	p3 =	slt.u32 s30, $0x38;
	[tilespmem:s14+$0x12480] =	vst v7;
	[dreg:$0x12] =	wrdreg s13  }
.Ltmp2:
0x512: {  	s14 =	sor.u32 $0x840, s1;
	[tilespmem:s18+$0x12480] =	vst v6;
	s18 =	sld [smem:$0x7C7];
	(pc) =	sbr.rel @p3 .LBB2_7-.Ltmp2, $4  }
0x513: {  	s31 =	sadd.s32 $0x2, s31;
	s13 =	sld [smem:$0x7C6];
	v7 =	vld [tilespmem:s14+$0xA480]  }
0x514: {  	s17 =	sor.u32 $0x860, s10;
	s6 =	sor.u32 $0x840, s10;
	s20 =	sor.u32 $0x850, s10;
	[tilespmem:s28+$0xC60] =	vst v9;
	v3 =	vld [tilespmem:s5+$0xA480]  }
0x515: {  	s10 =	sor.u32 $0xC70, s10;
	s19 =	smov.u32 s28;
	s5 =	smov.u32 s16;
	v4 =	vld [tilespmem:s18+$0xA480];
	[tilespmem:s24+$0x830] =	vst v8  }
0x516: {  	s16 =	smov.u32 s23;
	s23 =	rddreg [dreg:$0x5];
	[tilespmem:s29+$0x830] =	vst v10;
	s28 =	smov.u32 s13;
	v6 =	vld [tilespmem:s8+$0xA480]  }
0x517: {  	v8 =	vld [tilespmem:s6+$0xA480];
	_ =	sdelay $0x1  }
0x518: {  	[tilespmem:s25+$0x830] =	vst v5;
	s2 =	sor.u32 $0x840, s9  }
0x519: {  	s8 =	sor.u32 $0x850, s1;
	v5 =	vld [tilespmem:s12+$0xA480];
	[tilespmem:s2+$0x12480] =	vst v7  }
0x51a: {  	v7 =	vld [tilespmem:s8+$0xA480];
	[tilespmem:s24+$0x840] =	vst v6  }
0x51b: {  	v6 =	vld [tilespmem:s7+$0xA480];
	[tilespmem:s29+$0x840] =	vst v8  }
0x51c: {  	v8 =	vld [tilespmem:s20+$0xA480];
	_ =	sdelay $0x1  }
0x51d: {  	s12 =	sor.u32 $0x850, s9;
	[tilespmem:s25+$0x840] =	vst v5  }
0x51e: {  	s13 =	sor.u32 $0x860, s1;
	v5 =	vld [tilespmem:s11+$0xA480];
	[tilespmem:s12+$0x12480] =	vst v7  }
0x51f: {  	v7 =	vld [tilespmem:s13+$0xA480];
	[tilespmem:s24+$0x850] =	vst v6  }
0x520: {  	v6 =	vld [tilespmem:s0+$0xA480];
	[tilespmem:s29+$0x850] =	vst v8  }
0x521: {  	v8 =	vld [tilespmem:s17+$0xA480];
	_ =	sdelay $0x1  }
0x522: {  	s14 =	sor.u32 $0x860, s9;
	[tilespmem:s25+$0x850] =	vst v5  }
0x523: {  	[tilespmem:s14+$0x12480] =	vst v7  }
0x524: {  	[tilespmem:s24+$0x860] =	vst v6  }
0x525: {  	[tilespmem:s29+$0x860] =	vst v8  }
0x526: {  	s17 =	sor.u32 $0x870, s1;
	v5 =	vld [tilespmem:s21+$0xA480];
	s18 =	sld [smem:$0x7C9]  }
0x527: {  	v7 =	vld [tilespmem:s17+$0xA480]  }
0x528: {  	v6 =	vld [tilespmem:s15+$0xA480]  }
0x529: {  	v8 =	vld [tilespmem:s18+$0xA480];
	_ =	sdelay $0x1  }
0x52a: {  	s21 =	sor.u32 $0x870, s9;
	[tilespmem:s25+$0x860] =	vst v5  }
0x52b: {  	s20 =	sld [smem:$0x7D5];
	[tilespmem:s21+$0x12480] =	vst v7  }
0x52c: {  	[tilespmem:s24+$0x870] =	vst v6  }
0x52d: {  	[tilespmem:s29+$0x870] =	vst v8  }
0x52e: {  	s26 =	sld [smem:$0x7CF]  }
0x52f: {  	s23 =	sor.u32 $0xC00, s1;
	v5 =	vld [tilespmem:s20+$0xA480]  }
0x530: {  	v7 =	vld [tilespmem:s23+$0xA480];
	s29 =	sld [smem:$0x7CA]  }
0x531: {  	v6 =	vld [tilespmem:s26+$0xA480];
	_ =	sdelay $0x1  }
0x532: {  	v8 =	vld [tilespmem:s29+$0xA480]  }
0x533: {  	s31 =	sor.u32 $0xC00, s9;
	[tilespmem:s25+$0x870] =	vst v5  }
0x534: {  	s30 =	sld [smem:$0x7D6];
	[tilespmem:s31+$0x12480] =	vst v7  }
0x535: {  	[tilespmem:s24+$0xC00] =	vst v6  }
0x536: {  	s4 =	rddreg [dreg:$0x15]  }
0x537: {  	[tilespmem:s4+$0x12480] =	vst v8  }
0x538: {  	s0 =	sld [smem:$0x7D0]  }
0x539: {  	s2 =	sor.u32 $0xC10, s1;
	v5 =	vld [tilespmem:s30+$0xA480]  }
0x53a: {  	v7 =	vld [tilespmem:s2+$0xA480];
	s6 =	sld [smem:$0x7CB]  }
0x53b: {  	v6 =	vld [tilespmem:s0+$0xA480];
	_ =	sdelay $0x1  }
0x53c: {  	v8 =	vld [tilespmem:s6+$0xA480]  }
0x53d: {  	s8 =	sor.u32 $0xC10, s9;
	[tilespmem:s25+$0xC00] =	vst v5  }
0x53e: {  	s7 =	sld [smem:$0x7D7];
	[tilespmem:s8+$0x12480] =	vst v7  }
0x53f: {  	[tilespmem:s24+$0xC10] =	vst v6  }
0x540: {  	s12 =	rddreg [dreg:$0x13]  }
0x541: {  	[tilespmem:s12+$0x12480] =	vst v8  }
0x542: {  	s0 =	sld [smem:$0x7D1]  }
0x543: {  	s11 =	sor.u32 $0xC20, s1;
	v5 =	vld [tilespmem:s7+$0xA480]  }
0x544: {  	v7 =	vld [tilespmem:s11+$0xA480];
	s13 =	sld [smem:$0x7CC]  }
0x545: {  	v6 =	vld [tilespmem:s0+$0xA480];
	_ =	sdelay $0x1  }
0x546: {  	v8 =	vld [tilespmem:s13+$0xA480]  }
0x547: {  	s15 =	sor.u32 $0xC20, s9;
	[tilespmem:s25+$0xC10] =	vst v5  }
0x548: {  	s14 =	sld [smem:$0x7D8];
	[tilespmem:s15+$0x12480] =	vst v7  }
0x549: {  	[tilespmem:s24+$0xC20] =	vst v6  }
0x54a: {  	s18 =	rddreg [dreg:$0x10]  }
0x54b: {  	[tilespmem:s18+$0x12480] =	vst v8  }
0x54c: {  	v5 =	vld [tilespmem:s14+$0xA480];
	s0 =	sld [smem:$0x7D2]  }
0x54d: {  	s17 =	sor.u32 $0xC30, s1  }
0x54e: {  	v7 =	vld [tilespmem:s17+$0xA480];
	s20 =	sld [smem:$0x7CD]  }
0x54f: {  	v6 =	vld [tilespmem:s0+$0xA480];
	_ =	sdelay $0x1  }
0x550: {  	[tilespmem:s25+$0xC20] =	vst v5;
	v8 =	vld [tilespmem:s20+$0xA480]  }
0x551: {  	s23 =	sor.u32 $0xC30, s9;
	s4 =	sld [smem:$0x7C8]  }
0x552: {  	s21 =	sld [smem:$0x7D9];
	[tilespmem:s23+$0x12480] =	vst v7  }
0x553: {  	[tilespmem:s24+$0xC30] =	vst v6  }
0x554: {  	s0 =	sadd.s32 @!p0 $0x3, s4;
	s29 =	rddreg [dreg:$0xc]  }
0x555: {  	s0 =	sand.u32 @!p0 $0xF, s0;
	[tilespmem:s29+$0x12480] =	vst v8  }
0x556: {  	v5 =	vld [tilespmem:s21+$0xA480];
	v9 =	vmov @!p0 s0;
	s0 =	sld [smem:$0x7D3]  }
0x557: {  	s26 =	sor.u32 $0xC40, s1  }
0x558: {  	v10 =	vlaneseq.u32 @!p0;
	v7 =	vld [tilespmem:s26+$0xA480];
	s30 =	sld [smem:$0x7CE]  }
0x559: {  	vm2 =	veq.s32 @!p0 v9, v10;
	v6 =	vld [tilespmem:s0+$0xA480]  }
0x55a: {  	v2 =	vnsel @!p0 vm2, $0x0, v2  }
0x55b: {  	(xrf0) =	vadd.scan.msk.s32 @!p0 $0xffff, v2;
	[tilespmem:s25+$0xC30] =	vst v5;
	v2 =	vld [tilespmem:s30+$0xA480]  }
0x55c: {  	s2 =	sor.u32 $0xC40, s9;
	s31 =	sld [smem:$0x7DA]  }
0x55d: {  	[tilespmem:s2+$0x12480] =	vst v7  }
0x55e: {  	[tilespmem:s24+$0xC40] =	vst v6  }
0x55f: {  	v5 =	vld [tilespmem:s31+$0xA480];
	s7 =	rddreg [dreg:$0x1d]  }
0x560: {  	[tilespmem:s7+$0x12480] =	vst v2  }
0x561: {  	s0 =	sld [smem:$0x7D4]  }
0x562: {  	s6 =	sor.u32 $0xC50, s1  }
0x563: {  	v7 =	vld [tilespmem:s6+$0xA480]  }
0x564: {  	s8 =	rddreg [dreg:$0x18];
	[tilespmem:s25+$0xC40] =	vst v5;
	v2 =	vld [tilespmem:s0+$0xA480]  }
0x565: {  	s11 =	sld [smem:$0x7DB]  }
0x566: {  	v8 =	vld [tilespmem:s8+$0xA480]  }
0x567: {  	s12 =	sor.u32 $0xC50, s9  }
0x568: {  	[tilespmem:s12+$0x12480] =	vst v7;
	v5 =	vld [tilespmem:s11+$0xA480]  }
0x569: {  	v6, _, _ =	vpop @!p0 (xrf0);
	[tilespmem:s24+$0xC50] =	vst v2  }
0x56a: {  	(v2sf) =	vpush @!p0 v6, $0xF;
	s14 =	rddreg [dreg:$0xd]  }
0x56b: {  	s13 =	sor.u32 $0xC60, s1;
	[tilespmem:s14+$0x12480] =	vst v8  }
0x56c: {  	v60 =	vld [tilespmem:s13+$0xA480];
	s0 =	rddreg [dreg:$0x16]  }
0x56d: {  	s15 =	rddreg [dreg:$0x12];
	[tilespmem:s25+$0xC50] =	vst v5;
	v2 =	vld [tilespmem:s0+$0xA480]  }
0x56e: {  	[tilespmem:s19+$0xC70] =	vst v4;
	v61 =	vld [tilespmem:s15+$0xA480]  }
0x56f: {  	[tilespmem:s22+$0xC60] =	vst v3;
	v62 =	vld [tilespmem:s5+$0xA480]  }
0x570: {  	s18 =	sor.u32 $0xC60, s9;
	s17 =	rddreg [dreg:$0x19]  }
0x571: {  	s19 =	rddreg [dreg:$0x1a];
	[tilespmem:s18+$0x12480] =	vst v60;
	v3 =	vld [tilespmem:s17+$0xA480]  }
0x572: {  	[tilespmem:s24+$0xC60] =	vst v2  }
0x573: {  	s20 =	sor.u32 $0xC70, s1;
	v63 =	vld [tilespmem:s19+$0xA480];
	[tilespmem:s28+$0x12480] =	vst v61  }
0x574: {  	v6 =	vld [tilespmem:s20+$0xA480];
	[tilespmem:s25+$0xC60] =	vst v62  }
0x575: {  	v2 =	vld [tilespmem:s16+$0xA480];
	s21 =	rddreg [dreg:$0x8]  }
0x576: {  	[tilespmem:s21+$0x12480] =	vst v3;
	v3 =	vld [tilespmem:s3+$0xA480]  }
0x577: {  	v7 =	vld [tilespmem:s10+$0xA480]  }
0x578: {  	[tilespmem:s22+$0xC70] =	vst v63;
	s22 =	sor.u32 $0xC70, s9  }
0x579: {  	s0 =	spop @!p0 (v2sf);
	[tilespmem:s22+$0x12480] =	vst v6  }
0x57a: {  	s2 =	rddreg [dreg:$0x2];
	s1 =	sshll.u32 @!p0 s0, $0x6;
	[tilespmem:s24+$0xC70] =	vst v2  }
0x57b: {  	s1 =	sand.u32 @!p0 $0x1FFFFFC0, s1;
	s23 =	rddreg [dreg:$0x7];
	[tilespmem:s25+$0xC70] =	vst v3  }
0x57c: {  	s1 =	sadd.s32 @!p0 s2, s1;
	s2 =	simm.s32 @!p0 $0x0;
	s3 =	simm.s32 @!p0 $0x2280;
	[tilespmem:s23+$0x12480] =	vst v7  }
0x57d: {  	[tilespmem:s3], [sflag:$0x2] =	stream.linear.gather @!p0 [hbm4b:s1+s2], $0x200, $0x38;
	[tilespmem:$0x1C480] =	vst v63  }
0x57e: {  	s25 =	sld [smem:$0x7FA]  }
0x57f: {  	s3 =	sld [smem:$0x7F9]  }
0x580: {  	s29 =	simm.s32 $0x12480;
	s0 =	sshll.u32 @!p0 s0, $0xC;
	s24 =	sor.u32 $0x1, s4  }
0x581: {  	s0 =	sand.u32 @!p0 $0x1FFFF000, s0;
	s26 =	sld [smem:$0x7FB];
	s1 =	sadd.s32 s25, s24  }
0x582: {  	s0 =	sadd.s32 @!p0 s3, s0;
	s3 =	simm.s32 @!p0 $0xA480;
	s1 =	smul.u32 $0x1400, s1  }
0x583: {  	[tilespmem:s3], [sflag:$0x2] =	stream.linear.gather @!p0 [hbm4b:s0+s2], $0x8000, $0x38;
	[tilespmem:$0x1C480] =	vst v63  }
0x584: {  	s30 =	simm.s32 $0x3;
	s28 =	simm.s32 $0x0;
	s0 =	sadd.s32 s26, s1  }
0x585: {  	[hbm4b:s0+s28] =	stream.linear.scatter [tilespmem:s29], [sflag:$0x3], $0xA000, $0x38;
	[tilespmem:$0x1C480] =	vst v63  }
0x586: {  	_ =	swait.ge [sflag:s30], $0xA000  }
0x587: {  	s31 =	sld [smem:$0x7F7];
	_ =	sdelay $0x2  }
0x588: {  	s1 =	sadd.s32 $0x1, s31  }
0x589: {  	p0 =	sne.s32 s1, $0x10  }
.Ltmp3:
0x58a: {  	_ = 	snop;
	(pc) =	sbr.rel @p0 .LBB2_4-.Ltmp3, $3  }
0x58b: {  	_ =	sdelay $0x1  }
0x58c: {  	[sflag:s30] =	ssyncset.done $0x0  }
0x58d: {  	[sflag:s30] =	ssyncadd.s32 $0xFFFF6000;
	[smem:$0x7F7] =	sst s1  }
0x58e: {  	s1 =	sld [smem:$0x7F8]  }
0x58f: {  	s0 =	sld [smem:$0x7FD];
	_ =	sdelay $0x1  }
0x590: {  	s1 =	sadd.s32 $0x1, s1  }
0x591: {  	p0 =	sne.s32 s1, s0  }
.Ltmp4:
0x592: {  	_ = 	snop;
	(pc) =	sbr.rel @p0 .LBB2_1-.Ltmp4, $1  }
0x593: {  	_ =	sdelay $0x3  }
0x594: {  	_ =	sfence.sel $0x180000  }
0x595: {  	[bflag:$0x0] =	sbarrier.arrive $0xFFFF  }
0x596: {  	_ =	strace $0x90000047  }
0x597: {  	s0 =	stileid.u32;
	[bflag:$0x2] =	sbarrier.arrive $0xFFFF  }
0x598: {  	p0 =	sne.s32 s0, $0x0;
	s0 =	rddreg [dreg:$0x4]  }
0x599: {  	s0 =	sadd.s32 @!p0 $0x100000, s0  }
0x59a: {  	[sflag:s0] =	ssyncadd.tile.s32 @!p0 $0x1;
	_ =	shalt  }
.Lfunc_end2:
_tile_overlayer_lowered:
.L_overlay_start_2:
0x59b: {  	(tag) =	ssettag $0x2  }
0x59c: {  	s0 =	rddreg [dreg:$0x0];
	s2 =	stileid.u32  }
0x59d: {  	s1 =	rddreg [dreg:$0x1];
	p0 =	sne.s32 s2, $0x0  }
0x59e: {  	s3 =	rddreg [dreg:$0x2];
	[bflag:$0x3] =	sbarrier.arrive $0xFFFF;
	s2 =	simm.s32 @!p0 $0x1C03  }
0x59f: {  	[timem:s3], [sflag:s2] =	dma.local @!p0 [hbm:s0], s1  }
0x5a0: {  	s0 =	simm.s32 @!p0 $0x3  }
0x5a1: {  	_ =	swait.ge @!p0 [sflag:s0], s1  }
0x5a2: {  	s1 =	ssub.s32 @!p0 $0x0, s1;
	[sflag:s0] =	ssyncset.done @!p0 $0x0  }
0x5a3: {  	[sflag:s0] =	ssyncadd.s32 @!p0 s1  }
0x5a4: {  	[bflag:$0x3] =	sbarrier.arrive $0xFFFF  }
0x5a5: {  	_ =	shalt  }

</sc_bundles>
